<compile_context>
chip_gen: v7x
topology: tpu7x:2x2x1
jax: 0.10.2.dev20260603
libtpu: 0.0.44.dev20260713+nightly
codegen_flags: <defaults>
</compile_context>

<pallas_src>
import functools

import jax
import jax.numpy as jnp
from jax import lax
from jax.experimental import pallas as pl
from jax.experimental.pallas import tpu as pltpu
from jax.experimental.pallas import tpu_sc as plsc

N = 10000
E = 320000
D = 128
G = 8

NC = 2
NS = 16
NW = NC * NS
EDGES_PER_TILE = E // NW
CHUNK = 100
NCHUNK = -(-EDGES_PER_TILE // CHUNK)
EDGES_PAD = NCHUNK * CHUNK - EDGES_PER_TILE
NACC = N + NW
CHUNK_C = 80
NCHUNK_C = EDGES_PER_TILE // CHUNK_C
ROWS_PER_TILE = 624
ZERO_REM = NACC - NS * ROWS_PER_TILE
OUT_REM = N - NS * ROWS_PER_TILE

_BLK = 1000
_GRID = N // _BLK



def _agg_body(h_hbm, idx_hbm, zeros_hbm, out_hbm,
              ibuf, rows_0, rows_1, rows_2, accum,
              isem_0, isem_1, isem_2, gsem_0, gsem_1, gsem_2,
              ssem_0, ssem_1, ssem_2):
    rows = (rows_0, rows_1, rows_2)
    isem = (isem_0, isem_1, isem_2)
    gsem = (gsem_0, gsem_1, gsem_2)
    ssem = (ssem_0, ssem_1, ssem_2)
    cid = lax.axis_index("c")
    sid = lax.axis_index("s")
    wid = cid * NS + sid

    pltpu.sync_copy(zeros_hbm.at[pl.ds(sid * ROWS_PER_TILE, ROWS_PER_TILE)],
                    accum.at[pl.ds(sid * ROWS_PER_TILE, ROWS_PER_TILE)])

    @pl.when(sid == NS - 1)
    def _():
        pltpu.sync_copy(zeros_hbm.at[pl.ds(NS * ROWS_PER_TILE, ZERO_REM)],
                        accum.at[pl.ds(NS * ROWS_PER_TILE, ZERO_REM)])

    plsc.subcore_barrier()

    def stage_idx(c, b):
        dstsl = ibuf.at[pl.ds(2 * b, 2)]
        pltpu.async_copy(idx_hbm.at[wid, c], dstsl, isem[b])
        pltpu.make_async_copy(idx_hbm.at[wid, c], dstsl, isem[b]).wait()

    def start_gather(b):
        pltpu.async_copy(h_hbm.at[ibuf.at[2 * b]], rows[b], gsem[b])

    def wait_gather(b):
        pltpu.make_async_copy(h_hbm.at[ibuf.at[2 * b]], rows[b],
                              gsem[b]).wait()

    def start_scatter(b):
        pltpu.async_copy(rows[b], accum.at[ibuf.at[2 * b + 1]], ssem[b],
                         add=True)

    def wait_scatter(b):
        pltpu.make_async_copy(rows[b], accum.at[ibuf.at[2 * b + 1]],
                              ssem[b]).wait()

    for c in (0, 1):
        stage_idx(c, c)
        start_gather(c)

    def body(m, carry):
        c0 = 3 * m
        for l in range(3):
            c = c0 + l
            b = l
            b2 = (l + 2) % 3

            @pl.when(c < NCHUNK)
            def _():
                wait_gather(b)
                start_scatter(b)

            @pl.when(c + 2 < NCHUNK)
            def _():
                @pl.when(c >= 1)
                def _():
                    wait_scatter(b2)
                stage_idx(c + 2, b2)
                start_gather(b2)

        return carry

    lax.fori_loop(0, (NCHUNK + 2) // 3, body, 0)
    for s in (NCHUNK - 3, NCHUNK - 2, NCHUNK - 1):
        wait_scatter(s % 3)
    plsc.subcore_barrier()
    pltpu.sync_copy(accum.at[pl.ds(sid * ROWS_PER_TILE, ROWS_PER_TILE)],
                    out_hbm.at[cid, pl.ds(sid * ROWS_PER_TILE, ROWS_PER_TILE)])

    @pl.when(sid == NS - 1)
    def _():
        pltpu.sync_copy(accum.at[pl.ds(NS * ROWS_PER_TILE, OUT_REM)],
                        out_hbm.at[cid, pl.ds(NS * ROWS_PER_TILE, OUT_REM)])


def _cnt_body(dst_hbm, zeros_hbm, out_hbm, idx_d, ones, cnt, sem):
    cid = lax.axis_index("c")
    sid = lax.axis_index("s")
    wid = cid * NS + sid

    @pl.when(sid == 0)
    def _():
        pltpu.sync_copy(zeros_hbm, cnt)
    for i in range(CHUNK_C // 16):
        ones[pl.ds(i * 16, 16)] = jnp.full((16,), 1.0, jnp.float32)
    pltpu.sync_copy(dst_hbm.at[wid], idx_d)
    plsc.subcore_barrier()

    def body(j, carry):
        pltpu.sync_copy(ones, cnt.at[idx_d.at[j]], add=True)
        return carry

    lax.fori_loop(0, NCHUNK_C, body, 0)
    plsc.subcore_barrier()

    @pl.when(sid == 0)
    def _():
        pltpu.sync_copy(cnt, out_hbm.at[cid, 0])


@functools.cache
def _sc_kernels():
    mesh = plsc.VectorSubcoreMesh(core_axis_name="c", subcore_axis_name="s",
                                  num_cores=NC, num_subcores=NS)
    agg = pl.kernel(
        _agg_body,
        out_type=jax.ShapeDtypeStruct((NC, N, D), jnp.float32),
        mesh=mesh,
        scratch_types=(
            [pltpu.VMEM((6, CHUNK), jnp.int32)]
            + [pltpu.VMEM((CHUNK, D), jnp.float32)] * 3
            + [pltpu.VMEM_SHARED((NACC, D), jnp.float32)]
            + [pltpu.SemaphoreType.DMA] * 9
        ),
    )
    cnt = pl.kernel(
        _cnt_body,
        out_type=jax.ShapeDtypeStruct((NC, 1, N), jnp.float32),
        mesh=mesh,
        scratch_types=[
            pltpu.VMEM((NCHUNK_C, CHUNK_C), jnp.int32),
            pltpu.VMEM((CHUNK_C,), jnp.float32),
            pltpu.VMEM_SHARED((N,), jnp.float32),
            pltpu.SemaphoreType.DMA,
        ],
    )
    return agg, cnt



def _ln_relu(y, g, be):
    m = jnp.mean(y, axis=-1, keepdims=True)
    v = jnp.mean((y - m) ** 2, axis=-1, keepdims=True)
    return jnp.maximum((y - m) * lax.rsqrt(v + 1e-5) * g + be, 0.0)


def _dense0_kernel(x_ref, w_ref, b_ref, g_ref, be_ref, o_ref):
    y = jnp.dot(x_ref[...], w_ref[...], preferred_element_type=jnp.float32)
    o_ref[...] = _ln_relu(y + b_ref[...], g_ref[...], be_ref[...])


def _sage_kernel(h_ref, p0_ref, p1_ref, c0_ref, c1_ref,
                 wl_ref, wr_ref, b_ref, g_ref, be_ref, o_ref):
    cnt = jnp.clip(c0_ref[...] + c1_ref[...], 1.0, None)
    nmean = (p0_ref[...] + p1_ref[...]) / cnt
    y = (jnp.dot(h_ref[...], wl_ref[...], preferred_element_type=jnp.float32)
         + jnp.dot(nmean, wr_ref[...], preferred_element_type=jnp.float32))
    o_ref[...] = _ln_relu(y + b_ref[...], g_ref[...], be_ref[...])


def _sage_pool_kernel(h_ref, p0_ref, p1_ref, c0_ref, c1_ref,
                      wl_ref, wr_ref, b_ref, g_ref, be_ref, batch_ref,
                      o_ref, gr_ref, sums, cnts, maxs):
    i = pl.program_id(0)

    @pl.when(i == 0)
    def _():
        sums[...] = jnp.zeros((G, D), jnp.float32)
        cnts[...] = jnp.zeros((G, D), jnp.float32)
        maxs[...] = jnp.full((G, D), -jnp.inf, jnp.float32)

    cnt = jnp.clip(c0_ref[...] + c1_ref[...], 1.0, None)
    nmean = (p0_ref[...] + p1_ref[...]) / cnt
    y = (jnp.dot(h_ref[...], wl_ref[...], preferred_element_type=jnp.float32)
         + jnp.dot(nmean, wr_ref[...], preferred_element_type=jnp.float32))
    y = _ln_relu(y + b_ref[...], g_ref[...], be_ref[...])
    o_ref[...] = y

    b_blk = batch_ref[0]
    for g in range(G):
        m = b_blk == g
        sums[g, :] += jnp.sum(jnp.where(m, y, 0.0), axis=0)
        cnts[g, :] += jnp.sum(jnp.where(m, 1.0, 0.0) * jnp.ones((1, D)), axis=0)
        maxs[g, :] = jnp.maximum(maxs[g, :],
                                 jnp.max(jnp.where(m, y, -jnp.inf), axis=0))

    @pl.when(i == _GRID - 1)
    def _():
        gr_ref[:, :D] = sums[...] / jnp.clip(cnts[...], 1.0, None)
        gr_ref[:, D:] = maxs[...]


_row_spec = pl.BlockSpec((_BLK, D), lambda i: (i, 0))
_full_spec = lambda r, c: pl.BlockSpec((r, c), lambda i: (0, 0))
_col_spec = pl.BlockSpec((_BLK, 1), lambda i: (i, 0))

_dense0 = pl.pallas_call(
    _dense0_kernel,
    grid=(_GRID,),
    in_specs=[_row_spec, _full_spec(D, D), _full_spec(1, D),
              _full_spec(1, D), _full_spec(1, D)],
    out_specs=_row_spec,
    out_shape=jax.ShapeDtypeStruct((N, D), jnp.float32),
)

_sage = pl.pallas_call(
    _sage_kernel,
    grid=(_GRID,),
    in_specs=[_row_spec, _row_spec, _row_spec, _col_spec, _col_spec,
              _full_spec(D, D), _full_spec(D, D), _full_spec(1, D),
              _full_spec(1, D), _full_spec(1, D)],
    out_specs=_row_spec,
    out_shape=jax.ShapeDtypeStruct((N, D), jnp.float32),
)

_sage_pool = pl.pallas_call(
    _sage_pool_kernel,
    grid=(_GRID,),
    in_specs=[_row_spec, _row_spec, _row_spec, _col_spec, _col_spec,
              _full_spec(D, D), _full_spec(D, D), _full_spec(1, D),
              _full_spec(1, D), _full_spec(1, D),
              pl.BlockSpec((1, _BLK, 1), lambda i: (i, 0, 0))],
    out_specs=[_row_spec, pl.BlockSpec((G, 2 * D), lambda i: (0, 0))],
    out_shape=[jax.ShapeDtypeStruct((N, D), jnp.float32),
               jax.ShapeDtypeStruct((G, 2 * D), jnp.float32)],
    scratch_shapes=[pltpu.VMEM((G, D), jnp.float32),
                    pltpu.VMEM((G, D), jnp.float32),
                    pltpu.VMEM((G, D), jnp.float32)],
)



def kernel(x, edge_index, batch, W0, b0, g0, be0, W1, b1, g1, be1,
           W2, b2, g2, be2, W3, b3, g3, be3):
    src = edge_index[0].astype(jnp.int32).reshape(NW, EDGES_PER_TILE)
    dst = edge_index[1].astype(jnp.int32).reshape(NW, EDGES_PER_TILE)
    src_p = jnp.pad(src, ((0, 0), (0, EDGES_PAD))).reshape(NW, NCHUNK, CHUNK)
    trash = jnp.broadcast_to(N + jnp.arange(NW, dtype=jnp.int32)[:, None],
                             (NW, EDGES_PAD))
    dst_p = jnp.concatenate([dst, trash], axis=1).reshape(NW, NCHUNK, CHUNK)
    idx = jnp.stack([src_p, dst_p], axis=2)
    dst_c = edge_index[1].astype(jnp.int32).reshape(NW, NCHUNK_C, CHUNK_C)
    zeros2d = jnp.zeros((NACC, D), jnp.float32)
    zeros1d = jnp.zeros((N,), jnp.float32)
    batch3 = batch.astype(jnp.int32).reshape(_GRID, _BLK, 1)

    def row(v):
        return v.reshape(1, D)

    _agg, _cnt = _sc_kernels()
    cp = _cnt(dst_c, zeros1d)
    c0 = cp[0, 0].reshape(N, 1)
    c1 = cp[1, 0].reshape(N, 1)

    h = _dense0(x, W0.T, row(b0), row(g0), row(be0))

    def sage(h, W, b, g, be):
        p = _agg(h, idx, zeros2d)
        return _sage(h, p[0], p[1], c0, c1, W[:, :D].T, W[:, D:].T,
                     row(b), row(g), row(be))

    h = sage(h, W1, b1, g1, be1)
    h = sage(h, W2, b2, g2, be2)
    p = _agg(h, idx, zeros2d)
    node_embed, graph_embed = _sage_pool(
        h, p[0], p[1], c0, c1, W3[:, :D].T, W3[:, D:].T,
        row(b3), row(g3), row(be3), batch3)
    return (node_embed, graph_embed)

# --- scband reference (transcript-rebuilt; emitter-appended) ---
"""Pipeline reference for scband-graph-sageencoder-69209103008248 (READ-ONLY COPY).

The authoritative reference and input builder live on the scoring server;
editing this copy changes nothing except your own understanding.
"""

import jax, jax.numpy as jnp
import numpy as np

N_NODES = 10000
N_EDGES = 320000
IN_CH = 128
HID = 128
OUT_CH = 128
N_GRAPHS = 8


def _linear(x, W, b):
    return x @ W.T + b


def _layernorm(x, g, b, eps=1e-5):
    m = jnp.mean(x, axis=-1, keepdims=True)
    v = jnp.mean((x - m) ** 2, axis=-1, keepdims=True)
    return (x - m) / jnp.sqrt(v + eps) * g + b


def _sage_conv(x, edge_index, W, b):
    src = edge_index[0]
    dst = edge_index[1]
    n = x.shape[0]
    src_feats = jnp.take(x, src, axis=0)
    neighbor_sum = jax.ops.segment_sum(src_feats, dst, num_segments=n)
    cnt = jax.ops.segment_sum(jnp.ones((src.shape[0],), x.dtype), dst, num_segments=n)
    cnt = jnp.clip(cnt, 1.0, None)[:, None]
    neighbor_mean = neighbor_sum / cnt
    return _linear(jnp.concatenate([x, neighbor_mean], axis=-1), W, b)


def setup_inputs(seed: int = 0) -> dict:
    key = jax.random.key(seed)
    ks = jax.random.split(key, 24)
    x = jax.random.normal(ks[0], (N_NODES, IN_CH), dtype=jnp.float32)
    edge_index = jax.random.randint(ks[1], (2, N_EDGES), 0, N_NODES, dtype=jnp.int64 if jax.config.read('jax_enable_x64') else jnp.int32)
    batch = jnp.sort(jax.random.randint(ks[2], (N_NODES,), 0, N_GRAPHS, dtype=jnp.int64 if jax.config.read('jax_enable_x64') else jnp.int32))
    def lin_init(k, out_c, in_c):
        kw, kb = jax.random.split(k)
        s = 1.0 / np.sqrt(in_c)
        W = jax.random.uniform(kw, (out_c, in_c), jnp.float32, -s, s)
        b = jax.random.uniform(kb, (out_c,), jnp.float32, -s, s)
        return W, b
    W0, b0 = lin_init(ks[3], HID, IN_CH)
    g0, be0 = jnp.ones((HID,), jnp.float32), jnp.zeros((HID,), jnp.float32)
    W1, b1 = lin_init(ks[4], HID, HID * 2)
    g1, be1 = jnp.ones((HID,), jnp.float32), jnp.zeros((HID,), jnp.float32)
    W2, b2 = lin_init(ks[5], HID, HID * 2)
    g2, be2 = jnp.ones((HID,), jnp.float32), jnp.zeros((HID,), jnp.float32)
    W3, b3 = lin_init(ks[6], OUT_CH, HID * 2)
    g3, be3 = jnp.ones((OUT_CH,), jnp.float32), jnp.zeros((OUT_CH,), jnp.float32)
    return {"x": x, "edge_index": edge_index, "batch": batch,
            "W0": W0, "b0": b0, "g0": g0, "be0": be0,
            "W1": W1, "b1": b1, "g1": g1, "be1": be1,
            "W2": W2, "b2": b2, "g2": g2, "be2": be2,
            "W3": W3, "b3": b3, "g3": g3, "be3": be3}


def reference(x, edge_index, batch, W0, b0, g0, be0, W1, b1, g1, be1, W2, b2, g2, be2, W3, b3, g3, be3):
    # node_embedder (dropout is identity in eval mode)
    h = jax.nn.relu(_layernorm(_linear(x, W0, b0), g0, be0))
    h = jax.nn.relu(_layernorm(_sage_conv(h, edge_index, W1, b1), g1, be1))
    h = jax.nn.relu(_layernorm(_sage_conv(h, edge_index, W2, b2), g2, be2))
    node_embed = jax.nn.relu(_layernorm(_sage_conv(h, edge_index, W3, b3), g3, be3))
    num_graphs = N_GRAPHS
    h_sum = jax.ops.segment_sum(node_embed, batch, num_segments=num_graphs)
    cnt = jax.ops.segment_sum(jnp.ones((node_embed.shape[0],), node_embed.dtype), batch, num_segments=num_graphs)
    h_mean = h_sum / jnp.clip(cnt, 1.0, None)[:, None]
    h_max = jax.ops.segment_max(node_embed, batch, num_segments=num_graphs)
    graph_embed = jnp.concatenate([h_mean, h_max], axis=-1)
    return (node_embed, graph_embed)

if __name__ == "__main__":
    import jax
    _d = setup_inputs()
    print(jax.jit(kernel)(*tuple(_d.values())))

</pallas_src>

<mosaic_0001>
#map = affine_map<(d0, d1) -> (0, 0, 0)>
#map1 = affine_map<(d0, d1) -> (0)>
module attributes {stable_mosaic.version = 14 : i64} {
  func.func @_cnt_body(%arg0: i32, %arg1: i32, %arg2: memref<32x125x80xi32, #tpu.memory_space<hbm>>, %arg3: memref<10000xf32, #tpu.memory_space<hbm>>, %arg4: memref<2x1x10000xf32, #tpu.memory_space<hbm>>, %arg5: memref<125x80xi32, #tpu.memory_space<vmem>>, %arg6: memref<80xf32, #tpu.memory_space<vmem>>, %arg7: memref<10000xf32, #tpu.memory_space<vmem_shared>>, %arg8: memref<!tpu.dma_semaphore, #tpu.memory_space<semaphore_mem>>) attributes {dimension_semantics = [#tpu.dimension_semantics<core_parallel>, #tpu.dimension_semantics<subcore_parallel>], iteration_bounds = array<i64: 2, 16>, scalar_prefetch = 0 : i64, scratch_operands = 4 : i64, tpu.core_type = #tpu.core_type<sc_vector_subcore>, window_params = [{transform_indices = #map}, {transform_indices = #map1}, {transform_indices = #map}]} {
    %mul3A = arith.constant 16 : i32
    %mul3A_0 = arith.muli %arg0, %mul3A : i32
    %add3A = arith.addi %mul3A_0, %arg1 : i32
    %eq3A = arith.constant 0 : i32
    %eq3A_1 = arith.cmpi eq, %arg1, %eq3A : i32
    %convert_element_type3A = arith.extui %eq3A_1 : i1 to i32
    %cond3A = arith.constant 0 : i32
    %cond3A_2 = arith.cmpi ne, %convert_element_type3A, %cond3A : i32
    scf.if %cond3A_2 {
      "tpu.region"() ({
        %run_scoped3A = tpu.sem_alloc : memref<!tpu.dma_semaphore, #tpu.memory_space<semaphore_mem>>
        tpu.enqueue_dma source(%arg3 : memref<10000xf32, #tpu.memory_space<hbm>>) target(%arg7 : memref<10000xf32, #tpu.memory_space<vmem_shared>>) target_semaphore(%run_scoped3A : memref<!tpu.dma_semaphore, #tpu.memory_space<semaphore_mem>>)
        tpu.wait_dma2 semaphore(%run_scoped3A : memref<!tpu.dma_semaphore, #tpu.memory_space<semaphore_mem>>) src(%arg3 : memref<10000xf32, #tpu.memory_space<hbm>>) dst(%arg7 : memref<10000xf32, #tpu.memory_space<vmem_shared>>)
        tpu.yield
      }) : () -> ()
    } else {
    }
    %broadcast_in_dim3A = arith.constant 1.000000e+00 : f32
    %broadcast_in_dim3A_3 = vector.broadcast %broadcast_in_dim3A : f32 to vector<16xf32>
    %swap3A = arith.constant 0 : index
    %swap3A_4 = tpu.vector_load %arg6[%swap3A] {strides = array<i32>} : memref<80xf32, #tpu.memory_space<vmem>>, vector<16xf32>,
    %swap3A_5 = vector.shape_cast %swap3A_4 : vector<16xf32> to vector<16xf32>
    %swap3A_6 = vector.shape_cast %broadcast_in_dim3A_3 : vector<16xf32> to vector<16xf32>
    tpu.vector_store %arg6[%swap3A], %swap3A_6 {strides = array<i32>} : memref<80xf32, #tpu.memory_space<vmem>>, vector<16xf32>,
    %broadcast_in_dim3A_7 = arith.constant 1.000000e+00 : f32
    %broadcast_in_dim3A_8 = vector.broadcast %broadcast_in_dim3A_7 : f32 to vector<16xf32>
    %swap3A_9 = arith.constant 16 : index
    %swap3A_10 = tpu.vector_load %arg6[%swap3A_9] {strides = array<i32>} : memref<80xf32, #tpu.memory_space<vmem>>, vector<16xf32>,
    %swap3A_11 = vector.shape_cast %swap3A_10 : vector<16xf32> to vector<16xf32>
    %swap3A_12 = vector.shape_cast %broadcast_in_dim3A_8 : vector<16xf32> to vector<16xf32>
    tpu.vector_store %arg6[%swap3A_9], %swap3A_12 {strides = array<i32>} : memref<80xf32, #tpu.memory_space<vmem>>, vector<16xf32>,
    %broadcast_in_dim3A_13 = arith.constant 1.000000e+00 : f32
    %broadcast_in_dim3A_14 = vector.broadcast %broadcast_in_dim3A_13 : f32 to vector<16xf32>
    %swap3A_15 = arith.constant 32 : index
    %swap3A_16 = tpu.vector_load %arg6[%swap3A_15] {strides = array<i32>} : memref<80xf32, #tpu.memory_space<vmem>>, vector<16xf32>,
    %swap3A_17 = vector.shape_cast %swap3A_16 : vector<16xf32> to vector<16xf32>
    %swap3A_18 = vector.shape_cast %broadcast_in_dim3A_14 : vector<16xf32> to vector<16xf32>
    tpu.vector_store %arg6[%swap3A_15], %swap3A_18 {strides = array<i32>} : memref<80xf32, #tpu.memory_space<vmem>>, vector<16xf32>,
    %broadcast_in_dim3A_19 = arith.constant 1.000000e+00 : f32
    %broadcast_in_dim3A_20 = vector.broadcast %broadcast_in_dim3A_19 : f32 to vector<16xf32>
    %swap3A_21 = arith.constant 48 : index
    %swap3A_22 = tpu.vector_load %arg6[%swap3A_21] {strides = array<i32>} : memref<80xf32, #tpu.memory_space<vmem>>, vector<16xf32>,
    %swap3A_23 = vector.shape_cast %swap3A_22 : vector<16xf32> to vector<16xf32>
    %swap3A_24 = vector.shape_cast %broadcast_in_dim3A_20 : vector<16xf32> to vector<16xf32>
    tpu.vector_store %arg6[%swap3A_21], %swap3A_24 {strides = array<i32>} : memref<80xf32, #tpu.memory_space<vmem>>, vector<16xf32>,
    %broadcast_in_dim3A_25 = arith.constant 1.000000e+00 : f32
    %broadcast_in_dim3A_26 = vector.broadcast %broadcast_in_dim3A_25 : f32 to vector<16xf32>
    %swap3A_27 = arith.constant 64 : index
    %swap3A_28 = tpu.vector_load %arg6[%swap3A_27] {strides = array<i32>} : memref<80xf32, #tpu.memory_space<vmem>>, vector<16xf32>,
    %swap3A_29 = vector.shape_cast %swap3A_28 : vector<16xf32> to vector<16xf32>
    %swap3A_30 = vector.shape_cast %broadcast_in_dim3A_26 : vector<16xf32> to vector<16xf32>
    tpu.vector_store %arg6[%swap3A_27], %swap3A_30 {strides = array<i32>} : memref<80xf32, #tpu.memory_space<vmem>>, vector<16xf32>,
    "tpu.region"() ({
      %run_scoped3A = tpu.sem_alloc : memref<!tpu.dma_semaphore, #tpu.memory_space<semaphore_mem>>
      %dma_start3A = arith.constant 0 : i32
      %dma_start3A_42 = arith.constant 0 : i32
      %dma_start3A_43 = tpu.memref_slice %arg2[%add3A, %dma_start3A, %dma_start3A_42] : memref<32x125x80xi32, #tpu.memory_space<hbm>> -> memref<1x125x80xi32, #tpu.memory_space<hbm>>
      %dma_start3A_44 = tpu.memref_squeeze %dma_start3A_43 : memref<1x125x80xi32, #tpu.memory_space<hbm>> -> memref<125x80xi32, #tpu.memory_space<hbm>>
      %dma_start3A_45 = arith.constant 0 : i32
      %dma_start3A_46 = arith.constant 0 : i32
      %dma_start3A_47 = tpu.memref_slice %arg2[%add3A, %dma_start3A_45, %dma_start3A_46] : memref<32x125x80xi32, #tpu.memory_space<hbm>> -> memref<1x125x80xi32, #tpu.memory_space<hbm>>
      %dma_start3A_48 = tpu.memref_squeeze %dma_start3A_47 : memref<1x125x80xi32, #tpu.memory_space<hbm>> -> memref<125x80xi32, #tpu.memory_space<hbm>>
      tpu.enqueue_dma source(%dma_start3A_48 : memref<125x80xi32, #tpu.memory_space<hbm>>) target(%arg5 : memref<125x80xi32, #tpu.memory_space<vmem>>) target_semaphore(%run_scoped3A : memref<!tpu.dma_semaphore, #tpu.memory_space<semaphore_mem>>)
      %dma_wait3A = arith.constant 0 : i32
      %dma_wait3A_49 = arith.constant 0 : i32
      %dma_wait3A_50 = tpu.memref_slice %arg2[%add3A, %dma_wait3A, %dma_wait3A_49] : memref<32x125x80xi32, #tpu.memory_space<hbm>> -> memref<1x125x80xi32, #tpu.memory_space<hbm>>
      %dma_wait3A_51 = tpu.memref_squeeze %dma_wait3A_50 : memref<1x125x80xi32, #tpu.memory_space<hbm>> -> memref<125x80xi32, #tpu.memory_space<hbm>>
      %dma_wait3A_52 = arith.constant 0 : i32
      %dma_wait3A_53 = arith.constant 0 : i32
      %dma_wait3A_54 = tpu.memref_slice %arg2[%add3A, %dma_wait3A_52, %dma_wait3A_53] : memref<32x125x80xi32, #tpu.memory_space<hbm>> -> memref<1x125x80xi32, #tpu.memory_space<hbm>>
      %dma_wait3A_55 = tpu.memref_squeeze %dma_wait3A_54 : memref<1x125x80xi32, #tpu.memory_space<hbm>> -> memref<125x80xi32, #tpu.memory_space<hbm>>
      tpu.wait_dma2 semaphore(%run_scoped3A : memref<!tpu.dma_semaphore, #tpu.memory_space<semaphore_mem>>) src(%dma_wait3A_55 : memref<125x80xi32, #tpu.memory_space<hbm>>) dst(%arg5 : memref<125x80xi32, #tpu.memory_space<vmem>>)
      tpu.yield
    }) : () -> ()
    %barrier3A = arith.constant 0 : index
    tpu.barrier barrier_id(%barrier3A)
    %scan3A = arith.constant 0 : i32
    %scan3A_31 = arith.constant 0 : i32
    %scan3A_32 = arith.constant 125 : i32
    %scan3A_33 = arith.addi %scan3A_31, %scan3A_32 : i32
    %scan3A_34 = arith.constant 1 : i32
    scf.for %scan3A_42 = %scan3A_31 to %scan3A_33 step %scan3A_34  : i32 {
      "tpu.region"() ({
        %run_scoped3A = tpu.sem_alloc : memref<!tpu.dma_semaphore, #tpu.memory_space<semaphore_mem>>
        %dma_start3A = arith.constant 0 : i32
        %dma_start3A_43 = tpu.memref_slice %arg5[%scan3A_42, %dma_start3A] : memref<125x80xi32, #tpu.memory_space<vmem>> -> memref<1x80xi32, #tpu.memory_space<vmem>>
        %dma_start3A_44 = tpu.memref_squeeze %dma_start3A_43 : memref<1x80xi32, #tpu.memory_space<vmem>> -> memref<80xi32, #tpu.memory_space<vmem>>
        %dma_start3A_45 = arith.constant 0 : i32
        %dma_start3A_46 = tpu.memref_slice %arg7[%dma_start3A_45] : memref<10000xf32, #tpu.memory_space<vmem_shared>> -> memref<10000xf32, #tpu.memory_space<vmem_shared>>
        tpu.enqueue_indirect_dma source(%arg6 : memref<80xf32, #tpu.memory_space<vmem>>) target(%dma_start3A_46 : memref<10000xf32, #tpu.memory_space<vmem_shared>>) offsets(%dma_start3A_44 : memref<80xi32, #tpu.memory_space<vmem>>) semaphore(%run_scoped3A : memref<!tpu.dma_semaphore, #tpu.memory_space<semaphore_mem>>) {add = true}
        %dma_wait3A = arith.constant 0 : i32
        %dma_wait3A_47 = tpu.memref_slice %arg5[%scan3A_42, %dma_wait3A] : memref<125x80xi32, #tpu.memory_space<vmem>> -> memref<1x80xi32, #tpu.memory_space<vmem>>
        %dma_wait3A_48 = tpu.memref_squeeze %dma_wait3A_47 : memref<1x80xi32, #tpu.memory_space<vmem>> -> memref<80xi32, #tpu.memory_space<vmem>>
        %dma_wait3A_49 = arith.constant 0 : i32
        %dma_wait3A_50 = tpu.memref_slice %arg7[%dma_wait3A_49] : memref<10000xf32, #tpu.memory_space<vmem_shared>> -> memref<10000xf32, #tpu.memory_space<vmem_shared>>
        tpu.wait_indirect_dma semaphore(%run_scoped3A : memref<!tpu.dma_semaphore, #tpu.memory_space<semaphore_mem>>) src(%arg6 : memref<80xf32, #tpu.memory_space<vmem>>) dst(%dma_wait3A_50 : memref<10000xf32, #tpu.memory_space<vmem_shared>>)
        tpu.yield
      }) : () -> ()
    }
    %scan3A_35 = arith.constant 125 : i32
    %barrier3A_36 = arith.constant 0 : index
    tpu.barrier barrier_id(%barrier3A_36)
    %eq3A_37 = arith.constant 0 : i32
    %eq3A_38 = arith.cmpi eq, %arg1, %eq3A_37 : i32
    %convert_element_type3A_39 = arith.extui %eq3A_38 : i1 to i32
    %cond3A_40 = arith.constant 0 : i32
    %cond3A_41 = arith.cmpi ne, %convert_element_type3A_39, %cond3A_40 : i32
    scf.if %cond3A_41 {
      %run_scoped3A = arith.constant 0 : i32
      "tpu.region"() ({
        %run_scoped3A_42 = tpu.sem_alloc : memref<!tpu.dma_semaphore, #tpu.memory_space<semaphore_mem>>
        %dma_start3A = arith.constant 0 : i32
        %dma_start3A_43 = tpu.memref_slice %arg4[%arg0, %run_scoped3A, %dma_start3A] : memref<2x1x10000xf32, #tpu.memory_space<hbm>> -> memref<1x1x10000xf32, #tpu.memory_space<hbm>>
        %dma_start3A_44 = tpu.memref_squeeze %dma_start3A_43 : memref<1x1x10000xf32, #tpu.memory_space<hbm>> -> memref<10000xf32, #tpu.memory_space<hbm>>
        tpu.enqueue_dma source(%arg7 : memref<10000xf32, #tpu.memory_space<vmem_shared>>) target(%dma_start3A_44 : memref<10000xf32, #tpu.memory_space<hbm>>) target_semaphore(%run_scoped3A_42 : memref<!tpu.dma_semaphore, #tpu.memory_space<semaphore_mem>>)
        %dma_wait3A = arith.constant 0 : i32
        %dma_wait3A_45 = tpu.memref_slice %arg4[%arg0, %run_scoped3A, %dma_wait3A] : memref<2x1x10000xf32, #tpu.memory_space<hbm>> -> memref<1x1x10000xf32, #tpu.memory_space<hbm>>
        %dma_wait3A_46 = tpu.memref_squeeze %dma_wait3A_45 : memref<1x1x10000xf32, #tpu.memory_space<hbm>> -> memref<10000xf32, #tpu.memory_space<hbm>>
        tpu.wait_dma2 semaphore(%run_scoped3A_42 : memref<!tpu.dma_semaphore, #tpu.memory_space<semaphore_mem>>) src(%arg7 : memref<10000xf32, #tpu.memory_space<vmem_shared>>) dst(%dma_wait3A_46 : memref<10000xf32, #tpu.memory_space<hbm>>)
        tpu.yield
      }) : () -> ()
    } else {
    }
    return
  }
}

#map = affine_map<(d0, d1) -> (0, 0)>
#map1 = affine_map<(d0, d1) -> (0, 0, 0, 0)>
#map2 = affine_map<(d0, d1) -> (0, 0, 0)>
module attributes {stable_mosaic.version = 14 : i64} {
  func.func @_agg_body(%arg0: i32, %arg1: i32, %arg2: memref<10000x128xf32, #tpu.memory_space<hbm>>, %arg3: memref<32x100x2x100xi32, #tpu.memory_space<hbm>>, %arg4: memref<10032x128xf32, #tpu.memory_space<hbm>>, %arg5: memref<2x10000x128xf32, #tpu.memory_space<hbm>>, %arg6: memref<6x100xi32, #tpu.memory_space<vmem>>, %arg7: memref<100x128xf32, #tpu.memory_space<vmem>>, %arg8: memref<100x128xf32, #tpu.memory_space<vmem>>, %arg9: memref<100x128xf32, #tpu.memory_space<vmem>>, %arg10: memref<10032x128xf32, #tpu.memory_space<vmem_shared>>, %arg11: memref<!tpu.dma_semaphore, #tpu.memory_space<semaphore_mem>>, %arg12: memref<!tpu.dma_semaphore, #tpu.memory_space<semaphore_mem>>, %arg13: memref<!tpu.dma_semaphore, #tpu.memory_space<semaphore_mem>>, %arg14: memref<!tpu.dma_semaphore, #tpu.memory_space<semaphore_mem>>, %arg15: memref<!tpu.dma_semaphore, #tpu.memory_space<semaphore_mem>>, %arg16: memref<!tpu.dma_semaphore, #tpu.memory_space<semaphore_mem>>, %arg17: memref<!tpu.dma_semaphore, #tpu.memory_space<semaphore_mem>>, %arg18: memref<!tpu.dma_semaphore, #tpu.memory_space<semaphore_mem>>, %arg19: memref<!tpu.dma_semaphore, #tpu.memory_space<semaphore_mem>>) attributes {dimension_semantics = [#tpu.dimension_semantics<core_parallel>, #tpu.dimension_semantics<subcore_parallel>], iteration_bounds = array<i64: 2, 16>, scalar_prefetch = 0 : i64, scratch_operands = 14 : i64, tpu.core_type = #tpu.core_type<sc_vector_subcore>, window_params = [{transform_indices = #map}, {transform_indices = #map1}, {transform_indices = #map}, {transform_indices = #map2}]} {
    %mul3A = arith.constant 16 : i32
    %mul3A_0 = arith.muli %arg0, %mul3A : i32
    %add3A = arith.addi %mul3A_0, %arg1 : i32
    %mul3A_1 = arith.constant 624 : i32
    %mul3A_2 = arith.muli %arg1, %mul3A_1 : i32
    %mul3A_3 = arith.constant 624 : i32
    %mul3A_4 = arith.muli %arg1, %mul3A_3 : i32
    "tpu.region"() ({
      %run_scoped3A = tpu.sem_alloc : memref<!tpu.dma_semaphore, #tpu.memory_space<semaphore_mem>>
      %dma_start3A_115 = arith.constant 0 : i32
      %dma_start3A_116 = tpu.memref_slice %arg10[%mul3A_4, %dma_start3A_115] : memref<10032x128xf32, #tpu.memory_space<vmem_shared>> -> memref<624x128xf32, #tpu.memory_space<vmem_shared>>
      %dma_start3A_117 = arith.constant 0 : i32
      %dma_start3A_118 = tpu.memref_slice %arg4[%mul3A_2, %dma_start3A_117] : memref<10032x128xf32, #tpu.memory_space<hbm>> -> memref<624x128xf32, #tpu.memory_space<hbm>>
      tpu.enqueue_dma source(%dma_start3A_118 : memref<624x128xf32, #tpu.memory_space<hbm>>) target(%dma_start3A_116 : memref<624x128xf32, #tpu.memory_space<vmem_shared>>) target_semaphore(%run_scoped3A : memref<!tpu.dma_semaphore, #tpu.memory_space<semaphore_mem>>)
      %dma_wait3A_119 = arith.constant 0 : i32
      %dma_wait3A_120 = tpu.memref_slice %arg10[%mul3A_4, %dma_wait3A_119] : memref<10032x128xf32, #tpu.memory_space<vmem_shared>> -> memref<624x128xf32, #tpu.memory_space<vmem_shared>>
      %dma_wait3A_121 = arith.constant 0 : i32
      %dma_wait3A_122 = tpu.memref_slice %arg4[%mul3A_2, %dma_wait3A_121] : memref<10032x128xf32, #tpu.memory_space<hbm>> -> memref<624x128xf32, #tpu.memory_space<hbm>>
      tpu.wait_dma2 semaphore(%run_scoped3A : memref<!tpu.dma_semaphore, #tpu.memory_space<semaphore_mem>>) src(%dma_wait3A_122 : memref<624x128xf32, #tpu.memory_space<hbm>>) dst(%dma_wait3A_120 : memref<624x128xf32, #tpu.memory_space<vmem_shared>>)
      tpu.yield
    }) : () -> ()
    %eq3A = arith.constant 15 : i32
    %eq3A_5 = arith.cmpi eq, %arg1, %eq3A : i32
    %convert_element_type3A = arith.extui %eq3A_5 : i1 to i32
    %cond3A = arith.constant 0 : i32
    %cond3A_6 = arith.cmpi ne, %convert_element_type3A, %cond3A : i32
    scf.if %cond3A_6 {
      "tpu.region"() ({
        %run_scoped3A = tpu.sem_alloc : memref<!tpu.dma_semaphore, #tpu.memory_space<semaphore_mem>>
        %dma_start3A_115 = arith.constant 9984 : i32
        %dma_start3A_116 = arith.constant 0 : i32
        %dma_start3A_117 = tpu.memref_slice %arg10[%dma_start3A_115, %dma_start3A_116] : memref<10032x128xf32, #tpu.memory_space<vmem_shared>> -> memref<48x128xf32, #tpu.memory_space<vmem_shared>>
        %dma_start3A_118 = arith.constant 9984 : i32
        %dma_start3A_119 = arith.constant 0 : i32
        %dma_start3A_120 = tpu.memref_slice %arg4[%dma_start3A_118, %dma_start3A_119] : memref<10032x128xf32, #tpu.memory_space<hbm>> -> memref<48x128xf32, #tpu.memory_space<hbm>>
        tpu.enqueue_dma source(%dma_start3A_120 : memref<48x128xf32, #tpu.memory_space<hbm>>) target(%dma_start3A_117 : memref<48x128xf32, #tpu.memory_space<vmem_shared>>) target_semaphore(%run_scoped3A : memref<!tpu.dma_semaphore, #tpu.memory_space<semaphore_mem>>)
        %dma_wait3A_121 = arith.constant 9984 : i32
        %dma_wait3A_122 = arith.constant 0 : i32
        %dma_wait3A_123 = tpu.memref_slice %arg10[%dma_wait3A_121, %dma_wait3A_122] : memref<10032x128xf32, #tpu.memory_space<vmem_shared>> -> memref<48x128xf32, #tpu.memory_space<vmem_shared>>
        %dma_wait3A_124 = arith.constant 9984 : i32
        %dma_wait3A_125 = arith.constant 0 : i32
        %dma_wait3A_126 = tpu.memref_slice %arg4[%dma_wait3A_124, %dma_wait3A_125] : memref<10032x128xf32, #tpu.memory_space<hbm>> -> memref<48x128xf32, #tpu.memory_space<hbm>>
        tpu.wait_dma2 semaphore(%run_scoped3A : memref<!tpu.dma_semaphore, #tpu.memory_space<semaphore_mem>>) src(%dma_wait3A_126 : memref<48x128xf32, #tpu.memory_space<hbm>>) dst(%dma_wait3A_123 : memref<48x128xf32, #tpu.memory_space<vmem_shared>>)
        tpu.yield
      }) : () -> ()
    } else {
    }
    %barrier3A = arith.constant 0 : index
    tpu.barrier barrier_id(%barrier3A)
    %dma_start3A = arith.constant 0 : i32
    %dma_start3A_7 = arith.constant 0 : i32
    %dma_start3A_8 = arith.constant 0 : i32
    %dma_start3A_9 = tpu.memref_slice %arg6[%dma_start3A_7, %dma_start3A_8] : memref<6x100xi32, #tpu.memory_space<vmem>> -> memref<2x100xi32, #tpu.memory_space<vmem>>
    %dma_start3A_10 = arith.constant 0 : i32
    %dma_start3A_11 = arith.constant 0 : i32
    %dma_start3A_12 = tpu.memref_slice %arg3[%add3A, %dma_start3A, %dma_start3A_10, %dma_start3A_11] : memref<32x100x2x100xi32, #tpu.memory_space<hbm>> -> memref<1x1x2x100xi32, #tpu.memory_space<hbm>>
    %dma_start3A_13 = tpu.memref_squeeze %dma_start3A_12 : memref<1x1x2x100xi32, #tpu.memory_space<hbm>> -> memref<2x100xi32, #tpu.memory_space<hbm>>
    %dma_start3A_14 = arith.constant 0 : i32
    %dma_start3A_15 = arith.constant 0 : i32
    %dma_start3A_16 = tpu.memref_slice %arg6[%dma_start3A_14, %dma_start3A_15] : memref<6x100xi32, #tpu.memory_space<vmem>> -> memref<2x100xi32, #tpu.memory_space<vmem>>
    %dma_start3A_17 = arith.constant 0 : i32
    %dma_start3A_18 = arith.constant 0 : i32
    %dma_start3A_19 = tpu.memref_slice %arg3[%add3A, %dma_start3A, %dma_start3A_17, %dma_start3A_18] : memref<32x100x2x100xi32, #tpu.memory_space<hbm>> -> memref<1x1x2x100xi32, #tpu.memory_space<hbm>>
    %dma_start3A_20 = tpu.memref_squeeze %dma_start3A_19 : memref<1x1x2x100xi32, #tpu.memory_space<hbm>> -> memref<2x100xi32, #tpu.memory_space<hbm>>
    tpu.enqueue_dma source(%dma_start3A_20 : memref<2x100xi32, #tpu.memory_space<hbm>>) target(%dma_start3A_16 : memref<2x100xi32, #tpu.memory_space<vmem>>) target_semaphore(%arg11 : memref<!tpu.dma_semaphore, #tpu.memory_space<semaphore_mem>>)
    %dma_wait3A = arith.constant 0 : i32
    %dma_wait3A_21 = arith.constant 0 : i32
    %dma_wait3A_22 = arith.constant 0 : i32
    %dma_wait3A_23 = tpu.memref_slice %arg6[%dma_wait3A_21, %dma_wait3A_22] : memref<6x100xi32, #tpu.memory_space<vmem>> -> memref<2x100xi32, #tpu.memory_space<vmem>>
    %dma_wait3A_24 = arith.constant 0 : i32
    %dma_wait3A_25 = arith.constant 0 : i32
    %dma_wait3A_26 = tpu.memref_slice %arg3[%add3A, %dma_wait3A, %dma_wait3A_24, %dma_wait3A_25] : memref<32x100x2x100xi32, #tpu.memory_space<hbm>> -> memref<1x1x2x100xi32, #tpu.memory_space<hbm>>
    %dma_wait3A_27 = tpu.memref_squeeze %dma_wait3A_26 : memref<1x1x2x100xi32, #tpu.memory_space<hbm>> -> memref<2x100xi32, #tpu.memory_space<hbm>>
    %dma_wait3A_28 = arith.constant 0 : i32
    %dma_wait3A_29 = arith.constant 0 : i32
    %dma_wait3A_30 = tpu.memref_slice %arg6[%dma_wait3A_28, %dma_wait3A_29] : memref<6x100xi32, #tpu.memory_space<vmem>> -> memref<2x100xi32, #tpu.memory_space<vmem>>
    %dma_wait3A_31 = arith.constant 0 : i32
    %dma_wait3A_32 = arith.constant 0 : i32
    %dma_wait3A_33 = tpu.memref_slice %arg3[%add3A, %dma_wait3A, %dma_wait3A_31, %dma_wait3A_32] : memref<32x100x2x100xi32, #tpu.memory_space<hbm>> -> memref<1x1x2x100xi32, #tpu.memory_space<hbm>>
    %dma_wait3A_34 = tpu.memref_squeeze %dma_wait3A_33 : memref<1x1x2x100xi32, #tpu.memory_space<hbm>> -> memref<2x100xi32, #tpu.memory_space<hbm>>
    tpu.wait_dma2 semaphore(%arg11 : memref<!tpu.dma_semaphore, #tpu.memory_space<semaphore_mem>>) src(%dma_wait3A_34 : memref<2x100xi32, #tpu.memory_space<hbm>>) dst(%dma_wait3A_30 : memref<2x100xi32, #tpu.memory_space<vmem>>)
    %dma_start3A_35 = arith.constant 0 : i32
    %dma_start3A_36 = arith.constant 0 : i32
    %dma_start3A_37 = tpu.memref_slice %arg6[%dma_start3A_35, %dma_start3A_36] : memref<6x100xi32, #tpu.memory_space<vmem>> -> memref<1x100xi32, #tpu.memory_space<vmem>>
    %dma_start3A_38 = tpu.memref_squeeze %dma_start3A_37 : memref<1x100xi32, #tpu.memory_space<vmem>> -> memref<100xi32, #tpu.memory_space<vmem>>
    %dma_start3A_39 = arith.constant 0 : i32
    %dma_start3A_40 = arith.constant 0 : i32
    %dma_start3A_41 = tpu.memref_slice %arg2[%dma_start3A_39, %dma_start3A_40] : memref<10000x128xf32, #tpu.memory_space<hbm>> -> memref<10000x128xf32, #tpu.memory_space<hbm>>
    tpu.enqueue_indirect_dma source(%dma_start3A_41 : memref<10000x128xf32, #tpu.memory_space<hbm>>) target(%arg7 : memref<100x128xf32, #tpu.memory_space<vmem>>) offsets(%dma_start3A_38 : memref<100xi32, #tpu.memory_space<vmem>>) semaphore(%arg14 : memref<!tpu.dma_semaphore, #tpu.memory_space<semaphore_mem>>)
    %dma_start3A_42 = arith.constant 1 : i32
    %dma_start3A_43 = arith.constant 2 : i32
    %dma_start3A_44 = arith.constant 0 : i32
    %dma_start3A_45 = tpu.memref_slice %arg6[%dma_start3A_43, %dma_start3A_44] : memref<6x100xi32, #tpu.memory_space<vmem>> -> memref<2x100xi32, #tpu.memory_space<vmem>>
    %dma_start3A_46 = arith.constant 0 : i32
    %dma_start3A_47 = arith.constant 0 : i32
    %dma_start3A_48 = tpu.memref_slice %arg3[%add3A, %dma_start3A_42, %dma_start3A_46, %dma_start3A_47] : memref<32x100x2x100xi32, #tpu.memory_space<hbm>> -> memref<1x1x2x100xi32, #tpu.memory_space<hbm>>
    %dma_start3A_49 = tpu.memref_squeeze %dma_start3A_48 : memref<1x1x2x100xi32, #tpu.memory_space<hbm>> -> memref<2x100xi32, #tpu.memory_space<hbm>>
    %dma_start3A_50 = arith.constant 2 : i32
    %dma_start3A_51 = arith.constant 0 : i32
    %dma_start3A_52 = tpu.memref_slice %arg6[%dma_start3A_50, %dma_start3A_51] : memref<6x100xi32, #tpu.memory_space<vmem>> -> memref<2x100xi32, #tpu.memory_space<vmem>>
    %dma_start3A_53 = arith.constant 0 : i32
    %dma_start3A_54 = arith.constant 0 : i32
    %dma_start3A_55 = tpu.memref_slice %arg3[%add3A, %dma_start3A_42, %dma_start3A_53, %dma_start3A_54] : memref<32x100x2x100xi32, #tpu.memory_space<hbm>> -> memref<1x1x2x100xi32, #tpu.memory_space<hbm>>
    %dma_start3A_56 = tpu.memref_squeeze %dma_start3A_55 : memref<1x1x2x100xi32, #tpu.memory_space<hbm>> -> memref<2x100xi32, #tpu.memory_space<hbm>>
    tpu.enqueue_dma source(%dma_start3A_56 : memref<2x100xi32, #tpu.memory_space<hbm>>) target(%dma_start3A_52 : memref<2x100xi32, #tpu.memory_space<vmem>>) target_semaphore(%arg12 : memref<!tpu.dma_semaphore, #tpu.memory_space<semaphore_mem>>)
    %dma_wait3A_57 = arith.constant 1 : i32
    %dma_wait3A_58 = arith.constant 2 : i32
    %dma_wait3A_59 = arith.constant 0 : i32
    %dma_wait3A_60 = tpu.memref_slice %arg6[%dma_wait3A_58, %dma_wait3A_59] : memref<6x100xi32, #tpu.memory_space<vmem>> -> memref<2x100xi32, #tpu.memory_space<vmem>>
    %dma_wait3A_61 = arith.constant 0 : i32
    %dma_wait3A_62 = arith.constant 0 : i32
    %dma_wait3A_63 = tpu.memref_slice %arg3[%add3A, %dma_wait3A_57, %dma_wait3A_61, %dma_wait3A_62] : memref<32x100x2x100xi32, #tpu.memory_space<hbm>> -> memref<1x1x2x100xi32, #tpu.memory_space<hbm>>
    %dma_wait3A_64 = tpu.memref_squeeze %dma_wait3A_63 : memref<1x1x2x100xi32, #tpu.memory_space<hbm>> -> memref<2x100xi32, #tpu.memory_space<hbm>>
    %dma_wait3A_65 = arith.constant 2 : i32
    %dma_wait3A_66 = arith.constant 0 : i32
    %dma_wait3A_67 = tpu.memref_slice %arg6[%dma_wait3A_65, %dma_wait3A_66] : memref<6x100xi32, #tpu.memory_space<vmem>> -> memref<2x100xi32, #tpu.memory_space<vmem>>
    %dma_wait3A_68 = arith.constant 0 : i32
    %dma_wait3A_69 = arith.constant 0 : i32
    %dma_wait3A_70 = tpu.memref_slice %arg3[%add3A, %dma_wait3A_57, %dma_wait3A_68, %dma_wait3A_69] : memref<32x100x2x100xi32, #tpu.memory_space<hbm>> -> memref<1x1x2x100xi32, #tpu.memory_space<hbm>>
    %dma_wait3A_71 = tpu.memref_squeeze %dma_wait3A_70 : memref<1x1x2x100xi32, #tpu.memory_space<hbm>> -> memref<2x100xi32, #tpu.memory_space<hbm>>
    tpu.wait_dma2 semaphore(%arg12 : memref<!tpu.dma_semaphore, #tpu.memory_space<semaphore_mem>>) src(%dma_wait3A_71 : memref<2x100xi32, #tpu.memory_space<hbm>>) dst(%dma_wait3A_67 : memref<2x100xi32, #tpu.memory_space<vmem>>)
    %dma_start3A_72 = arith.constant 2 : i32
    %dma_start3A_73 = arith.constant 0 : i32
    %dma_start3A_74 = tpu.memref_slice %arg6[%dma_start3A_72, %dma_start3A_73] : memref<6x100xi32, #tpu.memory_space<vmem>> -> memref<1x100xi32, #tpu.memory_space<vmem>>
    %dma_start3A_75 = tpu.memref_squeeze %dma_start3A_74 : memref<1x100xi32, #tpu.memory_space<vmem>> -> memref<100xi32, #tpu.memory_space<vmem>>
    %dma_start3A_76 = arith.constant 0 : i32
    %dma_start3A_77 = arith.constant 0 : i32
    %dma_start3A_78 = tpu.memref_slice %arg2[%dma_start3A_76, %dma_start3A_77] : memref<10000x128xf32, #tpu.memory_space<hbm>> -> memref<10000x128xf32, #tpu.memory_space<hbm>>
    tpu.enqueue_indirect_dma source(%dma_start3A_78 : memref<10000x128xf32, #tpu.memory_space<hbm>>) target(%arg8 : memref<100x128xf32, #tpu.memory_space<vmem>>) offsets(%dma_start3A_75 : memref<100xi32, #tpu.memory_space<vmem>>) semaphore(%arg15 : memref<!tpu.dma_semaphore, #tpu.memory_space<semaphore_mem>>)
    %scan3A = arith.constant 0 : i32
    %scan3A_79 = arith.constant 0 : i32
    %scan3A_80 = arith.constant 34 : i32
    %scan3A_81 = arith.addi %scan3A_79, %scan3A_80 : i32
    %scan3A_82 = arith.constant 1 : i32
    scf.for %scan3A_115 = %scan3A_79 to %scan3A_81 step %scan3A_82  : i32 {
      %mul3A_116 = arith.constant 3 : i32
      %mul3A_117 = arith.muli %mul3A_116, %scan3A_115 : i32
      %add3A_118 = arith.constant 0 : i32
      %add3A_119 = arith.addi %mul3A_117, %add3A_118 : i32
      %lt3A = arith.constant 100 : i32
      %lt3A_120 = arith.cmpi slt, %add3A_119, %lt3A : i32
      %convert_element_type3A_121 = arith.extui %lt3A_120 : i1 to i32
      %cond3A_122 = arith.constant 0 : i32
      %cond3A_123 = arith.cmpi ne, %convert_element_type3A_121, %cond3A_122 : i32
      scf.if %cond3A_123 {
        %dma_wait3A_159 = arith.constant 0 : i32
        %dma_wait3A_160 = arith.constant 0 : i32
        %dma_wait3A_161 = tpu.memref_slice %arg6[%dma_wait3A_159, %dma_wait3A_160] : memref<6x100xi32, #tpu.memory_space<vmem>> -> memref<1x100xi32, #tpu.memory_space<vmem>>
        %dma_wait3A_162 = tpu.memref_squeeze %dma_wait3A_161 : memref<1x100xi32, #tpu.memory_space<vmem>> -> memref<100xi32, #tpu.memory_space<vmem>>
        %dma_wait3A_163 = arith.constant 0 : i32
        %dma_wait3A_164 = arith.constant 0 : i32
        %dma_wait3A_165 = tpu.memref_slice %arg2[%dma_wait3A_163, %dma_wait3A_164] : memref<10000x128xf32, #tpu.memory_space<hbm>> -> memref<10000x128xf32, #tpu.memory_space<hbm>>
        tpu.wait_indirect_dma semaphore(%arg14 : memref<!tpu.dma_semaphore, #tpu.memory_space<semaphore_mem>>) src(%dma_wait3A_165 : memref<10000x128xf32, #tpu.memory_space<hbm>>) dst(%arg7 : memref<100x128xf32, #tpu.memory_space<vmem>>)
        %dma_start3A_166 = arith.constant 1 : i32
        %dma_start3A_167 = arith.constant 0 : i32
        %dma_start3A_168 = tpu.memref_slice %arg6[%dma_start3A_166, %dma_start3A_167] : memref<6x100xi32, #tpu.memory_space<vmem>> -> memref<1x100xi32, #tpu.memory_space<vmem>>
        %dma_start3A_169 = tpu.memref_squeeze %dma_start3A_168 : memref<1x100xi32, #tpu.memory_space<vmem>> -> memref<100xi32, #tpu.memory_space<vmem>>
        %dma_start3A_170 = arith.constant 0 : i32
        %dma_start3A_171 = arith.constant 0 : i32
        %dma_start3A_172 = tpu.memref_slice %arg10[%dma_start3A_170, %dma_start3A_171] : memref<10032x128xf32, #tpu.memory_space<vmem_shared>> -> memref<10032x128xf32, #tpu.memory_space<vmem_shared>>
        tpu.enqueue_indirect_dma source(%arg7 : memref<100x128xf32, #tpu.memory_space<vmem>>) target(%dma_start3A_172 : memref<10032x128xf32, #tpu.memory_space<vmem_shared>>) offsets(%dma_start3A_169 : memref<100xi32, #tpu.memory_space<vmem>>) semaphore(%arg17 : memref<!tpu.dma_semaphore, #tpu.memory_space<semaphore_mem>>) {add = true}
      } else {
      }
      %add3A_124 = arith.constant 2 : i32
      %add3A_125 = arith.addi %add3A_119, %add3A_124 : i32
      %lt3A_126 = arith.constant 100 : i32
      %lt3A_127 = arith.cmpi slt, %add3A_125, %lt3A_126 : i32
      %convert_element_type3A_128 = arith.extui %lt3A_127 : i1 to i32
      %cond3A_129 = arith.constant 0 : i32
      %cond3A_130 = arith.cmpi ne, %convert_element_type3A_128, %cond3A_129 : i32
      scf.if %cond3A_130 {
        %ge3A = arith.constant 1 : i32
        %ge3A_159 = arith.cmpi sge, %add3A_119, %ge3A : i32
        %convert_element_type3A_160 = arith.extui %ge3A_159 : i1 to i32
        %cond3A_161 = arith.constant 0 : i32
        %cond3A_162 = arith.cmpi ne, %convert_element_type3A_160, %cond3A_161 : i32
        scf.if %cond3A_162 {
          %dma_wait3A_200 = arith.constant 5 : i32
          %dma_wait3A_201 = arith.constant 0 : i32
          %dma_wait3A_202 = tpu.memref_slice %arg6[%dma_wait3A_200, %dma_wait3A_201] : memref<6x100xi32, #tpu.memory_space<vmem>> -> memref<1x100xi32, #tpu.memory_space<vmem>>
          %dma_wait3A_203 = tpu.memref_squeeze %dma_wait3A_202 : memref<1x100xi32, #tpu.memory_space<vmem>> -> memref<100xi32, #tpu.memory_space<vmem>>
          %dma_wait3A_204 = arith.constant 0 : i32
          %dma_wait3A_205 = arith.constant 0 : i32
          %dma_wait3A_206 = tpu.memref_slice %arg10[%dma_wait3A_204, %dma_wait3A_205] : memref<10032x128xf32, #tpu.memory_space<vmem_shared>> -> memref<10032x128xf32, #tpu.memory_space<vmem_shared>>
          tpu.wait_indirect_dma semaphore(%arg19 : memref<!tpu.dma_semaphore, #tpu.memory_space<semaphore_mem>>) src(%arg9 : memref<100x128xf32, #tpu.memory_space<vmem>>) dst(%dma_wait3A_206 : memref<10032x128xf32, #tpu.memory_space<vmem_shared>>)
        } else {
        }
        %add3A_163 = arith.constant 2 : i32
        %add3A_164 = arith.addi %add3A_119, %add3A_163 : i32
        %dma_start3A_165 = arith.constant 4 : i32
        %dma_start3A_166 = arith.constant 0 : i32
        %dma_start3A_167 = tpu.memref_slice %arg6[%dma_start3A_165, %dma_start3A_166] : memref<6x100xi32, #tpu.memory_space<vmem>> -> memref<2x100xi32, #tpu.memory_space<vmem>>
        %dma_start3A_168 = arith.constant 0 : i32
        %dma_start3A_169 = arith.constant 0 : i32
        %dma_start3A_170 = tpu.memref_slice %arg3[%add3A, %add3A_164, %dma_start3A_168, %dma_start3A_169] : memref<32x100x2x100xi32, #tpu.memory_space<hbm>> -> memref<1x1x2x100xi32, #tpu.memory_space<hbm>>
        %dma_start3A_171 = tpu.memref_squeeze %dma_start3A_170 : memref<1x1x2x100xi32, #tpu.memory_space<hbm>> -> memref<2x100xi32, #tpu.memory_space<hbm>>
        %dma_start3A_172 = arith.constant 4 : i32
        %dma_start3A_173 = arith.constant 0 : i32
        %dma_start3A_174 = tpu.memref_slice %arg6[%dma_start3A_172, %dma_start3A_173] : memref<6x100xi32, #tpu.memory_space<vmem>> -> memref<2x100xi32, #tpu.memory_space<vmem>>
        %dma_start3A_175 = arith.constant 0 : i32
        %dma_start3A_176 = arith.constant 0 : i32
        %dma_start3A_177 = tpu.memref_slice %arg3[%add3A, %add3A_164, %dma_start3A_175, %dma_start3A_176] : memref<32x100x2x100xi32, #tpu.memory_space<hbm>> -> memref<1x1x2x100xi32, #tpu.memory_space<hbm>>
        %dma_start3A_178 = tpu.memref_squeeze %dma_start3A_177 : memref<1x1x2x100xi32, #tpu.memory_space<hbm>> -> memref<2x100xi32, #tpu.memory_space<hbm>>
        tpu.enqueue_dma source(%dma_start3A_178 : memref<2x100xi32, #tpu.memory_space<hbm>>) target(%dma_start3A_174 : memref<2x100xi32, #tpu.memory_space<vmem>>) target_semaphore(%arg13 : memref<!tpu.dma_semaphore, #tpu.memory_space<semaphore_mem>>)
        %dma_wait3A_179 = arith.constant 4 : i32
        %dma_wait3A_180 = arith.constant 0 : i32
        %dma_wait3A_181 = tpu.memref_slice %arg6[%dma_wait3A_179, %dma_wait3A_180] : memref<6x100xi32, #tpu.memory_space<vmem>> -> memref<2x100xi32, #tpu.memory_space<vmem>>
        %dma_wait3A_182 = arith.constant 0 : i32
        %dma_wait3A_183 = arith.constant 0 : i32
        %dma_wait3A_184 = tpu.memref_slice %arg3[%add3A, %add3A_164, %dma_wait3A_182, %dma_wait3A_183] : memref<32x100x2x100xi32, #tpu.memory_space<hbm>> -> memref<1x1x2x100xi32, #tpu.memory_space<hbm>>
        %dma_wait3A_185 = tpu.memref_squeeze %dma_wait3A_184 : memref<1x1x2x100xi32, #tpu.memory_space<hbm>> -> memref<2x100xi32, #tpu.memory_space<hbm>>
        %dma_wait3A_186 = arith.constant 4 : i32
        %dma_wait3A_187 = arith.constant 0 : i32
        %dma_wait3A_188 = tpu.memref_slice %arg6[%dma_wait3A_186, %dma_wait3A_187] : memref<6x100xi32, #tpu.memory_space<vmem>> -> memref<2x100xi32, #tpu.memory_space<vmem>>
        %dma_wait3A_189 = arith.constant 0 : i32
        %dma_wait3A_190 = arith.constant 0 : i32
        %dma_wait3A_191 = tpu.memref_slice %arg3[%add3A, %add3A_164, %dma_wait3A_189, %dma_wait3A_190] : memref<32x100x2x100xi32, #tpu.memory_space<hbm>> -> memref<1x1x2x100xi32, #tpu.memory_space<hbm>>
        %dma_wait3A_192 = tpu.memref_squeeze %dma_wait3A_191 : memref<1x1x2x100xi32, #tpu.memory_space<hbm>> -> memref<2x100xi32, #tpu.memory_space<hbm>>
        tpu.wait_dma2 semaphore(%arg13 : memref<!tpu.dma_semaphore, #tpu.memory_space<semaphore_mem>>) src(%dma_wait3A_192 : memref<2x100xi32, #tpu.memory_space<hbm>>) dst(%dma_wait3A_188 : memref<2x100xi32, #tpu.memory_space<vmem>>)
        %dma_start3A_193 = arith.constant 4 : i32
        %dma_start3A_194 = arith.constant 0 : i32
        %dma_start3A_195 = tpu.memref_slice %arg6[%dma_start3A_193, %dma_start3A_194] : memref<6x100xi32, #tpu.memory_space<vmem>> -> memref<1x100xi32, #tpu.memory_space<vmem>>
        %dma_start3A_196 = tpu.memref_squeeze %dma_start3A_195 : memref<1x100xi32, #tpu.memory_space<vmem>> -> memref<100xi32, #tpu.memory_space<vmem>>
        %dma_start3A_197 = arith.constant 0 : i32
        %dma_start3A_198 = arith.constant 0 : i32
        %dma_start3A_199 = tpu.memref_slice %arg2[%dma_start3A_197, %dma_start3A_198] : memref<10000x128xf32, #tpu.memory_space<hbm>> -> memref<10000x128xf32, #tpu.memory_space<hbm>>
        tpu.enqueue_indirect_dma source(%dma_start3A_199 : memref<10000x128xf32, #tpu.memory_space<hbm>>) target(%arg9 : memref<100x128xf32, #tpu.memory_space<vmem>>) offsets(%dma_start3A_196 : memref<100xi32, #tpu.memory_space<vmem>>) semaphore(%arg16 : memref<!tpu.dma_semaphore, #tpu.memory_space<semaphore_mem>>)
      } else {
      }
      %add3A_131 = arith.constant 1 : i32
      %add3A_132 = arith.addi %mul3A_117, %add3A_131 : i32
      %lt3A_133 = arith.constant 100 : i32
      %lt3A_134 = arith.cmpi slt, %add3A_132, %lt3A_133 : i32
      %convert_element_type3A_135 = arith.extui %lt3A_134 : i1 to i32
      %cond3A_136 = arith.constant 0 : i32
      %cond3A_137 = arith.cmpi ne, %convert_element_type3A_135, %cond3A_136 : i32
      scf.if %cond3A_137 {
        %dma_wait3A_159 = arith.constant 2 : i32
        %dma_wait3A_160 = arith.constant 0 : i32
        %dma_wait3A_161 = tpu.memref_slice %arg6[%dma_wait3A_159, %dma_wait3A_160] : memref<6x100xi32, #tpu.memory_space<vmem>> -> memref<1x100xi32, #tpu.memory_space<vmem>>
        %dma_wait3A_162 = tpu.memref_squeeze %dma_wait3A_161 : memref<1x100xi32, #tpu.memory_space<vmem>> -> memref<100xi32, #tpu.memory_space<vmem>>
        %dma_wait3A_163 = arith.constant 0 : i32
        %dma_wait3A_164 = arith.constant 0 : i32
        %dma_wait3A_165 = tpu.memref_slice %arg2[%dma_wait3A_163, %dma_wait3A_164] : memref<10000x128xf32, #tpu.memory_space<hbm>> -> memref<10000x128xf32, #tpu.memory_space<hbm>>
        tpu.wait_indirect_dma semaphore(%arg15 : memref<!tpu.dma_semaphore, #tpu.memory_space<semaphore_mem>>) src(%dma_wait3A_165 : memref<10000x128xf32, #tpu.memory_space<hbm>>) dst(%arg8 : memref<100x128xf32, #tpu.memory_space<vmem>>)
        %dma_start3A_166 = arith.constant 3 : i32
        %dma_start3A_167 = arith.constant 0 : i32
        %dma_start3A_168 = tpu.memref_slice %arg6[%dma_start3A_166, %dma_start3A_167] : memref<6x100xi32, #tpu.memory_space<vmem>> -> memref<1x100xi32, #tpu.memory_space<vmem>>
        %dma_start3A_169 = tpu.memref_squeeze %dma_start3A_168 : memref<1x100xi32, #tpu.memory_space<vmem>> -> memref<100xi32, #tpu.memory_space<vmem>>
        %dma_start3A_170 = arith.constant 0 : i32
        %dma_start3A_171 = arith.constant 0 : i32
        %dma_start3A_172 = tpu.memref_slice %arg10[%dma_start3A_170, %dma_start3A_171] : memref<10032x128xf32, #tpu.memory_space<vmem_shared>> -> memref<10032x128xf32, #tpu.memory_space<vmem_shared>>
        tpu.enqueue_indirect_dma source(%arg8 : memref<100x128xf32, #tpu.memory_space<vmem>>) target(%dma_start3A_172 : memref<10032x128xf32, #tpu.memory_space<vmem_shared>>) offsets(%dma_start3A_169 : memref<100xi32, #tpu.memory_space<vmem>>) semaphore(%arg18 : memref<!tpu.dma_semaphore, #tpu.memory_space<semaphore_mem>>) {add = true}
      } else {
      }
      %add3A_138 = arith.constant 2 : i32
      %add3A_139 = arith.addi %add3A_132, %add3A_138 : i32
      %lt3A_140 = arith.constant 100 : i32
      %lt3A_141 = arith.cmpi slt, %add3A_139, %lt3A_140 : i32
      %convert_element_type3A_142 = arith.extui %lt3A_141 : i1 to i32
      %cond3A_143 = arith.constant 0 : i32
      %cond3A_144 = arith.cmpi ne, %convert_element_type3A_142, %cond3A_143 : i32
      scf.if %cond3A_144 {
        %ge3A = arith.constant 1 : i32
        %ge3A_159 = arith.cmpi sge, %add3A_132, %ge3A : i32
        %convert_element_type3A_160 = arith.extui %ge3A_159 : i1 to i32
        %cond3A_161 = arith.constant 0 : i32
        %cond3A_162 = arith.cmpi ne, %convert_element_type3A_160, %cond3A_161 : i32
        scf.if %cond3A_162 {
          %dma_wait3A_200 = arith.constant 1 : i32
          %dma_wait3A_201 = arith.constant 0 : i32
          %dma_wait3A_202 = tpu.memref_slice %arg6[%dma_wait3A_200, %dma_wait3A_201] : memref<6x100xi32, #tpu.memory_space<vmem>> -> memref<1x100xi32, #tpu.memory_space<vmem>>
          %dma_wait3A_203 = tpu.memref_squeeze %dma_wait3A_202 : memref<1x100xi32, #tpu.memory_space<vmem>> -> memref<100xi32, #tpu.memory_space<vmem>>
          %dma_wait3A_204 = arith.constant 0 : i32
          %dma_wait3A_205 = arith.constant 0 : i32
          %dma_wait3A_206 = tpu.memref_slice %arg10[%dma_wait3A_204, %dma_wait3A_205] : memref<10032x128xf32, #tpu.memory_space<vmem_shared>> -> memref<10032x128xf32, #tpu.memory_space<vmem_shared>>
          tpu.wait_indirect_dma semaphore(%arg17 : memref<!tpu.dma_semaphore, #tpu.memory_space<semaphore_mem>>) src(%arg7 : memref<100x128xf32, #tpu.memory_space<vmem>>) dst(%dma_wait3A_206 : memref<10032x128xf32, #tpu.memory_space<vmem_shared>>)
        } else {
        }
        %add3A_163 = arith.constant 2 : i32
        %add3A_164 = arith.addi %add3A_132, %add3A_163 : i32
        %dma_start3A_165 = arith.constant 0 : i32
        %dma_start3A_166 = arith.constant 0 : i32
        %dma_start3A_167 = tpu.memref_slice %arg6[%dma_start3A_165, %dma_start3A_166] : memref<6x100xi32, #tpu.memory_space<vmem>> -> memref<2x100xi32, #tpu.memory_space<vmem>>
        %dma_start3A_168 = arith.constant 0 : i32
        %dma_start3A_169 = arith.constant 0 : i32
        %dma_start3A_170 = tpu.memref_slice %arg3[%add3A, %add3A_164, %dma_start3A_168, %dma_start3A_169] : memref<32x100x2x100xi32, #tpu.memory_space<hbm>> -> memref<1x1x2x100xi32, #tpu.memory_space<hbm>>
        %dma_start3A_171 = tpu.memref_squeeze %dma_start3A_170 : memref<1x1x2x100xi32, #tpu.memory_space<hbm>> -> memref<2x100xi32, #tpu.memory_space<hbm>>
        %dma_start3A_172 = arith.constant 0 : i32
        %dma_start3A_173 = arith.constant 0 : i32
        %dma_start3A_174 = tpu.memref_slice %arg6[%dma_start3A_172, %dma_start3A_173] : memref<6x100xi32, #tpu.memory_space<vmem>> -> memref<2x100xi32, #tpu.memory_space<vmem>>
        %dma_start3A_175 = arith.constant 0 : i32
        %dma_start3A_176 = arith.constant 0 : i32
        %dma_start3A_177 = tpu.memref_slice %arg3[%add3A, %add3A_164, %dma_start3A_175, %dma_start3A_176] : memref<32x100x2x100xi32, #tpu.memory_space<hbm>> -> memref<1x1x2x100xi32, #tpu.memory_space<hbm>>
        %dma_start3A_178 = tpu.memref_squeeze %dma_start3A_177 : memref<1x1x2x100xi32, #tpu.memory_space<hbm>> -> memref<2x100xi32, #tpu.memory_space<hbm>>
        tpu.enqueue_dma source(%dma_start3A_178 : memref<2x100xi32, #tpu.memory_space<hbm>>) target(%dma_start3A_174 : memref<2x100xi32, #tpu.memory_space<vmem>>) target_semaphore(%arg11 : memref<!tpu.dma_semaphore, #tpu.memory_space<semaphore_mem>>)
        %dma_wait3A_179 = arith.constant 0 : i32
        %dma_wait3A_180 = arith.constant 0 : i32
        %dma_wait3A_181 = tpu.memref_slice %arg6[%dma_wait3A_179, %dma_wait3A_180] : memref<6x100xi32, #tpu.memory_space<vmem>> -> memref<2x100xi32, #tpu.memory_space<vmem>>
        %dma_wait3A_182 = arith.constant 0 : i32
        %dma_wait3A_183 = arith.constant 0 : i32
        %dma_wait3A_184 = tpu.memref_slice %arg3[%add3A, %add3A_164, %dma_wait3A_182, %dma_wait3A_183] : memref<32x100x2x100xi32, #tpu.memory_space<hbm>> -> memref<1x1x2x100xi32, #tpu.memory_space<hbm>>
        %dma_wait3A_185 = tpu.memref_squeeze %dma_wait3A_184 : memref<1x1x2x100xi32, #tpu.memory_space<hbm>> -> memref<2x100xi32, #tpu.memory_space<hbm>>
        %dma_wait3A_186 = arith.constant 0 : i32
        %dma_wait3A_187 = arith.constant 0 : i32
        %dma_wait3A_188 = tpu.memref_slice %arg6[%dma_wait3A_186, %dma_wait3A_187] : memref<6x100xi32, #tpu.memory_space<vmem>> -> memref<2x100xi32, #tpu.memory_space<vmem>>
        %dma_wait3A_189 = arith.constant 0 : i32
        %dma_wait3A_190 = arith.constant 0 : i32
        %dma_wait3A_191 = tpu.memref_slice %arg3[%add3A, %add3A_164, %dma_wait3A_189, %dma_wait3A_190] : memref<32x100x2x100xi32, #tpu.memory_space<hbm>> -> memref<1x1x2x100xi32, #tpu.memory_space<hbm>>
        %dma_wait3A_192 = tpu.memref_squeeze %dma_wait3A_191 : memref<1x1x2x100xi32, #tpu.memory_space<hbm>> -> memref<2x100xi32, #tpu.memory_space<hbm>>
        tpu.wait_dma2 semaphore(%arg11 : memref<!tpu.dma_semaphore, #tpu.memory_space<semaphore_mem>>) src(%dma_wait3A_192 : memref<2x100xi32, #tpu.memory_space<hbm>>) dst(%dma_wait3A_188 : memref<2x100xi32, #tpu.memory_space<vmem>>)
        %dma_start3A_193 = arith.constant 0 : i32
        %dma_start3A_194 = arith.constant 0 : i32
        %dma_start3A_195 = tpu.memref_slice %arg6[%dma_start3A_193, %dma_start3A_194] : memref<6x100xi32, #tpu.memory_space<vmem>> -> memref<1x100xi32, #tpu.memory_space<vmem>>
        %dma_start3A_196 = tpu.memref_squeeze %dma_start3A_195 : memref<1x100xi32, #tpu.memory_space<vmem>> -> memref<100xi32, #tpu.memory_space<vmem>>
        %dma_start3A_197 = arith.constant 0 : i32
        %dma_start3A_198 = arith.constant 0 : i32
        %dma_start3A_199 = tpu.memref_slice %arg2[%dma_start3A_197, %dma_start3A_198] : memref<10000x128xf32, #tpu.memory_space<hbm>> -> memref<10000x128xf32, #tpu.memory_space<hbm>>
        tpu.enqueue_indirect_dma source(%dma_start3A_199 : memref<10000x128xf32, #tpu.memory_space<hbm>>) target(%arg7 : memref<100x128xf32, #tpu.memory_space<vmem>>) offsets(%dma_start3A_196 : memref<100xi32, #tpu.memory_space<vmem>>) semaphore(%arg14 : memref<!tpu.dma_semaphore, #tpu.memory_space<semaphore_mem>>)
      } else {
      }
      %add3A_145 = arith.constant 2 : i32
      %add3A_146 = arith.addi %mul3A_117, %add3A_145 : i32
      %lt3A_147 = arith.constant 100 : i32
      %lt3A_148 = arith.cmpi slt, %add3A_146, %lt3A_147 : i32
      %convert_element_type3A_149 = arith.extui %lt3A_148 : i1 to i32
      %cond3A_150 = arith.constant 0 : i32
      %cond3A_151 = arith.cmpi ne, %convert_element_type3A_149, %cond3A_150 : i32
      scf.if %cond3A_151 {
        %dma_wait3A_159 = arith.constant 4 : i32
        %dma_wait3A_160 = arith.constant 0 : i32
        %dma_wait3A_161 = tpu.memref_slice %arg6[%dma_wait3A_159, %dma_wait3A_160] : memref<6x100xi32, #tpu.memory_space<vmem>> -> memref<1x100xi32, #tpu.memory_space<vmem>>
        %dma_wait3A_162 = tpu.memref_squeeze %dma_wait3A_161 : memref<1x100xi32, #tpu.memory_space<vmem>> -> memref<100xi32, #tpu.memory_space<vmem>>
        %dma_wait3A_163 = arith.constant 0 : i32
        %dma_wait3A_164 = arith.constant 0 : i32
        %dma_wait3A_165 = tpu.memref_slice %arg2[%dma_wait3A_163, %dma_wait3A_164] : memref<10000x128xf32, #tpu.memory_space<hbm>> -> memref<10000x128xf32, #tpu.memory_space<hbm>>
        tpu.wait_indirect_dma semaphore(%arg16 : memref<!tpu.dma_semaphore, #tpu.memory_space<semaphore_mem>>) src(%dma_wait3A_165 : memref<10000x128xf32, #tpu.memory_space<hbm>>) dst(%arg9 : memref<100x128xf32, #tpu.memory_space<vmem>>)
        %dma_start3A_166 = arith.constant 5 : i32
        %dma_start3A_167 = arith.constant 0 : i32
        %dma_start3A_168 = tpu.memref_slice %arg6[%dma_start3A_166, %dma_start3A_167] : memref<6x100xi32, #tpu.memory_space<vmem>> -> memref<1x100xi32, #tpu.memory_space<vmem>>
        %dma_start3A_169 = tpu.memref_squeeze %dma_start3A_168 : memref<1x100xi32, #tpu.memory_space<vmem>> -> memref<100xi32, #tpu.memory_space<vmem>>
        %dma_start3A_170 = arith.constant 0 : i32
        %dma_start3A_171 = arith.constant 0 : i32
        %dma_start3A_172 = tpu.memref_slice %arg10[%dma_start3A_170, %dma_start3A_171] : memref<10032x128xf32, #tpu.memory_space<vmem_shared>> -> memref<10032x128xf32, #tpu.memory_space<vmem_shared>>
        tpu.enqueue_indirect_dma source(%arg9 : memref<100x128xf32, #tpu.memory_space<vmem>>) target(%dma_start3A_172 : memref<10032x128xf32, #tpu.memory_space<vmem_shared>>) offsets(%dma_start3A_169 : memref<100xi32, #tpu.memory_space<vmem>>) semaphore(%arg19 : memref<!tpu.dma_semaphore, #tpu.memory_space<semaphore_mem>>) {add = true}
      } else {
      }
      %add3A_152 = arith.constant 2 : i32
      %add3A_153 = arith.addi %add3A_146, %add3A_152 : i32
      %lt3A_154 = arith.constant 100 : i32
      %lt3A_155 = arith.cmpi slt, %add3A_153, %lt3A_154 : i32
      %convert_element_type3A_156 = arith.extui %lt3A_155 : i1 to i32
      %cond3A_157 = arith.constant 0 : i32
      %cond3A_158 = arith.cmpi ne, %convert_element_type3A_156, %cond3A_157 : i32
      scf.if %cond3A_158 {
        %ge3A = arith.constant 1 : i32
        %ge3A_159 = arith.cmpi sge, %add3A_146, %ge3A : i32
        %convert_element_type3A_160 = arith.extui %ge3A_159 : i1 to i32
        %cond3A_161 = arith.constant 0 : i32
        %cond3A_162 = arith.cmpi ne, %convert_element_type3A_160, %cond3A_161 : i32
        scf.if %cond3A_162 {
          %dma_wait3A_200 = arith.constant 3 : i32
          %dma_wait3A_201 = arith.constant 0 : i32
          %dma_wait3A_202 = tpu.memref_slice %arg6[%dma_wait3A_200, %dma_wait3A_201] : memref<6x100xi32, #tpu.memory_space<vmem>> -> memref<1x100xi32, #tpu.memory_space<vmem>>
          %dma_wait3A_203 = tpu.memref_squeeze %dma_wait3A_202 : memref<1x100xi32, #tpu.memory_space<vmem>> -> memref<100xi32, #tpu.memory_space<vmem>>
          %dma_wait3A_204 = arith.constant 0 : i32
          %dma_wait3A_205 = arith.constant 0 : i32
          %dma_wait3A_206 = tpu.memref_slice %arg10[%dma_wait3A_204, %dma_wait3A_205] : memref<10032x128xf32, #tpu.memory_space<vmem_shared>> -> memref<10032x128xf32, #tpu.memory_space<vmem_shared>>
          tpu.wait_indirect_dma semaphore(%arg18 : memref<!tpu.dma_semaphore, #tpu.memory_space<semaphore_mem>>) src(%arg8 : memref<100x128xf32, #tpu.memory_space<vmem>>) dst(%dma_wait3A_206 : memref<10032x128xf32, #tpu.memory_space<vmem_shared>>)
        } else {
        }
        %add3A_163 = arith.constant 2 : i32
        %add3A_164 = arith.addi %add3A_146, %add3A_163 : i32
        %dma_start3A_165 = arith.constant 2 : i32
        %dma_start3A_166 = arith.constant 0 : i32
        %dma_start3A_167 = tpu.memref_slice %arg6[%dma_start3A_165, %dma_start3A_166] : memref<6x100xi32, #tpu.memory_space<vmem>> -> memref<2x100xi32, #tpu.memory_space<vmem>>
        %dma_start3A_168 = arith.constant 0 : i32
        %dma_start3A_169 = arith.constant 0 : i32
        %dma_start3A_170 = tpu.memref_slice %arg3[%add3A, %add3A_164, %dma_start3A_168, %dma_start3A_169] : memref<32x100x2x100xi32, #tpu.memory_space<hbm>> -> memref<1x1x2x100xi32, #tpu.memory_space<hbm>>
        %dma_start3A_171 = tpu.memref_squeeze %dma_start3A_170 : memref<1x1x2x100xi32, #tpu.memory_space<hbm>> -> memref<2x100xi32, #tpu.memory_space<hbm>>
        %dma_start3A_172 = arith.constant 2 : i32
        %dma_start3A_173 = arith.constant 0 : i32
        %dma_start3A_174 = tpu.memref_slice %arg6[%dma_start3A_172, %dma_start3A_173] : memref<6x100xi32, #tpu.memory_space<vmem>> -> memref<2x100xi32, #tpu.memory_space<vmem>>
        %dma_start3A_175 = arith.constant 0 : i32
        %dma_start3A_176 = arith.constant 0 : i32
        %dma_start3A_177 = tpu.memref_slice %arg3[%add3A, %add3A_164, %dma_start3A_175, %dma_start3A_176] : memref<32x100x2x100xi32, #tpu.memory_space<hbm>> -> memref<1x1x2x100xi32, #tpu.memory_space<hbm>>
        %dma_start3A_178 = tpu.memref_squeeze %dma_start3A_177 : memref<1x1x2x100xi32, #tpu.memory_space<hbm>> -> memref<2x100xi32, #tpu.memory_space<hbm>>
        tpu.enqueue_dma source(%dma_start3A_178 : memref<2x100xi32, #tpu.memory_space<hbm>>) target(%dma_start3A_174 : memref<2x100xi32, #tpu.memory_space<vmem>>) target_semaphore(%arg12 : memref<!tpu.dma_semaphore, #tpu.memory_space<semaphore_mem>>)
        %dma_wait3A_179 = arith.constant 2 : i32
        %dma_wait3A_180 = arith.constant 0 : i32
        %dma_wait3A_181 = tpu.memref_slice %arg6[%dma_wait3A_179, %dma_wait3A_180] : memref<6x100xi32, #tpu.memory_space<vmem>> -> memref<2x100xi32, #tpu.memory_space<vmem>>
        %dma_wait3A_182 = arith.constant 0 : i32
        %dma_wait3A_183 = arith.constant 0 : i32
        %dma_wait3A_184 = tpu.memref_slice %arg3[%add3A, %add3A_164, %dma_wait3A_182, %dma_wait3A_183] : memref<32x100x2x100xi32, #tpu.memory_space<hbm>> -> memref<1x1x2x100xi32, #tpu.memory_space<hbm>>
        %dma_wait3A_185 = tpu.memref_squeeze %dma_wait3A_184 : memref<1x1x2x100xi32, #tpu.memory_space<hbm>> -> memref<2x100xi32, #tpu.memory_space<hbm>>
        %dma_wait3A_186 = arith.constant 2 : i32
        %dma_wait3A_187 = arith.constant 0 : i32
        %dma_wait3A_188 = tpu.memref_slice %arg6[%dma_wait3A_186, %dma_wait3A_187] : memref<6x100xi32, #tpu.memory_space<vmem>> -> memref<2x100xi32, #tpu.memory_space<vmem>>
        %dma_wait3A_189 = arith.constant 0 : i32
        %dma_wait3A_190 = arith.constant 0 : i32
        %dma_wait3A_191 = tpu.memref_slice %arg3[%add3A, %add3A_164, %dma_wait3A_189, %dma_wait3A_190] : memref<32x100x2x100xi32, #tpu.memory_space<hbm>> -> memref<1x1x2x100xi32, #tpu.memory_space<hbm>>
        %dma_wait3A_192 = tpu.memref_squeeze %dma_wait3A_191 : memref<1x1x2x100xi32, #tpu.memory_space<hbm>> -> memref<2x100xi32, #tpu.memory_space<hbm>>
        tpu.wait_dma2 semaphore(%arg12 : memref<!tpu.dma_semaphore, #tpu.memory_space<semaphore_mem>>) src(%dma_wait3A_192 : memref<2x100xi32, #tpu.memory_space<hbm>>) dst(%dma_wait3A_188 : memref<2x100xi32, #tpu.memory_space<vmem>>)
        %dma_start3A_193 = arith.constant 2 : i32
        %dma_start3A_194 = arith.constant 0 : i32
        %dma_start3A_195 = tpu.memref_slice %arg6[%dma_start3A_193, %dma_start3A_194] : memref<6x100xi32, #tpu.memory_space<vmem>> -> memref<1x100xi32, #tpu.memory_space<vmem>>
        %dma_start3A_196 = tpu.memref_squeeze %dma_start3A_195 : memref<1x100xi32, #tpu.memory_space<vmem>> -> memref<100xi32, #tpu.memory_space<vmem>>
        %dma_start3A_197 = arith.constant 0 : i32
        %dma_start3A_198 = arith.constant 0 : i32
        %dma_start3A_199 = tpu.memref_slice %arg2[%dma_start3A_197, %dma_start3A_198] : memref<10000x128xf32, #tpu.memory_space<hbm>> -> memref<10000x128xf32, #tpu.memory_space<hbm>>
        tpu.enqueue_indirect_dma source(%dma_start3A_199 : memref<10000x128xf32, #tpu.memory_space<hbm>>) target(%arg8 : memref<100x128xf32, #tpu.memory_space<vmem>>) offsets(%dma_start3A_196 : memref<100xi32, #tpu.memory_space<vmem>>) semaphore(%arg15 : memref<!tpu.dma_semaphore, #tpu.memory_space<semaphore_mem>>)
      } else {
      }
    }
    %scan3A_83 = arith.constant 34 : i32
    %dma_wait3A_84 = arith.constant 3 : i32
    %dma_wait3A_85 = arith.constant 0 : i32
    %dma_wait3A_86 = tpu.memref_slice %arg6[%dma_wait3A_84, %dma_wait3A_85] : memref<6x100xi32, #tpu.memory_space<vmem>> -> memref<1x100xi32, #tpu.memory_space<vmem>>
    %dma_wait3A_87 = tpu.memref_squeeze %dma_wait3A_86 : memref<1x100xi32, #tpu.memory_space<vmem>> -> memref<100xi32, #tpu.memory_space<vmem>>
    %dma_wait3A_88 = arith.constant 0 : i32
    %dma_wait3A_89 = arith.constant 0 : i32
    %dma_wait3A_90 = tpu.memref_slice %arg10[%dma_wait3A_88, %dma_wait3A_89] : memref<10032x128xf32, #tpu.memory_space<vmem_shared>> -> memref<10032x128xf32, #tpu.memory_space<vmem_shared>>
    tpu.wait_indirect_dma semaphore(%arg18 : memref<!tpu.dma_semaphore, #tpu.memory_space<semaphore_mem>>) src(%arg8 : memref<100x128xf32, #tpu.memory_space<vmem>>) dst(%dma_wait3A_90 : memref<10032x128xf32, #tpu.memory_space<vmem_shared>>)
    %dma_wait3A_91 = arith.constant 5 : i32
    %dma_wait3A_92 = arith.constant 0 : i32
    %dma_wait3A_93 = tpu.memref_slice %arg6[%dma_wait3A_91, %dma_wait3A_92] : memref<6x100xi32, #tpu.memory_space<vmem>> -> memref<1x100xi32, #tpu.memory_space<vmem>>
    %dma_wait3A_94 = tpu.memref_squeeze %dma_wait3A_93 : memref<1x100xi32, #tpu.memory_space<vmem>> -> memref<100xi32, #tpu.memory_space<vmem>>
    %dma_wait3A_95 = arith.constant 0 : i32
    %dma_wait3A_96 = arith.constant 0 : i32
    %dma_wait3A_97 = tpu.memref_slice %arg10[%dma_wait3A_95, %dma_wait3A_96] : memref<10032x128xf32, #tpu.memory_space<vmem_shared>> -> memref<10032x128xf32, #tpu.memory_space<vmem_shared>>
    tpu.wait_indirect_dma semaphore(%arg19 : memref<!tpu.dma_semaphore, #tpu.memory_space<semaphore_mem>>) src(%arg9 : memref<100x128xf32, #tpu.memory_space<vmem>>) dst(%dma_wait3A_97 : memref<10032x128xf32, #tpu.memory_space<vmem_shared>>)
    %dma_wait3A_98 = arith.constant 1 : i32
    %dma_wait3A_99 = arith.constant 0 : i32
    %dma_wait3A_100 = tpu.memref_slice %arg6[%dma_wait3A_98, %dma_wait3A_99] : memref<6x100xi32, #tpu.memory_space<vmem>> -> memref<1x100xi32, #tpu.memory_space<vmem>>
    %dma_wait3A_101 = tpu.memref_squeeze %dma_wait3A_100 : memref<1x100xi32, #tpu.memory_space<vmem>> -> memref<100xi32, #tpu.memory_space<vmem>>
    %dma_wait3A_102 = arith.constant 0 : i32
    %dma_wait3A_103 = arith.constant 0 : i32
    %dma_wait3A_104 = tpu.memref_slice %arg10[%dma_wait3A_102, %dma_wait3A_103] : memref<10032x128xf32, #tpu.memory_space<vmem_shared>> -> memref<10032x128xf32, #tpu.memory_space<vmem_shared>>
    tpu.wait_indirect_dma semaphore(%arg17 : memref<!tpu.dma_semaphore, #tpu.memory_space<semaphore_mem>>) src(%arg7 : memref<100x128xf32, #tpu.memory_space<vmem>>) dst(%dma_wait3A_104 : memref<10032x128xf32, #tpu.memory_space<vmem_shared>>)
    %barrier3A_105 = arith.constant 0 : index
    tpu.barrier barrier_id(%barrier3A_105)
    %mul3A_106 = arith.constant 624 : i32
    %mul3A_107 = arith.muli %arg1, %mul3A_106 : i32
    %mul3A_108 = arith.constant 624 : i32
    %mul3A_109 = arith.muli %arg1, %mul3A_108 : i32
    "tpu.region"() ({
      %run_scoped3A = tpu.sem_alloc : memref<!tpu.dma_semaphore, #tpu.memory_space<semaphore_mem>>
      %dma_start3A_115 = arith.constant 0 : i32
      %dma_start3A_116 = tpu.memref_slice %arg5[%arg0, %mul3A_109, %dma_start3A_115] : memref<2x10000x128xf32, #tpu.memory_space<hbm>> -> memref<1x624x128xf32, #tpu.memory_space<hbm>>
      %dma_start3A_117 = tpu.memref_squeeze %dma_start3A_116 : memref<1x624x128xf32, #tpu.memory_space<hbm>> -> memref<624x128xf32, #tpu.memory_space<hbm>>
      %dma_start3A_118 = arith.constant 0 : i32
      %dma_start3A_119 = tpu.memref_slice %arg10[%mul3A_107, %dma_start3A_118] : memref<10032x128xf32, #tpu.memory_space<vmem_shared>> -> memref<624x128xf32, #tpu.memory_space<vmem_shared>>
      tpu.enqueue_dma source(%dma_start3A_119 : memref<624x128xf32, #tpu.memory_space<vmem_shared>>) target(%dma_start3A_117 : memref<624x128xf32, #tpu.memory_space<hbm>>) target_semaphore(%run_scoped3A : memref<!tpu.dma_semaphore, #tpu.memory_space<semaphore_mem>>)
      %dma_wait3A_120 = arith.constant 0 : i32
      %dma_wait3A_121 = tpu.memref_slice %arg5[%arg0, %mul3A_109, %dma_wait3A_120] : memref<2x10000x128xf32, #tpu.memory_space<hbm>> -> memref<1x624x128xf32, #tpu.memory_space<hbm>>
      %dma_wait3A_122 = tpu.memref_squeeze %dma_wait3A_121 : memref<1x624x128xf32, #tpu.memory_space<hbm>> -> memref<624x128xf32, #tpu.memory_space<hbm>>
      %dma_wait3A_123 = arith.constant 0 : i32
      %dma_wait3A_124 = tpu.memref_slice %arg10[%mul3A_107, %dma_wait3A_123] : memref<10032x128xf32, #tpu.memory_space<vmem_shared>> -> memref<624x128xf32, #tpu.memory_space<vmem_shared>>
      tpu.wait_dma2 semaphore(%run_scoped3A : memref<!tpu.dma_semaphore, #tpu.memory_space<semaphore_mem>>) src(%dma_wait3A_124 : memref<624x128xf32, #tpu.memory_space<vmem_shared>>) dst(%dma_wait3A_122 : memref<624x128xf32, #tpu.memory_space<hbm>>)
      tpu.yield
    }) : () -> ()
    %eq3A_110 = arith.constant 15 : i32
    %eq3A_111 = arith.cmpi eq, %arg1, %eq3A_110 : i32
    %convert_element_type3A_112 = arith.extui %eq3A_111 : i1 to i32
    %cond3A_113 = arith.constant 0 : i32
    %cond3A_114 = arith.cmpi ne, %convert_element_type3A_112, %cond3A_113 : i32
    scf.if %cond3A_114 {
      "tpu.region"() ({
        %run_scoped3A = tpu.sem_alloc : memref<!tpu.dma_semaphore, #tpu.memory_space<semaphore_mem>>
        %dma_start3A_115 = arith.constant 9984 : i32
        %dma_start3A_116 = arith.constant 0 : i32
        %dma_start3A_117 = tpu.memref_slice %arg5[%arg0, %dma_start3A_115, %dma_start3A_116] : memref<2x10000x128xf32, #tpu.memory_space<hbm>> -> memref<1x16x128xf32, #tpu.memory_space<hbm>>
        %dma_start3A_118 = tpu.memref_squeeze %dma_start3A_117 : memref<1x16x128xf32, #tpu.memory_space<hbm>> -> memref<16x128xf32, #tpu.memory_space<hbm>>
        %dma_start3A_119 = arith.constant 9984 : i32
        %dma_start3A_120 = arith.constant 0 : i32
        %dma_start3A_121 = tpu.memref_slice %arg10[%dma_start3A_119, %dma_start3A_120] : memref<10032x128xf32, #tpu.memory_space<vmem_shared>> -> memref<16x128xf32, #tpu.memory_space<vmem_shared>>
        tpu.enqueue_dma source(%dma_start3A_121 : memref<16x128xf32, #tpu.memory_space<vmem_shared>>) target(%dma_start3A_118 : memref<16x128xf32, #tpu.memory_space<hbm>>) target_semaphore(%run_scoped3A : memref<!tpu.dma_semaphore, #tpu.memory_space<semaphore_mem>>)
        %dma_wait3A_122 = arith.constant 9984 : i32
        %dma_wait3A_123 = arith.constant 0 : i32
        %dma_wait3A_124 = tpu.memref_slice %arg5[%arg0, %dma_wait3A_122, %dma_wait3A_123] : memref<2x10000x128xf32, #tpu.memory_space<hbm>> -> memref<1x16x128xf32, #tpu.memory_space<hbm>>
        %dma_wait3A_125 = tpu.memref_squeeze %dma_wait3A_124 : memref<1x16x128xf32, #tpu.memory_space<hbm>> -> memref<16x128xf32, #tpu.memory_space<hbm>>
        %dma_wait3A_126 = arith.constant 9984 : i32
        %dma_wait3A_127 = arith.constant 0 : i32
        %dma_wait3A_128 = tpu.memref_slice %arg10[%dma_wait3A_126, %dma_wait3A_127] : memref<10032x128xf32, #tpu.memory_space<vmem_shared>> -> memref<16x128xf32, #tpu.memory_space<vmem_shared>>
        tpu.wait_dma2 semaphore(%run_scoped3A : memref<!tpu.dma_semaphore, #tpu.memory_space<semaphore_mem>>) src(%dma_wait3A_128 : memref<16x128xf32, #tpu.memory_space<vmem_shared>>) dst(%dma_wait3A_125 : memref<16x128xf32, #tpu.memory_space<hbm>>)
        tpu.yield
      }) : () -> ()
    } else {
    }
    return
  }
}

#map = affine_map<(d0, d1) -> (0, 0)>
#map1 = affine_map<(d0, d1) -> (0, 0, 0, 0)>
#map2 = affine_map<(d0, d1) -> (0, 0, 0)>
module attributes {stable_mosaic.version = 14 : i64} {
  func.func @_agg_body(%arg0: i32, %arg1: i32, %arg2: memref<10000x128xf32, #tpu.memory_space<hbm>>, %arg3: memref<32x100x2x100xi32, #tpu.memory_space<hbm>>, %arg4: memref<10032x128xf32, #tpu.memory_space<hbm>>, %arg5: memref<2x10000x128xf32, #tpu.memory_space<hbm>>, %arg6: memref<6x100xi32, #tpu.memory_space<vmem>>, %arg7: memref<100x128xf32, #tpu.memory_space<vmem>>, %arg8: memref<100x128xf32, #tpu.memory_space<vmem>>, %arg9: memref<100x128xf32, #tpu.memory_space<vmem>>, %arg10: memref<10032x128xf32, #tpu.memory_space<vmem_shared>>, %arg11: memref<!tpu.dma_semaphore, #tpu.memory_space<semaphore_mem>>, %arg12: memref<!tpu.dma_semaphore, #tpu.memory_space<semaphore_mem>>, %arg13: memref<!tpu.dma_semaphore, #tpu.memory_space<semaphore_mem>>, %arg14: memref<!tpu.dma_semaphore, #tpu.memory_space<semaphore_mem>>, %arg15: memref<!tpu.dma_semaphore, #tpu.memory_space<semaphore_mem>>, %arg16: memref<!tpu.dma_semaphore, #tpu.memory_space<semaphore_mem>>, %arg17: memref<!tpu.dma_semaphore, #tpu.memory_space<semaphore_mem>>, %arg18: memref<!tpu.dma_semaphore, #tpu.memory_space<semaphore_mem>>, %arg19: memref<!tpu.dma_semaphore, #tpu.memory_space<semaphore_mem>>) attributes {dimension_semantics = [#tpu.dimension_semantics<core_parallel>, #tpu.dimension_semantics<subcore_parallel>], iteration_bounds = array<i64: 2, 16>, scalar_prefetch = 0 : i64, scratch_operands = 14 : i64, tpu.core_type = #tpu.core_type<sc_vector_subcore>, window_params = [{transform_indices = #map}, {transform_indices = #map1}, {transform_indices = #map}, {transform_indices = #map2}]} {
    %mul3A = arith.constant 16 : i32
    %mul3A_0 = arith.muli %arg0, %mul3A : i32
    %add3A = arith.addi %mul3A_0, %arg1 : i32
    %mul3A_1 = arith.constant 624 : i32
    %mul3A_2 = arith.muli %arg1, %mul3A_1 : i32
    %mul3A_3 = arith.constant 624 : i32
    %mul3A_4 = arith.muli %arg1, %mul3A_3 : i32
    "tpu.region"() ({
      %run_scoped3A = tpu.sem_alloc : memref<!tpu.dma_semaphore, #tpu.memory_space<semaphore_mem>>
      %dma_start3A_115 = arith.constant 0 : i32
      %dma_start3A_116 = tpu.memref_slice %arg10[%mul3A_4, %dma_start3A_115] : memref<10032x128xf32, #tpu.memory_space<vmem_shared>> -> memref<624x128xf32, #tpu.memory_space<vmem_shared>>
      %dma_start3A_117 = arith.constant 0 : i32
      %dma_start3A_118 = tpu.memref_slice %arg4[%mul3A_2, %dma_start3A_117] : memref<10032x128xf32, #tpu.memory_space<hbm>> -> memref<624x128xf32, #tpu.memory_space<hbm>>
      tpu.enqueue_dma source(%dma_start3A_118 : memref<624x128xf32, #tpu.memory_space<hbm>>) target(%dma_start3A_116 : memref<624x128xf32, #tpu.memory_space<vmem_shared>>) target_semaphore(%run_scoped3A : memref<!tpu.dma_semaphore, #tpu.memory_space<semaphore_mem>>)
      %dma_wait3A_119 = arith.constant 0 : i32
      %dma_wait3A_120 = tpu.memref_slice %arg10[%mul3A_4, %dma_wait3A_119] : memref<10032x128xf32, #tpu.memory_space<vmem_shared>> -> memref<624x128xf32, #tpu.memory_space<vmem_shared>>
      %dma_wait3A_121 = arith.constant 0 : i32
      %dma_wait3A_122 = tpu.memref_slice %arg4[%mul3A_2, %dma_wait3A_121] : memref<10032x128xf32, #tpu.memory_space<hbm>> -> memref<624x128xf32, #tpu.memory_space<hbm>>
      tpu.wait_dma2 semaphore(%run_scoped3A : memref<!tpu.dma_semaphore, #tpu.memory_space<semaphore_mem>>) src(%dma_wait3A_122 : memref<624x128xf32, #tpu.memory_space<hbm>>) dst(%dma_wait3A_120 : memref<624x128xf32, #tpu.memory_space<vmem_shared>>)
      tpu.yield
    }) : () -> ()
    %eq3A = arith.constant 15 : i32
    %eq3A_5 = arith.cmpi eq, %arg1, %eq3A : i32
    %convert_element_type3A = arith.extui %eq3A_5 : i1 to i32
    %cond3A = arith.constant 0 : i32
    %cond3A_6 = arith.cmpi ne, %convert_element_type3A, %cond3A : i32
    scf.if %cond3A_6 {
      "tpu.region"() ({
        %run_scoped3A = tpu.sem_alloc : memref<!tpu.dma_semaphore, #tpu.memory_space<semaphore_mem>>
        %dma_start3A_115 = arith.constant 9984 : i32
        %dma_start3A_116 = arith.constant 0 : i32
        %dma_start3A_117 = tpu.memref_slice %arg10[%dma_start3A_115, %dma_start3A_116] : memref<10032x128xf32, #tpu.memory_space<vmem_shared>> -> memref<48x128xf32, #tpu.memory_space<vmem_shared>>
        %dma_start3A_118 = arith.constant 9984 : i32
        %dma_start3A_119 = arith.constant 0 : i32
        %dma_start3A_120 = tpu.memref_slice %arg4[%dma_start3A_118, %dma_start3A_119] : memref<10032x128xf32, #tpu.memory_space<hbm>> -> memref<48x128xf32, #tpu.memory_space<hbm>>
        tpu.enqueue_dma source(%dma_start3A_120 : memref<48x128xf32, #tpu.memory_space<hbm>>) target(%dma_start3A_117 : memref<48x128xf32, #tpu.memory_space<vmem_shared>>) target_semaphore(%run_scoped3A : memref<!tpu.dma_semaphore, #tpu.memory_space<semaphore_mem>>)
        %dma_wait3A_121 = arith.constant 9984 : i32
        %dma_wait3A_122 = arith.constant 0 : i32
        %dma_wait3A_123 = tpu.memref_slice %arg10[%dma_wait3A_121, %dma_wait3A_122] : memref<10032x128xf32, #tpu.memory_space<vmem_shared>> -> memref<48x128xf32, #tpu.memory_space<vmem_shared>>
        %dma_wait3A_124 = arith.constant 9984 : i32
        %dma_wait3A_125 = arith.constant 0 : i32
        %dma_wait3A_126 = tpu.memref_slice %arg4[%dma_wait3A_124, %dma_wait3A_125] : memref<10032x128xf32, #tpu.memory_space<hbm>> -> memref<48x128xf32, #tpu.memory_space<hbm>>
        tpu.wait_dma2 semaphore(%run_scoped3A : memref<!tpu.dma_semaphore, #tpu.memory_space<semaphore_mem>>) src(%dma_wait3A_126 : memref<48x128xf32, #tpu.memory_space<hbm>>) dst(%dma_wait3A_123 : memref<48x128xf32, #tpu.memory_space<vmem_shared>>)
        tpu.yield
      }) : () -> ()
    } else {
    }
    %barrier3A = arith.constant 0 : index
    tpu.barrier barrier_id(%barrier3A)
    %dma_start3A = arith.constant 0 : i32
    %dma_start3A_7 = arith.constant 0 : i32
    %dma_start3A_8 = arith.constant 0 : i32
    %dma_start3A_9 = tpu.memref_slice %arg6[%dma_start3A_7, %dma_start3A_8] : memref<6x100xi32, #tpu.memory_space<vmem>> -> memref<2x100xi32, #tpu.memory_space<vmem>>
    %dma_start3A_10 = arith.constant 0 : i32
    %dma_start3A_11 = arith.constant 0 : i32
    %dma_start3A_12 = tpu.memref_slice %arg3[%add3A, %dma_start3A, %dma_start3A_10, %dma_start3A_11] : memref<32x100x2x100xi32, #tpu.memory_space<hbm>> -> memref<1x1x2x100xi32, #tpu.memory_space<hbm>>
    %dma_start3A_13 = tpu.memref_squeeze %dma_start3A_12 : memref<1x1x2x100xi32, #tpu.memory_space<hbm>> -> memref<2x100xi32, #tpu.memory_space<hbm>>
    %dma_start3A_14 = arith.constant 0 : i32
    %dma_start3A_15 = arith.constant 0 : i32
    %dma_start3A_16 = tpu.memref_slice %arg6[%dma_start3A_14, %dma_start3A_15] : memref<6x100xi32, #tpu.memory_space<vmem>> -> memref<2x100xi32, #tpu.memory_space<vmem>>
    %dma_start3A_17 = arith.constant 0 : i32
    %dma_start3A_18 = arith.constant 0 : i32
    %dma_start3A_19 = tpu.memref_slice %arg3[%add3A, %dma_start3A, %dma_start3A_17, %dma_start3A_18] : memref<32x100x2x100xi32, #tpu.memory_space<hbm>> -> memref<1x1x2x100xi32, #tpu.memory_space<hbm>>
    %dma_start3A_20 = tpu.memref_squeeze %dma_start3A_19 : memref<1x1x2x100xi32, #tpu.memory_space<hbm>> -> memref<2x100xi32, #tpu.memory_space<hbm>>
    tpu.enqueue_dma source(%dma_start3A_20 : memref<2x100xi32, #tpu.memory_space<hbm>>) target(%dma_start3A_16 : memref<2x100xi32, #tpu.memory_space<vmem>>) target_semaphore(%arg11 : memref<!tpu.dma_semaphore, #tpu.memory_space<semaphore_mem>>)
    %dma_wait3A = arith.constant 0 : i32
    %dma_wait3A_21 = arith.constant 0 : i32
    %dma_wait3A_22 = arith.constant 0 : i32
    %dma_wait3A_23 = tpu.memref_slice %arg6[%dma_wait3A_21, %dma_wait3A_22] : memref<6x100xi32, #tpu.memory_space<vmem>> -> memref<2x100xi32, #tpu.memory_space<vmem>>
    %dma_wait3A_24 = arith.constant 0 : i32
    %dma_wait3A_25 = arith.constant 0 : i32
    %dma_wait3A_26 = tpu.memref_slice %arg3[%add3A, %dma_wait3A, %dma_wait3A_24, %dma_wait3A_25] : memref<32x100x2x100xi32, #tpu.memory_space<hbm>> -> memref<1x1x2x100xi32, #tpu.memory_space<hbm>>
    %dma_wait3A_27 = tpu.memref_squeeze %dma_wait3A_26 : memref<1x1x2x100xi32, #tpu.memory_space<hbm>> -> memref<2x100xi32, #tpu.memory_space<hbm>>
    %dma_wait3A_28 = arith.constant 0 : i32
    %dma_wait3A_29 = arith.constant 0 : i32
    %dma_wait3A_30 = tpu.memref_slice %arg6[%dma_wait3A_28, %dma_wait3A_29] : memref<6x100xi32, #tpu.memory_space<vmem>> -> memref<2x100xi32, #tpu.memory_space<vmem>>
    %dma_wait3A_31 = arith.constant 0 : i32
    %dma_wait3A_32 = arith.constant 0 : i32
    %dma_wait3A_33 = tpu.memref_slice %arg3[%add3A, %dma_wait3A, %dma_wait3A_31, %dma_wait3A_32] : memref<32x100x2x100xi32, #tpu.memory_space<hbm>> -> memref<1x1x2x100xi32, #tpu.memory_space<hbm>>
    %dma_wait3A_34 = tpu.memref_squeeze %dma_wait3A_33 : memref<1x1x2x100xi32, #tpu.memory_space<hbm>> -> memref<2x100xi32, #tpu.memory_space<hbm>>
    tpu.wait_dma2 semaphore(%arg11 : memref<!tpu.dma_semaphore, #tpu.memory_space<semaphore_mem>>) src(%dma_wait3A_34 : memref<2x100xi32, #tpu.memory_space<hbm>>) dst(%dma_wait3A_30 : memref<2x100xi32, #tpu.memory_space<vmem>>)
    %dma_start3A_35 = arith.constant 0 : i32
    %dma_start3A_36 = arith.constant 0 : i32
    %dma_start3A_37 = tpu.memref_slice %arg6[%dma_start3A_35, %dma_start3A_36] : memref<6x100xi32, #tpu.memory_space<vmem>> -> memref<1x100xi32, #tpu.memory_space<vmem>>
    %dma_start3A_38 = tpu.memref_squeeze %dma_start3A_37 : memref<1x100xi32, #tpu.memory_space<vmem>> -> memref<100xi32, #tpu.memory_space<vmem>>
    %dma_start3A_39 = arith.constant 0 : i32
    %dma_start3A_40 = arith.constant 0 : i32
    %dma_start3A_41 = tpu.memref_slice %arg2[%dma_start3A_39, %dma_start3A_40] : memref<10000x128xf32, #tpu.memory_space<hbm>> -> memref<10000x128xf32, #tpu.memory_space<hbm>>
    tpu.enqueue_indirect_dma source(%dma_start3A_41 : memref<10000x128xf32, #tpu.memory_space<hbm>>) target(%arg7 : memref<100x128xf32, #tpu.memory_space<vmem>>) offsets(%dma_start3A_38 : memref<100xi32, #tpu.memory_space<vmem>>) semaphore(%arg14 : memref<!tpu.dma_semaphore, #tpu.memory_space<semaphore_mem>>)
    %dma_start3A_42 = arith.constant 1 : i32
    %dma_start3A_43 = arith.constant 2 : i32
    %dma_start3A_44 = arith.constant 0 : i32
    %dma_start3A_45 = tpu.memref_slice %arg6[%dma_start3A_43, %dma_start3A_44] : memref<6x100xi32, #tpu.memory_space<vmem>> -> memref<2x100xi32, #tpu.memory_space<vmem>>
    %dma_start3A_46 = arith.constant 0 : i32
    %dma_start3A_47 = arith.constant 0 : i32
    %dma_start3A_48 = tpu.memref_slice %arg3[%add3A, %dma_start3A_42, %dma_start3A_46, %dma_start3A_47] : memref<32x100x2x100xi32, #tpu.memory_space<hbm>> -> memref<1x1x2x100xi32, #tpu.memory_space<hbm>>
    %dma_start3A_49 = tpu.memref_squeeze %dma_start3A_48 : memref<1x1x2x100xi32, #tpu.memory_space<hbm>> -> memref<2x100xi32, #tpu.memory_space<hbm>>
    %dma_start3A_50 = arith.constant 2 : i32
    %dma_start3A_51 = arith.constant 0 : i32
    %dma_start3A_52 = tpu.memref_slice %arg6[%dma_start3A_50, %dma_start3A_51] : memref<6x100xi32, #tpu.memory_space<vmem>> -> memref<2x100xi32, #tpu.memory_space<vmem>>
    %dma_start3A_53 = arith.constant 0 : i32
    %dma_start3A_54 = arith.constant 0 : i32
    %dma_start3A_55 = tpu.memref_slice %arg3[%add3A, %dma_start3A_42, %dma_start3A_53, %dma_start3A_54] : memref<32x100x2x100xi32, #tpu.memory_space<hbm>> -> memref<1x1x2x100xi32, #tpu.memory_space<hbm>>
    %dma_start3A_56 = tpu.memref_squeeze %dma_start3A_55 : memref<1x1x2x100xi32, #tpu.memory_space<hbm>> -> memref<2x100xi32, #tpu.memory_space<hbm>>
    tpu.enqueue_dma source(%dma_start3A_56 : memref<2x100xi32, #tpu.memory_space<hbm>>) target(%dma_start3A_52 : memref<2x100xi32, #tpu.memory_space<vmem>>) target_semaphore(%arg12 : memref<!tpu.dma_semaphore, #tpu.memory_space<semaphore_mem>>)
    %dma_wait3A_57 = arith.constant 1 : i32
    %dma_wait3A_58 = arith.constant 2 : i32
    %dma_wait3A_59 = arith.constant 0 : i32
    %dma_wait3A_60 = tpu.memref_slice %arg6[%dma_wait3A_58, %dma_wait3A_59] : memref<6x100xi32, #tpu.memory_space<vmem>> -> memref<2x100xi32, #tpu.memory_space<vmem>>
    %dma_wait3A_61 = arith.constant 0 : i32
    %dma_wait3A_62 = arith.constant 0 : i32
    %dma_wait3A_63 = tpu.memref_slice %arg3[%add3A, %dma_wait3A_57, %dma_wait3A_61, %dma_wait3A_62] : memref<32x100x2x100xi32, #tpu.memory_space<hbm>> -> memref<1x1x2x100xi32, #tpu.memory_space<hbm>>
    %dma_wait3A_64 = tpu.memref_squeeze %dma_wait3A_63 : memref<1x1x2x100xi32, #tpu.memory_space<hbm>> -> memref<2x100xi32, #tpu.memory_space<hbm>>
    %dma_wait3A_65 = arith.constant 2 : i32
    %dma_wait3A_66 = arith.constant 0 : i32
    %dma_wait3A_67 = tpu.memref_slice %arg6[%dma_wait3A_65, %dma_wait3A_66] : memref<6x100xi32, #tpu.memory_space<vmem>> -> memref<2x100xi32, #tpu.memory_space<vmem>>
    %dma_wait3A_68 = arith.constant 0 : i32
    %dma_wait3A_69 = arith.constant 0 : i32
    %dma_wait3A_70 = tpu.memref_slice %arg3[%add3A, %dma_wait3A_57, %dma_wait3A_68, %dma_wait3A_69] : memref<32x100x2x100xi32, #tpu.memory_space<hbm>> -> memref<1x1x2x100xi32, #tpu.memory_space<hbm>>
    %dma_wait3A_71 = tpu.memref_squeeze %dma_wait3A_70 : memref<1x1x2x100xi32, #tpu.memory_space<hbm>> -> memref<2x100xi32, #tpu.memory_space<hbm>>
    tpu.wait_dma2 semaphore(%arg12 : memref<!tpu.dma_semaphore, #tpu.memory_space<semaphore_mem>>) src(%dma_wait3A_71 : memref<2x100xi32, #tpu.memory_space<hbm>>) dst(%dma_wait3A_67 : memref<2x100xi32, #tpu.memory_space<vmem>>)
    %dma_start3A_72 = arith.constant 2 : i32
    %dma_start3A_73 = arith.constant 0 : i32
    %dma_start3A_74 = tpu.memref_slice %arg6[%dma_start3A_72, %dma_start3A_73] : memref<6x100xi32, #tpu.memory_space<vmem>> -> memref<1x100xi32, #tpu.memory_space<vmem>>
    %dma_start3A_75 = tpu.memref_squeeze %dma_start3A_74 : memref<1x100xi32, #tpu.memory_space<vmem>> -> memref<100xi32, #tpu.memory_space<vmem>>
    %dma_start3A_76 = arith.constant 0 : i32
    %dma_start3A_77 = arith.constant 0 : i32
    %dma_start3A_78 = tpu.memref_slice %arg2[%dma_start3A_76, %dma_start3A_77] : memref<10000x128xf32, #tpu.memory_space<hbm>> -> memref<10000x128xf32, #tpu.memory_space<hbm>>
    tpu.enqueue_indirect_dma source(%dma_start3A_78 : memref<10000x128xf32, #tpu.memory_space<hbm>>) target(%arg8 : memref<100x128xf32, #tpu.memory_space<vmem>>) offsets(%dma_start3A_75 : memref<100xi32, #tpu.memory_space<vmem>>) semaphore(%arg15 : memref<!tpu.dma_semaphore, #tpu.memory_space<semaphore_mem>>)
    %scan3A = arith.constant 0 : i32
    %scan3A_79 = arith.constant 0 : i32
    %scan3A_80 = arith.constant 34 : i32
    %scan3A_81 = arith.addi %scan3A_79, %scan3A_80 : i32
    %scan3A_82 = arith.constant 1 : i32
    scf.for %scan3A_115 = %scan3A_79 to %scan3A_81 step %scan3A_82  : i32 {
      %mul3A_116 = arith.constant 3 : i32
      %mul3A_117 = arith.muli %mul3A_116, %scan3A_115 : i32
      %add3A_118 = arith.constant 0 : i32
      %add3A_119 = arith.addi %mul3A_117, %add3A_118 : i32
      %lt3A = arith.constant 100 : i32
      %lt3A_120 = arith.cmpi slt, %add3A_119, %lt3A : i32
      %convert_element_type3A_121 = arith.extui %lt3A_120 : i1 to i32
      %cond3A_122 = arith.constant 0 : i32
      %cond3A_123 = arith.cmpi ne, %convert_element_type3A_121, %cond3A_122 : i32
      scf.if %cond3A_123 {
        %dma_wait3A_159 = arith.constant 0 : i32
        %dma_wait3A_160 = arith.constant 0 : i32
        %dma_wait3A_161 = tpu.memref_slice %arg6[%dma_wait3A_159, %dma_wait3A_160] : memref<6x100xi32, #tpu.memory_space<vmem>> -> memref<1x100xi32, #tpu.memory_space<vmem>>
        %dma_wait3A_162 = tpu.memref_squeeze %dma_wait3A_161 : memref<1x100xi32, #tpu.memory_space<vmem>> -> memref<100xi32, #tpu.memory_space<vmem>>
        %dma_wait3A_163 = arith.constant 0 : i32
        %dma_wait3A_164 = arith.constant 0 : i32
        %dma_wait3A_165 = tpu.memref_slice %arg2[%dma_wait3A_163, %dma_wait3A_164] : memref<10000x128xf32, #tpu.memory_space<hbm>> -> memref<10000x128xf32, #tpu.memory_space<hbm>>
        tpu.wait_indirect_dma semaphore(%arg14 : memref<!tpu.dma_semaphore, #tpu.memory_space<semaphore_mem>>) src(%dma_wait3A_165 : memref<10000x128xf32, #tpu.memory_space<hbm>>) dst(%arg7 : memref<100x128xf32, #tpu.memory_space<vmem>>)
        %dma_start3A_166 = arith.constant 1 : i32
        %dma_start3A_167 = arith.constant 0 : i32
        %dma_start3A_168 = tpu.memref_slice %arg6[%dma_start3A_166, %dma_start3A_167] : memref<6x100xi32, #tpu.memory_space<vmem>> -> memref<1x100xi32, #tpu.memory_space<vmem>>
        %dma_start3A_169 = tpu.memref_squeeze %dma_start3A_168 : memref<1x100xi32, #tpu.memory_space<vmem>> -> memref<100xi32, #tpu.memory_space<vmem>>
        %dma_start3A_170 = arith.constant 0 : i32
        %dma_start3A_171 = arith.constant 0 : i32
        %dma_start3A_172 = tpu.memref_slice %arg10[%dma_start3A_170, %dma_start3A_171] : memref<10032x128xf32, #tpu.memory_space<vmem_shared>> -> memref<10032x128xf32, #tpu.memory_space<vmem_shared>>
        tpu.enqueue_indirect_dma source(%arg7 : memref<100x128xf32, #tpu.memory_space<vmem>>) target(%dma_start3A_172 : memref<10032x128xf32, #tpu.memory_space<vmem_shared>>) offsets(%dma_start3A_169 : memref<100xi32, #tpu.memory_space<vmem>>) semaphore(%arg17 : memref<!tpu.dma_semaphore, #tpu.memory_space<semaphore_mem>>) {add = true}
      } else {
      }
      %add3A_124 = arith.constant 2 : i32
      %add3A_125 = arith.addi %add3A_119, %add3A_124 : i32
      %lt3A_126 = arith.constant 100 : i32
      %lt3A_127 = arith.cmpi slt, %add3A_125, %lt3A_126 : i32
      %convert_element_type3A_128 = arith.extui %lt3A_127 : i1 to i32
      %cond3A_129 = arith.constant 0 : i32
      %cond3A_130 = arith.cmpi ne, %convert_element_type3A_128, %cond3A_129 : i32
      scf.if %cond3A_130 {
        %ge3A = arith.constant 1 : i32
        %ge3A_159 = arith.cmpi sge, %add3A_119, %ge3A : i32
        %convert_element_type3A_160 = arith.extui %ge3A_159 : i1 to i32
        %cond3A_161 = arith.constant 0 : i32
        %cond3A_162 = arith.cmpi ne, %convert_element_type3A_160, %cond3A_161 : i32
        scf.if %cond3A_162 {
          %dma_wait3A_200 = arith.constant 5 : i32
          %dma_wait3A_201 = arith.constant 0 : i32
          %dma_wait3A_202 = tpu.memref_slice %arg6[%dma_wait3A_200, %dma_wait3A_201] : memref<6x100xi32, #tpu.memory_space<vmem>> -> memref<1x100xi32, #tpu.memory_space<vmem>>
          %dma_wait3A_203 = tpu.memref_squeeze %dma_wait3A_202 : memref<1x100xi32, #tpu.memory_space<vmem>> -> memref<100xi32, #tpu.memory_space<vmem>>
          %dma_wait3A_204 = arith.constant 0 : i32
          %dma_wait3A_205 = arith.constant 0 : i32
          %dma_wait3A_206 = tpu.memref_slice %arg10[%dma_wait3A_204, %dma_wait3A_205] : memref<10032x128xf32, #tpu.memory_space<vmem_shared>> -> memref<10032x128xf32, #tpu.memory_space<vmem_shared>>
          tpu.wait_indirect_dma semaphore(%arg19 : memref<!tpu.dma_semaphore, #tpu.memory_space<semaphore_mem>>) src(%arg9 : memref<100x128xf32, #tpu.memory_space<vmem>>) dst(%dma_wait3A_206 : memref<10032x128xf32, #tpu.memory_space<vmem_shared>>)
        } else {
        }
        %add3A_163 = arith.constant 2 : i32
        %add3A_164 = arith.addi %add3A_119, %add3A_163 : i32
        %dma_start3A_165 = arith.constant 4 : i32
        %dma_start3A_166 = arith.constant 0 : i32
        %dma_start3A_167 = tpu.memref_slice %arg6[%dma_start3A_165, %dma_start3A_166] : memref<6x100xi32, #tpu.memory_space<vmem>> -> memref<2x100xi32, #tpu.memory_space<vmem>>
        %dma_start3A_168 = arith.constant 0 : i32
        %dma_start3A_169 = arith.constant 0 : i32
        %dma_start3A_170 = tpu.memref_slice %arg3[%add3A, %add3A_164, %dma_start3A_168, %dma_start3A_169] : memref<32x100x2x100xi32, #tpu.memory_space<hbm>> -> memref<1x1x2x100xi32, #tpu.memory_space<hbm>>
        %dma_start3A_171 = tpu.memref_squeeze %dma_start3A_170 : memref<1x1x2x100xi32, #tpu.memory_space<hbm>> -> memref<2x100xi32, #tpu.memory_space<hbm>>
        %dma_start3A_172 = arith.constant 4 : i32
        %dma_start3A_173 = arith.constant 0 : i32
        %dma_start3A_174 = tpu.memref_slice %arg6[%dma_start3A_172, %dma_start3A_173] : memref<6x100xi32, #tpu.memory_space<vmem>> -> memref<2x100xi32, #tpu.memory_space<vmem>>
        %dma_start3A_175 = arith.constant 0 : i32
        %dma_start3A_176 = arith.constant 0 : i32
        %dma_start3A_177 = tpu.memref_slice %arg3[%add3A, %add3A_164, %dma_start3A_175, %dma_start3A_176] : memref<32x100x2x100xi32, #tpu.memory_space<hbm>> -> memref<1x1x2x100xi32, #tpu.memory_space<hbm>>
        %dma_start3A_178 = tpu.memref_squeeze %dma_start3A_177 : memref<1x1x2x100xi32, #tpu.memory_space<hbm>> -> memref<2x100xi32, #tpu.memory_space<hbm>>
        tpu.enqueue_dma source(%dma_start3A_178 : memref<2x100xi32, #tpu.memory_space<hbm>>) target(%dma_start3A_174 : memref<2x100xi32, #tpu.memory_space<vmem>>) target_semaphore(%arg13 : memref<!tpu.dma_semaphore, #tpu.memory_space<semaphore_mem>>)
        %dma_wait3A_179 = arith.constant 4 : i32
        %dma_wait3A_180 = arith.constant 0 : i32
        %dma_wait3A_181 = tpu.memref_slice %arg6[%dma_wait3A_179, %dma_wait3A_180] : memref<6x100xi32, #tpu.memory_space<vmem>> -> memref<2x100xi32, #tpu.memory_space<vmem>>
        %dma_wait3A_182 = arith.constant 0 : i32
        %dma_wait3A_183 = arith.constant 0 : i32
        %dma_wait3A_184 = tpu.memref_slice %arg3[%add3A, %add3A_164, %dma_wait3A_182, %dma_wait3A_183] : memref<32x100x2x100xi32, #tpu.memory_space<hbm>> -> memref<1x1x2x100xi32, #tpu.memory_space<hbm>>
        %dma_wait3A_185 = tpu.memref_squeeze %dma_wait3A_184 : memref<1x1x2x100xi32, #tpu.memory_space<hbm>> -> memref<2x100xi32, #tpu.memory_space<hbm>>
        %dma_wait3A_186 = arith.constant 4 : i32
        %dma_wait3A_187 = arith.constant 0 : i32
        %dma_wait3A_188 = tpu.memref_slice %arg6[%dma_wait3A_186, %dma_wait3A_187] : memref<6x100xi32, #tpu.memory_space<vmem>> -> memref<2x100xi32, #tpu.memory_space<vmem>>
        %dma_wait3A_189 = arith.constant 0 : i32
        %dma_wait3A_190 = arith.constant 0 : i32
        %dma_wait3A_191 = tpu.memref_slice %arg3[%add3A, %add3A_164, %dma_wait3A_189, %dma_wait3A_190] : memref<32x100x2x100xi32, #tpu.memory_space<hbm>> -> memref<1x1x2x100xi32, #tpu.memory_space<hbm>>
        %dma_wait3A_192 = tpu.memref_squeeze %dma_wait3A_191 : memref<1x1x2x100xi32, #tpu.memory_space<hbm>> -> memref<2x100xi32, #tpu.memory_space<hbm>>
        tpu.wait_dma2 semaphore(%arg13 : memref<!tpu.dma_semaphore, #tpu.memory_space<semaphore_mem>>) src(%dma_wait3A_192 : memref<2x100xi32, #tpu.memory_space<hbm>>) dst(%dma_wait3A_188 : memref<2x100xi32, #tpu.memory_space<vmem>>)
        %dma_start3A_193 = arith.constant 4 : i32
        %dma_start3A_194 = arith.constant 0 : i32
        %dma_start3A_195 = tpu.memref_slice %arg6[%dma_start3A_193, %dma_start3A_194] : memref<6x100xi32, #tpu.memory_space<vmem>> -> memref<1x100xi32, #tpu.memory_space<vmem>>
        %dma_start3A_196 = tpu.memref_squeeze %dma_start3A_195 : memref<1x100xi32, #tpu.memory_space<vmem>> -> memref<100xi32, #tpu.memory_space<vmem>>
        %dma_start3A_197 = arith.constant 0 : i32
        %dma_start3A_198 = arith.constant 0 : i32
        %dma_start3A_199 = tpu.memref_slice %arg2[%dma_start3A_197, %dma_start3A_198] : memref<10000x128xf32, #tpu.memory_space<hbm>> -> memref<10000x128xf32, #tpu.memory_space<hbm>>
        tpu.enqueue_indirect_dma source(%dma_start3A_199 : memref<10000x128xf32, #tpu.memory_space<hbm>>) target(%arg9 : memref<100x128xf32, #tpu.memory_space<vmem>>) offsets(%dma_start3A_196 : memref<100xi32, #tpu.memory_space<vmem>>) semaphore(%arg16 : memref<!tpu.dma_semaphore, #tpu.memory_space<semaphore_mem>>)
      } else {
      }
      %add3A_131 = arith.constant 1 : i32
      %add3A_132 = arith.addi %mul3A_117, %add3A_131 : i32
      %lt3A_133 = arith.constant 100 : i32
      %lt3A_134 = arith.cmpi slt, %add3A_132, %lt3A_133 : i32
      %convert_element_type3A_135 = arith.extui %lt3A_134 : i1 to i32
      %cond3A_136 = arith.constant 0 : i32
      %cond3A_137 = arith.cmpi ne, %convert_element_type3A_135, %cond3A_136 : i32
      scf.if %cond3A_137 {
        %dma_wait3A_159 = arith.constant 2 : i32
        %dma_wait3A_160 = arith.constant 0 : i32
        %dma_wait3A_161 = tpu.memref_slice %arg6[%dma_wait3A_159, %dma_wait3A_160] : memref<6x100xi32, #tpu.memory_space<vmem>> -> memref<1x100xi32, #tpu.memory_space<vmem>>
        %dma_wait3A_162 = tpu.memref_squeeze %dma_wait3A_161 : memref<1x100xi32, #tpu.memory_space<vmem>> -> memref<100xi32, #tpu.memory_space<vmem>>
        %dma_wait3A_163 = arith.constant 0 : i32
        %dma_wait3A_164 = arith.constant 0 : i32
        %dma_wait3A_165 = tpu.memref_slice %arg2[%dma_wait3A_163, %dma_wait3A_164] : memref<10000x128xf32, #tpu.memory_space<hbm>> -> memref<10000x128xf32, #tpu.memory_space<hbm>>
        tpu.wait_indirect_dma semaphore(%arg15 : memref<!tpu.dma_semaphore, #tpu.memory_space<semaphore_mem>>) src(%dma_wait3A_165 : memref<10000x128xf32, #tpu.memory_space<hbm>>) dst(%arg8 : memref<100x128xf32, #tpu.memory_space<vmem>>)
        %dma_start3A_166 = arith.constant 3 : i32
        %dma_start3A_167 = arith.constant 0 : i32
        %dma_start3A_168 = tpu.memref_slice %arg6[%dma_start3A_166, %dma_start3A_167] : memref<6x100xi32, #tpu.memory_space<vmem>> -> memref<1x100xi32, #tpu.memory_space<vmem>>
        %dma_start3A_169 = tpu.memref_squeeze %dma_start3A_168 : memref<1x100xi32, #tpu.memory_space<vmem>> -> memref<100xi32, #tpu.memory_space<vmem>>
        %dma_start3A_170 = arith.constant 0 : i32
        %dma_start3A_171 = arith.constant 0 : i32
        %dma_start3A_172 = tpu.memref_slice %arg10[%dma_start3A_170, %dma_start3A_171] : memref<10032x128xf32, #tpu.memory_space<vmem_shared>> -> memref<10032x128xf32, #tpu.memory_space<vmem_shared>>
        tpu.enqueue_indirect_dma source(%arg8 : memref<100x128xf32, #tpu.memory_space<vmem>>) target(%dma_start3A_172 : memref<10032x128xf32, #tpu.memory_space<vmem_shared>>) offsets(%dma_start3A_169 : memref<100xi32, #tpu.memory_space<vmem>>) semaphore(%arg18 : memref<!tpu.dma_semaphore, #tpu.memory_space<semaphore_mem>>) {add = true}
      } else {
      }
      %add3A_138 = arith.constant 2 : i32
      %add3A_139 = arith.addi %add3A_132, %add3A_138 : i32
      %lt3A_140 = arith.constant 100 : i32
      %lt3A_141 = arith.cmpi slt, %add3A_139, %lt3A_140 : i32
      %convert_element_type3A_142 = arith.extui %lt3A_141 : i1 to i32
      %cond3A_143 = arith.constant 0 : i32
      %cond3A_144 = arith.cmpi ne, %convert_element_type3A_142, %cond3A_143 : i32
      scf.if %cond3A_144 {
        %ge3A = arith.constant 1 : i32
        %ge3A_159 = arith.cmpi sge, %add3A_132, %ge3A : i32
        %convert_element_type3A_160 = arith.extui %ge3A_159 : i1 to i32
        %cond3A_161 = arith.constant 0 : i32
        %cond3A_162 = arith.cmpi ne, %convert_element_type3A_160, %cond3A_161 : i32
        scf.if %cond3A_162 {
          %dma_wait3A_200 = arith.constant 1 : i32
          %dma_wait3A_201 = arith.constant 0 : i32
          %dma_wait3A_202 = tpu.memref_slice %arg6[%dma_wait3A_200, %dma_wait3A_201] : memref<6x100xi32, #tpu.memory_space<vmem>> -> memref<1x100xi32, #tpu.memory_space<vmem>>
          %dma_wait3A_203 = tpu.memref_squeeze %dma_wait3A_202 : memref<1x100xi32, #tpu.memory_space<vmem>> -> memref<100xi32, #tpu.memory_space<vmem>>
          %dma_wait3A_204 = arith.constant 0 : i32
          %dma_wait3A_205 = arith.constant 0 : i32
          %dma_wait3A_206 = tpu.memref_slice %arg10[%dma_wait3A_204, %dma_wait3A_205] : memref<10032x128xf32, #tpu.memory_space<vmem_shared>> -> memref<10032x128xf32, #tpu.memory_space<vmem_shared>>
          tpu.wait_indirect_dma semaphore(%arg17 : memref<!tpu.dma_semaphore, #tpu.memory_space<semaphore_mem>>) src(%arg7 : memref<100x128xf32, #tpu.memory_space<vmem>>) dst(%dma_wait3A_206 : memref<10032x128xf32, #tpu.memory_space<vmem_shared>>)
        } else {
        }
        %add3A_163 = arith.constant 2 : i32
        %add3A_164 = arith.addi %add3A_132, %add3A_163 : i32
        %dma_start3A_165 = arith.constant 0 : i32
        %dma_start3A_166 = arith.constant 0 : i32
        %dma_start3A_167 = tpu.memref_slice %arg6[%dma_start3A_165, %dma_start3A_166] : memref<6x100xi32, #tpu.memory_space<vmem>> -> memref<2x100xi32, #tpu.memory_space<vmem>>
        %dma_start3A_168 = arith.constant 0 : i32
        %dma_start3A_169 = arith.constant 0 : i32
        %dma_start3A_170 = tpu.memref_slice %arg3[%add3A, %add3A_164, %dma_start3A_168, %dma_start3A_169] : memref<32x100x2x100xi32, #tpu.memory_space<hbm>> -> memref<1x1x2x100xi32, #tpu.memory_space<hbm>>
        %dma_start3A_171 = tpu.memref_squeeze %dma_start3A_170 : memref<1x1x2x100xi32, #tpu.memory_space<hbm>> -> memref<2x100xi32, #tpu.memory_space<hbm>>
        %dma_start3A_172 = arith.constant 0 : i32
        %dma_start3A_173 = arith.constant 0 : i32
        %dma_start3A_174 = tpu.memref_slice %arg6[%dma_start3A_172, %dma_start3A_173] : memref<6x100xi32, #tpu.memory_space<vmem>> -> memref<2x100xi32, #tpu.memory_space<vmem>>
        %dma_start3A_175 = arith.constant 0 : i32
        %dma_start3A_176 = arith.constant 0 : i32
        %dma_start3A_177 = tpu.memref_slice %arg3[%add3A, %add3A_164, %dma_start3A_175, %dma_start3A_176] : memref<32x100x2x100xi32, #tpu.memory_space<hbm>> -> memref<1x1x2x100xi32, #tpu.memory_space<hbm>>
        %dma_start3A_178 = tpu.memref_squeeze %dma_start3A_177 : memref<1x1x2x100xi32, #tpu.memory_space<hbm>> -> memref<2x100xi32, #tpu.memory_space<hbm>>
        tpu.enqueue_dma source(%dma_start3A_178 : memref<2x100xi32, #tpu.memory_space<hbm>>) target(%dma_start3A_174 : memref<2x100xi32, #tpu.memory_space<vmem>>) target_semaphore(%arg11 : memref<!tpu.dma_semaphore, #tpu.memory_space<semaphore_mem>>)
        %dma_wait3A_179 = arith.constant 0 : i32
        %dma_wait3A_180 = arith.constant 0 : i32
        %dma_wait3A_181 = tpu.memref_slice %arg6[%dma_wait3A_179, %dma_wait3A_180] : memref<6x100xi32, #tpu.memory_space<vmem>> -> memref<2x100xi32, #tpu.memory_space<vmem>>
        %dma_wait3A_182 = arith.constant 0 : i32
        %dma_wait3A_183 = arith.constant 0 : i32
        %dma_wait3A_184 = tpu.memref_slice %arg3[%add3A, %add3A_164, %dma_wait3A_182, %dma_wait3A_183] : memref<32x100x2x100xi32, #tpu.memory_space<hbm>> -> memref<1x1x2x100xi32, #tpu.memory_space<hbm>>
        %dma_wait3A_185 = tpu.memref_squeeze %dma_wait3A_184 : memref<1x1x2x100xi32, #tpu.memory_space<hbm>> -> memref<2x100xi32, #tpu.memory_space<hbm>>
        %dma_wait3A_186 = arith.constant 0 : i32
        %dma_wait3A_187 = arith.constant 0 : i32
        %dma_wait3A_188 = tpu.memref_slice %arg6[%dma_wait3A_186, %dma_wait3A_187] : memref<6x100xi32, #tpu.memory_space<vmem>> -> memref<2x100xi32, #tpu.memory_space<vmem>>
        %dma_wait3A_189 = arith.constant 0 : i32
        %dma_wait3A_190 = arith.constant 0 : i32
        %dma_wait3A_191 = tpu.memref_slice %arg3[%add3A, %add3A_164, %dma_wait3A_189, %dma_wait3A_190] : memref<32x100x2x100xi32, #tpu.memory_space<hbm>> -> memref<1x1x2x100xi32, #tpu.memory_space<hbm>>
        %dma_wait3A_192 = tpu.memref_squeeze %dma_wait3A_191 : memref<1x1x2x100xi32, #tpu.memory_space<hbm>> -> memref<2x100xi32, #tpu.memory_space<hbm>>
        tpu.wait_dma2 semaphore(%arg11 : memref<!tpu.dma_semaphore, #tpu.memory_space<semaphore_mem>>) src(%dma_wait3A_192 : memref<2x100xi32, #tpu.memory_space<hbm>>) dst(%dma_wait3A_188 : memref<2x100xi32, #tpu.memory_space<vmem>>)
        %dma_start3A_193 = arith.constant 0 : i32
        %dma_start3A_194 = arith.constant 0 : i32
        %dma_start3A_195 = tpu.memref_slice %arg6[%dma_start3A_193, %dma_start3A_194] : memref<6x100xi32, #tpu.memory_space<vmem>> -> memref<1x100xi32, #tpu.memory_space<vmem>>
        %dma_start3A_196 = tpu.memref_squeeze %dma_start3A_195 : memref<1x100xi32, #tpu.memory_space<vmem>> -> memref<100xi32, #tpu.memory_space<vmem>>
        %dma_start3A_197 = arith.constant 0 : i32
        %dma_start3A_198 = arith.constant 0 : i32
        %dma_start3A_199 = tpu.memref_slice %arg2[%dma_start3A_197, %dma_start3A_198] : memref<10000x128xf32, #tpu.memory_space<hbm>> -> memref<10000x128xf32, #tpu.memory_space<hbm>>
        tpu.enqueue_indirect_dma source(%dma_start3A_199 : memref<10000x128xf32, #tpu.memory_space<hbm>>) target(%arg7 : memref<100x128xf32, #tpu.memory_space<vmem>>) offsets(%dma_start3A_196 : memref<100xi32, #tpu.memory_space<vmem>>) semaphore(%arg14 : memref<!tpu.dma_semaphore, #tpu.memory_space<semaphore_mem>>)
      } else {
      }
      %add3A_145 = arith.constant 2 : i32
      %add3A_146 = arith.addi %mul3A_117, %add3A_145 : i32
      %lt3A_147 = arith.constant 100 : i32
      %lt3A_148 = arith.cmpi slt, %add3A_146, %lt3A_147 : i32
      %convert_element_type3A_149 = arith.extui %lt3A_148 : i1 to i32
      %cond3A_150 = arith.constant 0 : i32
      %cond3A_151 = arith.cmpi ne, %convert_element_type3A_149, %cond3A_150 : i32
      scf.if %cond3A_151 {
        %dma_wait3A_159 = arith.constant 4 : i32
        %dma_wait3A_160 = arith.constant 0 : i32
        %dma_wait3A_161 = tpu.memref_slice %arg6[%dma_wait3A_159, %dma_wait3A_160] : memref<6x100xi32, #tpu.memory_space<vmem>> -> memref<1x100xi32, #tpu.memory_space<vmem>>
        %dma_wait3A_162 = tpu.memref_squeeze %dma_wait3A_161 : memref<1x100xi32, #tpu.memory_space<vmem>> -> memref<100xi32, #tpu.memory_space<vmem>>
        %dma_wait3A_163 = arith.constant 0 : i32
        %dma_wait3A_164 = arith.constant 0 : i32
        %dma_wait3A_165 = tpu.memref_slice %arg2[%dma_wait3A_163, %dma_wait3A_164] : memref<10000x128xf32, #tpu.memory_space<hbm>> -> memref<10000x128xf32, #tpu.memory_space<hbm>>
        tpu.wait_indirect_dma semaphore(%arg16 : memref<!tpu.dma_semaphore, #tpu.memory_space<semaphore_mem>>) src(%dma_wait3A_165 : memref<10000x128xf32, #tpu.memory_space<hbm>>) dst(%arg9 : memref<100x128xf32, #tpu.memory_space<vmem>>)
        %dma_start3A_166 = arith.constant 5 : i32
        %dma_start3A_167 = arith.constant 0 : i32
        %dma_start3A_168 = tpu.memref_slice %arg6[%dma_start3A_166, %dma_start3A_167] : memref<6x100xi32, #tpu.memory_space<vmem>> -> memref<1x100xi32, #tpu.memory_space<vmem>>
        %dma_start3A_169 = tpu.memref_squeeze %dma_start3A_168 : memref<1x100xi32, #tpu.memory_space<vmem>> -> memref<100xi32, #tpu.memory_space<vmem>>
        %dma_start3A_170 = arith.constant 0 : i32
        %dma_start3A_171 = arith.constant 0 : i32
        %dma_start3A_172 = tpu.memref_slice %arg10[%dma_start3A_170, %dma_start3A_171] : memref<10032x128xf32, #tpu.memory_space<vmem_shared>> -> memref<10032x128xf32, #tpu.memory_space<vmem_shared>>
        tpu.enqueue_indirect_dma source(%arg9 : memref<100x128xf32, #tpu.memory_space<vmem>>) target(%dma_start3A_172 : memref<10032x128xf32, #tpu.memory_space<vmem_shared>>) offsets(%dma_start3A_169 : memref<100xi32, #tpu.memory_space<vmem>>) semaphore(%arg19 : memref<!tpu.dma_semaphore, #tpu.memory_space<semaphore_mem>>) {add = true}
      } else {
      }
      %add3A_152 = arith.constant 2 : i32
      %add3A_153 = arith.addi %add3A_146, %add3A_152 : i32
      %lt3A_154 = arith.constant 100 : i32
      %lt3A_155 = arith.cmpi slt, %add3A_153, %lt3A_154 : i32
      %convert_element_type3A_156 = arith.extui %lt3A_155 : i1 to i32
      %cond3A_157 = arith.constant 0 : i32
      %cond3A_158 = arith.cmpi ne, %convert_element_type3A_156, %cond3A_157 : i32
      scf.if %cond3A_158 {
        %ge3A = arith.constant 1 : i32
        %ge3A_159 = arith.cmpi sge, %add3A_146, %ge3A : i32
        %convert_element_type3A_160 = arith.extui %ge3A_159 : i1 to i32
        %cond3A_161 = arith.constant 0 : i32
        %cond3A_162 = arith.cmpi ne, %convert_element_type3A_160, %cond3A_161 : i32
        scf.if %cond3A_162 {
          %dma_wait3A_200 = arith.constant 3 : i32
          %dma_wait3A_201 = arith.constant 0 : i32
          %dma_wait3A_202 = tpu.memref_slice %arg6[%dma_wait3A_200, %dma_wait3A_201] : memref<6x100xi32, #tpu.memory_space<vmem>> -> memref<1x100xi32, #tpu.memory_space<vmem>>
          %dma_wait3A_203 = tpu.memref_squeeze %dma_wait3A_202 : memref<1x100xi32, #tpu.memory_space<vmem>> -> memref<100xi32, #tpu.memory_space<vmem>>
          %dma_wait3A_204 = arith.constant 0 : i32
          %dma_wait3A_205 = arith.constant 0 : i32
          %dma_wait3A_206 = tpu.memref_slice %arg10[%dma_wait3A_204, %dma_wait3A_205] : memref<10032x128xf32, #tpu.memory_space<vmem_shared>> -> memref<10032x128xf32, #tpu.memory_space<vmem_shared>>
          tpu.wait_indirect_dma semaphore(%arg18 : memref<!tpu.dma_semaphore, #tpu.memory_space<semaphore_mem>>) src(%arg8 : memref<100x128xf32, #tpu.memory_space<vmem>>) dst(%dma_wait3A_206 : memref<10032x128xf32, #tpu.memory_space<vmem_shared>>)
        } else {
        }
        %add3A_163 = arith.constant 2 : i32
        %add3A_164 = arith.addi %add3A_146, %add3A_163 : i32
        %dma_start3A_165 = arith.constant 2 : i32
        %dma_start3A_166 = arith.constant 0 : i32
        %dma_start3A_167 = tpu.memref_slice %arg6[%dma_start3A_165, %dma_start3A_166] : memref<6x100xi32, #tpu.memory_space<vmem>> -> memref<2x100xi32, #tpu.memory_space<vmem>>
        %dma_start3A_168 = arith.constant 0 : i32
        %dma_start3A_169 = arith.constant 0 : i32
        %dma_start3A_170 = tpu.memref_slice %arg3[%add3A, %add3A_164, %dma_start3A_168, %dma_start3A_169] : memref<32x100x2x100xi32, #tpu.memory_space<hbm>> -> memref<1x1x2x100xi32, #tpu.memory_space<hbm>>
        %dma_start3A_171 = tpu.memref_squeeze %dma_start3A_170 : memref<1x1x2x100xi32, #tpu.memory_space<hbm>> -> memref<2x100xi32, #tpu.memory_space<hbm>>
        %dma_start3A_172 = arith.constant 2 : i32
        %dma_start3A_173 = arith.constant 0 : i32
        %dma_start3A_174 = tpu.memref_slice %arg6[%dma_start3A_172, %dma_start3A_173] : memref<6x100xi32, #tpu.memory_space<vmem>> -> memref<2x100xi32, #tpu.memory_space<vmem>>
        %dma_start3A_175 = arith.constant 0 : i32
        %dma_start3A_176 = arith.constant 0 : i32
        %dma_start3A_177 = tpu.memref_slice %arg3[%add3A, %add3A_164, %dma_start3A_175, %dma_start3A_176] : memref<32x100x2x100xi32, #tpu.memory_space<hbm>> -> memref<1x1x2x100xi32, #tpu.memory_space<hbm>>
        %dma_start3A_178 = tpu.memref_squeeze %dma_start3A_177 : memref<1x1x2x100xi32, #tpu.memory_space<hbm>> -> memref<2x100xi32, #tpu.memory_space<hbm>>
        tpu.enqueue_dma source(%dma_start3A_178 : memref<2x100xi32, #tpu.memory_space<hbm>>) target(%dma_start3A_174 : memref<2x100xi32, #tpu.memory_space<vmem>>) target_semaphore(%arg12 : memref<!tpu.dma_semaphore, #tpu.memory_space<semaphore_mem>>)
        %dma_wait3A_179 = arith.constant 2 : i32
        %dma_wait3A_180 = arith.constant 0 : i32
        %dma_wait3A_181 = tpu.memref_slice %arg6[%dma_wait3A_179, %dma_wait3A_180] : memref<6x100xi32, #tpu.memory_space<vmem>> -> memref<2x100xi32, #tpu.memory_space<vmem>>
        %dma_wait3A_182 = arith.constant 0 : i32
        %dma_wait3A_183 = arith.constant 0 : i32
        %dma_wait3A_184 = tpu.memref_slice %arg3[%add3A, %add3A_164, %dma_wait3A_182, %dma_wait3A_183] : memref<32x100x2x100xi32, #tpu.memory_space<hbm>> -> memref<1x1x2x100xi32, #tpu.memory_space<hbm>>
        %dma_wait3A_185 = tpu.memref_squeeze %dma_wait3A_184 : memref<1x1x2x100xi32, #tpu.memory_space<hbm>> -> memref<2x100xi32, #tpu.memory_space<hbm>>
        %dma_wait3A_186 = arith.constant 2 : i32
        %dma_wait3A_187 = arith.constant 0 : i32
        %dma_wait3A_188 = tpu.memref_slice %arg6[%dma_wait3A_186, %dma_wait3A_187] : memref<6x100xi32, #tpu.memory_space<vmem>> -> memref<2x100xi32, #tpu.memory_space<vmem>>
        %dma_wait3A_189 = arith.constant 0 : i32
        %dma_wait3A_190 = arith.constant 0 : i32
        %dma_wait3A_191 = tpu.memref_slice %arg3[%add3A, %add3A_164, %dma_wait3A_189, %dma_wait3A_190] : memref<32x100x2x100xi32, #tpu.memory_space<hbm>> -> memref<1x1x2x100xi32, #tpu.memory_space<hbm>>
        %dma_wait3A_192 = tpu.memref_squeeze %dma_wait3A_191 : memref<1x1x2x100xi32, #tpu.memory_space<hbm>> -> memref<2x100xi32, #tpu.memory_space<hbm>>
        tpu.wait_dma2 semaphore(%arg12 : memref<!tpu.dma_semaphore, #tpu.memory_space<semaphore_mem>>) src(%dma_wait3A_192 : memref<2x100xi32, #tpu.memory_space<hbm>>) dst(%dma_wait3A_188 : memref<2x100xi32, #tpu.memory_space<vmem>>)
        %dma_start3A_193 = arith.constant 2 : i32
        %dma_start3A_194 = arith.constant 0 : i32
        %dma_start3A_195 = tpu.memref_slice %arg6[%dma_start3A_193, %dma_start3A_194] : memref<6x100xi32, #tpu.memory_space<vmem>> -> memref<1x100xi32, #tpu.memory_space<vmem>>
        %dma_start3A_196 = tpu.memref_squeeze %dma_start3A_195 : memref<1x100xi32, #tpu.memory_space<vmem>> -> memref<100xi32, #tpu.memory_space<vmem>>
        %dma_start3A_197 = arith.constant 0 : i32
        %dma_start3A_198 = arith.constant 0 : i32
        %dma_start3A_199 = tpu.memref_slice %arg2[%dma_start3A_197, %dma_start3A_198] : memref<10000x128xf32, #tpu.memory_space<hbm>> -> memref<10000x128xf32, #tpu.memory_space<hbm>>
        tpu.enqueue_indirect_dma source(%dma_start3A_199 : memref<10000x128xf32, #tpu.memory_space<hbm>>) target(%arg8 : memref<100x128xf32, #tpu.memory_space<vmem>>) offsets(%dma_start3A_196 : memref<100xi32, #tpu.memory_space<vmem>>) semaphore(%arg15 : memref<!tpu.dma_semaphore, #tpu.memory_space<semaphore_mem>>)
      } else {
      }
    }
    %scan3A_83 = arith.constant 34 : i32
    %dma_wait3A_84 = arith.constant 3 : i32
    %dma_wait3A_85 = arith.constant 0 : i32
    %dma_wait3A_86 = tpu.memref_slice %arg6[%dma_wait3A_84, %dma_wait3A_85] : memref<6x100xi32, #tpu.memory_space<vmem>> -> memref<1x100xi32, #tpu.memory_space<vmem>>
    %dma_wait3A_87 = tpu.memref_squeeze %dma_wait3A_86 : memref<1x100xi32, #tpu.memory_space<vmem>> -> memref<100xi32, #tpu.memory_space<vmem>>
    %dma_wait3A_88 = arith.constant 0 : i32
    %dma_wait3A_89 = arith.constant 0 : i32
    %dma_wait3A_90 = tpu.memref_slice %arg10[%dma_wait3A_88, %dma_wait3A_89] : memref<10032x128xf32, #tpu.memory_space<vmem_shared>> -> memref<10032x128xf32, #tpu.memory_space<vmem_shared>>
    tpu.wait_indirect_dma semaphore(%arg18 : memref<!tpu.dma_semaphore, #tpu.memory_space<semaphore_mem>>) src(%arg8 : memref<100x128xf32, #tpu.memory_space<vmem>>) dst(%dma_wait3A_90 : memref<10032x128xf32, #tpu.memory_space<vmem_shared>>)
    %dma_wait3A_91 = arith.constant 5 : i32
    %dma_wait3A_92 = arith.constant 0 : i32
    %dma_wait3A_93 = tpu.memref_slice %arg6[%dma_wait3A_91, %dma_wait3A_92] : memref<6x100xi32, #tpu.memory_space<vmem>> -> memref<1x100xi32, #tpu.memory_space<vmem>>
    %dma_wait3A_94 = tpu.memref_squeeze %dma_wait3A_93 : memref<1x100xi32, #tpu.memory_space<vmem>> -> memref<100xi32, #tpu.memory_space<vmem>>
    %dma_wait3A_95 = arith.constant 0 : i32
    %dma_wait3A_96 = arith.constant 0 : i32
    %dma_wait3A_97 = tpu.memref_slice %arg10[%dma_wait3A_95, %dma_wait3A_96] : memref<10032x128xf32, #tpu.memory_space<vmem_shared>> -> memref<10032x128xf32, #tpu.memory_space<vmem_shared>>
    tpu.wait_indirect_dma semaphore(%arg19 : memref<!tpu.dma_semaphore, #tpu.memory_space<semaphore_mem>>) src(%arg9 : memref<100x128xf32, #tpu.memory_space<vmem>>) dst(%dma_wait3A_97 : memref<10032x128xf32, #tpu.memory_space<vmem_shared>>)
    %dma_wait3A_98 = arith.constant 1 : i32
    %dma_wait3A_99 = arith.constant 0 : i32
    %dma_wait3A_100 = tpu.memref_slice %arg6[%dma_wait3A_98, %dma_wait3A_99] : memref<6x100xi32, #tpu.memory_space<vmem>> -> memref<1x100xi32, #tpu.memory_space<vmem>>
    %dma_wait3A_101 = tpu.memref_squeeze %dma_wait3A_100 : memref<1x100xi32, #tpu.memory_space<vmem>> -> memref<100xi32, #tpu.memory_space<vmem>>
    %dma_wait3A_102 = arith.constant 0 : i32
    %dma_wait3A_103 = arith.constant 0 : i32
    %dma_wait3A_104 = tpu.memref_slice %arg10[%dma_wait3A_102, %dma_wait3A_103] : memref<10032x128xf32, #tpu.memory_space<vmem_shared>> -> memref<10032x128xf32, #tpu.memory_space<vmem_shared>>
    tpu.wait_indirect_dma semaphore(%arg17 : memref<!tpu.dma_semaphore, #tpu.memory_space<semaphore_mem>>) src(%arg7 : memref<100x128xf32, #tpu.memory_space<vmem>>) dst(%dma_wait3A_104 : memref<10032x128xf32, #tpu.memory_space<vmem_shared>>)
    %barrier3A_105 = arith.constant 0 : index
    tpu.barrier barrier_id(%barrier3A_105)
    %mul3A_106 = arith.constant 624 : i32
    %mul3A_107 = arith.muli %arg1, %mul3A_106 : i32
    %mul3A_108 = arith.constant 624 : i32
    %mul3A_109 = arith.muli %arg1, %mul3A_108 : i32
    "tpu.region"() ({
      %run_scoped3A = tpu.sem_alloc : memref<!tpu.dma_semaphore, #tpu.memory_space<semaphore_mem>>
      %dma_start3A_115 = arith.constant 0 : i32
      %dma_start3A_116 = tpu.memref_slice %arg5[%arg0, %mul3A_109, %dma_start3A_115] : memref<2x10000x128xf32, #tpu.memory_space<hbm>> -> memref<1x624x128xf32, #tpu.memory_space<hbm>>
      %dma_start3A_117 = tpu.memref_squeeze %dma_start3A_116 : memref<1x624x128xf32, #tpu.memory_space<hbm>> -> memref<624x128xf32, #tpu.memory_space<hbm>>
      %dma_start3A_118 = arith.constant 0 : i32
      %dma_start3A_119 = tpu.memref_slice %arg10[%mul3A_107, %dma_start3A_118] : memref<10032x128xf32, #tpu.memory_space<vmem_shared>> -> memref<624x128xf32, #tpu.memory_space<vmem_shared>>
      tpu.enqueue_dma source(%dma_start3A_119 : memref<624x128xf32, #tpu.memory_space<vmem_shared>>) target(%dma_start3A_117 : memref<624x128xf32, #tpu.memory_space<hbm>>) target_semaphore(%run_scoped3A : memref<!tpu.dma_semaphore, #tpu.memory_space<semaphore_mem>>)
      %dma_wait3A_120 = arith.constant 0 : i32
      %dma_wait3A_121 = tpu.memref_slice %arg5[%arg0, %mul3A_109, %dma_wait3A_120] : memref<2x10000x128xf32, #tpu.memory_space<hbm>> -> memref<1x624x128xf32, #tpu.memory_space<hbm>>
      %dma_wait3A_122 = tpu.memref_squeeze %dma_wait3A_121 : memref<1x624x128xf32, #tpu.memory_space<hbm>> -> memref<624x128xf32, #tpu.memory_space<hbm>>
      %dma_wait3A_123 = arith.constant 0 : i32
      %dma_wait3A_124 = tpu.memref_slice %arg10[%mul3A_107, %dma_wait3A_123] : memref<10032x128xf32, #tpu.memory_space<vmem_shared>> -> memref<624x128xf32, #tpu.memory_space<vmem_shared>>
      tpu.wait_dma2 semaphore(%run_scoped3A : memref<!tpu.dma_semaphore, #tpu.memory_space<semaphore_mem>>) src(%dma_wait3A_124 : memref<624x128xf32, #tpu.memory_space<vmem_shared>>) dst(%dma_wait3A_122 : memref<624x128xf32, #tpu.memory_space<hbm>>)
      tpu.yield
    }) : () -> ()
    %eq3A_110 = arith.constant 15 : i32
    %eq3A_111 = arith.cmpi eq, %arg1, %eq3A_110 : i32
    %convert_element_type3A_112 = arith.extui %eq3A_111 : i1 to i32
    %cond3A_113 = arith.constant 0 : i32
    %cond3A_114 = arith.cmpi ne, %convert_element_type3A_112, %cond3A_113 : i32
    scf.if %cond3A_114 {
      "tpu.region"() ({
        %run_scoped3A = tpu.sem_alloc : memref<!tpu.dma_semaphore, #tpu.memory_space<semaphore_mem>>
        %dma_start3A_115 = arith.constant 9984 : i32
        %dma_start3A_116 = arith.constant 0 : i32
        %dma_start3A_117 = tpu.memref_slice %arg5[%arg0, %dma_start3A_115, %dma_start3A_116] : memref<2x10000x128xf32, #tpu.memory_space<hbm>> -> memref<1x16x128xf32, #tpu.memory_space<hbm>>
        %dma_start3A_118 = tpu.memref_squeeze %dma_start3A_117 : memref<1x16x128xf32, #tpu.memory_space<hbm>> -> memref<16x128xf32, #tpu.memory_space<hbm>>
        %dma_start3A_119 = arith.constant 9984 : i32
        %dma_start3A_120 = arith.constant 0 : i32
        %dma_start3A_121 = tpu.memref_slice %arg10[%dma_start3A_119, %dma_start3A_120] : memref<10032x128xf32, #tpu.memory_space<vmem_shared>> -> memref<16x128xf32, #tpu.memory_space<vmem_shared>>
        tpu.enqueue_dma source(%dma_start3A_121 : memref<16x128xf32, #tpu.memory_space<vmem_shared>>) target(%dma_start3A_118 : memref<16x128xf32, #tpu.memory_space<hbm>>) target_semaphore(%run_scoped3A : memref<!tpu.dma_semaphore, #tpu.memory_space<semaphore_mem>>)
        %dma_wait3A_122 = arith.constant 9984 : i32
        %dma_wait3A_123 = arith.constant 0 : i32
        %dma_wait3A_124 = tpu.memref_slice %arg5[%arg0, %dma_wait3A_122, %dma_wait3A_123] : memref<2x10000x128xf32, #tpu.memory_space<hbm>> -> memref<1x16x128xf32, #tpu.memory_space<hbm>>
        %dma_wait3A_125 = tpu.memref_squeeze %dma_wait3A_124 : memref<1x16x128xf32, #tpu.memory_space<hbm>> -> memref<16x128xf32, #tpu.memory_space<hbm>>
        %dma_wait3A_126 = arith.constant 9984 : i32
        %dma_wait3A_127 = arith.constant 0 : i32
        %dma_wait3A_128 = tpu.memref_slice %arg10[%dma_wait3A_126, %dma_wait3A_127] : memref<10032x128xf32, #tpu.memory_space<vmem_shared>> -> memref<16x128xf32, #tpu.memory_space<vmem_shared>>
        tpu.wait_dma2 semaphore(%run_scoped3A : memref<!tpu.dma_semaphore, #tpu.memory_space<semaphore_mem>>) src(%dma_wait3A_128 : memref<16x128xf32, #tpu.memory_space<vmem_shared>>) dst(%dma_wait3A_125 : memref<16x128xf32, #tpu.memory_space<hbm>>)
        tpu.yield
      }) : () -> ()
    } else {
    }
    return
  }
}

#map = affine_map<(d0, d1) -> (0, 0)>
#map1 = affine_map<(d0, d1) -> (0, 0, 0, 0)>
#map2 = affine_map<(d0, d1) -> (0, 0, 0)>
module attributes {stable_mosaic.version = 14 : i64} {
  func.func @_agg_body(%arg0: i32, %arg1: i32, %arg2: memref<10000x128xf32, #tpu.memory_space<hbm>>, %arg3: memref<32x100x2x100xi32, #tpu.memory_space<hbm>>, %arg4: memref<10032x128xf32, #tpu.memory_space<hbm>>, %arg5: memref<2x10000x128xf32, #tpu.memory_space<hbm>>, %arg6: memref<6x100xi32, #tpu.memory_space<vmem>>, %arg7: memref<100x128xf32, #tpu.memory_space<vmem>>, %arg8: memref<100x128xf32, #tpu.memory_space<vmem>>, %arg9: memref<100x128xf32, #tpu.memory_space<vmem>>, %arg10: memref<10032x128xf32, #tpu.memory_space<vmem_shared>>, %arg11: memref<!tpu.dma_semaphore, #tpu.memory_space<semaphore_mem>>, %arg12: memref<!tpu.dma_semaphore, #tpu.memory_space<semaphore_mem>>, %arg13: memref<!tpu.dma_semaphore, #tpu.memory_space<semaphore_mem>>, %arg14: memref<!tpu.dma_semaphore, #tpu.memory_space<semaphore_mem>>, %arg15: memref<!tpu.dma_semaphore, #tpu.memory_space<semaphore_mem>>, %arg16: memref<!tpu.dma_semaphore, #tpu.memory_space<semaphore_mem>>, %arg17: memref<!tpu.dma_semaphore, #tpu.memory_space<semaphore_mem>>, %arg18: memref<!tpu.dma_semaphore, #tpu.memory_space<semaphore_mem>>, %arg19: memref<!tpu.dma_semaphore, #tpu.memory_space<semaphore_mem>>) attributes {dimension_semantics = [#tpu.dimension_semantics<core_parallel>, #tpu.dimension_semantics<subcore_parallel>], iteration_bounds = array<i64: 2, 16>, scalar_prefetch = 0 : i64, scratch_operands = 14 : i64, tpu.core_type = #tpu.core_type<sc_vector_subcore>, window_params = [{transform_indices = #map}, {transform_indices = #map1}, {transform_indices = #map}, {transform_indices = #map2}]} {
    %mul3A = arith.constant 16 : i32
    %mul3A_0 = arith.muli %arg0, %mul3A : i32
    %add3A = arith.addi %mul3A_0, %arg1 : i32
    %mul3A_1 = arith.constant 624 : i32
    %mul3A_2 = arith.muli %arg1, %mul3A_1 : i32
    %mul3A_3 = arith.constant 624 : i32
    %mul3A_4 = arith.muli %arg1, %mul3A_3 : i32
    "tpu.region"() ({
      %run_scoped3A = tpu.sem_alloc : memref<!tpu.dma_semaphore, #tpu.memory_space<semaphore_mem>>
      %dma_start3A_115 = arith.constant 0 : i32
      %dma_start3A_116 = tpu.memref_slice %arg10[%mul3A_4, %dma_start3A_115] : memref<10032x128xf32, #tpu.memory_space<vmem_shared>> -> memref<624x128xf32, #tpu.memory_space<vmem_shared>>
      %dma_start3A_117 = arith.constant 0 : i32
      %dma_start3A_118 = tpu.memref_slice %arg4[%mul3A_2, %dma_start3A_117] : memref<10032x128xf32, #tpu.memory_space<hbm>> -> memref<624x128xf32, #tpu.memory_space<hbm>>
      tpu.enqueue_dma source(%dma_start3A_118 : memref<624x128xf32, #tpu.memory_space<hbm>>) target(%dma_start3A_116 : memref<624x128xf32, #tpu.memory_space<vmem_shared>>) target_semaphore(%run_scoped3A : memref<!tpu.dma_semaphore, #tpu.memory_space<semaphore_mem>>)
      %dma_wait3A_119 = arith.constant 0 : i32
      %dma_wait3A_120 = tpu.memref_slice %arg10[%mul3A_4, %dma_wait3A_119] : memref<10032x128xf32, #tpu.memory_space<vmem_shared>> -> memref<624x128xf32, #tpu.memory_space<vmem_shared>>
      %dma_wait3A_121 = arith.constant 0 : i32
      %dma_wait3A_122 = tpu.memref_slice %arg4[%mul3A_2, %dma_wait3A_121] : memref<10032x128xf32, #tpu.memory_space<hbm>> -> memref<624x128xf32, #tpu.memory_space<hbm>>
      tpu.wait_dma2 semaphore(%run_scoped3A : memref<!tpu.dma_semaphore, #tpu.memory_space<semaphore_mem>>) src(%dma_wait3A_122 : memref<624x128xf32, #tpu.memory_space<hbm>>) dst(%dma_wait3A_120 : memref<624x128xf32, #tpu.memory_space<vmem_shared>>)
      tpu.yield
    }) : () -> ()
    %eq3A = arith.constant 15 : i32
    %eq3A_5 = arith.cmpi eq, %arg1, %eq3A : i32
    %convert_element_type3A = arith.extui %eq3A_5 : i1 to i32
    %cond3A = arith.constant 0 : i32
    %cond3A_6 = arith.cmpi ne, %convert_element_type3A, %cond3A : i32
    scf.if %cond3A_6 {
      "tpu.region"() ({
        %run_scoped3A = tpu.sem_alloc : memref<!tpu.dma_semaphore, #tpu.memory_space<semaphore_mem>>
        %dma_start3A_115 = arith.constant 9984 : i32
        %dma_start3A_116 = arith.constant 0 : i32
        %dma_start3A_117 = tpu.memref_slice %arg10[%dma_start3A_115, %dma_start3A_116] : memref<10032x128xf32, #tpu.memory_space<vmem_shared>> -> memref<48x128xf32, #tpu.memory_space<vmem_shared>>
        %dma_start3A_118 = arith.constant 9984 : i32
        %dma_start3A_119 = arith.constant 0 : i32
        %dma_start3A_120 = tpu.memref_slice %arg4[%dma_start3A_118, %dma_start3A_119] : memref<10032x128xf32, #tpu.memory_space<hbm>> -> memref<48x128xf32, #tpu.memory_space<hbm>>
        tpu.enqueue_dma source(%dma_start3A_120 : memref<48x128xf32, #tpu.memory_space<hbm>>) target(%dma_start3A_117 : memref<48x128xf32, #tpu.memory_space<vmem_shared>>) target_semaphore(%run_scoped3A : memref<!tpu.dma_semaphore, #tpu.memory_space<semaphore_mem>>)
        %dma_wait3A_121 = arith.constant 9984 : i32
        %dma_wait3A_122 = arith.constant 0 : i32
        %dma_wait3A_123 = tpu.memref_slice %arg10[%dma_wait3A_121, %dma_wait3A_122] : memref<10032x128xf32, #tpu.memory_space<vmem_shared>> -> memref<48x128xf32, #tpu.memory_space<vmem_shared>>
        %dma_wait3A_124 = arith.constant 9984 : i32
        %dma_wait3A_125 = arith.constant 0 : i32
        %dma_wait3A_126 = tpu.memref_slice %arg4[%dma_wait3A_124, %dma_wait3A_125] : memref<10032x128xf32, #tpu.memory_space<hbm>> -> memref<48x128xf32, #tpu.memory_space<hbm>>
        tpu.wait_dma2 semaphore(%run_scoped3A : memref<!tpu.dma_semaphore, #tpu.memory_space<semaphore_mem>>) src(%dma_wait3A_126 : memref<48x128xf32, #tpu.memory_space<hbm>>) dst(%dma_wait3A_123 : memref<48x128xf32, #tpu.memory_space<vmem_shared>>)
        tpu.yield
      }) : () -> ()
    } else {
    }
    %barrier3A = arith.constant 0 : index
    tpu.barrier barrier_id(%barrier3A)
    %dma_start3A = arith.constant 0 : i32
    %dma_start3A_7 = arith.constant 0 : i32
    %dma_start3A_8 = arith.constant 0 : i32
    %dma_start3A_9 = tpu.memref_slice %arg6[%dma_start3A_7, %dma_start3A_8] : memref<6x100xi32, #tpu.memory_space<vmem>> -> memref<2x100xi32, #tpu.memory_space<vmem>>
    %dma_start3A_10 = arith.constant 0 : i32
    %dma_start3A_11 = arith.constant 0 : i32
    %dma_start3A_12 = tpu.memref_slice %arg3[%add3A, %dma_start3A, %dma_start3A_10, %dma_start3A_11] : memref<32x100x2x100xi32, #tpu.memory_space<hbm>> -> memref<1x1x2x100xi32, #tpu.memory_space<hbm>>
    %dma_start3A_13 = tpu.memref_squeeze %dma_start3A_12 : memref<1x1x2x100xi32, #tpu.memory_space<hbm>> -> memref<2x100xi32, #tpu.memory_space<hbm>>
    %dma_start3A_14 = arith.constant 0 : i32
    %dma_start3A_15 = arith.constant 0 : i32
    %dma_start3A_16 = tpu.memref_slice %arg6[%dma_start3A_14, %dma_start3A_15] : memref<6x100xi32, #tpu.memory_space<vmem>> -> memref<2x100xi32, #tpu.memory_space<vmem>>
    %dma_start3A_17 = arith.constant 0 : i32
    %dma_start3A_18 = arith.constant 0 : i32
    %dma_start3A_19 = tpu.memref_slice %arg3[%add3A, %dma_start3A, %dma_start3A_17, %dma_start3A_18] : memref<32x100x2x100xi32, #tpu.memory_space<hbm>> -> memref<1x1x2x100xi32, #tpu.memory_space<hbm>>
    %dma_start3A_20 = tpu.memref_squeeze %dma_start3A_19 : memref<1x1x2x100xi32, #tpu.memory_space<hbm>> -> memref<2x100xi32, #tpu.memory_space<hbm>>
    tpu.enqueue_dma source(%dma_start3A_20 : memref<2x100xi32, #tpu.memory_space<hbm>>) target(%dma_start3A_16 : memref<2x100xi32, #tpu.memory_space<vmem>>) target_semaphore(%arg11 : memref<!tpu.dma_semaphore, #tpu.memory_space<semaphore_mem>>)
    %dma_wait3A = arith.constant 0 : i32
    %dma_wait3A_21 = arith.constant 0 : i32
    %dma_wait3A_22 = arith.constant 0 : i32
    %dma_wait3A_23 = tpu.memref_slice %arg6[%dma_wait3A_21, %dma_wait3A_22] : memref<6x100xi32, #tpu.memory_space<vmem>> -> memref<2x100xi32, #tpu.memory_space<vmem>>
    %dma_wait3A_24 = arith.constant 0 : i32
    %dma_wait3A_25 = arith.constant 0 : i32
    %dma_wait3A_26 = tpu.memref_slice %arg3[%add3A, %dma_wait3A, %dma_wait3A_24, %dma_wait3A_25] : memref<32x100x2x100xi32, #tpu.memory_space<hbm>> -> memref<1x1x2x100xi32, #tpu.memory_space<hbm>>
    %dma_wait3A_27 = tpu.memref_squeeze %dma_wait3A_26 : memref<1x1x2x100xi32, #tpu.memory_space<hbm>> -> memref<2x100xi32, #tpu.memory_space<hbm>>
    %dma_wait3A_28 = arith.constant 0 : i32
    %dma_wait3A_29 = arith.constant 0 : i32
    %dma_wait3A_30 = tpu.memref_slice %arg6[%dma_wait3A_28, %dma_wait3A_29] : memref<6x100xi32, #tpu.memory_space<vmem>> -> memref<2x100xi32, #tpu.memory_space<vmem>>
    %dma_wait3A_31 = arith.constant 0 : i32
    %dma_wait3A_32 = arith.constant 0 : i32
    %dma_wait3A_33 = tpu.memref_slice %arg3[%add3A, %dma_wait3A, %dma_wait3A_31, %dma_wait3A_32] : memref<32x100x2x100xi32, #tpu.memory_space<hbm>> -> memref<1x1x2x100xi32, #tpu.memory_space<hbm>>
    %dma_wait3A_34 = tpu.memref_squeeze %dma_wait3A_33 : memref<1x1x2x100xi32, #tpu.memory_space<hbm>> -> memref<2x100xi32, #tpu.memory_space<hbm>>
    tpu.wait_dma2 semaphore(%arg11 : memref<!tpu.dma_semaphore, #tpu.memory_space<semaphore_mem>>) src(%dma_wait3A_34 : memref<2x100xi32, #tpu.memory_space<hbm>>) dst(%dma_wait3A_30 : memref<2x100xi32, #tpu.memory_space<vmem>>)
    %dma_start3A_35 = arith.constant 0 : i32
    %dma_start3A_36 = arith.constant 0 : i32
    %dma_start3A_37 = tpu.memref_slice %arg6[%dma_start3A_35, %dma_start3A_36] : memref<6x100xi32, #tpu.memory_space<vmem>> -> memref<1x100xi32, #tpu.memory_space<vmem>>
    %dma_start3A_38 = tpu.memref_squeeze %dma_start3A_37 : memref<1x100xi32, #tpu.memory_space<vmem>> -> memref<100xi32, #tpu.memory_space<vmem>>
    %dma_start3A_39 = arith.constant 0 : i32
    %dma_start3A_40 = arith.constant 0 : i32
    %dma_start3A_41 = tpu.memref_slice %arg2[%dma_start3A_39, %dma_start3A_40] : memref<10000x128xf32, #tpu.memory_space<hbm>> -> memref<10000x128xf32, #tpu.memory_space<hbm>>
    tpu.enqueue_indirect_dma source(%dma_start3A_41 : memref<10000x128xf32, #tpu.memory_space<hbm>>) target(%arg7 : memref<100x128xf32, #tpu.memory_space<vmem>>) offsets(%dma_start3A_38 : memref<100xi32, #tpu.memory_space<vmem>>) semaphore(%arg14 : memref<!tpu.dma_semaphore, #tpu.memory_space<semaphore_mem>>)
    %dma_start3A_42 = arith.constant 1 : i32
    %dma_start3A_43 = arith.constant 2 : i32
    %dma_start3A_44 = arith.constant 0 : i32
    %dma_start3A_45 = tpu.memref_slice %arg6[%dma_start3A_43, %dma_start3A_44] : memref<6x100xi32, #tpu.memory_space<vmem>> -> memref<2x100xi32, #tpu.memory_space<vmem>>
    %dma_start3A_46 = arith.constant 0 : i32
    %dma_start3A_47 = arith.constant 0 : i32
    %dma_start3A_48 = tpu.memref_slice %arg3[%add3A, %dma_start3A_42, %dma_start3A_46, %dma_start3A_47] : memref<32x100x2x100xi32, #tpu.memory_space<hbm>> -> memref<1x1x2x100xi32, #tpu.memory_space<hbm>>
    %dma_start3A_49 = tpu.memref_squeeze %dma_start3A_48 : memref<1x1x2x100xi32, #tpu.memory_space<hbm>> -> memref<2x100xi32, #tpu.memory_space<hbm>>
    %dma_start3A_50 = arith.constant 2 : i32
    %dma_start3A_51 = arith.constant 0 : i32
    %dma_start3A_52 = tpu.memref_slice %arg6[%dma_start3A_50, %dma_start3A_51] : memref<6x100xi32, #tpu.memory_space<vmem>> -> memref<2x100xi32, #tpu.memory_space<vmem>>
    %dma_start3A_53 = arith.constant 0 : i32
    %dma_start3A_54 = arith.constant 0 : i32
    %dma_start3A_55 = tpu.memref_slice %arg3[%add3A, %dma_start3A_42, %dma_start3A_53, %dma_start3A_54] : memref<32x100x2x100xi32, #tpu.memory_space<hbm>> -> memref<1x1x2x100xi32, #tpu.memory_space<hbm>>
    %dma_start3A_56 = tpu.memref_squeeze %dma_start3A_55 : memref<1x1x2x100xi32, #tpu.memory_space<hbm>> -> memref<2x100xi32, #tpu.memory_space<hbm>>
    tpu.enqueue_dma source(%dma_start3A_56 : memref<2x100xi32, #tpu.memory_space<hbm>>) target(%dma_start3A_52 : memref<2x100xi32, #tpu.memory_space<vmem>>) target_semaphore(%arg12 : memref<!tpu.dma_semaphore, #tpu.memory_space<semaphore_mem>>)
    %dma_wait3A_57 = arith.constant 1 : i32
    %dma_wait3A_58 = arith.constant 2 : i32
    %dma_wait3A_59 = arith.constant 0 : i32
    %dma_wait3A_60 = tpu.memref_slice %arg6[%dma_wait3A_58, %dma_wait3A_59] : memref<6x100xi32, #tpu.memory_space<vmem>> -> memref<2x100xi32, #tpu.memory_space<vmem>>
    %dma_wait3A_61 = arith.constant 0 : i32
    %dma_wait3A_62 = arith.constant 0 : i32
    %dma_wait3A_63 = tpu.memref_slice %arg3[%add3A, %dma_wait3A_57, %dma_wait3A_61, %dma_wait3A_62] : memref<32x100x2x100xi32, #tpu.memory_space<hbm>> -> memref<1x1x2x100xi32, #tpu.memory_space<hbm>>
    %dma_wait3A_64 = tpu.memref_squeeze %dma_wait3A_63 : memref<1x1x2x100xi32, #tpu.memory_space<hbm>> -> memref<2x100xi32, #tpu.memory_space<hbm>>
    %dma_wait3A_65 = arith.constant 2 : i32
    %dma_wait3A_66 = arith.constant 0 : i32
    %dma_wait3A_67 = tpu.memref_slice %arg6[%dma_wait3A_65, %dma_wait3A_66] : memref<6x100xi32, #tpu.memory_space<vmem>> -> memref<2x100xi32, #tpu.memory_space<vmem>>
    %dma_wait3A_68 = arith.constant 0 : i32
    %dma_wait3A_69 = arith.constant 0 : i32
    %dma_wait3A_70 = tpu.memref_slice %arg3[%add3A, %dma_wait3A_57, %dma_wait3A_68, %dma_wait3A_69] : memref<32x100x2x100xi32, #tpu.memory_space<hbm>> -> memref<1x1x2x100xi32, #tpu.memory_space<hbm>>
    %dma_wait3A_71 = tpu.memref_squeeze %dma_wait3A_70 : memref<1x1x2x100xi32, #tpu.memory_space<hbm>> -> memref<2x100xi32, #tpu.memory_space<hbm>>
    tpu.wait_dma2 semaphore(%arg12 : memref<!tpu.dma_semaphore, #tpu.memory_space<semaphore_mem>>) src(%dma_wait3A_71 : memref<2x100xi32, #tpu.memory_space<hbm>>) dst(%dma_wait3A_67 : memref<2x100xi32, #tpu.memory_space<vmem>>)
    %dma_start3A_72 = arith.constant 2 : i32
    %dma_start3A_73 = arith.constant 0 : i32
    %dma_start3A_74 = tpu.memref_slice %arg6[%dma_start3A_72, %dma_start3A_73] : memref<6x100xi32, #tpu.memory_space<vmem>> -> memref<1x100xi32, #tpu.memory_space<vmem>>
    %dma_start3A_75 = tpu.memref_squeeze %dma_start3A_74 : memref<1x100xi32, #tpu.memory_space<vmem>> -> memref<100xi32, #tpu.memory_space<vmem>>
    %dma_start3A_76 = arith.constant 0 : i32
    %dma_start3A_77 = arith.constant 0 : i32
    %dma_start3A_78 = tpu.memref_slice %arg2[%dma_start3A_76, %dma_start3A_77] : memref<10000x128xf32, #tpu.memory_space<hbm>> -> memref<10000x128xf32, #tpu.memory_space<hbm>>
    tpu.enqueue_indirect_dma source(%dma_start3A_78 : memref<10000x128xf32, #tpu.memory_space<hbm>>) target(%arg8 : memref<100x128xf32, #tpu.memory_space<vmem>>) offsets(%dma_start3A_75 : memref<100xi32, #tpu.memory_space<vmem>>) semaphore(%arg15 : memref<!tpu.dma_semaphore, #tpu.memory_space<semaphore_mem>>)
    %scan3A = arith.constant 0 : i32
    %scan3A_79 = arith.constant 0 : i32
    %scan3A_80 = arith.constant 34 : i32
    %scan3A_81 = arith.addi %scan3A_79, %scan3A_80 : i32
    %scan3A_82 = arith.constant 1 : i32
    scf.for %scan3A_115 = %scan3A_79 to %scan3A_81 step %scan3A_82  : i32 {
      %mul3A_116 = arith.constant 3 : i32
      %mul3A_117 = arith.muli %mul3A_116, %scan3A_115 : i32
      %add3A_118 = arith.constant 0 : i32
      %add3A_119 = arith.addi %mul3A_117, %add3A_118 : i32
      %lt3A = arith.constant 100 : i32
      %lt3A_120 = arith.cmpi slt, %add3A_119, %lt3A : i32
      %convert_element_type3A_121 = arith.extui %lt3A_120 : i1 to i32
      %cond3A_122 = arith.constant 0 : i32
      %cond3A_123 = arith.cmpi ne, %convert_element_type3A_121, %cond3A_122 : i32
      scf.if %cond3A_123 {
        %dma_wait3A_159 = arith.constant 0 : i32
        %dma_wait3A_160 = arith.constant 0 : i32
        %dma_wait3A_161 = tpu.memref_slice %arg6[%dma_wait3A_159, %dma_wait3A_160] : memref<6x100xi32, #tpu.memory_space<vmem>> -> memref<1x100xi32, #tpu.memory_space<vmem>>
        %dma_wait3A_162 = tpu.memref_squeeze %dma_wait3A_161 : memref<1x100xi32, #tpu.memory_space<vmem>> -> memref<100xi32, #tpu.memory_space<vmem>>
        %dma_wait3A_163 = arith.constant 0 : i32
        %dma_wait3A_164 = arith.constant 0 : i32
        %dma_wait3A_165 = tpu.memref_slice %arg2[%dma_wait3A_163, %dma_wait3A_164] : memref<10000x128xf32, #tpu.memory_space<hbm>> -> memref<10000x128xf32, #tpu.memory_space<hbm>>
        tpu.wait_indirect_dma semaphore(%arg14 : memref<!tpu.dma_semaphore, #tpu.memory_space<semaphore_mem>>) src(%dma_wait3A_165 : memref<10000x128xf32, #tpu.memory_space<hbm>>) dst(%arg7 : memref<100x128xf32, #tpu.memory_space<vmem>>)
        %dma_start3A_166 = arith.constant 1 : i32
        %dma_start3A_167 = arith.constant 0 : i32
        %dma_start3A_168 = tpu.memref_slice %arg6[%dma_start3A_166, %dma_start3A_167] : memref<6x100xi32, #tpu.memory_space<vmem>> -> memref<1x100xi32, #tpu.memory_space<vmem>>
        %dma_start3A_169 = tpu.memref_squeeze %dma_start3A_168 : memref<1x100xi32, #tpu.memory_space<vmem>> -> memref<100xi32, #tpu.memory_space<vmem>>
        %dma_start3A_170 = arith.constant 0 : i32
        %dma_start3A_171 = arith.constant 0 : i32
        %dma_start3A_172 = tpu.memref_slice %arg10[%dma_start3A_170, %dma_start3A_171] : memref<10032x128xf32, #tpu.memory_space<vmem_shared>> -> memref<10032x128xf32, #tpu.memory_space<vmem_shared>>
        tpu.enqueue_indirect_dma source(%arg7 : memref<100x128xf32, #tpu.memory_space<vmem>>) target(%dma_start3A_172 : memref<10032x128xf32, #tpu.memory_space<vmem_shared>>) offsets(%dma_start3A_169 : memref<100xi32, #tpu.memory_space<vmem>>) semaphore(%arg17 : memref<!tpu.dma_semaphore, #tpu.memory_space<semaphore_mem>>) {add = true}
      } else {
      }
      %add3A_124 = arith.constant 2 : i32
      %add3A_125 = arith.addi %add3A_119, %add3A_124 : i32
      %lt3A_126 = arith.constant 100 : i32
      %lt3A_127 = arith.cmpi slt, %add3A_125, %lt3A_126 : i32
      %convert_element_type3A_128 = arith.extui %lt3A_127 : i1 to i32
      %cond3A_129 = arith.constant 0 : i32
      %cond3A_130 = arith.cmpi ne, %convert_element_type3A_128, %cond3A_129 : i32
      scf.if %cond3A_130 {
        %ge3A = arith.constant 1 : i32
        %ge3A_159 = arith.cmpi sge, %add3A_119, %ge3A : i32
        %convert_element_type3A_160 = arith.extui %ge3A_159 : i1 to i32
        %cond3A_161 = arith.constant 0 : i32
        %cond3A_162 = arith.cmpi ne, %convert_element_type3A_160, %cond3A_161 : i32
        scf.if %cond3A_162 {
          %dma_wait3A_200 = arith.constant 5 : i32
          %dma_wait3A_201 = arith.constant 0 : i32
          %dma_wait3A_202 = tpu.memref_slice %arg6[%dma_wait3A_200, %dma_wait3A_201] : memref<6x100xi32, #tpu.memory_space<vmem>> -> memref<1x100xi32, #tpu.memory_space<vmem>>
          %dma_wait3A_203 = tpu.memref_squeeze %dma_wait3A_202 : memref<1x100xi32, #tpu.memory_space<vmem>> -> memref<100xi32, #tpu.memory_space<vmem>>
          %dma_wait3A_204 = arith.constant 0 : i32
          %dma_wait3A_205 = arith.constant 0 : i32
          %dma_wait3A_206 = tpu.memref_slice %arg10[%dma_wait3A_204, %dma_wait3A_205] : memref<10032x128xf32, #tpu.memory_space<vmem_shared>> -> memref<10032x128xf32, #tpu.memory_space<vmem_shared>>
          tpu.wait_indirect_dma semaphore(%arg19 : memref<!tpu.dma_semaphore, #tpu.memory_space<semaphore_mem>>) src(%arg9 : memref<100x128xf32, #tpu.memory_space<vmem>>) dst(%dma_wait3A_206 : memref<10032x128xf32, #tpu.memory_space<vmem_shared>>)
        } else {
        }
        %add3A_163 = arith.constant 2 : i32
        %add3A_164 = arith.addi %add3A_119, %add3A_163 : i32
        %dma_start3A_165 = arith.constant 4 : i32
        %dma_start3A_166 = arith.constant 0 : i32
        %dma_start3A_167 = tpu.memref_slice %arg6[%dma_start3A_165, %dma_start3A_166] : memref<6x100xi32, #tpu.memory_space<vmem>> -> memref<2x100xi32, #tpu.memory_space<vmem>>
        %dma_start3A_168 = arith.constant 0 : i32
        %dma_start3A_169 = arith.constant 0 : i32
        %dma_start3A_170 = tpu.memref_slice %arg3[%add3A, %add3A_164, %dma_start3A_168, %dma_start3A_169] : memref<32x100x2x100xi32, #tpu.memory_space<hbm>> -> memref<1x1x2x100xi32, #tpu.memory_space<hbm>>
        %dma_start3A_171 = tpu.memref_squeeze %dma_start3A_170 : memref<1x1x2x100xi32, #tpu.memory_space<hbm>> -> memref<2x100xi32, #tpu.memory_space<hbm>>
        %dma_start3A_172 = arith.constant 4 : i32
        %dma_start3A_173 = arith.constant 0 : i32
        %dma_start3A_174 = tpu.memref_slice %arg6[%dma_start3A_172, %dma_start3A_173] : memref<6x100xi32, #tpu.memory_space<vmem>> -> memref<2x100xi32, #tpu.memory_space<vmem>>
        %dma_start3A_175 = arith.constant 0 : i32
        %dma_start3A_176 = arith.constant 0 : i32
        %dma_start3A_177 = tpu.memref_slice %arg3[%add3A, %add3A_164, %dma_start3A_175, %dma_start3A_176] : memref<32x100x2x100xi32, #tpu.memory_space<hbm>> -> memref<1x1x2x100xi32, #tpu.memory_space<hbm>>
        %dma_start3A_178 = tpu.memref_squeeze %dma_start3A_177 : memref<1x1x2x100xi32, #tpu.memory_space<hbm>> -> memref<2x100xi32, #tpu.memory_space<hbm>>
        tpu.enqueue_dma source(%dma_start3A_178 : memref<2x100xi32, #tpu.memory_space<hbm>>) target(%dma_start3A_174 : memref<2x100xi32, #tpu.memory_space<vmem>>) target_semaphore(%arg13 : memref<!tpu.dma_semaphore, #tpu.memory_space<semaphore_mem>>)
        %dma_wait3A_179 = arith.constant 4 : i32
        %dma_wait3A_180 = arith.constant 0 : i32
        %dma_wait3A_181 = tpu.memref_slice %arg6[%dma_wait3A_179, %dma_wait3A_180] : memref<6x100xi32, #tpu.memory_space<vmem>> -> memref<2x100xi32, #tpu.memory_space<vmem>>
        %dma_wait3A_182 = arith.constant 0 : i32
        %dma_wait3A_183 = arith.constant 0 : i32
        %dma_wait3A_184 = tpu.memref_slice %arg3[%add3A, %add3A_164, %dma_wait3A_182, %dma_wait3A_183] : memref<32x100x2x100xi32, #tpu.memory_space<hbm>> -> memref<1x1x2x100xi32, #tpu.memory_space<hbm>>
        %dma_wait3A_185 = tpu.memref_squeeze %dma_wait3A_184 : memref<1x1x2x100xi32, #tpu.memory_space<hbm>> -> memref<2x100xi32, #tpu.memory_space<hbm>>
        %dma_wait3A_186 = arith.constant 4 : i32
        %dma_wait3A_187 = arith.constant 0 : i32
        %dma_wait3A_188 = tpu.memref_slice %arg6[%dma_wait3A_186, %dma_wait3A_187] : memref<6x100xi32, #tpu.memory_space<vmem>> -> memref<2x100xi32, #tpu.memory_space<vmem>>
        %dma_wait3A_189 = arith.constant 0 : i32
        %dma_wait3A_190 = arith.constant 0 : i32
        %dma_wait3A_191 = tpu.memref_slice %arg3[%add3A, %add3A_164, %dma_wait3A_189, %dma_wait3A_190] : memref<32x100x2x100xi32, #tpu.memory_space<hbm>> -> memref<1x1x2x100xi32, #tpu.memory_space<hbm>>
        %dma_wait3A_192 = tpu.memref_squeeze %dma_wait3A_191 : memref<1x1x2x100xi32, #tpu.memory_space<hbm>> -> memref<2x100xi32, #tpu.memory_space<hbm>>
        tpu.wait_dma2 semaphore(%arg13 : memref<!tpu.dma_semaphore, #tpu.memory_space<semaphore_mem>>) src(%dma_wait3A_192 : memref<2x100xi32, #tpu.memory_space<hbm>>) dst(%dma_wait3A_188 : memref<2x100xi32, #tpu.memory_space<vmem>>)
        %dma_start3A_193 = arith.constant 4 : i32
        %dma_start3A_194 = arith.constant 0 : i32
        %dma_start3A_195 = tpu.memref_slice %arg6[%dma_start3A_193, %dma_start3A_194] : memref<6x100xi32, #tpu.memory_space<vmem>> -> memref<1x100xi32, #tpu.memory_space<vmem>>
        %dma_start3A_196 = tpu.memref_squeeze %dma_start3A_195 : memref<1x100xi32, #tpu.memory_space<vmem>> -> memref<100xi32, #tpu.memory_space<vmem>>
        %dma_start3A_197 = arith.constant 0 : i32
        %dma_start3A_198 = arith.constant 0 : i32
        %dma_start3A_199 = tpu.memref_slice %arg2[%dma_start3A_197, %dma_start3A_198] : memref<10000x128xf32, #tpu.memory_space<hbm>> -> memref<10000x128xf32, #tpu.memory_space<hbm>>
        tpu.enqueue_indirect_dma source(%dma_start3A_199 : memref<10000x128xf32, #tpu.memory_space<hbm>>) target(%arg9 : memref<100x128xf32, #tpu.memory_space<vmem>>) offsets(%dma_start3A_196 : memref<100xi32, #tpu.memory_space<vmem>>) semaphore(%arg16 : memref<!tpu.dma_semaphore, #tpu.memory_space<semaphore_mem>>)
      } else {
      }
      %add3A_131 = arith.constant 1 : i32
      %add3A_132 = arith.addi %mul3A_117, %add3A_131 : i32
      %lt3A_133 = arith.constant 100 : i32
      %lt3A_134 = arith.cmpi slt, %add3A_132, %lt3A_133 : i32
      %convert_element_type3A_135 = arith.extui %lt3A_134 : i1 to i32
      %cond3A_136 = arith.constant 0 : i32
      %cond3A_137 = arith.cmpi ne, %convert_element_type3A_135, %cond3A_136 : i32
      scf.if %cond3A_137 {
        %dma_wait3A_159 = arith.constant 2 : i32
        %dma_wait3A_160 = arith.constant 0 : i32
        %dma_wait3A_161 = tpu.memref_slice %arg6[%dma_wait3A_159, %dma_wait3A_160] : memref<6x100xi32, #tpu.memory_space<vmem>> -> memref<1x100xi32, #tpu.memory_space<vmem>>
        %dma_wait3A_162 = tpu.memref_squeeze %dma_wait3A_161 : memref<1x100xi32, #tpu.memory_space<vmem>> -> memref<100xi32, #tpu.memory_space<vmem>>
        %dma_wait3A_163 = arith.constant 0 : i32
        %dma_wait3A_164 = arith.constant 0 : i32
        %dma_wait3A_165 = tpu.memref_slice %arg2[%dma_wait3A_163, %dma_wait3A_164] : memref<10000x128xf32, #tpu.memory_space<hbm>> -> memref<10000x128xf32, #tpu.memory_space<hbm>>
        tpu.wait_indirect_dma semaphore(%arg15 : memref<!tpu.dma_semaphore, #tpu.memory_space<semaphore_mem>>) src(%dma_wait3A_165 : memref<10000x128xf32, #tpu.memory_space<hbm>>) dst(%arg8 : memref<100x128xf32, #tpu.memory_space<vmem>>)
        %dma_start3A_166 = arith.constant 3 : i32
        %dma_start3A_167 = arith.constant 0 : i32
        %dma_start3A_168 = tpu.memref_slice %arg6[%dma_start3A_166, %dma_start3A_167] : memref<6x100xi32, #tpu.memory_space<vmem>> -> memref<1x100xi32, #tpu.memory_space<vmem>>
        %dma_start3A_169 = tpu.memref_squeeze %dma_start3A_168 : memref<1x100xi32, #tpu.memory_space<vmem>> -> memref<100xi32, #tpu.memory_space<vmem>>
        %dma_start3A_170 = arith.constant 0 : i32
        %dma_start3A_171 = arith.constant 0 : i32
        %dma_start3A_172 = tpu.memref_slice %arg10[%dma_start3A_170, %dma_start3A_171] : memref<10032x128xf32, #tpu.memory_space<vmem_shared>> -> memref<10032x128xf32, #tpu.memory_space<vmem_shared>>
        tpu.enqueue_indirect_dma source(%arg8 : memref<100x128xf32, #tpu.memory_space<vmem>>) target(%dma_start3A_172 : memref<10032x128xf32, #tpu.memory_space<vmem_shared>>) offsets(%dma_start3A_169 : memref<100xi32, #tpu.memory_space<vmem>>) semaphore(%arg18 : memref<!tpu.dma_semaphore, #tpu.memory_space<semaphore_mem>>) {add = true}
      } else {
      }
      %add3A_138 = arith.constant 2 : i32
      %add3A_139 = arith.addi %add3A_132, %add3A_138 : i32
      %lt3A_140 = arith.constant 100 : i32
      %lt3A_141 = arith.cmpi slt, %add3A_139, %lt3A_140 : i32
      %convert_element_type3A_142 = arith.extui %lt3A_141 : i1 to i32
      %cond3A_143 = arith.constant 0 : i32
      %cond3A_144 = arith.cmpi ne, %convert_element_type3A_142, %cond3A_143 : i32
      scf.if %cond3A_144 {
        %ge3A = arith.constant 1 : i32
        %ge3A_159 = arith.cmpi sge, %add3A_132, %ge3A : i32
        %convert_element_type3A_160 = arith.extui %ge3A_159 : i1 to i32
        %cond3A_161 = arith.constant 0 : i32
        %cond3A_162 = arith.cmpi ne, %convert_element_type3A_160, %cond3A_161 : i32
        scf.if %cond3A_162 {
          %dma_wait3A_200 = arith.constant 1 : i32
          %dma_wait3A_201 = arith.constant 0 : i32
          %dma_wait3A_202 = tpu.memref_slice %arg6[%dma_wait3A_200, %dma_wait3A_201] : memref<6x100xi32, #tpu.memory_space<vmem>> -> memref<1x100xi32, #tpu.memory_space<vmem>>
          %dma_wait3A_203 = tpu.memref_squeeze %dma_wait3A_202 : memref<1x100xi32, #tpu.memory_space<vmem>> -> memref<100xi32, #tpu.memory_space<vmem>>
          %dma_wait3A_204 = arith.constant 0 : i32
          %dma_wait3A_205 = arith.constant 0 : i32
          %dma_wait3A_206 = tpu.memref_slice %arg10[%dma_wait3A_204, %dma_wait3A_205] : memref<10032x128xf32, #tpu.memory_space<vmem_shared>> -> memref<10032x128xf32, #tpu.memory_space<vmem_shared>>
          tpu.wait_indirect_dma semaphore(%arg17 : memref<!tpu.dma_semaphore, #tpu.memory_space<semaphore_mem>>) src(%arg7 : memref<100x128xf32, #tpu.memory_space<vmem>>) dst(%dma_wait3A_206 : memref<10032x128xf32, #tpu.memory_space<vmem_shared>>)
        } else {
        }
        %add3A_163 = arith.constant 2 : i32
        %add3A_164 = arith.addi %add3A_132, %add3A_163 : i32
        %dma_start3A_165 = arith.constant 0 : i32
        %dma_start3A_166 = arith.constant 0 : i32
        %dma_start3A_167 = tpu.memref_slice %arg6[%dma_start3A_165, %dma_start3A_166] : memref<6x100xi32, #tpu.memory_space<vmem>> -> memref<2x100xi32, #tpu.memory_space<vmem>>
        %dma_start3A_168 = arith.constant 0 : i32
        %dma_start3A_169 = arith.constant 0 : i32
        %dma_start3A_170 = tpu.memref_slice %arg3[%add3A, %add3A_164, %dma_start3A_168, %dma_start3A_169] : memref<32x100x2x100xi32, #tpu.memory_space<hbm>> -> memref<1x1x2x100xi32, #tpu.memory_space<hbm>>
        %dma_start3A_171 = tpu.memref_squeeze %dma_start3A_170 : memref<1x1x2x100xi32, #tpu.memory_space<hbm>> -> memref<2x100xi32, #tpu.memory_space<hbm>>
        %dma_start3A_172 = arith.constant 0 : i32
        %dma_start3A_173 = arith.constant 0 : i32
        %dma_start3A_174 = tpu.memref_slice %arg6[%dma_start3A_172, %dma_start3A_173] : memref<6x100xi32, #tpu.memory_space<vmem>> -> memref<2x100xi32, #tpu.memory_space<vmem>>
        %dma_start3A_175 = arith.constant 0 : i32
        %dma_start3A_176 = arith.constant 0 : i32
        %dma_start3A_177 = tpu.memref_slice %arg3[%add3A, %add3A_164, %dma_start3A_175, %dma_start3A_176] : memref<32x100x2x100xi32, #tpu.memory_space<hbm>> -> memref<1x1x2x100xi32, #tpu.memory_space<hbm>>
        %dma_start3A_178 = tpu.memref_squeeze %dma_start3A_177 : memref<1x1x2x100xi32, #tpu.memory_space<hbm>> -> memref<2x100xi32, #tpu.memory_space<hbm>>
        tpu.enqueue_dma source(%dma_start3A_178 : memref<2x100xi32, #tpu.memory_space<hbm>>) target(%dma_start3A_174 : memref<2x100xi32, #tpu.memory_space<vmem>>) target_semaphore(%arg11 : memref<!tpu.dma_semaphore, #tpu.memory_space<semaphore_mem>>)
        %dma_wait3A_179 = arith.constant 0 : i32
        %dma_wait3A_180 = arith.constant 0 : i32
        %dma_wait3A_181 = tpu.memref_slice %arg6[%dma_wait3A_179, %dma_wait3A_180] : memref<6x100xi32, #tpu.memory_space<vmem>> -> memref<2x100xi32, #tpu.memory_space<vmem>>
        %dma_wait3A_182 = arith.constant 0 : i32
        %dma_wait3A_183 = arith.constant 0 : i32
        %dma_wait3A_184 = tpu.memref_slice %arg3[%add3A, %add3A_164, %dma_wait3A_182, %dma_wait3A_183] : memref<32x100x2x100xi32, #tpu.memory_space<hbm>> -> memref<1x1x2x100xi32, #tpu.memory_space<hbm>>
        %dma_wait3A_185 = tpu.memref_squeeze %dma_wait3A_184 : memref<1x1x2x100xi32, #tpu.memory_space<hbm>> -> memref<2x100xi32, #tpu.memory_space<hbm>>
        %dma_wait3A_186 = arith.constant 0 : i32
        %dma_wait3A_187 = arith.constant 0 : i32
        %dma_wait3A_188 = tpu.memref_slice %arg6[%dma_wait3A_186, %dma_wait3A_187] : memref<6x100xi32, #tpu.memory_space<vmem>> -> memref<2x100xi32, #tpu.memory_space<vmem>>
        %dma_wait3A_189 = arith.constant 0 : i32
        %dma_wait3A_190 = arith.constant 0 : i32
        %dma_wait3A_191 = tpu.memref_slice %arg3[%add3A, %add3A_164, %dma_wait3A_189, %dma_wait3A_190] : memref<32x100x2x100xi32, #tpu.memory_space<hbm>> -> memref<1x1x2x100xi32, #tpu.memory_space<hbm>>
        %dma_wait3A_192 = tpu.memref_squeeze %dma_wait3A_191 : memref<1x1x2x100xi32, #tpu.memory_space<hbm>> -> memref<2x100xi32, #tpu.memory_space<hbm>>
        tpu.wait_dma2 semaphore(%arg11 : memref<!tpu.dma_semaphore, #tpu.memory_space<semaphore_mem>>) src(%dma_wait3A_192 : memref<2x100xi32, #tpu.memory_space<hbm>>) dst(%dma_wait3A_188 : memref<2x100xi32, #tpu.memory_space<vmem>>)
        %dma_start3A_193 = arith.constant 0 : i32
        %dma_start3A_194 = arith.constant 0 : i32
        %dma_start3A_195 = tpu.memref_slice %arg6[%dma_start3A_193, %dma_start3A_194] : memref<6x100xi32, #tpu.memory_space<vmem>> -> memref<1x100xi32, #tpu.memory_space<vmem>>
        %dma_start3A_196 = tpu.memref_squeeze %dma_start3A_195 : memref<1x100xi32, #tpu.memory_space<vmem>> -> memref<100xi32, #tpu.memory_space<vmem>>
        %dma_start3A_197 = arith.constant 0 : i32
        %dma_start3A_198 = arith.constant 0 : i32
        %dma_start3A_199 = tpu.memref_slice %arg2[%dma_start3A_197, %dma_start3A_198] : memref<10000x128xf32, #tpu.memory_space<hbm>> -> memref<10000x128xf32, #tpu.memory_space<hbm>>
        tpu.enqueue_indirect_dma source(%dma_start3A_199 : memref<10000x128xf32, #tpu.memory_space<hbm>>) target(%arg7 : memref<100x128xf32, #tpu.memory_space<vmem>>) offsets(%dma_start3A_196 : memref<100xi32, #tpu.memory_space<vmem>>) semaphore(%arg14 : memref<!tpu.dma_semaphore, #tpu.memory_space<semaphore_mem>>)
      } else {
      }
      %add3A_145 = arith.constant 2 : i32
      %add3A_146 = arith.addi %mul3A_117, %add3A_145 : i32
      %lt3A_147 = arith.constant 100 : i32
      %lt3A_148 = arith.cmpi slt, %add3A_146, %lt3A_147 : i32
      %convert_element_type3A_149 = arith.extui %lt3A_148 : i1 to i32
      %cond3A_150 = arith.constant 0 : i32
      %cond3A_151 = arith.cmpi ne, %convert_element_type3A_149, %cond3A_150 : i32
      scf.if %cond3A_151 {
        %dma_wait3A_159 = arith.constant 4 : i32
        %dma_wait3A_160 = arith.constant 0 : i32
        %dma_wait3A_161 = tpu.memref_slice %arg6[%dma_wait3A_159, %dma_wait3A_160] : memref<6x100xi32, #tpu.memory_space<vmem>> -> memref<1x100xi32, #tpu.memory_space<vmem>>
        %dma_wait3A_162 = tpu.memref_squeeze %dma_wait3A_161 : memref<1x100xi32, #tpu.memory_space<vmem>> -> memref<100xi32, #tpu.memory_space<vmem>>
        %dma_wait3A_163 = arith.constant 0 : i32
        %dma_wait3A_164 = arith.constant 0 : i32
        %dma_wait3A_165 = tpu.memref_slice %arg2[%dma_wait3A_163, %dma_wait3A_164] : memref<10000x128xf32, #tpu.memory_space<hbm>> -> memref<10000x128xf32, #tpu.memory_space<hbm>>
        tpu.wait_indirect_dma semaphore(%arg16 : memref<!tpu.dma_semaphore, #tpu.memory_space<semaphore_mem>>) src(%dma_wait3A_165 : memref<10000x128xf32, #tpu.memory_space<hbm>>) dst(%arg9 : memref<100x128xf32, #tpu.memory_space<vmem>>)
        %dma_start3A_166 = arith.constant 5 : i32
        %dma_start3A_167 = arith.constant 0 : i32
        %dma_start3A_168 = tpu.memref_slice %arg6[%dma_start3A_166, %dma_start3A_167] : memref<6x100xi32, #tpu.memory_space<vmem>> -> memref<1x100xi32, #tpu.memory_space<vmem>>
        %dma_start3A_169 = tpu.memref_squeeze %dma_start3A_168 : memref<1x100xi32, #tpu.memory_space<vmem>> -> memref<100xi32, #tpu.memory_space<vmem>>
        %dma_start3A_170 = arith.constant 0 : i32
        %dma_start3A_171 = arith.constant 0 : i32
        %dma_start3A_172 = tpu.memref_slice %arg10[%dma_start3A_170, %dma_start3A_171] : memref<10032x128xf32, #tpu.memory_space<vmem_shared>> -> memref<10032x128xf32, #tpu.memory_space<vmem_shared>>
        tpu.enqueue_indirect_dma source(%arg9 : memref<100x128xf32, #tpu.memory_space<vmem>>) target(%dma_start3A_172 : memref<10032x128xf32, #tpu.memory_space<vmem_shared>>) offsets(%dma_start3A_169 : memref<100xi32, #tpu.memory_space<vmem>>) semaphore(%arg19 : memref<!tpu.dma_semaphore, #tpu.memory_space<semaphore_mem>>) {add = true}
      } else {
      }
      %add3A_152 = arith.constant 2 : i32
      %add3A_153 = arith.addi %add3A_146, %add3A_152 : i32
      %lt3A_154 = arith.constant 100 : i32
      %lt3A_155 = arith.cmpi slt, %add3A_153, %lt3A_154 : i32
      %convert_element_type3A_156 = arith.extui %lt3A_155 : i1 to i32
      %cond3A_157 = arith.constant 0 : i32
      %cond3A_158 = arith.cmpi ne, %convert_element_type3A_156, %cond3A_157 : i32
      scf.if %cond3A_158 {
        %ge3A = arith.constant 1 : i32
        %ge3A_159 = arith.cmpi sge, %add3A_146, %ge3A : i32
        %convert_element_type3A_160 = arith.extui %ge3A_159 : i1 to i32
        %cond3A_161 = arith.constant 0 : i32
        %cond3A_162 = arith.cmpi ne, %convert_element_type3A_160, %cond3A_161 : i32
        scf.if %cond3A_162 {
          %dma_wait3A_200 = arith.constant 3 : i32
          %dma_wait3A_201 = arith.constant 0 : i32
          %dma_wait3A_202 = tpu.memref_slice %arg6[%dma_wait3A_200, %dma_wait3A_201] : memref<6x100xi32, #tpu.memory_space<vmem>> -> memref<1x100xi32, #tpu.memory_space<vmem>>
          %dma_wait3A_203 = tpu.memref_squeeze %dma_wait3A_202 : memref<1x100xi32, #tpu.memory_space<vmem>> -> memref<100xi32, #tpu.memory_space<vmem>>
          %dma_wait3A_204 = arith.constant 0 : i32
          %dma_wait3A_205 = arith.constant 0 : i32
          %dma_wait3A_206 = tpu.memref_slice %arg10[%dma_wait3A_204, %dma_wait3A_205] : memref<10032x128xf32, #tpu.memory_space<vmem_shared>> -> memref<10032x128xf32, #tpu.memory_space<vmem_shared>>
          tpu.wait_indirect_dma semaphore(%arg18 : memref<!tpu.dma_semaphore, #tpu.memory_space<semaphore_mem>>) src(%arg8 : memref<100x128xf32, #tpu.memory_space<vmem>>) dst(%dma_wait3A_206 : memref<10032x128xf32, #tpu.memory_space<vmem_shared>>)
        } else {
        }
        %add3A_163 = arith.constant 2 : i32
        %add3A_164 = arith.addi %add3A_146, %add3A_163 : i32
        %dma_start3A_165 = arith.constant 2 : i32
        %dma_start3A_166 = arith.constant 0 : i32
        %dma_start3A_167 = tpu.memref_slice %arg6[%dma_start3A_165, %dma_start3A_166] : memref<6x100xi32, #tpu.memory_space<vmem>> -> memref<2x100xi32, #tpu.memory_space<vmem>>
        %dma_start3A_168 = arith.constant 0 : i32
        %dma_start3A_169 = arith.constant 0 : i32
        %dma_start3A_170 = tpu.memref_slice %arg3[%add3A, %add3A_164, %dma_start3A_168, %dma_start3A_169] : memref<32x100x2x100xi32, #tpu.memory_space<hbm>> -> memref<1x1x2x100xi32, #tpu.memory_space<hbm>>
        %dma_start3A_171 = tpu.memref_squeeze %dma_start3A_170 : memref<1x1x2x100xi32, #tpu.memory_space<hbm>> -> memref<2x100xi32, #tpu.memory_space<hbm>>
        %dma_start3A_172 = arith.constant 2 : i32
        %dma_start3A_173 = arith.constant 0 : i32
        %dma_start3A_174 = tpu.memref_slice %arg6[%dma_start3A_172, %dma_start3A_173] : memref<6x100xi32, #tpu.memory_space<vmem>> -> memref<2x100xi32, #tpu.memory_space<vmem>>
        %dma_start3A_175 = arith.constant 0 : i32
        %dma_start3A_176 = arith.constant 0 : i32
        %dma_start3A_177 = tpu.memref_slice %arg3[%add3A, %add3A_164, %dma_start3A_175, %dma_start3A_176] : memref<32x100x2x100xi32, #tpu.memory_space<hbm>> -> memref<1x1x2x100xi32, #tpu.memory_space<hbm>>
        %dma_start3A_178 = tpu.memref_squeeze %dma_start3A_177 : memref<1x1x2x100xi32, #tpu.memory_space<hbm>> -> memref<2x100xi32, #tpu.memory_space<hbm>>
        tpu.enqueue_dma source(%dma_start3A_178 : memref<2x100xi32, #tpu.memory_space<hbm>>) target(%dma_start3A_174 : memref<2x100xi32, #tpu.memory_space<vmem>>) target_semaphore(%arg12 : memref<!tpu.dma_semaphore, #tpu.memory_space<semaphore_mem>>)
        %dma_wait3A_179 = arith.constant 2 : i32
        %dma_wait3A_180 = arith.constant 0 : i32
        %dma_wait3A_181 = tpu.memref_slice %arg6[%dma_wait3A_179, %dma_wait3A_180] : memref<6x100xi32, #tpu.memory_space<vmem>> -> memref<2x100xi32, #tpu.memory_space<vmem>>
        %dma_wait3A_182 = arith.constant 0 : i32
        %dma_wait3A_183 = arith.constant 0 : i32
        %dma_wait3A_184 = tpu.memref_slice %arg3[%add3A, %add3A_164, %dma_wait3A_182, %dma_wait3A_183] : memref<32x100x2x100xi32, #tpu.memory_space<hbm>> -> memref<1x1x2x100xi32, #tpu.memory_space<hbm>>
        %dma_wait3A_185 = tpu.memref_squeeze %dma_wait3A_184 : memref<1x1x2x100xi32, #tpu.memory_space<hbm>> -> memref<2x100xi32, #tpu.memory_space<hbm>>
        %dma_wait3A_186 = arith.constant 2 : i32
        %dma_wait3A_187 = arith.constant 0 : i32
        %dma_wait3A_188 = tpu.memref_slice %arg6[%dma_wait3A_186, %dma_wait3A_187] : memref<6x100xi32, #tpu.memory_space<vmem>> -> memref<2x100xi32, #tpu.memory_space<vmem>>
        %dma_wait3A_189 = arith.constant 0 : i32
        %dma_wait3A_190 = arith.constant 0 : i32
        %dma_wait3A_191 = tpu.memref_slice %arg3[%add3A, %add3A_164, %dma_wait3A_189, %dma_wait3A_190] : memref<32x100x2x100xi32, #tpu.memory_space<hbm>> -> memref<1x1x2x100xi32, #tpu.memory_space<hbm>>
        %dma_wait3A_192 = tpu.memref_squeeze %dma_wait3A_191 : memref<1x1x2x100xi32, #tpu.memory_space<hbm>> -> memref<2x100xi32, #tpu.memory_space<hbm>>
        tpu.wait_dma2 semaphore(%arg12 : memref<!tpu.dma_semaphore, #tpu.memory_space<semaphore_mem>>) src(%dma_wait3A_192 : memref<2x100xi32, #tpu.memory_space<hbm>>) dst(%dma_wait3A_188 : memref<2x100xi32, #tpu.memory_space<vmem>>)
        %dma_start3A_193 = arith.constant 2 : i32
        %dma_start3A_194 = arith.constant 0 : i32
        %dma_start3A_195 = tpu.memref_slice %arg6[%dma_start3A_193, %dma_start3A_194] : memref<6x100xi32, #tpu.memory_space<vmem>> -> memref<1x100xi32, #tpu.memory_space<vmem>>
        %dma_start3A_196 = tpu.memref_squeeze %dma_start3A_195 : memref<1x100xi32, #tpu.memory_space<vmem>> -> memref<100xi32, #tpu.memory_space<vmem>>
        %dma_start3A_197 = arith.constant 0 : i32
        %dma_start3A_198 = arith.constant 0 : i32
        %dma_start3A_199 = tpu.memref_slice %arg2[%dma_start3A_197, %dma_start3A_198] : memref<10000x128xf32, #tpu.memory_space<hbm>> -> memref<10000x128xf32, #tpu.memory_space<hbm>>
        tpu.enqueue_indirect_dma source(%dma_start3A_199 : memref<10000x128xf32, #tpu.memory_space<hbm>>) target(%arg8 : memref<100x128xf32, #tpu.memory_space<vmem>>) offsets(%dma_start3A_196 : memref<100xi32, #tpu.memory_space<vmem>>) semaphore(%arg15 : memref<!tpu.dma_semaphore, #tpu.memory_space<semaphore_mem>>)
      } else {
      }
    }
    %scan3A_83 = arith.constant 34 : i32
    %dma_wait3A_84 = arith.constant 3 : i32
    %dma_wait3A_85 = arith.constant 0 : i32
    %dma_wait3A_86 = tpu.memref_slice %arg6[%dma_wait3A_84, %dma_wait3A_85] : memref<6x100xi32, #tpu.memory_space<vmem>> -> memref<1x100xi32, #tpu.memory_space<vmem>>
    %dma_wait3A_87 = tpu.memref_squeeze %dma_wait3A_86 : memref<1x100xi32, #tpu.memory_space<vmem>> -> memref<100xi32, #tpu.memory_space<vmem>>
    %dma_wait3A_88 = arith.constant 0 : i32
    %dma_wait3A_89 = arith.constant 0 : i32
    %dma_wait3A_90 = tpu.memref_slice %arg10[%dma_wait3A_88, %dma_wait3A_89] : memref<10032x128xf32, #tpu.memory_space<vmem_shared>> -> memref<10032x128xf32, #tpu.memory_space<vmem_shared>>
    tpu.wait_indirect_dma semaphore(%arg18 : memref<!tpu.dma_semaphore, #tpu.memory_space<semaphore_mem>>) src(%arg8 : memref<100x128xf32, #tpu.memory_space<vmem>>) dst(%dma_wait3A_90 : memref<10032x128xf32, #tpu.memory_space<vmem_shared>>)
    %dma_wait3A_91 = arith.constant 5 : i32
    %dma_wait3A_92 = arith.constant 0 : i32
    %dma_wait3A_93 = tpu.memref_slice %arg6[%dma_wait3A_91, %dma_wait3A_92] : memref<6x100xi32, #tpu.memory_space<vmem>> -> memref<1x100xi32, #tpu.memory_space<vmem>>
    %dma_wait3A_94 = tpu.memref_squeeze %dma_wait3A_93 : memref<1x100xi32, #tpu.memory_space<vmem>> -> memref<100xi32, #tpu.memory_space<vmem>>
    %dma_wait3A_95 = arith.constant 0 : i32
    %dma_wait3A_96 = arith.constant 0 : i32
    %dma_wait3A_97 = tpu.memref_slice %arg10[%dma_wait3A_95, %dma_wait3A_96] : memref<10032x128xf32, #tpu.memory_space<vmem_shared>> -> memref<10032x128xf32, #tpu.memory_space<vmem_shared>>
    tpu.wait_indirect_dma semaphore(%arg19 : memref<!tpu.dma_semaphore, #tpu.memory_space<semaphore_mem>>) src(%arg9 : memref<100x128xf32, #tpu.memory_space<vmem>>) dst(%dma_wait3A_97 : memref<10032x128xf32, #tpu.memory_space<vmem_shared>>)
    %dma_wait3A_98 = arith.constant 1 : i32
    %dma_wait3A_99 = arith.constant 0 : i32
    %dma_wait3A_100 = tpu.memref_slice %arg6[%dma_wait3A_98, %dma_wait3A_99] : memref<6x100xi32, #tpu.memory_space<vmem>> -> memref<1x100xi32, #tpu.memory_space<vmem>>
    %dma_wait3A_101 = tpu.memref_squeeze %dma_wait3A_100 : memref<1x100xi32, #tpu.memory_space<vmem>> -> memref<100xi32, #tpu.memory_space<vmem>>
    %dma_wait3A_102 = arith.constant 0 : i32
    %dma_wait3A_103 = arith.constant 0 : i32
    %dma_wait3A_104 = tpu.memref_slice %arg10[%dma_wait3A_102, %dma_wait3A_103] : memref<10032x128xf32, #tpu.memory_space<vmem_shared>> -> memref<10032x128xf32, #tpu.memory_space<vmem_shared>>
    tpu.wait_indirect_dma semaphore(%arg17 : memref<!tpu.dma_semaphore, #tpu.memory_space<semaphore_mem>>) src(%arg7 : memref<100x128xf32, #tpu.memory_space<vmem>>) dst(%dma_wait3A_104 : memref<10032x128xf32, #tpu.memory_space<vmem_shared>>)
    %barrier3A_105 = arith.constant 0 : index
    tpu.barrier barrier_id(%barrier3A_105)
    %mul3A_106 = arith.constant 624 : i32
    %mul3A_107 = arith.muli %arg1, %mul3A_106 : i32
    %mul3A_108 = arith.constant 624 : i32
    %mul3A_109 = arith.muli %arg1, %mul3A_108 : i32
    "tpu.region"() ({
      %run_scoped3A = tpu.sem_alloc : memref<!tpu.dma_semaphore, #tpu.memory_space<semaphore_mem>>
      %dma_start3A_115 = arith.constant 0 : i32
      %dma_start3A_116 = tpu.memref_slice %arg5[%arg0, %mul3A_109, %dma_start3A_115] : memref<2x10000x128xf32, #tpu.memory_space<hbm>> -> memref<1x624x128xf32, #tpu.memory_space<hbm>>
      %dma_start3A_117 = tpu.memref_squeeze %dma_start3A_116 : memref<1x624x128xf32, #tpu.memory_space<hbm>> -> memref<624x128xf32, #tpu.memory_space<hbm>>
      %dma_start3A_118 = arith.constant 0 : i32
      %dma_start3A_119 = tpu.memref_slice %arg10[%mul3A_107, %dma_start3A_118] : memref<10032x128xf32, #tpu.memory_space<vmem_shared>> -> memref<624x128xf32, #tpu.memory_space<vmem_shared>>
      tpu.enqueue_dma source(%dma_start3A_119 : memref<624x128xf32, #tpu.memory_space<vmem_shared>>) target(%dma_start3A_117 : memref<624x128xf32, #tpu.memory_space<hbm>>) target_semaphore(%run_scoped3A : memref<!tpu.dma_semaphore, #tpu.memory_space<semaphore_mem>>)
      %dma_wait3A_120 = arith.constant 0 : i32
      %dma_wait3A_121 = tpu.memref_slice %arg5[%arg0, %mul3A_109, %dma_wait3A_120] : memref<2x10000x128xf32, #tpu.memory_space<hbm>> -> memref<1x624x128xf32, #tpu.memory_space<hbm>>
      %dma_wait3A_122 = tpu.memref_squeeze %dma_wait3A_121 : memref<1x624x128xf32, #tpu.memory_space<hbm>> -> memref<624x128xf32, #tpu.memory_space<hbm>>
      %dma_wait3A_123 = arith.constant 0 : i32
      %dma_wait3A_124 = tpu.memref_slice %arg10[%mul3A_107, %dma_wait3A_123] : memref<10032x128xf32, #tpu.memory_space<vmem_shared>> -> memref<624x128xf32, #tpu.memory_space<vmem_shared>>
      tpu.wait_dma2 semaphore(%run_scoped3A : memref<!tpu.dma_semaphore, #tpu.memory_space<semaphore_mem>>) src(%dma_wait3A_124 : memref<624x128xf32, #tpu.memory_space<vmem_shared>>) dst(%dma_wait3A_122 : memref<624x128xf32, #tpu.memory_space<hbm>>)
      tpu.yield
    }) : () -> ()
    %eq3A_110 = arith.constant 15 : i32
    %eq3A_111 = arith.cmpi eq, %arg1, %eq3A_110 : i32
    %convert_element_type3A_112 = arith.extui %eq3A_111 : i1 to i32
    %cond3A_113 = arith.constant 0 : i32
    %cond3A_114 = arith.cmpi ne, %convert_element_type3A_112, %cond3A_113 : i32
    scf.if %cond3A_114 {
      "tpu.region"() ({
        %run_scoped3A = tpu.sem_alloc : memref<!tpu.dma_semaphore, #tpu.memory_space<semaphore_mem>>
        %dma_start3A_115 = arith.constant 9984 : i32
        %dma_start3A_116 = arith.constant 0 : i32
        %dma_start3A_117 = tpu.memref_slice %arg5[%arg0, %dma_start3A_115, %dma_start3A_116] : memref<2x10000x128xf32, #tpu.memory_space<hbm>> -> memref<1x16x128xf32, #tpu.memory_space<hbm>>
        %dma_start3A_118 = tpu.memref_squeeze %dma_start3A_117 : memref<1x16x128xf32, #tpu.memory_space<hbm>> -> memref<16x128xf32, #tpu.memory_space<hbm>>
        %dma_start3A_119 = arith.constant 9984 : i32
        %dma_start3A_120 = arith.constant 0 : i32
        %dma_start3A_121 = tpu.memref_slice %arg10[%dma_start3A_119, %dma_start3A_120] : memref<10032x128xf32, #tpu.memory_space<vmem_shared>> -> memref<16x128xf32, #tpu.memory_space<vmem_shared>>
        tpu.enqueue_dma source(%dma_start3A_121 : memref<16x128xf32, #tpu.memory_space<vmem_shared>>) target(%dma_start3A_118 : memref<16x128xf32, #tpu.memory_space<hbm>>) target_semaphore(%run_scoped3A : memref<!tpu.dma_semaphore, #tpu.memory_space<semaphore_mem>>)
        %dma_wait3A_122 = arith.constant 9984 : i32
        %dma_wait3A_123 = arith.constant 0 : i32
        %dma_wait3A_124 = tpu.memref_slice %arg5[%arg0, %dma_wait3A_122, %dma_wait3A_123] : memref<2x10000x128xf32, #tpu.memory_space<hbm>> -> memref<1x16x128xf32, #tpu.memory_space<hbm>>
        %dma_wait3A_125 = tpu.memref_squeeze %dma_wait3A_124 : memref<1x16x128xf32, #tpu.memory_space<hbm>> -> memref<16x128xf32, #tpu.memory_space<hbm>>
        %dma_wait3A_126 = arith.constant 9984 : i32
        %dma_wait3A_127 = arith.constant 0 : i32
        %dma_wait3A_128 = tpu.memref_slice %arg10[%dma_wait3A_126, %dma_wait3A_127] : memref<10032x128xf32, #tpu.memory_space<vmem_shared>> -> memref<16x128xf32, #tpu.memory_space<vmem_shared>>
        tpu.wait_dma2 semaphore(%run_scoped3A : memref<!tpu.dma_semaphore, #tpu.memory_space<semaphore_mem>>) src(%dma_wait3A_128 : memref<16x128xf32, #tpu.memory_space<vmem_shared>>) dst(%dma_wait3A_125 : memref<16x128xf32, #tpu.memory_space<hbm>>)
        tpu.yield
      }) : () -> ()
    } else {
    }
    return
  }
}

module attributes {stable_mosaic.version = 14 : i64} {
  func.func @_dense0_kernel(%arg0: i32, %arg1: memref<1000x128xf32, #tpu.memory_space<vmem>>, %arg2: memref<128x128xf32, #tpu.memory_space<vmem>>, %arg3: memref<1x128xf32, #tpu.memory_space<vmem>>, %arg4: memref<1x128xf32, #tpu.memory_space<vmem>>, %arg5: memref<1x128xf32, #tpu.memory_space<vmem>>, %arg6: memref<1000x128xf32, #tpu.memory_space<vmem>>) attributes {dimension_semantics = [#tpu.dimension_semantics<arbitrary>], iteration_bounds = array<i64: 10>, scalar_prefetch = 0 : i64, scratch_operands = 0 : i64, tpu.core_type = #tpu.core_type<tc>, window_params = [{transform_indices = @transform_0, window_bounds = array<i64: 1000, 128>}, {pipeline_mode = #tpu.pipeline_mode<synchronous>, transform_indices = @transform_1, window_bounds = array<i64: 128, 128>}, {pipeline_mode = #tpu.pipeline_mode<synchronous>, transform_indices = @transform_2, window_bounds = array<i64: 1, 128>}, {pipeline_mode = #tpu.pipeline_mode<synchronous>, transform_indices = @transform_3, window_bounds = array<i64: 1, 128>}, {pipeline_mode = #tpu.pipeline_mode<synchronous>, transform_indices = @transform_4, window_bounds = array<i64: 1, 128>}, {transform_indices = @transform_5, window_bounds = array<i64: 1000, 128>}]} {
    %get3A = arith.constant 0 : index
    %get3A_0 = arith.constant 0 : index
    %get3A_1 = vector.load %arg1[%get3A, %get3A_0] : memref<1000x128xf32, #tpu.memory_space<vmem>>, vector<1000x128xf32>
    %get3A_2 = arith.constant 0 : index
    %get3A_3 = arith.constant 0 : index
    %get3A_4 = vector.load %arg2[%get3A_2, %get3A_3] : memref<128x128xf32, #tpu.memory_space<vmem>>, vector<128x128xf32>
    %dot_general3A = arith.constant dense<0.000000e+00> : vector<1000x128xf32>
    %dot_general3A_5 = tpu.matmul %get3A_1, %get3A_4, %dot_general3A {dimension_numbers = #tpu.dot_dimension_numbers<[1], [0], [0], [1], [0, 0, 1, 1], [], []>, transpose_lhs_hint = false} : vector<1000x128xf32>, vector<128x128xf32>, vector<1000x128xf32> -> vector<1000x128xf32>
    %get3A_6 = arith.constant 0 : index
    %get3A_7 = arith.constant 0 : index
    %get3A_8 = vector.load %arg3[%get3A_6, %get3A_7] : memref<1x128xf32, #tpu.memory_space<vmem>>, vector<1x128xf32>
    %add3A = vector.broadcast %get3A_8 : vector<1x128xf32> to vector<1000x128xf32>
    %add3A_9 = arith.addf %dot_general3A_5, %add3A : vector<1000x128xf32>
    %get3A_10 = arith.constant 0 : index
    %get3A_11 = arith.constant 0 : index
    %get3A_12 = vector.load %arg4[%get3A_10, %get3A_11] : memref<1x128xf32, #tpu.memory_space<vmem>>, vector<1x128xf32>
    %get3A_13 = arith.constant 0 : index
    %get3A_14 = arith.constant 0 : index
    %get3A_15 = vector.load %arg5[%get3A_13, %get3A_14] : memref<1x128xf32, #tpu.memory_space<vmem>>, vector<1x128xf32>
    %reduce_sum3A = arith.constant dense<0.000000e+00> : vector<1000xf32>
    %reduce_sum3A_16 = vector.multi_reduction <add>, %add3A_9, %reduce_sum3A [1] : vector<1000x128xf32> to vector<1000xf32>
    %broadcast_in_dim3A = vector.shape_cast %reduce_sum3A_16 : vector<1000xf32> to vector<1000x1xf32>
    %div3A = arith.constant 1.280000e+02 : f32
    %div3A_17 = vector.broadcast %div3A : f32 to vector<1000x1xf32>
    %div3A_18 = arith.divf %broadcast_in_dim3A, %div3A_17 : vector<1000x1xf32>
    %sub3A = vector.broadcast %div3A_18 : vector<1000x1xf32> to vector<1000x128xf32>
    %sub3A_19 = arith.subf %add3A_9, %sub3A : vector<1000x128xf32>
    %integer_pow3A = arith.mulf %sub3A_19, %sub3A_19 : vector<1000x128xf32>
    %reduce_sum3A_20 = arith.constant dense<0.000000e+00> : vector<1000xf32>
    %reduce_sum3A_21 = vector.multi_reduction <add>, %integer_pow3A, %reduce_sum3A_20 [1] : vector<1000x128xf32> to vector<1000xf32>
    %broadcast_in_dim3A_22 = vector.shape_cast %reduce_sum3A_21 : vector<1000xf32> to vector<1000x1xf32>
    %div3A_23 = arith.constant 1.280000e+02 : f32
    %div3A_24 = vector.broadcast %div3A_23 : f32 to vector<1000x1xf32>
    %div3A_25 = arith.divf %broadcast_in_dim3A_22, %div3A_24 : vector<1000x1xf32>
    %sub3A_26 = vector.broadcast %div3A_18 : vector<1000x1xf32> to vector<1000x128xf32>
    %sub3A_27 = arith.subf %add3A_9, %sub3A_26 : vector<1000x128xf32>
    %add3A_28 = arith.constant 9.99999974E-6 : f32
    %add3A_29 = vector.broadcast %add3A_28 : f32 to vector<1000x1xf32>
    %add3A_30 = arith.addf %div3A_25, %add3A_29 : vector<1000x1xf32>
    %rsqrt3A = math.rsqrt %add3A_30 : vector<1000x1xf32>
    %mul3A = vector.broadcast %rsqrt3A : vector<1000x1xf32> to vector<1000x128xf32>
    %mul3A_31 = arith.mulf %sub3A_27, %mul3A : vector<1000x128xf32>
    %mul3A_32 = vector.broadcast %get3A_12 : vector<1x128xf32> to vector<1000x128xf32>
    %mul3A_33 = arith.mulf %mul3A_31, %mul3A_32 : vector<1000x128xf32>
    %add3A_34 = vector.broadcast %get3A_15 : vector<1x128xf32> to vector<1000x128xf32>
    %add3A_35 = arith.addf %mul3A_33, %add3A_34 : vector<1000x128xf32>
    %max3A = arith.constant 0.000000e+00 : f32
    %max3A_36 = vector.broadcast %max3A : f32 to vector<1000x128xf32>
    %max3A_37 = arith.maximumf %add3A_35, %max3A_36 : vector<1000x128xf32>
    %swap3A = arith.constant 0 : index
    %swap3A_38 = arith.constant 0 : index
    %swap3A_39 = vector.load %arg6[%swap3A, %swap3A_38] : memref<1000x128xf32, #tpu.memory_space<vmem>>, vector<1000x128xf32>
    tpu.vector_store %arg6[%swap3A, %swap3A_38], %max3A_37 {strides = array<i32>} : memref<1000x128xf32, #tpu.memory_space<vmem>>, vector<1000x128xf32>,
    return
  }
  func.func @transform_0(%arg0: i32) -> (i32, i32) {
    %c0_i32 = arith.constant 0 : i32
    %c0_i32_0 = arith.constant 0 : i32
    return %arg0, %c0_i32 : i32, i32
  }
  func.func @transform_1(%arg0: i32) -> (i32, i32) {
    %c0_i32 = arith.constant 0 : i32
    %c0_i32_0 = arith.constant 0 : i32
    %c0_i32_1 = arith.constant 0 : i32
    return %c0_i32, %c0_i32_0 : i32, i32
  }
  func.func @transform_2(%arg0: i32) -> (i32, i32) {
    %c0_i32 = arith.constant 0 : i32
    %c0_i32_0 = arith.constant 0 : i32
    %c0_i32_1 = arith.constant 0 : i32
    return %c0_i32, %c0_i32_0 : i32, i32
  }
  func.func @transform_3(%arg0: i32) -> (i32, i32) {
    %c0_i32 = arith.constant 0 : i32
    %c0_i32_0 = arith.constant 0 : i32
    %c0_i32_1 = arith.constant 0 : i32
    return %c0_i32, %c0_i32_0 : i32, i32
  }
  func.func @transform_4(%arg0: i32) -> (i32, i32) {
    %c0_i32 = arith.constant 0 : i32
    %c0_i32_0 = arith.constant 0 : i32
    %c0_i32_1 = arith.constant 0 : i32
    return %c0_i32, %c0_i32_0 : i32, i32
  }
  func.func @transform_5(%arg0: i32) -> (i32, i32) {
    %c0_i32 = arith.constant 0 : i32
    %c0_i32_0 = arith.constant 0 : i32
    return %arg0, %c0_i32 : i32, i32
  }
}

module attributes {stable_mosaic.version = 14 : i64} {
  func.func @_sage_kernel(%arg0: i32, %arg1: memref<1000x128xf32, #tpu.memory_space<vmem>>, %arg2: memref<1000x128xf32, #tpu.memory_space<vmem>>, %arg3: memref<1000x128xf32, #tpu.memory_space<vmem>>, %arg4: memref<1000x1xf32, #tpu.memory_space<vmem>>, %arg5: memref<1000x1xf32, #tpu.memory_space<vmem>>, %arg6: memref<128x128xf32, #tpu.memory_space<vmem>>, %arg7: memref<128x128xf32, #tpu.memory_space<vmem>>, %arg8: memref<1x128xf32, #tpu.memory_space<vmem>>, %arg9: memref<1x128xf32, #tpu.memory_space<vmem>>, %arg10: memref<1x128xf32, #tpu.memory_space<vmem>>, %arg11: memref<1000x128xf32, #tpu.memory_space<vmem>>) attributes {dimension_semantics = [#tpu.dimension_semantics<arbitrary>], iteration_bounds = array<i64: 10>, scalar_prefetch = 0 : i64, scratch_operands = 0 : i64, tpu.core_type = #tpu.core_type<tc>, window_params = [{transform_indices = @transform_0, window_bounds = array<i64: 1000, 128>}, {transform_indices = @transform_1, window_bounds = array<i64: 1000, 128>}, {transform_indices = @transform_2, window_bounds = array<i64: 1000, 128>}, {transform_indices = @transform_3, window_bounds = array<i64: 1000, 1>}, {transform_indices = @transform_4, window_bounds = array<i64: 1000, 1>}, {pipeline_mode = #tpu.pipeline_mode<synchronous>, transform_indices = @transform_5, window_bounds = array<i64: 128, 128>}, {pipeline_mode = #tpu.pipeline_mode<synchronous>, transform_indices = @transform_6, window_bounds = array<i64: 128, 128>}, {pipeline_mode = #tpu.pipeline_mode<synchronous>, transform_indices = @transform_7, window_bounds = array<i64: 1, 128>}, {pipeline_mode = #tpu.pipeline_mode<synchronous>, transform_indices = @transform_8, window_bounds = array<i64: 1, 128>}, {pipeline_mode = #tpu.pipeline_mode<synchronous>, transform_indices = @transform_9, window_bounds = array<i64: 1, 128>}, {transform_indices = @transform_10, window_bounds = array<i64: 1000, 128>}]} {
    %get3A = arith.constant 0 : index
    %get3A_0 = arith.constant 0 : index
    %get3A_1 = vector.load %arg4[%get3A, %get3A_0] : memref<1000x1xf32, #tpu.memory_space<vmem>>, vector<1000x1xf32>
    %get3A_2 = arith.constant 0 : index
    %get3A_3 = arith.constant 0 : index
    %get3A_4 = vector.load %arg5[%get3A_2, %get3A_3] : memref<1000x1xf32, #tpu.memory_space<vmem>>, vector<1000x1xf32>
    %add3A = arith.addf %get3A_1, %get3A_4 : vector<1000x1xf32>
    %jit3A = arith.constant 1.000000e+00 : f32
    %max3A = vector.broadcast %jit3A : f32 to vector<1000x1xf32>
    %max3A_5 = arith.maximumf %max3A, %add3A : vector<1000x1xf32>
    %get3A_6 = arith.constant 0 : index
    %get3A_7 = arith.constant 0 : index
    %get3A_8 = vector.load %arg2[%get3A_6, %get3A_7] : memref<1000x128xf32, #tpu.memory_space<vmem>>, vector<1000x128xf32>
    %get3A_9 = arith.constant 0 : index
    %get3A_10 = arith.constant 0 : index
    %get3A_11 = vector.load %arg3[%get3A_9, %get3A_10] : memref<1000x128xf32, #tpu.memory_space<vmem>>, vector<1000x128xf32>
    %add3A_12 = arith.addf %get3A_8, %get3A_11 : vector<1000x128xf32>
    %div3A = vector.broadcast %max3A_5 : vector<1000x1xf32> to vector<1000x128xf32>
    %div3A_13 = arith.divf %add3A_12, %div3A : vector<1000x128xf32>
    %get3A_14 = arith.constant 0 : index
    %get3A_15 = arith.constant 0 : index
    %get3A_16 = vector.load %arg1[%get3A_14, %get3A_15] : memref<1000x128xf32, #tpu.memory_space<vmem>>, vector<1000x128xf32>
    %get3A_17 = arith.constant 0 : index
    %get3A_18 = arith.constant 0 : index
    %get3A_19 = vector.load %arg6[%get3A_17, %get3A_18] : memref<128x128xf32, #tpu.memory_space<vmem>>, vector<128x128xf32>
    %dot_general3A = arith.constant dense<0.000000e+00> : vector<1000x128xf32>
    %dot_general3A_20 = tpu.matmul %get3A_16, %get3A_19, %dot_general3A {dimension_numbers = #tpu.dot_dimension_numbers<[1], [0], [0], [1], [0, 0, 1, 1], [], []>, transpose_lhs_hint = false} : vector<1000x128xf32>, vector<128x128xf32>, vector<1000x128xf32> -> vector<1000x128xf32>
    %get3A_21 = arith.constant 0 : index
    %get3A_22 = arith.constant 0 : index
    %get3A_23 = vector.load %arg7[%get3A_21, %get3A_22] : memref<128x128xf32, #tpu.memory_space<vmem>>, vector<128x128xf32>
    %dot_general3A_24 = arith.constant dense<0.000000e+00> : vector<1000x128xf32>
    %dot_general3A_25 = tpu.matmul %div3A_13, %get3A_23, %dot_general3A_24 {dimension_numbers = #tpu.dot_dimension_numbers<[1], [0], [0], [1], [0, 0, 1, 1], [], []>, transpose_lhs_hint = false} : vector<1000x128xf32>, vector<128x128xf32>, vector<1000x128xf32> -> vector<1000x128xf32>
    %add3A_26 = arith.addf %dot_general3A_20, %dot_general3A_25 : vector<1000x128xf32>
    %get3A_27 = arith.constant 0 : index
    %get3A_28 = arith.constant 0 : index
    %get3A_29 = vector.load %arg8[%get3A_27, %get3A_28] : memref<1x128xf32, #tpu.memory_space<vmem>>, vector<1x128xf32>
    %add3A_30 = vector.broadcast %get3A_29 : vector<1x128xf32> to vector<1000x128xf32>
    %add3A_31 = arith.addf %add3A_26, %add3A_30 : vector<1000x128xf32>
    %get3A_32 = arith.constant 0 : index
    %get3A_33 = arith.constant 0 : index
    %get3A_34 = vector.load %arg9[%get3A_32, %get3A_33] : memref<1x128xf32, #tpu.memory_space<vmem>>, vector<1x128xf32>
    %get3A_35 = arith.constant 0 : index
    %get3A_36 = arith.constant 0 : index
    %get3A_37 = vector.load %arg10[%get3A_35, %get3A_36] : memref<1x128xf32, #tpu.memory_space<vmem>>, vector<1x128xf32>
    %reduce_sum3A = arith.constant dense<0.000000e+00> : vector<1000xf32>
    %reduce_sum3A_38 = vector.multi_reduction <add>, %add3A_31, %reduce_sum3A [1] : vector<1000x128xf32> to vector<1000xf32>
    %broadcast_in_dim3A = vector.shape_cast %reduce_sum3A_38 : vector<1000xf32> to vector<1000x1xf32>
    %div3A_39 = arith.constant 1.280000e+02 : f32
    %div3A_40 = vector.broadcast %div3A_39 : f32 to vector<1000x1xf32>
    %div3A_41 = arith.divf %broadcast_in_dim3A, %div3A_40 : vector<1000x1xf32>
    %sub3A = vector.broadcast %div3A_41 : vector<1000x1xf32> to vector<1000x128xf32>
    %sub3A_42 = arith.subf %add3A_31, %sub3A : vector<1000x128xf32>
    %integer_pow3A = arith.mulf %sub3A_42, %sub3A_42 : vector<1000x128xf32>
    %reduce_sum3A_43 = arith.constant dense<0.000000e+00> : vector<1000xf32>
    %reduce_sum3A_44 = vector.multi_reduction <add>, %integer_pow3A, %reduce_sum3A_43 [1] : vector<1000x128xf32> to vector<1000xf32>
    %broadcast_in_dim3A_45 = vector.shape_cast %reduce_sum3A_44 : vector<1000xf32> to vector<1000x1xf32>
    %div3A_46 = arith.constant 1.280000e+02 : f32
    %div3A_47 = vector.broadcast %div3A_46 : f32 to vector<1000x1xf32>
    %div3A_48 = arith.divf %broadcast_in_dim3A_45, %div3A_47 : vector<1000x1xf32>
    %sub3A_49 = vector.broadcast %div3A_41 : vector<1000x1xf32> to vector<1000x128xf32>
    %sub3A_50 = arith.subf %add3A_31, %sub3A_49 : vector<1000x128xf32>
    %add3A_51 = arith.constant 9.99999974E-6 : f32
    %add3A_52 = vector.broadcast %add3A_51 : f32 to vector<1000x1xf32>
    %add3A_53 = arith.addf %div3A_48, %add3A_52 : vector<1000x1xf32>
    %rsqrt3A = math.rsqrt %add3A_53 : vector<1000x1xf32>
    %mul3A = vector.broadcast %rsqrt3A : vector<1000x1xf32> to vector<1000x128xf32>
    %mul3A_54 = arith.mulf %sub3A_50, %mul3A : vector<1000x128xf32>
    %mul3A_55 = vector.broadcast %get3A_34 : vector<1x128xf32> to vector<1000x128xf32>
    %mul3A_56 = arith.mulf %mul3A_54, %mul3A_55 : vector<1000x128xf32>
    %add3A_57 = vector.broadcast %get3A_37 : vector<1x128xf32> to vector<1000x128xf32>
    %add3A_58 = arith.addf %mul3A_56, %add3A_57 : vector<1000x128xf32>
    %max3A_59 = arith.constant 0.000000e+00 : f32
    %max3A_60 = vector.broadcast %max3A_59 : f32 to vector<1000x128xf32>
    %max3A_61 = arith.maximumf %add3A_58, %max3A_60 : vector<1000x128xf32>
    %swap3A = arith.constant 0 : index
    %swap3A_62 = arith.constant 0 : index
    %swap3A_63 = vector.load %arg11[%swap3A, %swap3A_62] : memref<1000x128xf32, #tpu.memory_space<vmem>>, vector<1000x128xf32>
    tpu.vector_store %arg11[%swap3A, %swap3A_62], %max3A_61 {strides = array<i32>} : memref<1000x128xf32, #tpu.memory_space<vmem>>, vector<1000x128xf32>,
    return
  }
  func.func @transform_0(%arg0: i32) -> (i32, i32) {
    %c0_i32 = arith.constant 0 : i32
    %c0_i32_0 = arith.constant 0 : i32
    return %arg0, %c0_i32 : i32, i32
  }
  func.func @transform_1(%arg0: i32) -> (i32, i32) {
    %c0_i32 = arith.constant 0 : i32
    %c0_i32_0 = arith.constant 0 : i32
    return %arg0, %c0_i32 : i32, i32
  }
  func.func @transform_2(%arg0: i32) -> (i32, i32) {
    %c0_i32 = arith.constant 0 : i32
    %c0_i32_0 = arith.constant 0 : i32
    return %arg0, %c0_i32 : i32, i32
  }
  func.func @transform_3(%arg0: i32) -> (i32, i32) {
    %c0_i32 = arith.constant 0 : i32
    %c0_i32_0 = arith.constant 0 : i32
    return %arg0, %c0_i32 : i32, i32
  }
  func.func @transform_4(%arg0: i32) -> (i32, i32) {
    %c0_i32 = arith.constant 0 : i32
    %c0_i32_0 = arith.constant 0 : i32
    return %arg0, %c0_i32 : i32, i32
  }
  func.func @transform_5(%arg0: i32) -> (i32, i32) {
    %c0_i32 = arith.constant 0 : i32
    %c0_i32_0 = arith.constant 0 : i32
    %c0_i32_1 = arith.constant 0 : i32
    return %c0_i32, %c0_i32_0 : i32, i32
  }
  func.func @transform_6(%arg0: i32) -> (i32, i32) {
    %c0_i32 = arith.constant 0 : i32
    %c0_i32_0 = arith.constant 0 : i32
    %c0_i32_1 = arith.constant 0 : i32
    return %c0_i32, %c0_i32_0 : i32, i32
  }
  func.func @transform_7(%arg0: i32) -> (i32, i32) {
    %c0_i32 = arith.constant 0 : i32
    %c0_i32_0 = arith.constant 0 : i32
    %c0_i32_1 = arith.constant 0 : i32
    return %c0_i32, %c0_i32_0 : i32, i32
  }
  func.func @transform_8(%arg0: i32) -> (i32, i32) {
    %c0_i32 = arith.constant 0 : i32
    %c0_i32_0 = arith.constant 0 : i32
    %c0_i32_1 = arith.constant 0 : i32
    return %c0_i32, %c0_i32_0 : i32, i32
  }
  func.func @transform_9(%arg0: i32) -> (i32, i32) {
    %c0_i32 = arith.constant 0 : i32
    %c0_i32_0 = arith.constant 0 : i32
    %c0_i32_1 = arith.constant 0 : i32
    return %c0_i32, %c0_i32_0 : i32, i32
  }
  func.func @transform_10(%arg0: i32) -> (i32, i32) {
    %c0_i32 = arith.constant 0 : i32
    %c0_i32_0 = arith.constant 0 : i32
    return %arg0, %c0_i32 : i32, i32
  }
}

module attributes {stable_mosaic.version = 14 : i64} {
  func.func @_sage_pool_kernel(%arg0: i32, %arg1: memref<1000x128xf32, #tpu.memory_space<vmem>>, %arg2: memref<1000x128xf32, #tpu.memory_space<vmem>>, %arg3: memref<1000x128xf32, #tpu.memory_space<vmem>>, %arg4: memref<1000x1xf32, #tpu.memory_space<vmem>>, %arg5: memref<1000x1xf32, #tpu.memory_space<vmem>>, %arg6: memref<128x128xf32, #tpu.memory_space<vmem>>, %arg7: memref<128x128xf32, #tpu.memory_space<vmem>>, %arg8: memref<1x128xf32, #tpu.memory_space<vmem>>, %arg9: memref<1x128xf32, #tpu.memory_space<vmem>>, %arg10: memref<1x128xf32, #tpu.memory_space<vmem>>, %arg11: memref<1x1000x1xi32, #tpu.memory_space<vmem>>, %arg12: memref<1000x128xf32, #tpu.memory_space<vmem>>, %arg13: memref<8x256xf32, #tpu.memory_space<vmem>>, %arg14: memref<8x128xf32, #tpu.memory_space<vmem>>, %arg15: memref<8x128xf32, #tpu.memory_space<vmem>>, %arg16: memref<8x128xf32, #tpu.memory_space<vmem>>) attributes {dimension_semantics = [#tpu.dimension_semantics<arbitrary>], iteration_bounds = array<i64: 10>, scalar_prefetch = 0 : i64, scratch_operands = 3 : i64, tpu.core_type = #tpu.core_type<tc>, window_params = [{transform_indices = @transform_0, window_bounds = array<i64: 1000, 128>}, {transform_indices = @transform_1, window_bounds = array<i64: 1000, 128>}, {transform_indices = @transform_2, window_bounds = array<i64: 1000, 128>}, {transform_indices = @transform_3, window_bounds = array<i64: 1000, 1>}, {transform_indices = @transform_4, window_bounds = array<i64: 1000, 1>}, {pipeline_mode = #tpu.pipeline_mode<synchronous>, transform_indices = @transform_5, window_bounds = array<i64: 128, 128>}, {pipeline_mode = #tpu.pipeline_mode<synchronous>, transform_indices = @transform_6, window_bounds = array<i64: 128, 128>}, {pipeline_mode = #tpu.pipeline_mode<synchronous>, transform_indices = @transform_7, window_bounds = array<i64: 1, 128>}, {pipeline_mode = #tpu.pipeline_mode<synchronous>, transform_indices = @transform_8, window_bounds = array<i64: 1, 128>}, {pipeline_mode = #tpu.pipeline_mode<synchronous>, transform_indices = @transform_9, window_bounds = array<i64: 1, 128>}, {transform_indices = @transform_10, window_bounds = array<i64: 1, 1000, 1>}, {transform_indices = @transform_11, window_bounds = array<i64: 1000, 128>}, {pipeline_mode = #tpu.pipeline_mode<synchronous>, transform_indices = @transform_12, window_bounds = array<i64: 8, 256>}]} {
    %eq3A = arith.constant 0 : i32
    %eq3A_0 = arith.cmpi eq, %arg0, %eq3A : i32
    %convert_element_type3A = arith.extui %eq3A_0 : i1 to i32
    %cond3A = arith.constant 0 : i32
    %cond3A_1 = arith.cmpi ne, %convert_element_type3A, %cond3A : i32
    scf.if %cond3A_1 {
      %broadcast_in_dim3A_546 = arith.constant 0.000000e+00 : f32
      %broadcast_in_dim3A_547 = vector.broadcast %broadcast_in_dim3A_546 : f32 to vector<8x128xf32>
      %swap3A_548 = arith.constant 0 : index
      %swap3A_549 = arith.constant 0 : index
      %swap3A_550 = vector.load %arg14[%swap3A_548, %swap3A_549] : memref<8x128xf32, #tpu.memory_space<vmem>>, vector<8x128xf32>
      tpu.vector_store %arg14[%swap3A_548, %swap3A_549], %broadcast_in_dim3A_547 {strides = array<i32>} : memref<8x128xf32, #tpu.memory_space<vmem>>, vector<8x128xf32>,
      %broadcast_in_dim3A_551 = arith.constant 0.000000e+00 : f32
      %broadcast_in_dim3A_552 = vector.broadcast %broadcast_in_dim3A_551 : f32 to vector<8x128xf32>
      %swap3A_553 = arith.constant 0 : index
      %swap3A_554 = arith.constant 0 : index
      %swap3A_555 = vector.load %arg15[%swap3A_553, %swap3A_554] : memref<8x128xf32, #tpu.memory_space<vmem>>, vector<8x128xf32>
      tpu.vector_store %arg15[%swap3A_553, %swap3A_554], %broadcast_in_dim3A_552 {strides = array<i32>} : memref<8x128xf32, #tpu.memory_space<vmem>>, vector<8x128xf32>,
      %broadcast_in_dim3A_556 = arith.constant 0xFF800000 : f32
      %broadcast_in_dim3A_557 = vector.broadcast %broadcast_in_dim3A_556 : f32 to vector<8x128xf32>
      %swap3A_558 = arith.constant 0 : index
      %swap3A_559 = arith.constant 0 : index
      %swap3A_560 = vector.load %arg16[%swap3A_558, %swap3A_559] : memref<8x128xf32, #tpu.memory_space<vmem>>, vector<8x128xf32>
      tpu.vector_store %arg16[%swap3A_558, %swap3A_559], %broadcast_in_dim3A_557 {strides = array<i32>} : memref<8x128xf32, #tpu.memory_space<vmem>>, vector<8x128xf32>,
    } else {
    }
    %get3A = arith.constant 0 : index
    %get3A_2 = arith.constant 0 : index
    %get3A_3 = vector.load %arg4[%get3A, %get3A_2] : memref<1000x1xf32, #tpu.memory_space<vmem>>, vector<1000x1xf32>
    %get3A_4 = arith.constant 0 : index
    %get3A_5 = arith.constant 0 : index
    %get3A_6 = vector.load %arg5[%get3A_4, %get3A_5] : memref<1000x1xf32, #tpu.memory_space<vmem>>, vector<1000x1xf32>
    %add3A = arith.addf %get3A_3, %get3A_6 : vector<1000x1xf32>
    %jit3A = arith.constant 1.000000e+00 : f32
    %max3A = vector.broadcast %jit3A : f32 to vector<1000x1xf32>
    %max3A_7 = arith.maximumf %max3A, %add3A : vector<1000x1xf32>
    %get3A_8 = arith.constant 0 : index
    %get3A_9 = arith.constant 0 : index
    %get3A_10 = vector.load %arg2[%get3A_8, %get3A_9] : memref<1000x128xf32, #tpu.memory_space<vmem>>, vector<1000x128xf32>
    %get3A_11 = arith.constant 0 : index
    %get3A_12 = arith.constant 0 : index
    %get3A_13 = vector.load %arg3[%get3A_11, %get3A_12] : memref<1000x128xf32, #tpu.memory_space<vmem>>, vector<1000x128xf32>
    %add3A_14 = arith.addf %get3A_10, %get3A_13 : vector<1000x128xf32>
    %div3A = vector.broadcast %max3A_7 : vector<1000x1xf32> to vector<1000x128xf32>
    %div3A_15 = arith.divf %add3A_14, %div3A : vector<1000x128xf32>
    %get3A_16 = arith.constant 0 : index
    %get3A_17 = arith.constant 0 : index
    %get3A_18 = vector.load %arg1[%get3A_16, %get3A_17] : memref<1000x128xf32, #tpu.memory_space<vmem>>, vector<1000x128xf32>
    %get3A_19 = arith.constant 0 : index
    %get3A_20 = arith.constant 0 : index
    %get3A_21 = vector.load %arg6[%get3A_19, %get3A_20] : memref<128x128xf32, #tpu.memory_space<vmem>>, vector<128x128xf32>
    %dot_general3A = arith.constant dense<0.000000e+00> : vector<1000x128xf32>
    %dot_general3A_22 = tpu.matmul %get3A_18, %get3A_21, %dot_general3A {dimension_numbers = #tpu.dot_dimension_numbers<[1], [0], [0], [1], [0, 0, 1, 1], [], []>, transpose_lhs_hint = false} : vector<1000x128xf32>, vector<128x128xf32>, vector<1000x128xf32> -> vector<1000x128xf32>
    %get3A_23 = arith.constant 0 : index
    %get3A_24 = arith.constant 0 : index
    %get3A_25 = vector.load %arg7[%get3A_23, %get3A_24] : memref<128x128xf32, #tpu.memory_space<vmem>>, vector<128x128xf32>
    %dot_general3A_26 = arith.constant dense<0.000000e+00> : vector<1000x128xf32>
    %dot_general3A_27 = tpu.matmul %div3A_15, %get3A_25, %dot_general3A_26 {dimension_numbers = #tpu.dot_dimension_numbers<[1], [0], [0], [1], [0, 0, 1, 1], [], []>, transpose_lhs_hint = false} : vector<1000x128xf32>, vector<128x128xf32>, vector<1000x128xf32> -> vector<1000x128xf32>
    %add3A_28 = arith.addf %dot_general3A_22, %dot_general3A_27 : vector<1000x128xf32>
    %get3A_29 = arith.constant 0 : index
    %get3A_30 = arith.constant 0 : index
    %get3A_31 = vector.load %arg8[%get3A_29, %get3A_30] : memref<1x128xf32, #tpu.memory_space<vmem>>, vector<1x128xf32>
    %add3A_32 = vector.broadcast %get3A_31 : vector<1x128xf32> to vector<1000x128xf32>
    %add3A_33 = arith.addf %add3A_28, %add3A_32 : vector<1000x128xf32>
    %get3A_34 = arith.constant 0 : index
    %get3A_35 = arith.constant 0 : index
    %get3A_36 = vector.load %arg9[%get3A_34, %get3A_35] : memref<1x128xf32, #tpu.memory_space<vmem>>, vector<1x128xf32>
    %get3A_37 = arith.constant 0 : index
    %get3A_38 = arith.constant 0 : index
    %get3A_39 = vector.load %arg10[%get3A_37, %get3A_38] : memref<1x128xf32, #tpu.memory_space<vmem>>, vector<1x128xf32>
    %reduce_sum3A = arith.constant dense<0.000000e+00> : vector<1000xf32>
    %reduce_sum3A_40 = vector.multi_reduction <add>, %add3A_33, %reduce_sum3A [1] : vector<1000x128xf32> to vector<1000xf32>
    %broadcast_in_dim3A = vector.shape_cast %reduce_sum3A_40 : vector<1000xf32> to vector<1000x1xf32>
    %div3A_41 = arith.constant 1.280000e+02 : f32
    %div3A_42 = vector.broadcast %div3A_41 : f32 to vector<1000x1xf32>
    %div3A_43 = arith.divf %broadcast_in_dim3A, %div3A_42 : vector<1000x1xf32>
    %sub3A = vector.broadcast %div3A_43 : vector<1000x1xf32> to vector<1000x128xf32>
    %sub3A_44 = arith.subf %add3A_33, %sub3A : vector<1000x128xf32>
    %integer_pow3A = arith.mulf %sub3A_44, %sub3A_44 : vector<1000x128xf32>
    %reduce_sum3A_45 = arith.constant dense<0.000000e+00> : vector<1000xf32>
    %reduce_sum3A_46 = vector.multi_reduction <add>, %integer_pow3A, %reduce_sum3A_45 [1] : vector<1000x128xf32> to vector<1000xf32>
    %broadcast_in_dim3A_47 = vector.shape_cast %reduce_sum3A_46 : vector<1000xf32> to vector<1000x1xf32>
    %div3A_48 = arith.constant 1.280000e+02 : f32
    %div3A_49 = vector.broadcast %div3A_48 : f32 to vector<1000x1xf32>
    %div3A_50 = arith.divf %broadcast_in_dim3A_47, %div3A_49 : vector<1000x1xf32>
    %sub3A_51 = vector.broadcast %div3A_43 : vector<1000x1xf32> to vector<1000x128xf32>
    %sub3A_52 = arith.subf %add3A_33, %sub3A_51 : vector<1000x128xf32>
    %add3A_53 = arith.constant 9.99999974E-6 : f32
    %add3A_54 = vector.broadcast %add3A_53 : f32 to vector<1000x1xf32>
    %add3A_55 = arith.addf %div3A_50, %add3A_54 : vector<1000x1xf32>
    %rsqrt3A = math.rsqrt %add3A_55 : vector<1000x1xf32>
    %mul3A = vector.broadcast %rsqrt3A : vector<1000x1xf32> to vector<1000x128xf32>
    %mul3A_56 = arith.mulf %sub3A_52, %mul3A : vector<1000x128xf32>
    %mul3A_57 = vector.broadcast %get3A_36 : vector<1x128xf32> to vector<1000x128xf32>
    %mul3A_58 = arith.mulf %mul3A_56, %mul3A_57 : vector<1000x128xf32>
    %add3A_59 = vector.broadcast %get3A_39 : vector<1x128xf32> to vector<1000x128xf32>
    %add3A_60 = arith.addf %mul3A_58, %add3A_59 : vector<1000x128xf32>
    %max3A_61 = arith.constant 0.000000e+00 : f32
    %max3A_62 = vector.broadcast %max3A_61 : f32 to vector<1000x128xf32>
    %max3A_63 = arith.maximumf %add3A_60, %max3A_62 : vector<1000x128xf32>
    %swap3A = arith.constant 0 : index
    %swap3A_64 = arith.constant 0 : index
    %swap3A_65 = vector.load %arg12[%swap3A, %swap3A_64] : memref<1000x128xf32, #tpu.memory_space<vmem>>, vector<1000x128xf32>
    tpu.vector_store %arg12[%swap3A, %swap3A_64], %max3A_63 {strides = array<i32>} : memref<1000x128xf32, #tpu.memory_space<vmem>>, vector<1000x128xf32>,
    %get3A_66 = arith.constant 0 : index
    %get3A_67 = arith.constant 0 : index
    %get3A_68 = arith.constant 0 : index
    %get3A_69 = vector.load %arg11[%get3A_66, %get3A_67, %get3A_68] : memref<1x1000x1xi32, #tpu.memory_space<vmem>>, vector<1x1000x1xi32>
    %get3A_70 = vector.shape_cast %get3A_69 : vector<1x1000x1xi32> to vector<1000x1xi32>
    %eq3A_71 = arith.constant 0 : i32
    %eq3A_72 = vector.broadcast %eq3A_71 : i32 to vector<1000x1xi32>
    %eq3A_73 = arith.cmpi eq, %get3A_70, %eq3A_72 : vector<1000x1xi32>
    %get3A_74 = arith.constant 0 : index
    %get3A_75 = arith.constant 0 : index
    %get3A_76 = vector.load %arg14[%get3A_74, %get3A_75] : memref<8x128xf32, #tpu.memory_space<vmem>>, vector<1x128xf32>
    %get3A_77 = vector.shape_cast %get3A_76 : vector<1x128xf32> to vector<128xf32>
    %jit3A_78 = arith.constant 0.000000e+00 : f32
    %broadcast_in_dim3A_79 = vector.shape_cast %eq3A_73 : vector<1000x1xi1> to vector<1000x1xi1>
    %broadcast_in_dim3A_80 = vector.broadcast %broadcast_in_dim3A_79 : vector<1000x1xi1> to vector<1000x128xi1>
    %broadcast_in_dim3A_81 = vector.broadcast %jit3A_78 : f32 to vector<1000x128xf32>
    %select_n3A = arith.select %broadcast_in_dim3A_80, %max3A_63, %broadcast_in_dim3A_81 : vector<1000x128xi1>, vector<1000x128xf32>
    %reduce_sum3A_82 = arith.constant dense<0.000000e+00> : vector<128xf32>
    %reduce_sum3A_83 = vector.multi_reduction <add>, %select_n3A, %reduce_sum3A_82 [0] : vector<1000x128xf32> to vector<128xf32>
    %add3A_84 = arith.addf %get3A_77, %reduce_sum3A_83 : vector<128xf32>
    %swap3A_85 = arith.constant 0 : index
    %swap3A_86 = arith.constant 0 : index
    %swap3A_87 = vector.load %arg14[%swap3A_85, %swap3A_86] : memref<8x128xf32, #tpu.memory_space<vmem>>, vector<1x128xf32>
    %swap3A_88 = vector.shape_cast %swap3A_87 : vector<1x128xf32> to vector<128xf32>
    %swap3A_89 = vector.shape_cast %add3A_84 : vector<128xf32> to vector<1x128xf32>
    tpu.vector_store %arg14[%swap3A_85, %swap3A_86], %swap3A_89 {strides = array<i32>} : memref<8x128xf32, #tpu.memory_space<vmem>>, vector<1x128xf32>,
    %get3A_90 = arith.constant 0 : index
    %get3A_91 = arith.constant 0 : index
    %get3A_92 = vector.load %arg15[%get3A_90, %get3A_91] : memref<8x128xf32, #tpu.memory_space<vmem>>, vector<1x128xf32>
    %get3A_93 = vector.shape_cast %get3A_92 : vector<1x128xf32> to vector<128xf32>
    %jit3A_94 = arith.constant 1.000000e+00 : f32
    %jit3A_95 = arith.constant 0.000000e+00 : f32
    %broadcast_in_dim3A_96 = vector.broadcast %jit3A_94 : f32 to vector<1000x1xf32>
    %broadcast_in_dim3A_97 = vector.broadcast %jit3A_95 : f32 to vector<1000x1xf32>
    %select_n3A_98 = arith.select %eq3A_73, %broadcast_in_dim3A_96, %broadcast_in_dim3A_97 : vector<1000x1xi1>, vector<1000x1xf32>
    %broadcast_in_dim3A_99 = arith.constant 1.000000e+00 : f32
    %broadcast_in_dim3A_100 = vector.broadcast %broadcast_in_dim3A_99 : f32 to vector<1x128xf32>
    %mul3A_101 = vector.broadcast %select_n3A_98 : vector<1000x1xf32> to vector<1000x128xf32>
    %mul3A_102 = vector.broadcast %broadcast_in_dim3A_100 : vector<1x128xf32> to vector<1000x128xf32>
    %mul3A_103 = arith.mulf %mul3A_101, %mul3A_102 : vector<1000x128xf32>
    %reduce_sum3A_104 = arith.constant dense<0.000000e+00> : vector<128xf32>
    %reduce_sum3A_105 = vector.multi_reduction <add>, %mul3A_103, %reduce_sum3A_104 [0] : vector<1000x128xf32> to vector<128xf32>
    %add3A_106 = arith.addf %get3A_93, %reduce_sum3A_105 : vector<128xf32>
    %swap3A_107 = arith.constant 0 : index
    %swap3A_108 = arith.constant 0 : index
    %swap3A_109 = vector.load %arg15[%swap3A_107, %swap3A_108] : memref<8x128xf32, #tpu.memory_space<vmem>>, vector<1x128xf32>
    %swap3A_110 = vector.shape_cast %swap3A_109 : vector<1x128xf32> to vector<128xf32>
    %swap3A_111 = vector.shape_cast %add3A_106 : vector<128xf32> to vector<1x128xf32>
    tpu.vector_store %arg15[%swap3A_107, %swap3A_108], %swap3A_111 {strides = array<i32>} : memref<8x128xf32, #tpu.memory_space<vmem>>, vector<1x128xf32>,
    %get3A_112 = arith.constant 0 : index
    %get3A_113 = arith.constant 0 : index
    %get3A_114 = vector.load %arg16[%get3A_112, %get3A_113] : memref<8x128xf32, #tpu.memory_space<vmem>>, vector<1x128xf32>
    %get3A_115 = vector.shape_cast %get3A_114 : vector<1x128xf32> to vector<128xf32>
    %jit3A_116 = arith.constant 0xFF800000 : f32
    %broadcast_in_dim3A_117 = vector.shape_cast %eq3A_73 : vector<1000x1xi1> to vector<1000x1xi1>
    %broadcast_in_dim3A_118 = vector.broadcast %broadcast_in_dim3A_117 : vector<1000x1xi1> to vector<1000x128xi1>
    %broadcast_in_dim3A_119 = vector.broadcast %jit3A_116 : f32 to vector<1000x128xf32>
    %select_n3A_120 = arith.select %broadcast_in_dim3A_118, %max3A_63, %broadcast_in_dim3A_119 : vector<1000x128xi1>, vector<1000x128xf32>
    %reduce_max3A = arith.constant dense<0xFF800000> : vector<128xf32>
    %reduce_max3A_121 = vector.multi_reduction <maximumf>, %select_n3A_120, %reduce_max3A [0] : vector<1000x128xf32> to vector<128xf32>
    %max3A_122 = arith.maximumf %get3A_115, %reduce_max3A_121 : vector<128xf32>
    %swap3A_123 = arith.constant 0 : index
    %swap3A_124 = arith.constant 0 : index
    %swap3A_125 = vector.load %arg16[%swap3A_123, %swap3A_124] : memref<8x128xf32, #tpu.memory_space<vmem>>, vector<1x128xf32>
    %swap3A_126 = vector.shape_cast %swap3A_125 : vector<1x128xf32> to vector<128xf32>
    %swap3A_127 = vector.shape_cast %max3A_122 : vector<128xf32> to vector<1x128xf32>
    tpu.vector_store %arg16[%swap3A_123, %swap3A_124], %swap3A_127 {strides = array<i32>} : memref<8x128xf32, #tpu.memory_space<vmem>>, vector<1x128xf32>,
    %eq3A_128 = arith.constant 1 : i32
    %eq3A_129 = vector.broadcast %eq3A_128 : i32 to vector<1000x1xi32>
    %eq3A_130 = arith.cmpi eq, %get3A_70, %eq3A_129 : vector<1000x1xi32>
    %get3A_131 = arith.constant 1 : index
    %get3A_132 = arith.constant 0 : index
    %get3A_133 = vector.load %arg14[%get3A_131, %get3A_132] : memref<8x128xf32, #tpu.memory_space<vmem>>, vector<1x128xf32>
    %get3A_134 = vector.shape_cast %get3A_133 : vector<1x128xf32> to vector<128xf32>
    %jit3A_135 = arith.constant 0.000000e+00 : f32
    %broadcast_in_dim3A_136 = vector.shape_cast %eq3A_130 : vector<1000x1xi1> to vector<1000x1xi1>
    %broadcast_in_dim3A_137 = vector.broadcast %broadcast_in_dim3A_136 : vector<1000x1xi1> to vector<1000x128xi1>
    %broadcast_in_dim3A_138 = vector.broadcast %jit3A_135 : f32 to vector<1000x128xf32>
    %select_n3A_139 = arith.select %broadcast_in_dim3A_137, %max3A_63, %broadcast_in_dim3A_138 : vector<1000x128xi1>, vector<1000x128xf32>
    %reduce_sum3A_140 = arith.constant dense<0.000000e+00> : vector<128xf32>
    %reduce_sum3A_141 = vector.multi_reduction <add>, %select_n3A_139, %reduce_sum3A_140 [0] : vector<1000x128xf32> to vector<128xf32>
    %add3A_142 = arith.addf %get3A_134, %reduce_sum3A_141 : vector<128xf32>
    %swap3A_143 = arith.constant 1 : index
    %swap3A_144 = arith.constant 0 : index
    %swap3A_145 = vector.load %arg14[%swap3A_143, %swap3A_144] : memref<8x128xf32, #tpu.memory_space<vmem>>, vector<1x128xf32>
    %swap3A_146 = vector.shape_cast %swap3A_145 : vector<1x128xf32> to vector<128xf32>
    %swap3A_147 = vector.shape_cast %add3A_142 : vector<128xf32> to vector<1x128xf32>
    tpu.vector_store %arg14[%swap3A_143, %swap3A_144], %swap3A_147 {strides = array<i32>} : memref<8x128xf32, #tpu.memory_space<vmem>>, vector<1x128xf32>,
    %get3A_148 = arith.constant 1 : index
    %get3A_149 = arith.constant 0 : index
    %get3A_150 = vector.load %arg15[%get3A_148, %get3A_149] : memref<8x128xf32, #tpu.memory_space<vmem>>, vector<1x128xf32>
    %get3A_151 = vector.shape_cast %get3A_150 : vector<1x128xf32> to vector<128xf32>
    %jit3A_152 = arith.constant 1.000000e+00 : f32
    %jit3A_153 = arith.constant 0.000000e+00 : f32
    %broadcast_in_dim3A_154 = vector.broadcast %jit3A_152 : f32 to vector<1000x1xf32>
    %broadcast_in_dim3A_155 = vector.broadcast %jit3A_153 : f32 to vector<1000x1xf32>
    %select_n3A_156 = arith.select %eq3A_130, %broadcast_in_dim3A_154, %broadcast_in_dim3A_155 : vector<1000x1xi1>, vector<1000x1xf32>
    %broadcast_in_dim3A_157 = arith.constant 1.000000e+00 : f32
    %broadcast_in_dim3A_158 = vector.broadcast %broadcast_in_dim3A_157 : f32 to vector<1x128xf32>
    %mul3A_159 = vector.broadcast %select_n3A_156 : vector<1000x1xf32> to vector<1000x128xf32>
    %mul3A_160 = vector.broadcast %broadcast_in_dim3A_158 : vector<1x128xf32> to vector<1000x128xf32>
    %mul3A_161 = arith.mulf %mul3A_159, %mul3A_160 : vector<1000x128xf32>
    %reduce_sum3A_162 = arith.constant dense<0.000000e+00> : vector<128xf32>
    %reduce_sum3A_163 = vector.multi_reduction <add>, %mul3A_161, %reduce_sum3A_162 [0] : vector<1000x128xf32> to vector<128xf32>
    %add3A_164 = arith.addf %get3A_151, %reduce_sum3A_163 : vector<128xf32>
    %swap3A_165 = arith.constant 1 : index
    %swap3A_166 = arith.constant 0 : index
    %swap3A_167 = vector.load %arg15[%swap3A_165, %swap3A_166] : memref<8x128xf32, #tpu.memory_space<vmem>>, vector<1x128xf32>
    %swap3A_168 = vector.shape_cast %swap3A_167 : vector<1x128xf32> to vector<128xf32>
    %swap3A_169 = vector.shape_cast %add3A_164 : vector<128xf32> to vector<1x128xf32>
    tpu.vector_store %arg15[%swap3A_165, %swap3A_166], %swap3A_169 {strides = array<i32>} : memref<8x128xf32, #tpu.memory_space<vmem>>, vector<1x128xf32>,
    %get3A_170 = arith.constant 1 : index
    %get3A_171 = arith.constant 0 : index
    %get3A_172 = vector.load %arg16[%get3A_170, %get3A_171] : memref<8x128xf32, #tpu.memory_space<vmem>>, vector<1x128xf32>
    %get3A_173 = vector.shape_cast %get3A_172 : vector<1x128xf32> to vector<128xf32>
    %jit3A_174 = arith.constant 0xFF800000 : f32
    %broadcast_in_dim3A_175 = vector.shape_cast %eq3A_130 : vector<1000x1xi1> to vector<1000x1xi1>
    %broadcast_in_dim3A_176 = vector.broadcast %broadcast_in_dim3A_175 : vector<1000x1xi1> to vector<1000x128xi1>
    %broadcast_in_dim3A_177 = vector.broadcast %jit3A_174 : f32 to vector<1000x128xf32>
    %select_n3A_178 = arith.select %broadcast_in_dim3A_176, %max3A_63, %broadcast_in_dim3A_177 : vector<1000x128xi1>, vector<1000x128xf32>
    %reduce_max3A_179 = arith.constant dense<0xFF800000> : vector<128xf32>
    %reduce_max3A_180 = vector.multi_reduction <maximumf>, %select_n3A_178, %reduce_max3A_179 [0] : vector<1000x128xf32> to vector<128xf32>
    %max3A_181 = arith.maximumf %get3A_173, %reduce_max3A_180 : vector<128xf32>
    %swap3A_182 = arith.constant 1 : index
    %swap3A_183 = arith.constant 0 : index
    %swap3A_184 = vector.load %arg16[%swap3A_182, %swap3A_183] : memref<8x128xf32, #tpu.memory_space<vmem>>, vector<1x128xf32>
    %swap3A_185 = vector.shape_cast %swap3A_184 : vector<1x128xf32> to vector<128xf32>
    %swap3A_186 = vector.shape_cast %max3A_181 : vector<128xf32> to vector<1x128xf32>
    tpu.vector_store %arg16[%swap3A_182, %swap3A_183], %swap3A_186 {strides = array<i32>} : memref<8x128xf32, #tpu.memory_space<vmem>>, vector<1x128xf32>,
    %eq3A_187 = arith.constant 2 : i32
    %eq3A_188 = vector.broadcast %eq3A_187 : i32 to vector<1000x1xi32>
    %eq3A_189 = arith.cmpi eq, %get3A_70, %eq3A_188 : vector<1000x1xi32>
    %get3A_190 = arith.constant 2 : index
    %get3A_191 = arith.constant 0 : index
    %get3A_192 = vector.load %arg14[%get3A_190, %get3A_191] : memref<8x128xf32, #tpu.memory_space<vmem>>, vector<1x128xf32>
    %get3A_193 = vector.shape_cast %get3A_192 : vector<1x128xf32> to vector<128xf32>
    %jit3A_194 = arith.constant 0.000000e+00 : f32
    %broadcast_in_dim3A_195 = vector.shape_cast %eq3A_189 : vector<1000x1xi1> to vector<1000x1xi1>
    %broadcast_in_dim3A_196 = vector.broadcast %broadcast_in_dim3A_195 : vector<1000x1xi1> to vector<1000x128xi1>
    %broadcast_in_dim3A_197 = vector.broadcast %jit3A_194 : f32 to vector<1000x128xf32>
    %select_n3A_198 = arith.select %broadcast_in_dim3A_196, %max3A_63, %broadcast_in_dim3A_197 : vector<1000x128xi1>, vector<1000x128xf32>
    %reduce_sum3A_199 = arith.constant dense<0.000000e+00> : vector<128xf32>
    %reduce_sum3A_200 = vector.multi_reduction <add>, %select_n3A_198, %reduce_sum3A_199 [0] : vector<1000x128xf32> to vector<128xf32>
    %add3A_201 = arith.addf %get3A_193, %reduce_sum3A_200 : vector<128xf32>
    %swap3A_202 = arith.constant 2 : index
    %swap3A_203 = arith.constant 0 : index
    %swap3A_204 = vector.load %arg14[%swap3A_202, %swap3A_203] : memref<8x128xf32, #tpu.memory_space<vmem>>, vector<1x128xf32>
    %swap3A_205 = vector.shape_cast %swap3A_204 : vector<1x128xf32> to vector<128xf32>
    %swap3A_206 = vector.shape_cast %add3A_201 : vector<128xf32> to vector<1x128xf32>
    tpu.vector_store %arg14[%swap3A_202, %swap3A_203], %swap3A_206 {strides = array<i32>} : memref<8x128xf32, #tpu.memory_space<vmem>>, vector<1x128xf32>,
    %get3A_207 = arith.constant 2 : index
    %get3A_208 = arith.constant 0 : index
    %get3A_209 = vector.load %arg15[%get3A_207, %get3A_208] : memref<8x128xf32, #tpu.memory_space<vmem>>, vector<1x128xf32>
    %get3A_210 = vector.shape_cast %get3A_209 : vector<1x128xf32> to vector<128xf32>
    %jit3A_211 = arith.constant 1.000000e+00 : f32
    %jit3A_212 = arith.constant 0.000000e+00 : f32
    %broadcast_in_dim3A_213 = vector.broadcast %jit3A_211 : f32 to vector<1000x1xf32>
    %broadcast_in_dim3A_214 = vector.broadcast %jit3A_212 : f32 to vector<1000x1xf32>
    %select_n3A_215 = arith.select %eq3A_189, %broadcast_in_dim3A_213, %broadcast_in_dim3A_214 : vector<1000x1xi1>, vector<1000x1xf32>
    %broadcast_in_dim3A_216 = arith.constant 1.000000e+00 : f32
    %broadcast_in_dim3A_217 = vector.broadcast %broadcast_in_dim3A_216 : f32 to vector<1x128xf32>
    %mul3A_218 = vector.broadcast %select_n3A_215 : vector<1000x1xf32> to vector<1000x128xf32>
    %mul3A_219 = vector.broadcast %broadcast_in_dim3A_217 : vector<1x128xf32> to vector<1000x128xf32>
    %mul3A_220 = arith.mulf %mul3A_218, %mul3A_219 : vector<1000x128xf32>
    %reduce_sum3A_221 = arith.constant dense<0.000000e+00> : vector<128xf32>
    %reduce_sum3A_222 = vector.multi_reduction <add>, %mul3A_220, %reduce_sum3A_221 [0] : vector<1000x128xf32> to vector<128xf32>
    %add3A_223 = arith.addf %get3A_210, %reduce_sum3A_222 : vector<128xf32>
    %swap3A_224 = arith.constant 2 : index
    %swap3A_225 = arith.constant 0 : index
    %swap3A_226 = vector.load %arg15[%swap3A_224, %swap3A_225] : memref<8x128xf32, #tpu.memory_space<vmem>>, vector<1x128xf32>
    %swap3A_227 = vector.shape_cast %swap3A_226 : vector<1x128xf32> to vector<128xf32>
    %swap3A_228 = vector.shape_cast %add3A_223 : vector<128xf32> to vector<1x128xf32>
    tpu.vector_store %arg15[%swap3A_224, %swap3A_225], %swap3A_228 {strides = array<i32>} : memref<8x128xf32, #tpu.memory_space<vmem>>, vector<1x128xf32>,
    %get3A_229 = arith.constant 2 : index
    %get3A_230 = arith.constant 0 : index
    %get3A_231 = vector.load %arg16[%get3A_229, %get3A_230] : memref<8x128xf32, #tpu.memory_space<vmem>>, vector<1x128xf32>
    %get3A_232 = vector.shape_cast %get3A_231 : vector<1x128xf32> to vector<128xf32>
    %jit3A_233 = arith.constant 0xFF800000 : f32
    %broadcast_in_dim3A_234 = vector.shape_cast %eq3A_189 : vector<1000x1xi1> to vector<1000x1xi1>
    %broadcast_in_dim3A_235 = vector.broadcast %broadcast_in_dim3A_234 : vector<1000x1xi1> to vector<1000x128xi1>
    %broadcast_in_dim3A_236 = vector.broadcast %jit3A_233 : f32 to vector<1000x128xf32>
    %select_n3A_237 = arith.select %broadcast_in_dim3A_235, %max3A_63, %broadcast_in_dim3A_236 : vector<1000x128xi1>, vector<1000x128xf32>
    %reduce_max3A_238 = arith.constant dense<0xFF800000> : vector<128xf32>
    %reduce_max3A_239 = vector.multi_reduction <maximumf>, %select_n3A_237, %reduce_max3A_238 [0] : vector<1000x128xf32> to vector<128xf32>
    %max3A_240 = arith.maximumf %get3A_232, %reduce_max3A_239 : vector<128xf32>
    %swap3A_241 = arith.constant 2 : index
    %swap3A_242 = arith.constant 0 : index
    %swap3A_243 = vector.load %arg16[%swap3A_241, %swap3A_242] : memref<8x128xf32, #tpu.memory_space<vmem>>, vector<1x128xf32>
    %swap3A_244 = vector.shape_cast %swap3A_243 : vector<1x128xf32> to vector<128xf32>
    %swap3A_245 = vector.shape_cast %max3A_240 : vector<128xf32> to vector<1x128xf32>
    tpu.vector_store %arg16[%swap3A_241, %swap3A_242], %swap3A_245 {strides = array<i32>} : memref<8x128xf32, #tpu.memory_space<vmem>>, vector<1x128xf32>,
    %eq3A_246 = arith.constant 3 : i32
    %eq3A_247 = vector.broadcast %eq3A_246 : i32 to vector<1000x1xi32>
    %eq3A_248 = arith.cmpi eq, %get3A_70, %eq3A_247 : vector<1000x1xi32>
    %get3A_249 = arith.constant 3 : index
    %get3A_250 = arith.constant 0 : index
    %get3A_251 = vector.load %arg14[%get3A_249, %get3A_250] : memref<8x128xf32, #tpu.memory_space<vmem>>, vector<1x128xf32>
    %get3A_252 = vector.shape_cast %get3A_251 : vector<1x128xf32> to vector<128xf32>
    %jit3A_253 = arith.constant 0.000000e+00 : f32
    %broadcast_in_dim3A_254 = vector.shape_cast %eq3A_248 : vector<1000x1xi1> to vector<1000x1xi1>
    %broadcast_in_dim3A_255 = vector.broadcast %broadcast_in_dim3A_254 : vector<1000x1xi1> to vector<1000x128xi1>
    %broadcast_in_dim3A_256 = vector.broadcast %jit3A_253 : f32 to vector<1000x128xf32>
    %select_n3A_257 = arith.select %broadcast_in_dim3A_255, %max3A_63, %broadcast_in_dim3A_256 : vector<1000x128xi1>, vector<1000x128xf32>
    %reduce_sum3A_258 = arith.constant dense<0.000000e+00> : vector<128xf32>
    %reduce_sum3A_259 = vector.multi_reduction <add>, %select_n3A_257, %reduce_sum3A_258 [0] : vector<1000x128xf32> to vector<128xf32>
    %add3A_260 = arith.addf %get3A_252, %reduce_sum3A_259 : vector<128xf32>
    %swap3A_261 = arith.constant 3 : index
    %swap3A_262 = arith.constant 0 : index
    %swap3A_263 = vector.load %arg14[%swap3A_261, %swap3A_262] : memref<8x128xf32, #tpu.memory_space<vmem>>, vector<1x128xf32>
    %swap3A_264 = vector.shape_cast %swap3A_263 : vector<1x128xf32> to vector<128xf32>
    %swap3A_265 = vector.shape_cast %add3A_260 : vector<128xf32> to vector<1x128xf32>
    tpu.vector_store %arg14[%swap3A_261, %swap3A_262], %swap3A_265 {strides = array<i32>} : memref<8x128xf32, #tpu.memory_space<vmem>>, vector<1x128xf32>,
    %get3A_266 = arith.constant 3 : index
    %get3A_267 = arith.constant 0 : index
    %get3A_268 = vector.load %arg15[%get3A_266, %get3A_267] : memref<8x128xf32, #tpu.memory_space<vmem>>, vector<1x128xf32>
    %get3A_269 = vector.shape_cast %get3A_268 : vector<1x128xf32> to vector<128xf32>
    %jit3A_270 = arith.constant 1.000000e+00 : f32
    %jit3A_271 = arith.constant 0.000000e+00 : f32
    %broadcast_in_dim3A_272 = vector.broadcast %jit3A_270 : f32 to vector<1000x1xf32>
    %broadcast_in_dim3A_273 = vector.broadcast %jit3A_271 : f32 to vector<1000x1xf32>
    %select_n3A_274 = arith.select %eq3A_248, %broadcast_in_dim3A_272, %broadcast_in_dim3A_273 : vector<1000x1xi1>, vector<1000x1xf32>
    %broadcast_in_dim3A_275 = arith.constant 1.000000e+00 : f32
    %broadcast_in_dim3A_276 = vector.broadcast %broadcast_in_dim3A_275 : f32 to vector<1x128xf32>
    %mul3A_277 = vector.broadcast %select_n3A_274 : vector<1000x1xf32> to vector<1000x128xf32>
    %mul3A_278 = vector.broadcast %broadcast_in_dim3A_276 : vector<1x128xf32> to vector<1000x128xf32>
    %mul3A_279 = arith.mulf %mul3A_277, %mul3A_278 : vector<1000x128xf32>
    %reduce_sum3A_280 = arith.constant dense<0.000000e+00> : vector<128xf32>
    %reduce_sum3A_281 = vector.multi_reduction <add>, %mul3A_279, %reduce_sum3A_280 [0] : vector<1000x128xf32> to vector<128xf32>
    %add3A_282 = arith.addf %get3A_269, %reduce_sum3A_281 : vector<128xf32>
    %swap3A_283 = arith.constant 3 : index
    %swap3A_284 = arith.constant 0 : index
    %swap3A_285 = vector.load %arg15[%swap3A_283, %swap3A_284] : memref<8x128xf32, #tpu.memory_space<vmem>>, vector<1x128xf32>
    %swap3A_286 = vector.shape_cast %swap3A_285 : vector<1x128xf32> to vector<128xf32>
    %swap3A_287 = vector.shape_cast %add3A_282 : vector<128xf32> to vector<1x128xf32>
    tpu.vector_store %arg15[%swap3A_283, %swap3A_284], %swap3A_287 {strides = array<i32>} : memref<8x128xf32, #tpu.memory_space<vmem>>, vector<1x128xf32>,
    %get3A_288 = arith.constant 3 : index
    %get3A_289 = arith.constant 0 : index
    %get3A_290 = vector.load %arg16[%get3A_288, %get3A_289] : memref<8x128xf32, #tpu.memory_space<vmem>>, vector<1x128xf32>
    %get3A_291 = vector.shape_cast %get3A_290 : vector<1x128xf32> to vector<128xf32>
    %jit3A_292 = arith.constant 0xFF800000 : f32
    %broadcast_in_dim3A_293 = vector.shape_cast %eq3A_248 : vector<1000x1xi1> to vector<1000x1xi1>
    %broadcast_in_dim3A_294 = vector.broadcast %broadcast_in_dim3A_293 : vector<1000x1xi1> to vector<1000x128xi1>
    %broadcast_in_dim3A_295 = vector.broadcast %jit3A_292 : f32 to vector<1000x128xf32>
    %select_n3A_296 = arith.select %broadcast_in_dim3A_294, %max3A_63, %broadcast_in_dim3A_295 : vector<1000x128xi1>, vector<1000x128xf32>
    %reduce_max3A_297 = arith.constant dense<0xFF800000> : vector<128xf32>
    %reduce_max3A_298 = vector.multi_reduction <maximumf>, %select_n3A_296, %reduce_max3A_297 [0] : vector<1000x128xf32> to vector<128xf32>
    %max3A_299 = arith.maximumf %get3A_291, %reduce_max3A_298 : vector<128xf32>
    %swap3A_300 = arith.constant 3 : index
    %swap3A_301 = arith.constant 0 : index
    %swap3A_302 = vector.load %arg16[%swap3A_300, %swap3A_301] : memref<8x128xf32, #tpu.memory_space<vmem>>, vector<1x128xf32>
    %swap3A_303 = vector.shape_cast %swap3A_302 : vector<1x128xf32> to vector<128xf32>
    %swap3A_304 = vector.shape_cast %max3A_299 : vector<128xf32> to vector<1x128xf32>
    tpu.vector_store %arg16[%swap3A_300, %swap3A_301], %swap3A_304 {strides = array<i32>} : memref<8x128xf32, #tpu.memory_space<vmem>>, vector<1x128xf32>,
    %eq3A_305 = arith.constant 4 : i32
    %eq3A_306 = vector.broadcast %eq3A_305 : i32 to vector<1000x1xi32>
    %eq3A_307 = arith.cmpi eq, %get3A_70, %eq3A_306 : vector<1000x1xi32>
    %get3A_308 = arith.constant 4 : index
    %get3A_309 = arith.constant 0 : index
    %get3A_310 = vector.load %arg14[%get3A_308, %get3A_309] : memref<8x128xf32, #tpu.memory_space<vmem>>, vector<1x128xf32>
    %get3A_311 = vector.shape_cast %get3A_310 : vector<1x128xf32> to vector<128xf32>
    %jit3A_312 = arith.constant 0.000000e+00 : f32
    %broadcast_in_dim3A_313 = vector.shape_cast %eq3A_307 : vector<1000x1xi1> to vector<1000x1xi1>
    %broadcast_in_dim3A_314 = vector.broadcast %broadcast_in_dim3A_313 : vector<1000x1xi1> to vector<1000x128xi1>
    %broadcast_in_dim3A_315 = vector.broadcast %jit3A_312 : f32 to vector<1000x128xf32>
    %select_n3A_316 = arith.select %broadcast_in_dim3A_314, %max3A_63, %broadcast_in_dim3A_315 : vector<1000x128xi1>, vector<1000x128xf32>
    %reduce_sum3A_317 = arith.constant dense<0.000000e+00> : vector<128xf32>
    %reduce_sum3A_318 = vector.multi_reduction <add>, %select_n3A_316, %reduce_sum3A_317 [0] : vector<1000x128xf32> to vector<128xf32>
    %add3A_319 = arith.addf %get3A_311, %reduce_sum3A_318 : vector<128xf32>
    %swap3A_320 = arith.constant 4 : index
    %swap3A_321 = arith.constant 0 : index
    %swap3A_322 = vector.load %arg14[%swap3A_320, %swap3A_321] : memref<8x128xf32, #tpu.memory_space<vmem>>, vector<1x128xf32>
    %swap3A_323 = vector.shape_cast %swap3A_322 : vector<1x128xf32> to vector<128xf32>
    %swap3A_324 = vector.shape_cast %add3A_319 : vector<128xf32> to vector<1x128xf32>
    tpu.vector_store %arg14[%swap3A_320, %swap3A_321], %swap3A_324 {strides = array<i32>} : memref<8x128xf32, #tpu.memory_space<vmem>>, vector<1x128xf32>,
    %get3A_325 = arith.constant 4 : index
    %get3A_326 = arith.constant 0 : index
    %get3A_327 = vector.load %arg15[%get3A_325, %get3A_326] : memref<8x128xf32, #tpu.memory_space<vmem>>, vector<1x128xf32>
    %get3A_328 = vector.shape_cast %get3A_327 : vector<1x128xf32> to vector<128xf32>
    %jit3A_329 = arith.constant 1.000000e+00 : f32
    %jit3A_330 = arith.constant 0.000000e+00 : f32
    %broadcast_in_dim3A_331 = vector.broadcast %jit3A_329 : f32 to vector<1000x1xf32>
    %broadcast_in_dim3A_332 = vector.broadcast %jit3A_330 : f32 to vector<1000x1xf32>
    %select_n3A_333 = arith.select %eq3A_307, %broadcast_in_dim3A_331, %broadcast_in_dim3A_332 : vector<1000x1xi1>, vector<1000x1xf32>
    %broadcast_in_dim3A_334 = arith.constant 1.000000e+00 : f32
    %broadcast_in_dim3A_335 = vector.broadcast %broadcast_in_dim3A_334 : f32 to vector<1x128xf32>
    %mul3A_336 = vector.broadcast %select_n3A_333 : vector<1000x1xf32> to vector<1000x128xf32>
    %mul3A_337 = vector.broadcast %broadcast_in_dim3A_335 : vector<1x128xf32> to vector<1000x128xf32>
    %mul3A_338 = arith.mulf %mul3A_336, %mul3A_337 : vector<1000x128xf32>
    %reduce_sum3A_339 = arith.constant dense<0.000000e+00> : vector<128xf32>
    %reduce_sum3A_340 = vector.multi_reduction <add>, %mul3A_338, %reduce_sum3A_339 [0] : vector<1000x128xf32> to vector<128xf32>
    %add3A_341 = arith.addf %get3A_328, %reduce_sum3A_340 : vector<128xf32>
    %swap3A_342 = arith.constant 4 : index
    %swap3A_343 = arith.constant 0 : index
    %swap3A_344 = vector.load %arg15[%swap3A_342, %swap3A_343] : memref<8x128xf32, #tpu.memory_space<vmem>>, vector<1x128xf32>
    %swap3A_345 = vector.shape_cast %swap3A_344 : vector<1x128xf32> to vector<128xf32>
    %swap3A_346 = vector.shape_cast %add3A_341 : vector<128xf32> to vector<1x128xf32>
    tpu.vector_store %arg15[%swap3A_342, %swap3A_343], %swap3A_346 {strides = array<i32>} : memref<8x128xf32, #tpu.memory_space<vmem>>, vector<1x128xf32>,
    %get3A_347 = arith.constant 4 : index
    %get3A_348 = arith.constant 0 : index
    %get3A_349 = vector.load %arg16[%get3A_347, %get3A_348] : memref<8x128xf32, #tpu.memory_space<vmem>>, vector<1x128xf32>
    %get3A_350 = vector.shape_cast %get3A_349 : vector<1x128xf32> to vector<128xf32>
    %jit3A_351 = arith.constant 0xFF800000 : f32
    %broadcast_in_dim3A_352 = vector.shape_cast %eq3A_307 : vector<1000x1xi1> to vector<1000x1xi1>
    %broadcast_in_dim3A_353 = vector.broadcast %broadcast_in_dim3A_352 : vector<1000x1xi1> to vector<1000x128xi1>
    %broadcast_in_dim3A_354 = vector.broadcast %jit3A_351 : f32 to vector<1000x128xf32>
    %select_n3A_355 = arith.select %broadcast_in_dim3A_353, %max3A_63, %broadcast_in_dim3A_354 : vector<1000x128xi1>, vector<1000x128xf32>
    %reduce_max3A_356 = arith.constant dense<0xFF800000> : vector<128xf32>
    %reduce_max3A_357 = vector.multi_reduction <maximumf>, %select_n3A_355, %reduce_max3A_356 [0] : vector<1000x128xf32> to vector<128xf32>
    %max3A_358 = arith.maximumf %get3A_350, %reduce_max3A_357 : vector<128xf32>
    %swap3A_359 = arith.constant 4 : index
    %swap3A_360 = arith.constant 0 : index
    %swap3A_361 = vector.load %arg16[%swap3A_359, %swap3A_360] : memref<8x128xf32, #tpu.memory_space<vmem>>, vector<1x128xf32>
    %swap3A_362 = vector.shape_cast %swap3A_361 : vector<1x128xf32> to vector<128xf32>
    %swap3A_363 = vector.shape_cast %max3A_358 : vector<128xf32> to vector<1x128xf32>
    tpu.vector_store %arg16[%swap3A_359, %swap3A_360], %swap3A_363 {strides = array<i32>} : memref<8x128xf32, #tpu.memory_space<vmem>>, vector<1x128xf32>,
    %eq3A_364 = arith.constant 5 : i32
    %eq3A_365 = vector.broadcast %eq3A_364 : i32 to vector<1000x1xi32>
    %eq3A_366 = arith.cmpi eq, %get3A_70, %eq3A_365 : vector<1000x1xi32>
    %get3A_367 = arith.constant 5 : index
    %get3A_368 = arith.constant 0 : index
    %get3A_369 = vector.load %arg14[%get3A_367, %get3A_368] : memref<8x128xf32, #tpu.memory_space<vmem>>, vector<1x128xf32>
    %get3A_370 = vector.shape_cast %get3A_369 : vector<1x128xf32> to vector<128xf32>
    %jit3A_371 = arith.constant 0.000000e+00 : f32
    %broadcast_in_dim3A_372 = vector.shape_cast %eq3A_366 : vector<1000x1xi1> to vector<1000x1xi1>
    %broadcast_in_dim3A_373 = vector.broadcast %broadcast_in_dim3A_372 : vector<1000x1xi1> to vector<1000x128xi1>
    %broadcast_in_dim3A_374 = vector.broadcast %jit3A_371 : f32 to vector<1000x128xf32>
    %select_n3A_375 = arith.select %broadcast_in_dim3A_373, %max3A_63, %broadcast_in_dim3A_374 : vector<1000x128xi1>, vector<1000x128xf32>
    %reduce_sum3A_376 = arith.constant dense<0.000000e+00> : vector<128xf32>
    %reduce_sum3A_377 = vector.multi_reduction <add>, %select_n3A_375, %reduce_sum3A_376 [0] : vector<1000x128xf32> to vector<128xf32>
    %add3A_378 = arith.addf %get3A_370, %reduce_sum3A_377 : vector<128xf32>
    %swap3A_379 = arith.constant 5 : index
    %swap3A_380 = arith.constant 0 : index
    %swap3A_381 = vector.load %arg14[%swap3A_379, %swap3A_380] : memref<8x128xf32, #tpu.memory_space<vmem>>, vector<1x128xf32>
    %swap3A_382 = vector.shape_cast %swap3A_381 : vector<1x128xf32> to vector<128xf32>
    %swap3A_383 = vector.shape_cast %add3A_378 : vector<128xf32> to vector<1x128xf32>
    tpu.vector_store %arg14[%swap3A_379, %swap3A_380], %swap3A_383 {strides = array<i32>} : memref<8x128xf32, #tpu.memory_space<vmem>>, vector<1x128xf32>,
    %get3A_384 = arith.constant 5 : index
    %get3A_385 = arith.constant 0 : index
    %get3A_386 = vector.load %arg15[%get3A_384, %get3A_385] : memref<8x128xf32, #tpu.memory_space<vmem>>, vector<1x128xf32>
    %get3A_387 = vector.shape_cast %get3A_386 : vector<1x128xf32> to vector<128xf32>
    %jit3A_388 = arith.constant 1.000000e+00 : f32
    %jit3A_389 = arith.constant 0.000000e+00 : f32
    %broadcast_in_dim3A_390 = vector.broadcast %jit3A_388 : f32 to vector<1000x1xf32>
    %broadcast_in_dim3A_391 = vector.broadcast %jit3A_389 : f32 to vector<1000x1xf32>
    %select_n3A_392 = arith.select %eq3A_366, %broadcast_in_dim3A_390, %broadcast_in_dim3A_391 : vector<1000x1xi1>, vector<1000x1xf32>
    %broadcast_in_dim3A_393 = arith.constant 1.000000e+00 : f32
    %broadcast_in_dim3A_394 = vector.broadcast %broadcast_in_dim3A_393 : f32 to vector<1x128xf32>
    %mul3A_395 = vector.broadcast %select_n3A_392 : vector<1000x1xf32> to vector<1000x128xf32>
    %mul3A_396 = vector.broadcast %broadcast_in_dim3A_394 : vector<1x128xf32> to vector<1000x128xf32>
    %mul3A_397 = arith.mulf %mul3A_395, %mul3A_396 : vector<1000x128xf32>
    %reduce_sum3A_398 = arith.constant dense<0.000000e+00> : vector<128xf32>
    %reduce_sum3A_399 = vector.multi_reduction <add>, %mul3A_397, %reduce_sum3A_398 [0] : vector<1000x128xf32> to vector<128xf32>
    %add3A_400 = arith.addf %get3A_387, %reduce_sum3A_399 : vector<128xf32>
    %swap3A_401 = arith.constant 5 : index
    %swap3A_402 = arith.constant 0 : index
    %swap3A_403 = vector.load %arg15[%swap3A_401, %swap3A_402] : memref<8x128xf32, #tpu.memory_space<vmem>>, vector<1x128xf32>
    %swap3A_404 = vector.shape_cast %swap3A_403 : vector<1x128xf32> to vector<128xf32>
    %swap3A_405 = vector.shape_cast %add3A_400 : vector<128xf32> to vector<1x128xf32>
    tpu.vector_store %arg15[%swap3A_401, %swap3A_402], %swap3A_405 {strides = array<i32>} : memref<8x128xf32, #tpu.memory_space<vmem>>, vector<1x128xf32>,
    %get3A_406 = arith.constant 5 : index
    %get3A_407 = arith.constant 0 : index
    %get3A_408 = vector.load %arg16[%get3A_406, %get3A_407] : memref<8x128xf32, #tpu.memory_space<vmem>>, vector<1x128xf32>
    %get3A_409 = vector.shape_cast %get3A_408 : vector<1x128xf32> to vector<128xf32>
    %jit3A_410 = arith.constant 0xFF800000 : f32
    %broadcast_in_dim3A_411 = vector.shape_cast %eq3A_366 : vector<1000x1xi1> to vector<1000x1xi1>
    %broadcast_in_dim3A_412 = vector.broadcast %broadcast_in_dim3A_411 : vector<1000x1xi1> to vector<1000x128xi1>
    %broadcast_in_dim3A_413 = vector.broadcast %jit3A_410 : f32 to vector<1000x128xf32>
    %select_n3A_414 = arith.select %broadcast_in_dim3A_412, %max3A_63, %broadcast_in_dim3A_413 : vector<1000x128xi1>, vector<1000x128xf32>
    %reduce_max3A_415 = arith.constant dense<0xFF800000> : vector<128xf32>
    %reduce_max3A_416 = vector.multi_reduction <maximumf>, %select_n3A_414, %reduce_max3A_415 [0] : vector<1000x128xf32> to vector<128xf32>
    %max3A_417 = arith.maximumf %get3A_409, %reduce_max3A_416 : vector<128xf32>
    %swap3A_418 = arith.constant 5 : index
    %swap3A_419 = arith.constant 0 : index
    %swap3A_420 = vector.load %arg16[%swap3A_418, %swap3A_419] : memref<8x128xf32, #tpu.memory_space<vmem>>, vector<1x128xf32>
    %swap3A_421 = vector.shape_cast %swap3A_420 : vector<1x128xf32> to vector<128xf32>
    %swap3A_422 = vector.shape_cast %max3A_417 : vector<128xf32> to vector<1x128xf32>
    tpu.vector_store %arg16[%swap3A_418, %swap3A_419], %swap3A_422 {strides = array<i32>} : memref<8x128xf32, #tpu.memory_space<vmem>>, vector<1x128xf32>,
    %eq3A_423 = arith.constant 6 : i32
    %eq3A_424 = vector.broadcast %eq3A_423 : i32 to vector<1000x1xi32>
    %eq3A_425 = arith.cmpi eq, %get3A_70, %eq3A_424 : vector<1000x1xi32>
    %get3A_426 = arith.constant 6 : index
    %get3A_427 = arith.constant 0 : index
    %get3A_428 = vector.load %arg14[%get3A_426, %get3A_427] : memref<8x128xf32, #tpu.memory_space<vmem>>, vector<1x128xf32>
    %get3A_429 = vector.shape_cast %get3A_428 : vector<1x128xf32> to vector<128xf32>
    %jit3A_430 = arith.constant 0.000000e+00 : f32
    %broadcast_in_dim3A_431 = vector.shape_cast %eq3A_425 : vector<1000x1xi1> to vector<1000x1xi1>
    %broadcast_in_dim3A_432 = vector.broadcast %broadcast_in_dim3A_431 : vector<1000x1xi1> to vector<1000x128xi1>
    %broadcast_in_dim3A_433 = vector.broadcast %jit3A_430 : f32 to vector<1000x128xf32>
    %select_n3A_434 = arith.select %broadcast_in_dim3A_432, %max3A_63, %broadcast_in_dim3A_433 : vector<1000x128xi1>, vector<1000x128xf32>
    %reduce_sum3A_435 = arith.constant dense<0.000000e+00> : vector<128xf32>
    %reduce_sum3A_436 = vector.multi_reduction <add>, %select_n3A_434, %reduce_sum3A_435 [0] : vector<1000x128xf32> to vector<128xf32>
    %add3A_437 = arith.addf %get3A_429, %reduce_sum3A_436 : vector<128xf32>
    %swap3A_438 = arith.constant 6 : index
    %swap3A_439 = arith.constant 0 : index
    %swap3A_440 = vector.load %arg14[%swap3A_438, %swap3A_439] : memref<8x128xf32, #tpu.memory_space<vmem>>, vector<1x128xf32>
    %swap3A_441 = vector.shape_cast %swap3A_440 : vector<1x128xf32> to vector<128xf32>
    %swap3A_442 = vector.shape_cast %add3A_437 : vector<128xf32> to vector<1x128xf32>
    tpu.vector_store %arg14[%swap3A_438, %swap3A_439], %swap3A_442 {strides = array<i32>} : memref<8x128xf32, #tpu.memory_space<vmem>>, vector<1x128xf32>,
    %get3A_443 = arith.constant 6 : index
    %get3A_444 = arith.constant 0 : index
    %get3A_445 = vector.load %arg15[%get3A_443, %get3A_444] : memref<8x128xf32, #tpu.memory_space<vmem>>, vector<1x128xf32>
    %get3A_446 = vector.shape_cast %get3A_445 : vector<1x128xf32> to vector<128xf32>
    %jit3A_447 = arith.constant 1.000000e+00 : f32
    %jit3A_448 = arith.constant 0.000000e+00 : f32
    %broadcast_in_dim3A_449 = vector.broadcast %jit3A_447 : f32 to vector<1000x1xf32>
    %broadcast_in_dim3A_450 = vector.broadcast %jit3A_448 : f32 to vector<1000x1xf32>
    %select_n3A_451 = arith.select %eq3A_425, %broadcast_in_dim3A_449, %broadcast_in_dim3A_450 : vector<1000x1xi1>, vector<1000x1xf32>
    %broadcast_in_dim3A_452 = arith.constant 1.000000e+00 : f32
    %broadcast_in_dim3A_453 = vector.broadcast %broadcast_in_dim3A_452 : f32 to vector<1x128xf32>
    %mul3A_454 = vector.broadcast %select_n3A_451 : vector<1000x1xf32> to vector<1000x128xf32>
    %mul3A_455 = vector.broadcast %broadcast_in_dim3A_453 : vector<1x128xf32> to vector<1000x128xf32>
    %mul3A_456 = arith.mulf %mul3A_454, %mul3A_455 : vector<1000x128xf32>
    %reduce_sum3A_457 = arith.constant dense<0.000000e+00> : vector<128xf32>
    %reduce_sum3A_458 = vector.multi_reduction <add>, %mul3A_456, %reduce_sum3A_457 [0] : vector<1000x128xf32> to vector<128xf32>
    %add3A_459 = arith.addf %get3A_446, %reduce_sum3A_458 : vector<128xf32>
    %swap3A_460 = arith.constant 6 : index
    %swap3A_461 = arith.constant 0 : index
    %swap3A_462 = vector.load %arg15[%swap3A_460, %swap3A_461] : memref<8x128xf32, #tpu.memory_space<vmem>>, vector<1x128xf32>
    %swap3A_463 = vector.shape_cast %swap3A_462 : vector<1x128xf32> to vector<128xf32>
    %swap3A_464 = vector.shape_cast %add3A_459 : vector<128xf32> to vector<1x128xf32>
    tpu.vector_store %arg15[%swap3A_460, %swap3A_461], %swap3A_464 {strides = array<i32>} : memref<8x128xf32, #tpu.memory_space<vmem>>, vector<1x128xf32>,
    %get3A_465 = arith.constant 6 : index
    %get3A_466 = arith.constant 0 : index
    %get3A_467 = vector.load %arg16[%get3A_465, %get3A_466] : memref<8x128xf32, #tpu.memory_space<vmem>>, vector<1x128xf32>
    %get3A_468 = vector.shape_cast %get3A_467 : vector<1x128xf32> to vector<128xf32>
    %jit3A_469 = arith.constant 0xFF800000 : f32
    %broadcast_in_dim3A_470 = vector.shape_cast %eq3A_425 : vector<1000x1xi1> to vector<1000x1xi1>
    %broadcast_in_dim3A_471 = vector.broadcast %broadcast_in_dim3A_470 : vector<1000x1xi1> to vector<1000x128xi1>
    %broadcast_in_dim3A_472 = vector.broadcast %jit3A_469 : f32 to vector<1000x128xf32>
    %select_n3A_473 = arith.select %broadcast_in_dim3A_471, %max3A_63, %broadcast_in_dim3A_472 : vector<1000x128xi1>, vector<1000x128xf32>
    %reduce_max3A_474 = arith.constant dense<0xFF800000> : vector<128xf32>
    %reduce_max3A_475 = vector.multi_reduction <maximumf>, %select_n3A_473, %reduce_max3A_474 [0] : vector<1000x128xf32> to vector<128xf32>
    %max3A_476 = arith.maximumf %get3A_468, %reduce_max3A_475 : vector<128xf32>
    %swap3A_477 = arith.constant 6 : index
    %swap3A_478 = arith.constant 0 : index
    %swap3A_479 = vector.load %arg16[%swap3A_477, %swap3A_478] : memref<8x128xf32, #tpu.memory_space<vmem>>, vector<1x128xf32>
    %swap3A_480 = vector.shape_cast %swap3A_479 : vector<1x128xf32> to vector<128xf32>
    %swap3A_481 = vector.shape_cast %max3A_476 : vector<128xf32> to vector<1x128xf32>
    tpu.vector_store %arg16[%swap3A_477, %swap3A_478], %swap3A_481 {strides = array<i32>} : memref<8x128xf32, #tpu.memory_space<vmem>>, vector<1x128xf32>,
    %eq3A_482 = arith.constant 7 : i32
    %eq3A_483 = vector.broadcast %eq3A_482 : i32 to vector<1000x1xi32>
    %eq3A_484 = arith.cmpi eq, %get3A_70, %eq3A_483 : vector<1000x1xi32>
    %get3A_485 = arith.constant 7 : index
    %get3A_486 = arith.constant 0 : index
    %get3A_487 = vector.load %arg14[%get3A_485, %get3A_486] : memref<8x128xf32, #tpu.memory_space<vmem>>, vector<1x128xf32>
    %get3A_488 = vector.shape_cast %get3A_487 : vector<1x128xf32> to vector<128xf32>
    %jit3A_489 = arith.constant 0.000000e+00 : f32
    %broadcast_in_dim3A_490 = vector.shape_cast %eq3A_484 : vector<1000x1xi1> to vector<1000x1xi1>
    %broadcast_in_dim3A_491 = vector.broadcast %broadcast_in_dim3A_490 : vector<1000x1xi1> to vector<1000x128xi1>
    %broadcast_in_dim3A_492 = vector.broadcast %jit3A_489 : f32 to vector<1000x128xf32>
    %select_n3A_493 = arith.select %broadcast_in_dim3A_491, %max3A_63, %broadcast_in_dim3A_492 : vector<1000x128xi1>, vector<1000x128xf32>
    %reduce_sum3A_494 = arith.constant dense<0.000000e+00> : vector<128xf32>
    %reduce_sum3A_495 = vector.multi_reduction <add>, %select_n3A_493, %reduce_sum3A_494 [0] : vector<1000x128xf32> to vector<128xf32>
    %add3A_496 = arith.addf %get3A_488, %reduce_sum3A_495 : vector<128xf32>
    %swap3A_497 = arith.constant 7 : index
    %swap3A_498 = arith.constant 0 : index
    %swap3A_499 = vector.load %arg14[%swap3A_497, %swap3A_498] : memref<8x128xf32, #tpu.memory_space<vmem>>, vector<1x128xf32>
    %swap3A_500 = vector.shape_cast %swap3A_499 : vector<1x128xf32> to vector<128xf32>
    %swap3A_501 = vector.shape_cast %add3A_496 : vector<128xf32> to vector<1x128xf32>
    tpu.vector_store %arg14[%swap3A_497, %swap3A_498], %swap3A_501 {strides = array<i32>} : memref<8x128xf32, #tpu.memory_space<vmem>>, vector<1x128xf32>,
    %get3A_502 = arith.constant 7 : index
    %get3A_503 = arith.constant 0 : index
    %get3A_504 = vector.load %arg15[%get3A_502, %get3A_503] : memref<8x128xf32, #tpu.memory_space<vmem>>, vector<1x128xf32>
    %get3A_505 = vector.shape_cast %get3A_504 : vector<1x128xf32> to vector<128xf32>
    %jit3A_506 = arith.constant 1.000000e+00 : f32
    %jit3A_507 = arith.constant 0.000000e+00 : f32
    %broadcast_in_dim3A_508 = vector.broadcast %jit3A_506 : f32 to vector<1000x1xf32>
    %broadcast_in_dim3A_509 = vector.broadcast %jit3A_507 : f32 to vector<1000x1xf32>
    %select_n3A_510 = arith.select %eq3A_484, %broadcast_in_dim3A_508, %broadcast_in_dim3A_509 : vector<1000x1xi1>, vector<1000x1xf32>
    %broadcast_in_dim3A_511 = arith.constant 1.000000e+00 : f32
    %broadcast_in_dim3A_512 = vector.broadcast %broadcast_in_dim3A_511 : f32 to vector<1x128xf32>
    %mul3A_513 = vector.broadcast %select_n3A_510 : vector<1000x1xf32> to vector<1000x128xf32>
    %mul3A_514 = vector.broadcast %broadcast_in_dim3A_512 : vector<1x128xf32> to vector<1000x128xf32>
    %mul3A_515 = arith.mulf %mul3A_513, %mul3A_514 : vector<1000x128xf32>
    %reduce_sum3A_516 = arith.constant dense<0.000000e+00> : vector<128xf32>
    %reduce_sum3A_517 = vector.multi_reduction <add>, %mul3A_515, %reduce_sum3A_516 [0] : vector<1000x128xf32> to vector<128xf32>
    %add3A_518 = arith.addf %get3A_505, %reduce_sum3A_517 : vector<128xf32>
    %swap3A_519 = arith.constant 7 : index
    %swap3A_520 = arith.constant 0 : index
    %swap3A_521 = vector.load %arg15[%swap3A_519, %swap3A_520] : memref<8x128xf32, #tpu.memory_space<vmem>>, vector<1x128xf32>
    %swap3A_522 = vector.shape_cast %swap3A_521 : vector<1x128xf32> to vector<128xf32>
    %swap3A_523 = vector.shape_cast %add3A_518 : vector<128xf32> to vector<1x128xf32>
    tpu.vector_store %arg15[%swap3A_519, %swap3A_520], %swap3A_523 {strides = array<i32>} : memref<8x128xf32, #tpu.memory_space<vmem>>, vector<1x128xf32>,
    %get3A_524 = arith.constant 7 : index
    %get3A_525 = arith.constant 0 : index
    %get3A_526 = vector.load %arg16[%get3A_524, %get3A_525] : memref<8x128xf32, #tpu.memory_space<vmem>>, vector<1x128xf32>
    %get3A_527 = vector.shape_cast %get3A_526 : vector<1x128xf32> to vector<128xf32>
    %jit3A_528 = arith.constant 0xFF800000 : f32
    %broadcast_in_dim3A_529 = vector.shape_cast %eq3A_484 : vector<1000x1xi1> to vector<1000x1xi1>
    %broadcast_in_dim3A_530 = vector.broadcast %broadcast_in_dim3A_529 : vector<1000x1xi1> to vector<1000x128xi1>
    %broadcast_in_dim3A_531 = vector.broadcast %jit3A_528 : f32 to vector<1000x128xf32>
    %select_n3A_532 = arith.select %broadcast_in_dim3A_530, %max3A_63, %broadcast_in_dim3A_531 : vector<1000x128xi1>, vector<1000x128xf32>
    %reduce_max3A_533 = arith.constant dense<0xFF800000> : vector<128xf32>
    %reduce_max3A_534 = vector.multi_reduction <maximumf>, %select_n3A_532, %reduce_max3A_533 [0] : vector<1000x128xf32> to vector<128xf32>
    %max3A_535 = arith.maximumf %get3A_527, %reduce_max3A_534 : vector<128xf32>
    %swap3A_536 = arith.constant 7 : index
    %swap3A_537 = arith.constant 0 : index
    %swap3A_538 = vector.load %arg16[%swap3A_536, %swap3A_537] : memref<8x128xf32, #tpu.memory_space<vmem>>, vector<1x128xf32>
    %swap3A_539 = vector.shape_cast %swap3A_538 : vector<1x128xf32> to vector<128xf32>
    %swap3A_540 = vector.shape_cast %max3A_535 : vector<128xf32> to vector<1x128xf32>
    tpu.vector_store %arg16[%swap3A_536, %swap3A_537], %swap3A_540 {strides = array<i32>} : memref<8x128xf32, #tpu.memory_space<vmem>>, vector<1x128xf32>,
    %eq3A_541 = arith.constant 9 : i32
    %eq3A_542 = arith.cmpi eq, %arg0, %eq3A_541 : i32
    %convert_element_type3A_543 = arith.extui %eq3A_542 : i1 to i32
    %cond3A_544 = arith.constant 0 : i32
    %cond3A_545 = arith.cmpi ne, %convert_element_type3A_543, %cond3A_544 : i32
    scf.if %cond3A_545 {
      %get3A_546 = arith.constant 0 : index
      %get3A_547 = arith.constant 0 : index
      %get3A_548 = vector.load %arg14[%get3A_546, %get3A_547] : memref<8x128xf32, #tpu.memory_space<vmem>>, vector<8x128xf32>
      %get3A_549 = arith.constant 0 : index
      %get3A_550 = arith.constant 0 : index
      %get3A_551 = vector.load %arg15[%get3A_549, %get3A_550] : memref<8x128xf32, #tpu.memory_space<vmem>>, vector<8x128xf32>
      %jit3A_552 = arith.constant 1.000000e+00 : f32
      %max3A_553 = vector.broadcast %jit3A_552 : f32 to vector<8x128xf32>
      %max3A_554 = arith.maximumf %max3A_553, %get3A_551 : vector<8x128xf32>
      %div3A_555 = arith.divf %get3A_548, %max3A_554 : vector<8x128xf32>
      %swap3A_556 = arith.constant 0 : index
      %swap3A_557 = arith.constant 0 : index
      %swap3A_558 = vector.load %arg13[%swap3A_556, %swap3A_557] : memref<8x256xf32, #tpu.memory_space<vmem>>, vector<8x128xf32>
      tpu.vector_store %arg13[%swap3A_556, %swap3A_557], %div3A_555 {strides = array<i32>} : memref<8x256xf32, #tpu.memory_space<vmem>>, vector<8x128xf32>,
      %get3A_559 = arith.constant 0 : index
      %get3A_560 = arith.constant 0 : index
      %get3A_561 = vector.load %arg16[%get3A_559, %get3A_560] : memref<8x128xf32, #tpu.memory_space<vmem>>, vector<8x128xf32>
      %swap3A_562 = arith.constant 0 : index
      %swap3A_563 = arith.constant 128 : index
      %swap3A_564 = vector.load %arg13[%swap3A_562, %swap3A_563] : memref<8x256xf32, #tpu.memory_space<vmem>>, vector<8x128xf32>
      tpu.vector_store %arg13[%swap3A_562, %swap3A_563], %get3A_561 {strides = array<i32>} : memref<8x256xf32, #tpu.memory_space<vmem>>, vector<8x128xf32>,
    } else {
    }
    return
  }
  func.func @transform_0(%arg0: i32) -> (i32, i32) {
    %c0_i32 = arith.constant 0 : i32
    %c0_i32_0 = arith.constant 0 : i32
    return %arg0, %c0_i32 : i32, i32
  }
  func.func @transform_1(%arg0: i32) -> (i32, i32) {
    %c0_i32 = arith.constant 0 : i32
    %c0_i32_0 = arith.constant 0 : i32
    return %arg0, %c0_i32 : i32, i32
  }
  func.func @transform_2(%arg0: i32) -> (i32, i32) {
    %c0_i32 = arith.constant 0 : i32
    %c0_i32_0 = arith.constant 0 : i32
    return %arg0, %c0_i32 : i32, i32
  }
  func.func @transform_3(%arg0: i32) -> (i32, i32) {
    %c0_i32 = arith.constant 0 : i32
    %c0_i32_0 = arith.constant 0 : i32
    return %arg0, %c0_i32 : i32, i32
  }
  func.func @transform_4(%arg0: i32) -> (i32, i32) {
    %c0_i32 = arith.constant 0 : i32
    %c0_i32_0 = arith.constant 0 : i32
    return %arg0, %c0_i32 : i32, i32
  }
  func.func @transform_5(%arg0: i32) -> (i32, i32) {
    %c0_i32 = arith.constant 0 : i32
    %c0_i32_0 = arith.constant 0 : i32
    %c0_i32_1 = arith.constant 0 : i32
    return %c0_i32, %c0_i32_0 : i32, i32
  }
  func.func @transform_6(%arg0: i32) -> (i32, i32) {
    %c0_i32 = arith.constant 0 : i32
    %c0_i32_0 = arith.constant 0 : i32
    %c0_i32_1 = arith.constant 0 : i32
    return %c0_i32, %c0_i32_0 : i32, i32
  }
  func.func @transform_7(%arg0: i32) -> (i32, i32) {
    %c0_i32 = arith.constant 0 : i32
    %c0_i32_0 = arith.constant 0 : i32
    %c0_i32_1 = arith.constant 0 : i32
    return %c0_i32, %c0_i32_0 : i32, i32
  }
  func.func @transform_8(%arg0: i32) -> (i32, i32) {
    %c0_i32 = arith.constant 0 : i32
    %c0_i32_0 = arith.constant 0 : i32
    %c0_i32_1 = arith.constant 0 : i32
    return %c0_i32, %c0_i32_0 : i32, i32
  }
  func.func @transform_9(%arg0: i32) -> (i32, i32) {
    %c0_i32 = arith.constant 0 : i32
    %c0_i32_0 = arith.constant 0 : i32
    %c0_i32_1 = arith.constant 0 : i32
    return %c0_i32, %c0_i32_0 : i32, i32
  }
  func.func @transform_10(%arg0: i32) -> (i32, i32, i32) {
    %c0_i32 = arith.constant 0 : i32
    %c0_i32_0 = arith.constant 0 : i32
    %c0_i32_1 = arith.constant 0 : i32
    return %arg0, %c0_i32, %c0_i32_0 : i32, i32, i32
  }
  func.func @transform_11(%arg0: i32) -> (i32, i32) {
    %c0_i32 = arith.constant 0 : i32
    %c0_i32_0 = arith.constant 0 : i32
    return %arg0, %c0_i32 : i32, i32
  }
  func.func @transform_12(%arg0: i32) -> (i32, i32) {
    %c0_i32 = arith.constant 0 : i32
    %c0_i32_0 = arith.constant 0 : i32
    %c0_i32_1 = arith.constant 0 : i32
    return %c0_i32, %c0_i32_0 : i32, i32
  }
}

</mosaic_0001>

<sc_bundles>
// kernel: kernel.10.cloned.1.call-start
scs
__scs_entry_jumppad:
0x0: {  	(pc) =	sbr.rel $0x88, $3  }
0x1: {  	(tag) =	ssettag $0x0;
	lr =	simm.s32 $0x1  }
0x2: {  	[smem:$0x3F8E] =	sst lr;
	_ =	strace $0xD0000000  }
0x3: {  	_ = 	snop  }
0x4: {  	_ = 	snop  }
0x5: {  	_ = 	snop  }
0x6: {  	_ = 	snop  }
0x7: {  	_ = 	snop  }
__scs_overlays_trampoline_lowered:
0x8: {  	[smem:$0x3F9D] =	sst s0  }
0x9: {  	[smem:$0x3F9E] =	sst s1  }
0xa: {  	[smem:$0x3F9F] =	sst s2  }
0xb: {  	[smem:$0x3FA0] =	sst s3  }
0xc: {  	[smem:$0x3FA1] =	sst s4  }
0xd: {  	[smem:$0x3FA2] =	sst s5  }
0xe: {  	[smem:$0x3FA3] =	sst s6  }
0xf: {  	[smem:$0x3FA4] =	sst s7  }
0x10: {  	[smem:$0x3FA5] =	sst s8  }
0x11: {  	[smem:$0x3FA6] =	sst s9;
	s0 =	simm.s32 @!p0 $0x0  }
0x12: {  	s1 =	sld [smem:$0x3F8C];
	s0 =	simm.s32 @p0 $0x1  }
0x13: {  	[smem:$0x3FA7] =	sst s0;
	s0 =	simm.s32 @!p1 $0x0  }
0x14: {  	s2 =	sld [smem:$0x3F8B];
	s0 =	simm.s32 @p1 $0x1  }
0x15: {  	[smem:$0x3FA8] =	sst s0;
	s0 =	simm.s32 @!p2 $0x0  }
0x16: {  	s3 =	sld [smem:$0x3FDB];
	s0 =	simm.s32 @p2 $0x1  }
0x17: {  	s4 =	simm.s32 $0x1BF5;
	[smem:$0x3FAA] =	sst s0  }
0x18: {  	s0 =	sld [smem:$0x3F8D];
	_ =	swait.ge [sflag:s4], $0x0  }
0x19: {  	s7 =	sld [smem:$0x3F8E]  }
0x1a: {  	s8 =	sadd.s32 $0xFFFFE003, lr  }
0x1b: {  	s9 =	sadd.s32 $0xFFFFFEF7, lr;
	s5 =	simm.s32 $0xFFFFFFFF;
	p2 =	slt.u32 s8, $0xFFFFF086  }
0x1c: {  	p1 =	slt.u32 s9, $0xF7A;
	s5 =	simm.s32 @!p2 $0x0  }
0x1d: {  	s5 =	simm.s32 @p1 $0x1;
	p0 =	seq.s32 s7, s2  }
0x1e: {  	s7 =	smul.u32 @!p0 $0xF7A, s2;
	p2 =	seq.s32 @!p0 s5, $0x0  }
0x1f: {  	s9 =	smul.u32 $0xF7A, s1;
	s8 =	simm.s32 @!p0 $0x1BF5;
	p2 =	por !p2, p0  }
0x20: {  	[sflag:s8] =	ssyncset.s32 @!p0 $0xFFFFF086;
	s6 =	sadd.s32 @!p0 s3, s7;
	s7 =	simm.s32 @!p0 $0x108  }
0x21: {  	s3 =	sadd.s32 s3, s9;
	s6 =	sadd.s32 @!p0 $0x88, s6;
	s7 =	simm.s32 @p2 $0x1082  }
0x22: {  	[simem:s7], [sflag:s8] =	dma.local @!p0 [hbm:s6], $0xF7A  }
0x23: {  	s9 =	sor.u32 $0xD0000000, s2;
	s6 =	simm.s32 $0x108;
	_ =	swait.ge @!p0 [sflag:s8], $0x0  }
0x24: {  	s3 =	sadd.s32 $0x88, s3;
	s6 =	simm.s32 @!p1 $0x1082;
	[sflag:s4] =	ssyncset.s32 $0xFFFFF086  }
0x25: {  	[simem:s6], [sflag:s4] =	dma.local [hbm:s3], $0xF7A  }
0x26: {  	[smem:$0x3F8E] =	sst s1;
	(tag) =	ssettag s2;
	_ =	strace s9  }
0x27: {  	s1 =	sld [smem:$0x3F9E]  }
0x28: {  	s2 =	sld [smem:$0x3F9F]  }
0x29: {  	s4 =	sld [smem:$0x3FA1]  }
0x2a: {  	p0 =	seq.s32 s5, $0x0;
	s5 =	sld [smem:$0x3FA2]  }
0x2b: {  	s6 =	sld [smem:$0x3FA3]  }
0x2c: {  	s7 =	sld [smem:$0x3FA4]  }
0x2d: {  	s3 =	simm.s32 $0x108;
	s8 =	sld [smem:$0x3FA5]  }
0x2e: {  	s3 =	simm.s32 @!p0 $0x1082;
	s9 =	sld [smem:$0x3FA6]  }
0x2f: {  	lr =	sadd.s32 s0, s3;
	s0 =	sld [smem:$0x3F9D]  }
0x30: {  	s3 =	sld [smem:$0x3FA0]  }
0x31: {  	[smem:$0x3FA9] =	sst s10  }
0x32: {  	s10 =	sld [smem:$0x3FA7];
	_ =	sdelay $0x3  }
0x33: {  	p0 =	seq.s32 s10, $0x1;
	s10 =	sld [smem:$0x3FA9];
	_ =	sdelay $0x3  }
0x34: {  	[smem:$0x3FA9] =	sst s10  }
0x35: {  	s10 =	sld [smem:$0x3FA8];
	_ =	sdelay $0x3  }
0x36: {  	p1 =	seq.s32 s10, $0x1;
	s10 =	sld [smem:$0x3FA9];
	_ =	sdelay $0x3  }
0x37: {  	[smem:$0x3FA9] =	sst s10  }
0x38: {  	s10 =	sld [smem:$0x3FAA]  }
0x39: {  	_ = 	snop;
	(pc) =	sbr.ind lr, $3  }
0x3a: {  	_ = 	snop  }
0x3b: {  	_ = 	snop  }
0x3c: {  	p2 =	seq.s32 s10, $0x1;
	s10 =	sld [smem:$0x3FA9]  }
0x3d: {  	_ =	shalt  }
0x3e: {  	_ =	shalt  }
0x3f: {  	_ =	shalt  }
0x40: {  	_ =	shalt  }
0x41: {  	_ =	shalt  }
0x42: {  	_ =	shalt  }
0x43: {  	_ =	shalt  }
0x44: {  	_ =	shalt  }
0x45: {  	_ =	shalt  }
0x46: {  	_ =	shalt  }
0x47: {  	_ =	shalt  }
0x48: {  	_ =	shalt  }
0x49: {  	_ =	shalt  }
0x4a: {  	_ =	shalt  }
0x4b: {  	_ =	shalt  }
0x4c: {  	_ =	shalt  }
0x4d: {  	_ =	shalt  }
0x4e: {  	_ =	shalt  }
0x4f: {  	_ =	shalt  }
0x50: {  	_ =	shalt  }
0x51: {  	_ =	shalt  }
0x52: {  	_ =	shalt  }
0x53: {  	_ =	shalt  }
0x54: {  	_ =	shalt  }
0x55: {  	_ =	shalt  }
0x56: {  	_ =	shalt  }
0x57: {  	_ =	shalt  }
0x58: {  	_ =	shalt  }
0x59: {  	_ =	shalt  }
0x5a: {  	_ =	shalt  }
0x5b: {  	_ =	shalt  }
0x5c: {  	_ =	shalt  }
0x5d: {  	_ =	shalt  }
0x5e: {  	_ =	shalt  }
0x5f: {  	_ =	shalt  }
0x60: {  	_ =	shalt  }
0x61: {  	_ =	shalt  }
0x62: {  	_ =	shalt  }
0x63: {  	_ =	shalt  }
0x64: {  	_ =	shalt  }
0x65: {  	_ =	shalt  }
0x66: {  	_ =	shalt  }
0x67: {  	_ =	shalt  }
0x68: {  	_ =	shalt  }
0x69: {  	_ =	shalt  }
0x6a: {  	_ =	shalt  }
0x6b: {  	_ =	shalt  }
0x6c: {  	_ =	shalt  }
0x6d: {  	_ =	shalt  }
0x6e: {  	_ =	shalt  }
0x6f: {  	_ =	shalt  }
0x70: {  	_ =	shalt  }
0x71: {  	_ =	shalt  }
0x72: {  	_ =	shalt  }
0x73: {  	_ =	shalt  }
0x74: {  	_ =	shalt  }
0x75: {  	_ =	shalt  }
0x76: {  	_ =	shalt  }
0x77: {  	_ =	shalt  }
0x78: {  	_ =	shalt  }
0x79: {  	_ =	shalt  }
0x7a: {  	_ =	shalt  }
0x7b: {  	_ =	shalt  }
0x7c: {  	_ =	shalt  }
0x7d: {  	_ =	shalt  }
0x7e: {  	_ =	shalt  }
0x7f: {  	_ =	shalt  }
0x80: {  	_ =	shalt  }
0x81: {  	_ =	shalt  }
0x82: {  	_ =	shalt  }
0x83: {  	_ =	shalt  }
0x84: {  	_ =	shalt  }
0x85: {  	_ =	shalt  }
0x86: {  	_ =	shalt  }
0x87: {  	_ =	shalt  }
.Lfunc_end0:
.L_simem_size_0:
called_computation_lowered:
.L_overlay_start_0:
0x88: {  	s2 =	sld [smem:$0x3FD9]  }
0x89: {  	s3 =	sld [smem:$0x3FFE];
	_ =	sdelay $0x1  }
0x8a: {  	s1 =	srdreg.scid  }
0x8b: {  	s0 =	sand.u32 $0x1, s1  }
0x8c: {  	s16 =	sshll.u32 s0, $0xA;
	s2 =	sadd.s32 s3, s2  }
0x8d: {  	s2 =	sadd.s32 s2, s16  }
0x8e: {  	[smem:$0x3FB5] =	sst s2  }
0x8f: {  	_ = 	snop  }
0x90: {  	(tm) =	ssettm $0x1  }
0x91: {  	s17 =	sld [smem:$0x3FFB];
	_ =	sdelay $0x3  }
0x92: {  	_ =	strace s17  }
0x93: {  	s2 =	sld [smem:$0x3FFC];
	_ =	sdelay $0x3  }
0x94: {  	_ =	strace s2  }
0x95: {  	s2 =	sld [smem:$0x3FFD];
	_ =	sdelay $0x3  }
0x96: {  	_ =	strace s2  }
0x97: {  	_ =	strace $0x8FFFFFFF  }
0x98: {  	s18 =	sld [smem:$0x3FDB];
	_ =	sdelay $0x1  }
0x99: {  	s19 =	simm.s32 $_scs_section_size  }
0x9a: {  	s4 =	simm.s32 $_size__tile_overlayer_lowered;
	s5 =	simm.s32 $_tile_overlayer_lowered  }
0x9b: {  	s22 =	simm.s32 $0x1BFF;
	s21 =	sshll.u32 s5, $0x1;
	s2 =	sadd.s32 s19, s18  }
0x9c: {  	s6 =	simm.s32 $0x0;
	s20 =	sshll.u32 s4, $0x1;
	s4 =	sadd.s32 s21, s2  }
0x9d: {  	[timem:s6], [sflag:s22] =	dma.local [hbm:s4], s20  }
0x9e: {  	_ =	swait.ge [sflag:s22], s20  }
0x9f: {  	s3 =	ssub.s32 $0x0, s20;
	[sflag:s22] =	ssyncset.done $0x0  }
0xa0: {  	[sflag:s22] =	ssyncadd.s32 s3;
	_ =	sdelay $0x1  }
0xa1: {  	s23 =	simm.s32 $0x1B8B  }
0xa2: {  	_ =	swait.ge [sflag:s23], $0x1  }
0xa3: {  	[sflag:s23] =	ssyncset.done $0x0  }
0xa4: {  	s25 =	simm.s32 $0x1B8E;
	s24 =	sld [smem:$0x3FFE];
	[sflag:s23] =	ssyncadd.s32 $0xFFFFFFFF  }
0xa5: {  	s26 =	simm.s32 $execute0_lowered;
	[smem:$0x3FD2] =	sst s25  }
0xa6: {  	s4 =	sshll.u32 s26, $0x1;
	_ =	strace $0x80000046;
	[dreg:$0x1] =	wrdreg $0xFFFFFFFF  }
0xa7: {  	s28 =	simm.s32 $_size_execute0_lowered;
	s2 =	sadd.s32 s2, s4;
	[dreg:$0x0] =	wrdreg $0x0  }
0xa8: {  	s4 =	sshll.u32 s28, $0x1;
	[dreg:$0x2] =	wrdreg s2  }
0xa9: {  	[dreg:$0x3] =	wrdreg s4  }
0xaa: {  	[dreg:$0x4] =	wrdreg $0xC0  }
0xab: {  	_ =	task [dreg:s6], $0x5FFFF  }
0xac: {  	[dreg:$0x1] =	wrdreg $0xFFFFFFFF  }
0xad: {  	[dreg:$0x0] =	wrdreg $0x60  }
0xae: {  	[dreg:$0x2] =	wrdreg s24  }
0xaf: {  	[dreg:$0x3] =	wrdreg $0x40800  }
0xb0: {  	[dreg:$0x4] =	wrdreg $0x9  }
0xb1: {  	_ =	task.clear_ibuf [dreg:s6], $0x5FFFF;
	_ =	strace $0x90000046  }
0xb2: {  	s29 =	simm.s32 $0x9;
	_ =	strace $0x80000048  }
0xb3: {  	_ =	swait.ge [sflag:s29], $0x1  }
0xb4: {  	[sflag:s29] =	ssyncadd.s32 $0xFFFFFFFF  }
0xb5: {  	_ =	strace $0x90000048  }
0xb6: {  	_ =	sfence  }
0xb7: {  	s30 =	sld [smem:$0x0];
	_ =	sdelay $0x2  }
0xb8: {  	s31 =	sshll.u32 s1, $0xD;
	s1 =	sshrl.u32 s1, $0x2  }
0xb9: {  	s3 =	sand.u32 $0x4000, s31;
	s1 =	sadd.s32 s1, s30  }
0xba: {  	s0 =	sor.u32 s3, s0;
	s1 =	sshll.u32 s1, $0x11  }
0xbb: {  	s0 =	sor.u32 s1, s0  }
0xbc: {  	s0 =	sadd.s32 $0x8F2B, s0  }
0xbd: {  	[sflag:s0] =	ssyncadd.remote.s32 $0x1  }
0xbe: {  	_ =	sfence.sel $0xFFFF  }
0xbf: {  	[dreg:$0x0] =	wrdreg $0xFFFFFFFF;
	(pc) =	sbr.abs _section_cstart, $3  }
0xc0: {  	[dreg:$0x1] =	wrdreg $0xFFFFFFFF  }
0xc1: {  	_ =	task.clear_ibuf [dreg:s6], $0x2FFFF;
	_ =	strace $0x9FFFFFFF  }
0xc2: {  	(tm) =	ssettm $0x7FFFFFFF  }
0xc3: {  	_ =	shalt  }
tec
execute0_lowered:
.L_overlay_start_1:
0x0: {  	(tag) =	ssettag $0x1  }
0x1: {  	s4 =	rddreg [dreg:$0x0]  }
0x2: {  	s1 =	rddreg [dreg:$0x1]  }
0x3: {  	s0 =	rddreg [dreg:$0x2];
	s2 =	simm.s32 $0x0  }
0x4: {  	s6 =	stileid.u32;
	s3 =	srdreg.scid;
	s11 =	simm.s32 $0x0  }
0x5: {  	[smem:$0x7FF] =	sst s2;
	s5 =	sshll.u32 s6, $0xB;
	s7 =	sand.u32 $0x1, s3  }
0x6: {  	s3 =	sadd.s32 $0x16600, s4;
	p0 =	sne.s32 s6, $0x0;
	s5 =	sadd.s32 s5, s4  }
0x7: {  	s8 =	smul.u32 $0x4F0, s7;
	s9 =	ssub.s32 $0x2, s7;
	s7 =	sshll.u32 s7, $0xF  }
0x8: {  	_ =	strace $0x80000047;
	s10 =	sshrl.u32 s9, $0x1;
	s31 =	sadd.s32 s7, s5  }
0x9: {  	s7 =	sshrl.u32 @!p0 s1, $0x3;
	s8 =	sadd.s32 s8, s4;
	s9 =	ssub.s32 s9, s10  }
0xa: {  	s4 =	sadd.s32 $0x6600, s31;
	s10 =	simm.s32 $0x4000;
	s5 =	sadd.s32 $0x16C00, s8  }
0xb: {  	v0 =	vimm.f32 $1.000000000e+00;
	s6 =	smax.u32 s9, $0x1;
	s8 =	simm.s32 $0x1;
	s9 =	simm.s32 $0x50  }
.LBB2_1:
0xc: {  	s12 =	simm.s32 @!p0 $0x1C01  }
0xd: {  	[spmem:s7], [sflag:s12] =	dma.local @!p0 [hbm:s3], $0x4F0  }
0xe: {  	s12 =	simm.s32 @!p0 $0x1  }
0xf: {  	_ =	swait.ge @!p0 [sflag:s12], $0x4F0  }
0x10: {  	[sflag:s12] =	ssyncset.done @!p0 $0x0  }
0x11: {  	[sflag:s12] =	ssyncadd.s32 @!p0 $0xFFFFFB10  }
0x12: {  	[tilespmem:$0x4000] =	vst v0  }
0x13: {  	[tilespmem:$0x4010] =	vst v0  }
0x14: {  	[tilespmem:$0x4020] =	vst v0  }
0x15: {  	[tilespmem:$0x4030] =	vst v0  }
0x16: {  	[tilespmem:$0x4040] =	vst v0  }
0x17: {  	[tilespmem:s2], [sflag:$0x1] =	stream.linear.gather [hbm4b:s4+s2], $0x3E80, $0x38;
	[tilespmem:$0x42F8] =	vst v63  }
0x18: {  	_ =	swait.ge [sflag:s8], $0x3E80  }
0x19: {  	[sflag:s8] =	ssyncset.done $0x0  }
0x1a: {  	[sflag:s8] =	ssyncadd.s32 $0xFFFFC180  }
0x1b: {  	s31 =	simm.s32 $0x0;
	[bflag:$0x0] =	sbarrier.arrive $0xFFFF  }
0x1c: {  	[spmem:s1] =	stream.indirect.scatter.add.f32 [tilespmem:s10], [sflag:$0x1], $0x1, s31, s9, $0xb8;
	[tilespmem:$0x42F8] =	vst v63  }
0x1d: {  	_ =	swait.ge [sflag:s8], $0x50  }
0x1e: {  	s12 =	simm.s32 $0x200;
	[sflag:s8] =	ssyncset.done $0x0  }
.LBB2_2:
0x1f: {  	s13 =	sshra.s32 s12, $0x2;
	[sflag:s8] =	ssyncadd.s32 $0xFFFFFFB0;
	p1 =	sne.s32 s12, $0xF800  }
0x20: {  	[spmem:s1] =	stream.indirect.scatter.add.f32 [tilespmem:s10], [sflag:$0x1], $0x1, s13, s9, $0xb8;
	[tilespmem:$0x42F8] =	vst v63  }
.Ltmp0:
0x21: {  	_ = 	snop;
	(pc) =	sbr.rel @p1 .LBB2_2-.Ltmp0, $4  }
0x22: {  	_ = 	snop  }
0x23: {  	s12 =	sadd.s32 $0x200, s12  }
0x24: {  	_ =	swait.ge [sflag:s8], $0x50  }
0x25: {  	[sflag:s8] =	ssyncset.done $0x0  }
0x26: {  	[sflag:s8] =	ssyncadd.s32 $0xFFFFFFB0;
	s11 =	sadd.s32 $0x1, s11  }
0x27: {  	s12 =	simm.s32 @!p0 $0x1C01;
	[bflag:$0x0] =	sbarrier.arrive $0xFFFF;
	p1 =	sne.s32 s11, s6  }
0x28: {  	[hbm:s5], [sflag:s12] =	dma.local @!p0 [spmem:s7], $0x4F0  }
.Ltmp1:
0x29: {  	_ = 	snop;
	(pc) =	sbr.rel @p1 .LBB2_1-.Ltmp1, $4  }
0x2a: {  	s12 =	simm.s32 @!p0 $0x1  }
0x2b: {  	_ =	swait.ge @!p0 [sflag:s12], $0x4F0  }
0x2c: {  	[sflag:s12] =	ssyncset.done @!p0 $0x0  }
0x2d: {  	[sflag:s12] =	ssyncadd.s32 @!p0 $0xFFFFFB10  }
0x2e: {  	_ =	sfence.sel $0x180000  }
0x2f: {  	[bflag:$0x0] =	sbarrier.arrive $0xFFFF  }
0x30: {  	_ =	strace $0x90000047  }
0x31: {  	s0 =	sadd.s32 @!p0 $0x100000, s0;
	[bflag:$0x2] =	sbarrier.arrive $0xFFFF  }
0x32: {  	[sflag:s0] =	ssyncadd.tile.s32 @!p0 $0x1;
	_ =	shalt  }
.Lfunc_end2:
_tile_overlayer_lowered:
.L_overlay_start_2:
0x33: {  	(tag) =	ssettag $0x2  }
0x34: {  	s0 =	rddreg [dreg:$0x0];
	s2 =	stileid.u32  }
0x35: {  	s1 =	rddreg [dreg:$0x1];
	p0 =	sne.s32 s2, $0x0  }
0x36: {  	s3 =	rddreg [dreg:$0x2];
	[bflag:$0x3] =	sbarrier.arrive $0xFFFF;
	s2 =	simm.s32 @!p0 $0x1C01  }
0x37: {  	[timem:s3], [sflag:s2] =	dma.local @!p0 [hbm:s0], s1  }
0x38: {  	s0 =	simm.s32 @!p0 $0x1  }
0x39: {  	_ =	swait.ge @!p0 [sflag:s0], s1  }
0x3a: {  	s1 =	ssub.s32 @!p0 $0x0, s1;
	[sflag:s0] =	ssyncset.done @!p0 $0x0  }
0x3b: {  	[sflag:s0] =	ssyncadd.s32 @!p0 s1  }
0x3c: {  	[bflag:$0x3] =	sbarrier.arrive $0xFFFF  }
0x3d: {  	_ =	shalt  }

// kernel: kernel.13.cloned.1.call-start
scs
__scs_entry_jumppad:
0x0: {  	(pc) =	sbr.rel $0x88, $3  }
0x1: {  	(tag) =	ssettag $0x0;
	lr =	simm.s32 $0x1  }
0x2: {  	[smem:$0x3F8E] =	sst lr;
	_ =	strace $0xD0000000  }
0x3: {  	_ = 	snop  }
0x4: {  	_ = 	snop  }
0x5: {  	_ = 	snop  }
0x6: {  	_ = 	snop  }
0x7: {  	_ = 	snop  }
__scs_overlays_trampoline_lowered:
0x8: {  	[smem:$0x3F9D] =	sst s0  }
0x9: {  	[smem:$0x3F9E] =	sst s1  }
0xa: {  	[smem:$0x3F9F] =	sst s2  }
0xb: {  	[smem:$0x3FA0] =	sst s3  }
0xc: {  	[smem:$0x3FA1] =	sst s4  }
0xd: {  	[smem:$0x3FA2] =	sst s5  }
0xe: {  	[smem:$0x3FA3] =	sst s6  }
0xf: {  	[smem:$0x3FA4] =	sst s7  }
0x10: {  	[smem:$0x3FA5] =	sst s8  }
0x11: {  	[smem:$0x3FA6] =	sst s9;
	s0 =	simm.s32 @!p0 $0x0  }
0x12: {  	s1 =	sld [smem:$0x3F8C];
	s0 =	simm.s32 @p0 $0x1  }
0x13: {  	[smem:$0x3FA7] =	sst s0;
	s0 =	simm.s32 @!p1 $0x0  }
0x14: {  	s2 =	sld [smem:$0x3F8B];
	s0 =	simm.s32 @p1 $0x1  }
0x15: {  	[smem:$0x3FA8] =	sst s0;
	s0 =	simm.s32 @!p2 $0x0  }
0x16: {  	s3 =	sld [smem:$0x3FDB];
	s0 =	simm.s32 @p2 $0x1  }
0x17: {  	s4 =	simm.s32 $0x1BF5;
	[smem:$0x3FAA] =	sst s0  }
0x18: {  	s0 =	sld [smem:$0x3F8D];
	_ =	swait.ge [sflag:s4], $0x0  }
0x19: {  	s7 =	sld [smem:$0x3F8E]  }
0x1a: {  	s8 =	sadd.s32 $0xFFFFE003, lr  }
0x1b: {  	s9 =	sadd.s32 $0xFFFFFEF7, lr;
	s5 =	simm.s32 $0xFFFFFFFF;
	p2 =	slt.u32 s8, $0xFFFFF086  }
0x1c: {  	p1 =	slt.u32 s9, $0xF7A;
	s5 =	simm.s32 @!p2 $0x0  }
0x1d: {  	s5 =	simm.s32 @p1 $0x1;
	p0 =	seq.s32 s7, s2  }
0x1e: {  	s7 =	smul.u32 @!p0 $0xF7A, s2;
	p2 =	seq.s32 @!p0 s5, $0x0  }
0x1f: {  	s9 =	smul.u32 $0xF7A, s1;
	s8 =	simm.s32 @!p0 $0x1BF5;
	p2 =	por !p2, p0  }
0x20: {  	[sflag:s8] =	ssyncset.s32 @!p0 $0xFFFFF086;
	s6 =	sadd.s32 @!p0 s3, s7;
	s7 =	simm.s32 @!p0 $0x108  }
0x21: {  	s3 =	sadd.s32 s3, s9;
	s6 =	sadd.s32 @!p0 $0x88, s6;
	s7 =	simm.s32 @p2 $0x1082  }
0x22: {  	[simem:s7], [sflag:s8] =	dma.local @!p0 [hbm:s6], $0xF7A  }
0x23: {  	s9 =	sor.u32 $0xD0000000, s2;
	s6 =	simm.s32 $0x108;
	_ =	swait.ge @!p0 [sflag:s8], $0x0  }
0x24: {  	s3 =	sadd.s32 $0x88, s3;
	s6 =	simm.s32 @!p1 $0x1082;
	[sflag:s4] =	ssyncset.s32 $0xFFFFF086  }
0x25: {  	[simem:s6], [sflag:s4] =	dma.local [hbm:s3], $0xF7A  }
0x26: {  	[smem:$0x3F8E] =	sst s1;
	(tag) =	ssettag s2;
	_ =	strace s9  }
0x27: {  	s1 =	sld [smem:$0x3F9E]  }
0x28: {  	s2 =	sld [smem:$0x3F9F]  }
0x29: {  	s4 =	sld [smem:$0x3FA1]  }
0x2a: {  	p0 =	seq.s32 s5, $0x0;
	s5 =	sld [smem:$0x3FA2]  }
0x2b: {  	s6 =	sld [smem:$0x3FA3]  }
0x2c: {  	s7 =	sld [smem:$0x3FA4]  }
0x2d: {  	s3 =	simm.s32 $0x108;
	s8 =	sld [smem:$0x3FA5]  }
0x2e: {  	s3 =	simm.s32 @!p0 $0x1082;
	s9 =	sld [smem:$0x3FA6]  }
0x2f: {  	lr =	sadd.s32 s0, s3;
	s0 =	sld [smem:$0x3F9D]  }
0x30: {  	s3 =	sld [smem:$0x3FA0]  }
0x31: {  	[smem:$0x3FA9] =	sst s10  }
0x32: {  	s10 =	sld [smem:$0x3FA7];
	_ =	sdelay $0x3  }
0x33: {  	p0 =	seq.s32 s10, $0x1;
	s10 =	sld [smem:$0x3FA9];
	_ =	sdelay $0x3  }
0x34: {  	[smem:$0x3FA9] =	sst s10  }
0x35: {  	s10 =	sld [smem:$0x3FA8];
	_ =	sdelay $0x3  }
0x36: {  	p1 =	seq.s32 s10, $0x1;
	s10 =	sld [smem:$0x3FA9];
	_ =	sdelay $0x3  }
0x37: {  	[smem:$0x3FA9] =	sst s10  }
0x38: {  	s10 =	sld [smem:$0x3FAA]  }
0x39: {  	_ = 	snop;
	(pc) =	sbr.ind lr, $3  }
0x3a: {  	_ = 	snop  }
0x3b: {  	_ = 	snop  }
0x3c: {  	p2 =	seq.s32 s10, $0x1;
	s10 =	sld [smem:$0x3FA9]  }
0x3d: {  	_ =	shalt  }
0x3e: {  	_ =	shalt  }
0x3f: {  	_ =	shalt  }
0x40: {  	_ =	shalt  }
0x41: {  	_ =	shalt  }
0x42: {  	_ =	shalt  }
0x43: {  	_ =	shalt  }
0x44: {  	_ =	shalt  }
0x45: {  	_ =	shalt  }
0x46: {  	_ =	shalt  }
0x47: {  	_ =	shalt  }
0x48: {  	_ =	shalt  }
0x49: {  	_ =	shalt  }
0x4a: {  	_ =	shalt  }
0x4b: {  	_ =	shalt  }
0x4c: {  	_ =	shalt  }
0x4d: {  	_ =	shalt  }
0x4e: {  	_ =	shalt  }
0x4f: {  	_ =	shalt  }
0x50: {  	_ =	shalt  }
0x51: {  	_ =	shalt  }
0x52: {  	_ =	shalt  }
0x53: {  	_ =	shalt  }
0x54: {  	_ =	shalt  }
0x55: {  	_ =	shalt  }
0x56: {  	_ =	shalt  }
0x57: {  	_ =	shalt  }
0x58: {  	_ =	shalt  }
0x59: {  	_ =	shalt  }
0x5a: {  	_ =	shalt  }
0x5b: {  	_ =	shalt  }
0x5c: {  	_ =	shalt  }
0x5d: {  	_ =	shalt  }
0x5e: {  	_ =	shalt  }
0x5f: {  	_ =	shalt  }
0x60: {  	_ =	shalt  }
0x61: {  	_ =	shalt  }
0x62: {  	_ =	shalt  }
0x63: {  	_ =	shalt  }
0x64: {  	_ =	shalt  }
0x65: {  	_ =	shalt  }
0x66: {  	_ =	shalt  }
0x67: {  	_ =	shalt  }
0x68: {  	_ =	shalt  }
0x69: {  	_ =	shalt  }
0x6a: {  	_ =	shalt  }
0x6b: {  	_ =	shalt  }
0x6c: {  	_ =	shalt  }
0x6d: {  	_ =	shalt  }
0x6e: {  	_ =	shalt  }
0x6f: {  	_ =	shalt  }
0x70: {  	_ =	shalt  }
0x71: {  	_ =	shalt  }
0x72: {  	_ =	shalt  }
0x73: {  	_ =	shalt  }
0x74: {  	_ =	shalt  }
0x75: {  	_ =	shalt  }
0x76: {  	_ =	shalt  }
0x77: {  	_ =	shalt  }
0x78: {  	_ =	shalt  }
0x79: {  	_ =	shalt  }
0x7a: {  	_ =	shalt  }
0x7b: {  	_ =	shalt  }
0x7c: {  	_ =	shalt  }
0x7d: {  	_ =	shalt  }
0x7e: {  	_ =	shalt  }
0x7f: {  	_ =	shalt  }
0x80: {  	_ =	shalt  }
0x81: {  	_ =	shalt  }
0x82: {  	_ =	shalt  }
0x83: {  	_ =	shalt  }
0x84: {  	_ =	shalt  }
0x85: {  	_ =	shalt  }
0x86: {  	_ =	shalt  }
0x87: {  	_ =	shalt  }
.Lfunc_end0:
.L_simem_size_0:
called_computation.1_lowered:
.L_overlay_start_0:
0x88: {  	s2 =	sld [smem:$0x3FD9]  }
0x89: {  	s3 =	sld [smem:$0x3FFE];
	_ =	sdelay $0x1  }
0x8a: {  	s1 =	srdreg.scid  }
0x8b: {  	s0 =	sand.u32 $0x1, s1  }
0x8c: {  	s15 =	sshll.u32 s0, $0xA;
	s2 =	sadd.s32 s3, s2  }
0x8d: {  	s2 =	sadd.s32 s2, s15  }
0x8e: {  	[smem:$0x3FB5] =	sst s2  }
0x8f: {  	_ = 	snop  }
0x90: {  	s2 =	sld [smem:$0x3FD0];
	_ =	sdelay $0x2  }
0x91: {  	s16 =	simm.s32 $0xB;
	s4 =	simm.s32 $0x10  }
0x92: {  	[smem:s4], [sflag:s16] =	dma.local [hbm:s2], $0x1  }
0x93: {  	_ =	swait.eq [sflag:s16], $0x1  }
0x94: {  	[sflag:s16] =	ssyncset.done $0x0  }
0x95: {  	[sflag:s16] =	ssyncadd.s32 $0xFFFFFFFF  }
0x96: {  	s17 =	sld [smem:$0x10];
	(tm) =	ssettm $0x1  }
0x97: {  	s18 =	sld [smem:$0x3FFB];
	_ =	sdelay $0x3  }
0x98: {  	_ =	strace s18  }
0x99: {  	s2 =	sld [smem:$0x3FFC];
	_ =	sdelay $0x3  }
0x9a: {  	_ =	strace s2  }
0x9b: {  	s2 =	sld [smem:$0x3FFD];
	_ =	sdelay $0x3  }
0x9c: {  	_ =	strace s2  }
0x9d: {  	_ =	strace $0x8FFFFFFF  }
0x9e: {  	s19 =	sld [smem:$0x3FDB];
	_ =	sdelay $0x1  }
0x9f: {  	s20 =	simm.s32 $_scs_section_size  }
0xa0: {  	s5 =	simm.s32 $_size__tile_overlayer_lowered;
	s6 =	simm.s32 $_tile_overlayer_lowered  }
0xa1: {  	s7 =	simm.s32 $0x1BFF;
	s21 =	sshll.u32 s6, $0x1;
	s4 =	sadd.s32 s20, s19  }
0xa2: {  	s22 =	simm.s32 $0x0;
	s5 =	sshll.u32 s5, $0x1;
	s6 =	sadd.s32 s21, s4  }
0xa3: {  	[timem:s22], [sflag:s7] =	dma.local [hbm:s6], s5  }
0xa4: {  	_ =	swait.ge [sflag:s7], s5  }
0xa5: {  	s5 =	ssub.s32 $0x0, s5;
	[sflag:s7] =	ssyncset.done $0x0  }
0xa6: {  	[sflag:s7] =	ssyncadd.s32 s5;
	_ =	sdelay $0x1  }
0xa7: {  	s23 =	simm.s32 $0x1B8B  }
0xa8: {  	_ =	swait.ge [sflag:s23], $0x1  }
0xa9: {  	[sflag:s23] =	ssyncset.done $0x0  }
0xaa: {  	[sflag:s23] =	ssyncadd.s32 $0xFFFFFFFF  }
0xab: {  	s5 =	sld [smem:$0x0]  }
0xac: {  	s6 =	sand.u32 $0xFFFFFFFE, s1  }
0xad: {  	p0 =	sne.s32 s1, s6  }
0xae: {  	s6 =	sshll.u32 @p0 s6, $0xE  }
0xaf: {  	s6 =	sadd.s32 @p0 $0x11B8D, s6;
	s7 =	sshll.u32 @p0 s5, $0x11  }
0xb0: {  	s6 =	sor.u32 @p0 s7, s6  }
0xb1: {  	[sflag:s6] =	ssyncadd.remote.s32 @p0 $0x1;
	_ =	sdelay $0x1  }
0xb2: {  	s6 =	simm.s32 @p0 $0x1B8D  }
0xb3: {  	_ =	swait.eq @p0 [sflag:s6], $0x1  }
0xb4: {  	[sflag:s6] =	ssyncadd.s32 @p0 $0xFFFFFFFF  }
0xb5: {  	s7 =	sshll.u32 @!p0 s1, $0xE  }
0xb6: {  	s7 =	sor.u32 @!p0 $0x4000, s7;
	s6 =	simm.s32 @!p0 $0x1B8D  }
0xb7: {  	s5 =	sshll.u32 @!p0 s5, $0x11;
	s7 =	sadd.s32 @!p0 $0x11B8D, s7;
	_ =	swait.eq @!p0 [sflag:s6], $0x1  }
0xb8: {  	s5 =	sor.u32 @!p0 s5, s7;
	[sflag:s6] =	ssyncadd.s32 @!p0 $0xFFFFFFFF  }
0xb9: {  	s25 =	simm.s32 $0x1B8E;
	s24 =	sld [smem:$0x3FFE];
	[sflag:s5] =	ssyncadd.remote.s32 @!p0 $0x1  }
0xba: {  	s26 =	simm.s32 $execute0_lowered;
	[smem:$0x3FD2] =	sst s25  }
0xbb: {  	s6 =	sshll.u32 s26, $0x1;
	_ =	strace $0x80000049;
	[dreg:$0x1] =	wrdreg $0xFFFFFFFF  }
0xbc: {  	s28 =	simm.s32 $_size_execute0_lowered;
	s4 =	sadd.s32 s4, s6;
	[dreg:$0x0] =	wrdreg $0x0  }
0xbd: {  	s6 =	sshll.u32 s28, $0x1;
	[dreg:$0x2] =	wrdreg s4  }
0xbe: {  	[dreg:$0x3] =	wrdreg s6  }
0xbf: {  	[dreg:$0x4] =	wrdreg $0xC0  }
0xc0: {  	_ =	task [dreg:s22], $0x5FFFF  }
0xc1: {  	[dreg:$0x1] =	wrdreg $0xFFFFFFFF  }
0xc2: {  	[dreg:$0x0] =	wrdreg $0x60  }
0xc3: {  	[dreg:$0x2] =	wrdreg s17  }
0xc4: {  	[dreg:$0x3] =	wrdreg s24  }
0xc5: {  	[dreg:$0x4] =	wrdreg $0xA0000  }
0xc6: {  	[dreg:$0x5] =	wrdreg $0xA  }
0xc7: {  	_ =	task.clear_ibuf [dreg:s22], $0x6FFFF;
	_ =	strace $0x90000049  }
0xc8: {  	s29 =	simm.s32 $0xA;
	_ =	strace $0x8000004B  }
0xc9: {  	_ =	swait.ge [sflag:s29], $0x1  }
0xca: {  	[sflag:s29] =	ssyncadd.s32 $0xFFFFFFFF  }
0xcb: {  	_ =	strace $0x9000004B  }
0xcc: {  	_ =	sfence  }
0xcd: {  	s30 =	sld [smem:$0x0];
	_ =	sdelay $0x2  }
0xce: {  	s31 =	sshll.u32 s1, $0xD;
	s1 =	sshrl.u32 s1, $0x2  }
0xcf: {  	s4 =	sand.u32 $0x4000, s31;
	s1 =	sadd.s32 s1, s30  }
0xd0: {  	s0 =	sor.u32 s4, s0;
	s1 =	sshll.u32 s1, $0x11  }
0xd1: {  	s0 =	sor.u32 s1, s0  }
0xd2: {  	s0 =	sadd.s32 $0x8F2B, s0  }
0xd3: {  	[sflag:s0] =	ssyncadd.remote.s32 $0x1  }
0xd4: {  	_ =	sfence.sel $0xFFFF  }
0xd5: {  	[dreg:$0x0] =	wrdreg $0xFFFFFFFF;
	(pc) =	sbr.abs _section_cstart, $3  }
0xd6: {  	[dreg:$0x1] =	wrdreg $0xFFFFFFFF  }
0xd7: {  	_ =	task.clear_ibuf [dreg:s22], $0x2FFFF;
	_ =	strace $0x9FFFFFFF  }
0xd8: {  	(tm) =	ssettm $0x7FFFFFFF  }
0xd9: {  	_ =	shalt  }
tec
execute0_lowered:
.L_overlay_start_1:
0x0: {  	(tag) =	ssettag $0x1  }
0x1: {  	s2 =	rddreg [dreg:$0x0]  }
0x2: {  	s0 =	rddreg [dreg:$0x1]  }
0x3: {  	s3 =	rddreg [dreg:$0x2];
	s14 =	stileid.u32;
	s4 =	simm.s32 $0x0  }
0x4: {  	s5 =	srdreg.scid;
	s28 =	simm.s32 $0x200;
	s29 =	simm.s32 $0x3  }
0x5: {  	s30 =	simm.s32 $0x6C00;
	s31 =	simm.s32 $0x5;
	s1 =	smul.u32 $0x13800, s14  }
0x6: {  	[smem:$0x7FF] =	sst s4;
	s5 =	sand.u32 $0x1, s5;
	s7 =	sadd.s32 $0x17600, s0  }
0x7: {  	s11 =	smul.u32 $0x4E000, s14;
	s12 =	sadd.s32 $0x57A00, s0;
	s16 =	sshll.u32 s14, $0x6  }
0x8: {  	s20 =	smul.u32 $0x6400, s14;
	p0 =	sne.s32 s14, $0xF;
	_ =	strace $0x8000004A  }
0x9: {  	s8 =	ssub.s32 $0x2, s5;
	s10 =	sshll.u32 s5, $0x4;
	s17 =	smul.u32 $0x138800, s5  }
0xa: {  	s18 =	smul.u32 $0x64000, s5;
	s6 =	sshrl.u32 s1, $0x3;
	s9 =	sshrl.u32 s8, $0x1  }
0xb: {  	s13 =	sor.u32 s14, s10;
	s15 =	sshrl.u32 s11, $0x2;
	s6 =	sadd.s32 s6, s0  }
0xc: {  	s8 =	ssub.s32 s8, s9;
	s9 =	smul.u32 $0x6400, s13;
	s10 =	sadd.s32 s15, s3  }
0xd: {  	s13 =	sadd.s32 $0x138000, s3;
	s0 =	sadd.s32 $0x57600, s0;
	s1 =	sadd.s32 s1, s17  }
0xe: {  	s19 =	sshrl.u32 s17, $0x3;
	s17 =	simm.s32 $0xA;
	s6 =	sadd.s32 $0x30600, s6  }
0xf: {  	[dreg:$0x5] =	wrdreg s0;
	s1 =	sshrl.u32 s1, $0x3;
	s5 =	sadd.s32 s12, s19  }
0x10: {  	s0 =	sadd.s32 s20, s18;
	s23 =	smax.u32 s8, $0x1;
	s18 =	sshrl.u32 @!p0 s13, $0x3  }
0x11: {  	s19 =	simm.s32 $0x1;
	s20 =	simm.s32 $0x64;
	s8 =	simm.s32 $0x9  }
0x12: {  	[dreg:$0x4] =	wrdreg s6;
	s6 =	sor.u32 $0x1C0A, s16;
	s9 =	sshrl.u32 s9, $0x3  }
0x13: {  	s1 =	sadd.s32 s12, s1;
	s22 =	sadd.s32 $0x27000, s5;
	[dreg:$0xa] =	wrdreg s23  }
0x14: {  	s24 =	sadd.s32 $0x400, s0;
	s25 =	sor.u32 $0x300, s0;
	s0 =	sor.u32 $0x200, s0  }
0x15: {  	s16 =	sshrl.u32 s10, $0x3;
	s10 =	simm.s32 $0x0;
	[dreg:$0x8] =	wrdreg s1  }
0x16: {  	s15 =	sadd.s32 s7, s9;
	[dreg:$0x9] =	wrdreg s22;
	s1 =	sshrl.u32 s24, $0x3  }
0x17: {  	s5 =	sshrl.u32 s25, $0x3;
	s0 =	sshrl.u32 s0, $0x3;
	s24 =	simm.s32 $0x3800  }
0x18: {  	s25 =	simm.s32 $0x4;
	[dreg:$0x6] =	wrdreg s15;
	s21 =	sadd.s32 $0x20, s15  }
.Ltmp0:
0x19: {  	s1 =	sadd.s32 s1, s7;
	[dreg:$0x7] =	wrdreg s21;
	(pc) =	sbr.rel .LBB2_1-.Ltmp0, $4  }
0x1a: {  	s9 =	simm.s32 $0x8;
	s26 =	sadd.s32 s5, s7;
	[dreg:$0xb] =	wrdreg s1  }
0x1b: {  	s0 =	sadd.s32 s0, s7;
	s5 =	simm.s32 $0x6;
	[dreg:$0xc] =	wrdreg s26  }
0x1c: {  	s7 =	simm.s32 $0x280;
	[dreg:$0xd] =	wrdreg s0;
	s21 =	simm.s32 $0x400  }
0x1d: {  	s26 =	simm.s32 $0x80;
	s0 =	simm.s32 $0x180;
	s1 =	simm.s32 $0x7  }
.LBB2_6:
0x1e: {  	_ =	swait.ge [sflag:s9], $0x3200  }
0x1f: {  	[sflag:s9] =	ssyncset.done $0x0  }
0x20: {  	[sflag:s9] =	ssyncadd.s32 $0xFFFFCE00  }
0x21: {  	_ =	swait.ge [sflag:s8], $0x3200  }
0x22: {  	[sflag:s8] =	ssyncset.done $0x0  }
0x23: {  	[sflag:s8] =	ssyncadd.s32 $0xFFFFCE00  }
0x24: {  	_ =	swait.ge [sflag:s1], $0x3200  }
0x25: {  	[sflag:s1] =	ssyncset.done $0x0  }
0x26: {  	[sflag:s1] =	ssyncadd.s32 $0xFFFFCE00  }
0x27: {  	[bflag:$0x0] =	sbarrier.arrive $0xFFFF  }
0x28: {  	s11 =	rddreg [dreg:$0x8]  }
0x29: {  	[hbm:s11], [sflag:s6] =	dma.local [spmem:s16], $0x2700  }
0x2a: {  	_ =	swait.ge [sflag:s17], $0x2700  }
0x2b: {  	[sflag:s17] =	ssyncset.done $0x0  }
0x2c: {  	s11 =	rddreg [dreg:$0x9];
	[sflag:s17] =	ssyncadd.s32 $0xFFFFD900  }
0x2d: {  	[hbm:s11], [sflag:s6] =	dma.local @!p0 [spmem:s18], $0x100  }
0x2e: {  	s11 =	simm.s32 @!p0 $0xA  }
0x2f: {  	_ =	swait.ge @!p0 [sflag:s11], $0x100  }
0x30: {  	s10 =	sadd.s32 $0x1, s10;
	s12 =	rddreg [dreg:$0xa]  }
0x31: {  	p1 =	sne.s32 s10, s12  }
.Ltmp1:
0x32: {  	_ = 	snop;
	(pc) =	sbr.rel @!p1 .LBB2_7-.Ltmp1, $3  }
0x33: {  	_ =	sdelay $0x1  }
0x34: {  	[sflag:s11] =	ssyncset.done @!p0 $0x0  }
0x35: {  	[sflag:s11] =	ssyncadd.s32 @!p0 $0xFFFFFF00  }
.LBB2_1:
0x36: {  	s11 =	rddreg [dreg:$0x4]  }
0x37: {  	[spmem:s16], [sflag:s6] =	dma.local [hbm:s11], $0x2700  }
0x38: {  	_ =	swait.ge [sflag:s17], $0x2700  }
0x39: {  	[sflag:s17] =	ssyncset.done $0x0  }
0x3a: {  	s12 =	simm.s32 @!p0 $0xA;
	s11 =	rddreg [dreg:$0x5];
	[sflag:s17] =	ssyncadd.s32 $0xFFFFD900  }
0x3b: {  	[spmem:s18], [sflag:s6] =	dma.local @!p0 [hbm:s11], $0x300  }
0x3c: {  	_ =	swait.ge @!p0 [sflag:s12], $0x300  }
0x3d: {  	[sflag:s12] =	ssyncset.done @!p0 $0x0  }
0x3e: {  	[sflag:s12] =	ssyncadd.s32 @!p0 $0xFFFFFD00  }
0x3f: {  	[bflag:$0x0] =	sbarrier.arrive $0xFFFF  }
0x40: {  	s14 =	rddreg [dreg:$0x6]  }
0x41: {  	[tilespmem:s4], [sflag:$0x1] =	stream.linear.gather [hbm4b:s14+s4], $0x100, $0x38;
	[tilespmem:$0x1D980] =	vst v63  }
0x42: {  	_ =	swait.ge [sflag:s19], $0x100  }
0x43: {  	[sflag:s19] =	ssyncset.done $0x0  }
0x44: {  	[sflag:s19] =	ssyncadd.s32 $0xFFFFFF00  }
0x45: {  	[tilespmem:s21], [sflag:$0x4] =	stream.indirect.gather [hbm4b:s2+s20], $0x80, s4, s20, $0xb8;
	[tilespmem:$0x1D980] =	vst v63  }
0x46: {  	s22 =	simm.s32 $0x100;
	s23 =	simm.s32 $0x2;
	s15 =	rddreg [dreg:$0x7]  }
0x47: {  	[tilespmem:s22], [sflag:$0x2] =	stream.linear.gather [hbm4b:s15+s4], $0x100, $0x38;
	[tilespmem:$0x1D980] =	vst v63  }
.Ltmp2:
0x48: {  	_ =	swait.ge [sflag:s23], $0x100;
	(pc) =	sbr.rel .LBB2_2-.Ltmp2, $4  }
0x49: {  	s15 =	rddreg [dreg:$0xd]  }
0x4a: {  	[sflag:s23] =	ssyncset.done $0x0;
	s14 =	rddreg [dreg:$0xc]  }
0x4b: {  	s12 =	simm.s32 $0x0;
	s13 =	rddreg [dreg:$0xb];
	[sflag:s23] =	ssyncadd.s32 $0xFFFFFF00  }
0x4c: {  	[tilespmem:s24], [sflag:$0x5] =	stream.indirect.gather [hbm4b:s2+s20], $0x80, s22, s20, $0xb8;
	[tilespmem:$0x1D980] =	vst v63  }
.LBB2_5:
0x4d: {  	[tilespmem:s28], [sflag:$0x3] =	stream.linear.gather [hbm4b:s15+s4], $0x100, $0x38;
	[tilespmem:$0x1D980] =	vst v63  }
0x4e: {  	_ =	swait.ge [sflag:s29], $0x100  }
0x4f: {  	[sflag:s29] =	ssyncset.done $0x0  }
0x50: {  	[sflag:s29] =	ssyncadd.s32 $0xFFFFFF00  }
0x51: {  	[tilespmem:s30], [sflag:$0x6] =	stream.indirect.gather [hbm4b:s2+s20], $0x80, s28, s20, $0xb8;
	[tilespmem:$0x1D980] =	vst v63  }
0x52: {  	_ =	swait.ge [sflag:s31], $0x3200  }
0x53: {  	[sflag:s31] =	ssyncset.done $0x0  }
0x54: {  	[sflag:s31] =	ssyncadd.s32 $0xFFFFCE00  }
0x55: {  	[spmem:s3] =	stream.indirect.scatter.add.f32 [tilespmem:s24], [sflag:$0x8], $0x80, s0, s20, $0xb8;
	[tilespmem:$0x1D980] =	vst v63  }
0x56: {  	_ =	swait.ge [sflag:s1], $0x3200  }
0x57: {  	[sflag:s1] =	ssyncset.done $0x0  }
0x58: {  	[sflag:s1] =	ssyncadd.s32 $0xFFFFCE00  }
0x59: {  	[tilespmem:s4], [sflag:$0x1] =	stream.linear.gather [hbm4b:s14+s4], $0x100, $0x38;
	[tilespmem:$0x1D980] =	vst v63  }
0x5a: {  	_ =	swait.ge [sflag:s19], $0x100  }
0x5b: {  	[sflag:s19] =	ssyncset.done $0x0  }
0x5c: {  	[sflag:s19] =	ssyncadd.s32 $0xFFFFFF00  }
0x5d: {  	[tilespmem:s21], [sflag:$0x4] =	stream.indirect.gather [hbm4b:s2+s20], $0x80, s4, s20, $0xb8;
	[tilespmem:$0x1D980] =	vst v63  }
0x5e: {  	_ =	swait.ge [sflag:s5], $0x3200  }
0x5f: {  	p1 =	sgt.u32 s12, $0x1F;
	[sflag:s5] =	ssyncset.done $0x0  }
0x60: {  	s11 =	simm.s32 @!p1 $0x8;
	[sflag:s5] =	ssyncadd.s32 $0xFFFFCE00  }
0x61: {  	[spmem:s3] =	stream.indirect.scatter.add.f32 [tilespmem:s30], [sflag:$0x9], $0x80, s7, s20, $0xb8;
	[tilespmem:$0x1D980] =	vst v63  }
0x62: {  	_ =	swait.ge @!p1 [sflag:s11], $0x3200  }
0x63: {  	[sflag:s11] =	ssyncset.done @!p1 $0x0  }
0x64: {  	s22 =	simm.s32 @!p1 $0x100;
	[sflag:s11] =	ssyncadd.s32 @!p1 $0xFFFFCE00;
	s11 =	simm.s32 @!p1 $0x0  }
0x65: {  	[tilespmem:s22], [sflag:$0x2] =	stream.linear.gather @!p1 [hbm4b:s13+s11], $0x100, $0x38;
	[tilespmem:$0x1D980] =	vst v63  }
0x66: {  	s11 =	simm.s32 @!p1 $0x2  }
0x67: {  	_ =	swait.ge @!p1 [sflag:s11], $0x100  }
0x68: {  	s12 =	sadd.s32 $0x1, s12;
	[sflag:s11] =	ssyncset.done @!p1 $0x0  }
0x69: {  	s23 =	simm.s32 @!p1 $0x3800;
	[sflag:s11] =	ssyncadd.s32 @!p1 $0xFFFFFF00;
	s11 =	simm.s32 @!p1 $0x64  }
0x6a: {  	[tilespmem:s23], [sflag:$0x5] =	stream.indirect.gather @!p1 [hbm4b:s2+s11], $0x80, s22, s11, $0xb8;
	[tilespmem:$0x1D980] =	vst v63  }
0x6b: {  	p1 =	sne.s32 s12, $0x22  }
.Ltmp3:
0x6c: {  	_ = 	snop;
	(pc) =	sbr.rel @!p1 .LBB2_6-.Ltmp3, $2  }
0x6d: {  	_ =	sdelay $0x2  }
0x6e: {  	s15 =	sadd.s32 $0x60, s15;
	s14 =	sadd.s32 $0x60, s14;
	s13 =	sadd.s32 $0x60, s13  }
.LBB2_2:
0x6f: {  	p1 =	seq.s32 s12, $0x0  }
.Ltmp4:
0x70: {  	_ = 	snop;
	(pc) =	sbr.rel @p1 .LBB2_5-.Ltmp4, $4  }
0x71: {  	_ =	swait.ge [sflag:s25], $0x3200  }
0x72: {  	[sflag:s25] =	ssyncset.done $0x0  }
0x73: {  	[sflag:s25] =	ssyncadd.s32 $0xFFFFCE00  }
0x74: {  	[spmem:s3] =	stream.indirect.scatter.add.f32 [tilespmem:s21], [sflag:$0x7], $0x80, s26, s20, $0xb8;
	[tilespmem:$0x1D980] =	vst v63  }
0x75: {  	p1 =	seq.s32 s12, $0x21  }
.Ltmp5:
0x76: {  	_ = 	snop;
	(pc) =	sbr.rel @p1 .LBB2_6-.Ltmp5, $1  }
0x77: {  	_ =	sdelay $0x3  }
.Ltmp6:
0x78: {  	(pc) =	sbr.rel .LBB2_5-.Ltmp6, $4  }
0x79: {  	_ = 	snop  }
0x7a: {  	_ =	swait.ge [sflag:s8], $0x3200  }
0x7b: {  	[sflag:s8] =	ssyncset.done $0x0  }
0x7c: {  	[sflag:s8] =	ssyncadd.s32 $0xFFFFCE00  }
.LBB2_7:
0x7d: {  	_ =	sfence.sel $0x180000  }
0x7e: {  	[bflag:$0x0] =	sbarrier.arrive $0xFFFF  }
0x7f: {  	_ =	strace $0x9000004A  }
0x80: {  	s0 =	stileid.u32;
	[bflag:$0x2] =	sbarrier.arrive $0xFFFF  }
0x81: {  	p0 =	sne.s32 s0, $0x0;
	s0 =	rddreg [dreg:$0x3]  }
0x82: {  	s0 =	sadd.s32 @!p0 $0x100000, s0  }
0x83: {  	[sflag:s0] =	ssyncadd.tile.s32 @!p0 $0x1;
	_ =	shalt  }
.Lfunc_end2:
_tile_overlayer_lowered:
.L_overlay_start_2:
0x84: {  	(tag) =	ssettag $0x2  }
0x85: {  	s0 =	rddreg [dreg:$0x0];
	s2 =	stileid.u32  }
0x86: {  	s1 =	rddreg [dreg:$0x1];
	p0 =	sne.s32 s2, $0x0  }
0x87: {  	s3 =	rddreg [dreg:$0x2];
	[bflag:$0x3] =	sbarrier.arrive $0xFFFF;
	s2 =	simm.s32 @!p0 $0x1C0A  }
0x88: {  	[timem:s3], [sflag:s2] =	dma.local @!p0 [hbm:s0], s1  }
0x89: {  	s0 =	simm.s32 @!p0 $0xA  }
0x8a: {  	_ =	swait.ge @!p0 [sflag:s0], s1  }
0x8b: {  	s1 =	ssub.s32 @!p0 $0x0, s1;
	[sflag:s0] =	ssyncset.done @!p0 $0x0  }
0x8c: {  	[sflag:s0] =	ssyncadd.s32 @!p0 s1  }
0x8d: {  	[bflag:$0x3] =	sbarrier.arrive $0xFFFF  }
0x8e: {  	_ =	shalt  }

// kernel: kernel.16.cloned.1.call-start
scs
__scs_entry_jumppad:
0x0: {  	(pc) =	sbr.rel $0x88, $3  }
0x1: {  	(tag) =	ssettag $0x0;
	lr =	simm.s32 $0x1  }
0x2: {  	[smem:$0x3F8E] =	sst lr;
	_ =	strace $0xD0000000  }
0x3: {  	_ = 	snop  }
0x4: {  	_ = 	snop  }
0x5: {  	_ = 	snop  }
0x6: {  	_ = 	snop  }
0x7: {  	_ = 	snop  }
__scs_overlays_trampoline_lowered:
0x8: {  	[smem:$0x3F9D] =	sst s0  }
0x9: {  	[smem:$0x3F9E] =	sst s1  }
0xa: {  	[smem:$0x3F9F] =	sst s2  }
0xb: {  	[smem:$0x3FA0] =	sst s3  }
0xc: {  	[smem:$0x3FA1] =	sst s4  }
0xd: {  	[smem:$0x3FA2] =	sst s5  }
0xe: {  	[smem:$0x3FA3] =	sst s6  }
0xf: {  	[smem:$0x3FA4] =	sst s7  }
0x10: {  	[smem:$0x3FA5] =	sst s8  }
0x11: {  	[smem:$0x3FA6] =	sst s9;
	s0 =	simm.s32 @!p0 $0x0  }
0x12: {  	s1 =	sld [smem:$0x3F8C];
	s0 =	simm.s32 @p0 $0x1  }
0x13: {  	[smem:$0x3FA7] =	sst s0;
	s0 =	simm.s32 @!p1 $0x0  }
0x14: {  	s2 =	sld [smem:$0x3F8B];
	s0 =	simm.s32 @p1 $0x1  }
0x15: {  	[smem:$0x3FA8] =	sst s0;
	s0 =	simm.s32 @!p2 $0x0  }
0x16: {  	s3 =	sld [smem:$0x3FDB];
	s0 =	simm.s32 @p2 $0x1  }
0x17: {  	s4 =	simm.s32 $0x1BF5;
	[smem:$0x3FAA] =	sst s0  }
0x18: {  	s0 =	sld [smem:$0x3F8D];
	_ =	swait.ge [sflag:s4], $0x0  }
0x19: {  	s7 =	sld [smem:$0x3F8E]  }
0x1a: {  	s8 =	sadd.s32 $0xFFFFE003, lr  }
0x1b: {  	s9 =	sadd.s32 $0xFFFFFEF7, lr;
	s5 =	simm.s32 $0xFFFFFFFF;
	p2 =	slt.u32 s8, $0xFFFFF086  }
0x1c: {  	p1 =	slt.u32 s9, $0xF7A;
	s5 =	simm.s32 @!p2 $0x0  }
0x1d: {  	s5 =	simm.s32 @p1 $0x1;
	p0 =	seq.s32 s7, s2  }
0x1e: {  	s7 =	smul.u32 @!p0 $0xF7A, s2;
	p2 =	seq.s32 @!p0 s5, $0x0  }
0x1f: {  	s9 =	smul.u32 $0xF7A, s1;
	s8 =	simm.s32 @!p0 $0x1BF5;
	p2 =	por !p2, p0  }
0x20: {  	[sflag:s8] =	ssyncset.s32 @!p0 $0xFFFFF086;
	s6 =	sadd.s32 @!p0 s3, s7;
	s7 =	simm.s32 @!p0 $0x108  }
0x21: {  	s3 =	sadd.s32 s3, s9;
	s6 =	sadd.s32 @!p0 $0x88, s6;
	s7 =	simm.s32 @p2 $0x1082  }
0x22: {  	[simem:s7], [sflag:s8] =	dma.local @!p0 [hbm:s6], $0xF7A  }
0x23: {  	s9 =	sor.u32 $0xD0000000, s2;
	s6 =	simm.s32 $0x108;
	_ =	swait.ge @!p0 [sflag:s8], $0x0  }
0x24: {  	s3 =	sadd.s32 $0x88, s3;
	s6 =	simm.s32 @!p1 $0x1082;
	[sflag:s4] =	ssyncset.s32 $0xFFFFF086  }
0x25: {  	[simem:s6], [sflag:s4] =	dma.local [hbm:s3], $0xF7A  }
0x26: {  	[smem:$0x3F8E] =	sst s1;
	(tag) =	ssettag s2;
	_ =	strace s9  }
0x27: {  	s1 =	sld [smem:$0x3F9E]  }
0x28: {  	s2 =	sld [smem:$0x3F9F]  }
0x29: {  	s4 =	sld [smem:$0x3FA1]  }
0x2a: {  	p0 =	seq.s32 s5, $0x0;
	s5 =	sld [smem:$0x3FA2]  }
0x2b: {  	s6 =	sld [smem:$0x3FA3]  }
0x2c: {  	s7 =	sld [smem:$0x3FA4]  }
0x2d: {  	s3 =	simm.s32 $0x108;
	s8 =	sld [smem:$0x3FA5]  }
0x2e: {  	s3 =	simm.s32 @!p0 $0x1082;
	s9 =	sld [smem:$0x3FA6]  }
0x2f: {  	lr =	sadd.s32 s0, s3;
	s0 =	sld [smem:$0x3F9D]  }
0x30: {  	s3 =	sld [smem:$0x3FA0]  }
0x31: {  	[smem:$0x3FA9] =	sst s10  }
0x32: {  	s10 =	sld [smem:$0x3FA7];
	_ =	sdelay $0x3  }
0x33: {  	p0 =	seq.s32 s10, $0x1;
	s10 =	sld [smem:$0x3FA9];
	_ =	sdelay $0x3  }
0x34: {  	[smem:$0x3FA9] =	sst s10  }
0x35: {  	s10 =	sld [smem:$0x3FA8];
	_ =	sdelay $0x3  }
0x36: {  	p1 =	seq.s32 s10, $0x1;
	s10 =	sld [smem:$0x3FA9];
	_ =	sdelay $0x3  }
0x37: {  	[smem:$0x3FA9] =	sst s10  }
0x38: {  	s10 =	sld [smem:$0x3FAA]  }
0x39: {  	_ = 	snop;
	(pc) =	sbr.ind lr, $3  }
0x3a: {  	_ = 	snop  }
0x3b: {  	_ = 	snop  }
0x3c: {  	p2 =	seq.s32 s10, $0x1;
	s10 =	sld [smem:$0x3FA9]  }
0x3d: {  	_ =	shalt  }
0x3e: {  	_ =	shalt  }
0x3f: {  	_ =	shalt  }
0x40: {  	_ =	shalt  }
0x41: {  	_ =	shalt  }
0x42: {  	_ =	shalt  }
0x43: {  	_ =	shalt  }
0x44: {  	_ =	shalt  }
0x45: {  	_ =	shalt  }
0x46: {  	_ =	shalt  }
0x47: {  	_ =	shalt  }
0x48: {  	_ =	shalt  }
0x49: {  	_ =	shalt  }
0x4a: {  	_ =	shalt  }
0x4b: {  	_ =	shalt  }
0x4c: {  	_ =	shalt  }
0x4d: {  	_ =	shalt  }
0x4e: {  	_ =	shalt  }
0x4f: {  	_ =	shalt  }
0x50: {  	_ =	shalt  }
0x51: {  	_ =	shalt  }
0x52: {  	_ =	shalt  }
0x53: {  	_ =	shalt  }
0x54: {  	_ =	shalt  }
0x55: {  	_ =	shalt  }
0x56: {  	_ =	shalt  }
0x57: {  	_ =	shalt  }
0x58: {  	_ =	shalt  }
0x59: {  	_ =	shalt  }
0x5a: {  	_ =	shalt  }
0x5b: {  	_ =	shalt  }
0x5c: {  	_ =	shalt  }
0x5d: {  	_ =	shalt  }
0x5e: {  	_ =	shalt  }
0x5f: {  	_ =	shalt  }
0x60: {  	_ =	shalt  }
0x61: {  	_ =	shalt  }
0x62: {  	_ =	shalt  }
0x63: {  	_ =	shalt  }
0x64: {  	_ =	shalt  }
0x65: {  	_ =	shalt  }
0x66: {  	_ =	shalt  }
0x67: {  	_ =	shalt  }
0x68: {  	_ =	shalt  }
0x69: {  	_ =	shalt  }
0x6a: {  	_ =	shalt  }
0x6b: {  	_ =	shalt  }
0x6c: {  	_ =	shalt  }
0x6d: {  	_ =	shalt  }
0x6e: {  	_ =	shalt  }
0x6f: {  	_ =	shalt  }
0x70: {  	_ =	shalt  }
0x71: {  	_ =	shalt  }
0x72: {  	_ =	shalt  }
0x73: {  	_ =	shalt  }
0x74: {  	_ =	shalt  }
0x75: {  	_ =	shalt  }
0x76: {  	_ =	shalt  }
0x77: {  	_ =	shalt  }
0x78: {  	_ =	shalt  }
0x79: {  	_ =	shalt  }
0x7a: {  	_ =	shalt  }
0x7b: {  	_ =	shalt  }
0x7c: {  	_ =	shalt  }
0x7d: {  	_ =	shalt  }
0x7e: {  	_ =	shalt  }
0x7f: {  	_ =	shalt  }
0x80: {  	_ =	shalt  }
0x81: {  	_ =	shalt  }
0x82: {  	_ =	shalt  }
0x83: {  	_ =	shalt  }
0x84: {  	_ =	shalt  }
0x85: {  	_ =	shalt  }
0x86: {  	_ =	shalt  }
0x87: {  	_ =	shalt  }
.Lfunc_end0:
.L_simem_size_0:
called_computation.2_lowered:
.L_overlay_start_0:
0x88: {  	s2 =	sld [smem:$0x3FD9]  }
0x89: {  	s3 =	sld [smem:$0x3FFE];
	_ =	sdelay $0x1  }
0x8a: {  	s1 =	srdreg.scid  }
0x8b: {  	s0 =	sand.u32 $0x1, s1  }
0x8c: {  	s14 =	sshll.u32 s0, $0xA;
	s2 =	sadd.s32 s3, s2  }
0x8d: {  	s2 =	sadd.s32 s2, s14  }
0x8e: {  	[smem:$0x3FB5] =	sst s2  }
0x8f: {  	_ = 	snop  }
0x90: {  	s2 =	sld [smem:$0x3FD0];
	_ =	sdelay $0x2  }
0x91: {  	s15 =	simm.s32 $0xB;
	s4 =	simm.s32 $0x10  }
0x92: {  	[smem:s4], [sflag:s15] =	dma.local [hbm:s2], $0x1  }
0x93: {  	_ =	swait.eq [sflag:s15], $0x1  }
0x94: {  	[sflag:s15] =	ssyncset.done $0x0  }
0x95: {  	[sflag:s15] =	ssyncadd.s32 $0xFFFFFFFF  }
0x96: {  	s16 =	sld [smem:$0x10];
	(tm) =	ssettm $0x1  }
0x97: {  	s17 =	sld [smem:$0x3FFB];
	_ =	sdelay $0x3  }
0x98: {  	_ =	strace s17  }
0x99: {  	s3 =	sld [smem:$0x3FFC];
	_ =	sdelay $0x3  }
0x9a: {  	_ =	strace s3  }
0x9b: {  	s3 =	sld [smem:$0x3FFD];
	_ =	sdelay $0x3  }
0x9c: {  	_ =	strace s3  }
0x9d: {  	_ =	strace $0x8FFFFFFF  }
0x9e: {  	s18 =	sld [smem:$0x3FDB];
	_ =	sdelay $0x1  }
0x9f: {  	s19 =	simm.s32 $_scs_section_size  }
0xa0: {  	s5 =	simm.s32 $_size__tile_overlayer_lowered;
	s6 =	simm.s32 $_tile_overlayer_lowered  }
0xa1: {  	s22 =	simm.s32 $0x1BFF;
	s21 =	sshll.u32 s6, $0x1;
	s3 =	sadd.s32 s19, s18  }
0xa2: {  	s7 =	simm.s32 $0x0;
	s20 =	sshll.u32 s5, $0x1;
	s5 =	sadd.s32 s21, s3  }
0xa3: {  	[timem:s7], [sflag:s22] =	dma.local [hbm:s5], s20  }
0xa4: {  	_ =	swait.ge [sflag:s22], s20  }
0xa5: {  	s4 =	ssub.s32 $0x0, s20;
	[sflag:s22] =	ssyncset.done $0x0  }
0xa6: {  	[sflag:s22] =	ssyncadd.s32 s4;
	_ =	sdelay $0x1  }
0xa7: {  	s23 =	simm.s32 $0x1B8B  }
0xa8: {  	_ =	swait.ge [sflag:s23], $0x1  }
0xa9: {  	[sflag:s23] =	ssyncset.done $0x0  }
0xaa: {  	s25 =	simm.s32 $0x1B8E;
	s24 =	sld [smem:$0x3FFE];
	[sflag:s23] =	ssyncadd.s32 $0xFFFFFFFF  }
0xab: {  	s26 =	simm.s32 $execute0_lowered;
	[smem:$0x3FD2] =	sst s25  }
0xac: {  	s5 =	sshll.u32 s26, $0x1;
	_ =	strace $0x8000004C;
	[dreg:$0x1] =	wrdreg $0xFFFFFFFF  }
0xad: {  	s28 =	simm.s32 $_size_execute0_lowered;
	s3 =	sadd.s32 s3, s5;
	[dreg:$0x0] =	wrdreg $0x0  }
0xae: {  	s5 =	sshll.u32 s28, $0x1;
	[dreg:$0x2] =	wrdreg s3  }
0xaf: {  	[dreg:$0x3] =	wrdreg s5  }
0xb0: {  	[dreg:$0x4] =	wrdreg $0xC0  }
0xb1: {  	_ =	task [dreg:s7], $0x5FFFF  }
0xb2: {  	[dreg:$0x1] =	wrdreg $0xFFFFFFFF  }
0xb3: {  	[dreg:$0x0] =	wrdreg $0x60  }
0xb4: {  	[dreg:$0x2] =	wrdreg s16  }
0xb5: {  	[dreg:$0x3] =	wrdreg s24  }
0xb6: {  	[dreg:$0x4] =	wrdreg $0xA0000  }
0xb7: {  	[dreg:$0x5] =	wrdreg $0x9  }
0xb8: {  	_ =	task.clear_ibuf [dreg:s7], $0x6FFFF;
	_ =	strace $0x9000004C  }
0xb9: {  	s29 =	simm.s32 $0x9;
	_ =	strace $0x8000004E  }
0xba: {  	_ =	swait.ge [sflag:s29], $0x1  }
0xbb: {  	[sflag:s29] =	ssyncadd.s32 $0xFFFFFFFF  }
0xbc: {  	_ =	strace $0x9000004E  }
0xbd: {  	_ =	sfence  }
0xbe: {  	s30 =	sld [smem:$0x0];
	_ =	sdelay $0x2  }
0xbf: {  	s31 =	sshll.u32 s1, $0xD;
	s1 =	sshrl.u32 s1, $0x2  }
0xc0: {  	s3 =	sand.u32 $0x4000, s31;
	s1 =	sadd.s32 s1, s30  }
0xc1: {  	s0 =	sor.u32 s3, s0;
	s1 =	sshll.u32 s1, $0x11  }
0xc2: {  	s0 =	sor.u32 s1, s0  }
0xc3: {  	s0 =	sadd.s32 $0x8F2B, s0  }
0xc4: {  	[sflag:s0] =	ssyncadd.remote.s32 $0x1  }
0xc5: {  	_ =	sfence.sel $0xFFFF  }
0xc6: {  	[dreg:$0x0] =	wrdreg $0xFFFFFFFF;
	(pc) =	sbr.abs _section_cstart, $3  }
0xc7: {  	[dreg:$0x1] =	wrdreg $0xFFFFFFFF  }
0xc8: {  	_ =	task.clear_ibuf [dreg:s7], $0x2FFFF;
	_ =	strace $0x9FFFFFFF  }
0xc9: {  	(tm) =	ssettm $0x7FFFFFFF  }
tec
execute0_lowered:
.L_overlay_start_1:
0x0: {  	(tag) =	ssettag $0x1  }
0x1: {  	s2 =	rddreg [dreg:$0x0]  }
0x2: {  	s0 =	rddreg [dreg:$0x1]  }
0x3: {  	s3 =	rddreg [dreg:$0x2];
	s14 =	stileid.u32;
	s4 =	simm.s32 $0x0  }
0x4: {  	s5 =	srdreg.scid;
	s28 =	simm.s32 $0x200;
	s29 =	simm.s32 $0x3  }
0x5: {  	s30 =	simm.s32 $0x6C00;
	s31 =	simm.s32 $0x5;
	s1 =	smul.u32 $0x13800, s14  }
0x6: {  	[smem:$0x7FF] =	sst s4;
	s5 =	sand.u32 $0x1, s5;
	s7 =	sadd.s32 $0x17600, s0  }
0x7: {  	s11 =	smul.u32 $0x4E000, s14;
	s12 =	sadd.s32 $0x57A00, s0;
	s16 =	sshll.u32 s14, $0x6  }
0x8: {  	s20 =	smul.u32 $0x6400, s14;
	p0 =	sne.s32 s14, $0xF;
	_ =	strace $0x8000004D  }
0x9: {  	s8 =	ssub.s32 $0x2, s5;
	s10 =	sshll.u32 s5, $0x4;
	s17 =	smul.u32 $0x138800, s5  }
0xa: {  	s18 =	smul.u32 $0x64000, s5;
	s6 =	sshrl.u32 s1, $0x3;
	s9 =	sshrl.u32 s8, $0x1  }
0xb: {  	s13 =	sor.u32 s14, s10;
	s15 =	sshrl.u32 s11, $0x2;
	s6 =	sadd.s32 s6, s0  }
0xc: {  	s8 =	ssub.s32 s8, s9;
	s9 =	smul.u32 $0x6400, s13;
	s10 =	sadd.s32 s15, s3  }
0xd: {  	s13 =	sadd.s32 $0x138000, s3;
	s0 =	sadd.s32 $0x57600, s0;
	s1 =	sadd.s32 s1, s17  }
0xe: {  	s19 =	sshrl.u32 s17, $0x3;
	s17 =	simm.s32 $0xA;
	s6 =	sadd.s32 $0x30600, s6  }
0xf: {  	[dreg:$0x5] =	wrdreg s0;
	s1 =	sshrl.u32 s1, $0x3;
	s5 =	sadd.s32 s12, s19  }
0x10: {  	s0 =	sadd.s32 s20, s18;
	s23 =	smax.u32 s8, $0x1;
	s18 =	sshrl.u32 @!p0 s13, $0x3  }
0x11: {  	s19 =	simm.s32 $0x1;
	s20 =	simm.s32 $0x64;
	s8 =	simm.s32 $0x9  }
0x12: {  	[dreg:$0x4] =	wrdreg s6;
	s6 =	sor.u32 $0x1C0A, s16;
	s9 =	sshrl.u32 s9, $0x3  }
0x13: {  	s1 =	sadd.s32 s12, s1;
	s22 =	sadd.s32 $0x27000, s5;
	[dreg:$0xa] =	wrdreg s23  }
0x14: {  	s24 =	sadd.s32 $0x400, s0;
	s25 =	sor.u32 $0x300, s0;
	s0 =	sor.u32 $0x200, s0  }
0x15: {  	s16 =	sshrl.u32 s10, $0x3;
	s10 =	simm.s32 $0x0;
	[dreg:$0x8] =	wrdreg s1  }
0x16: {  	s15 =	sadd.s32 s7, s9;
	[dreg:$0x9] =	wrdreg s22;
	s1 =	sshrl.u32 s24, $0x3  }
0x17: {  	s5 =	sshrl.u32 s25, $0x3;
	s0 =	sshrl.u32 s0, $0x3;
	s24 =	simm.s32 $0x3800  }
0x18: {  	s25 =	simm.s32 $0x4;
	[dreg:$0x6] =	wrdreg s15;
	s21 =	sadd.s32 $0x20, s15  }
.Ltmp0:
0x19: {  	s1 =	sadd.s32 s1, s7;
	[dreg:$0x7] =	wrdreg s21;
	(pc) =	sbr.rel .LBB2_1-.Ltmp0, $4  }
0x1a: {  	s9 =	simm.s32 $0x8;
	s26 =	sadd.s32 s5, s7;
	[dreg:$0xb] =	wrdreg s1  }
0x1b: {  	s0 =	sadd.s32 s0, s7;
	s5 =	simm.s32 $0x6;
	[dreg:$0xc] =	wrdreg s26  }
0x1c: {  	s7 =	simm.s32 $0x280;
	[dreg:$0xd] =	wrdreg s0;
	s21 =	simm.s32 $0x400  }
0x1d: {  	s26 =	simm.s32 $0x80;
	s0 =	simm.s32 $0x180;
	s1 =	simm.s32 $0x7  }
.LBB2_6:
0x1e: {  	_ =	swait.ge [sflag:s9], $0x3200  }
0x1f: {  	[sflag:s9] =	ssyncset.done $0x0  }
0x20: {  	[sflag:s9] =	ssyncadd.s32 $0xFFFFCE00  }
0x21: {  	_ =	swait.ge [sflag:s8], $0x3200  }
0x22: {  	[sflag:s8] =	ssyncset.done $0x0  }
0x23: {  	[sflag:s8] =	ssyncadd.s32 $0xFFFFCE00  }
0x24: {  	_ =	swait.ge [sflag:s1], $0x3200  }
0x25: {  	[sflag:s1] =	ssyncset.done $0x0  }
0x26: {  	[sflag:s1] =	ssyncadd.s32 $0xFFFFCE00  }
0x27: {  	[bflag:$0x0] =	sbarrier.arrive $0xFFFF  }
0x28: {  	s11 =	rddreg [dreg:$0x8]  }
0x29: {  	[hbm:s11], [sflag:s6] =	dma.local [spmem:s16], $0x2700  }
0x2a: {  	_ =	swait.ge [sflag:s17], $0x2700  }
0x2b: {  	[sflag:s17] =	ssyncset.done $0x0  }
0x2c: {  	s11 =	rddreg [dreg:$0x9];
	[sflag:s17] =	ssyncadd.s32 $0xFFFFD900  }
0x2d: {  	[hbm:s11], [sflag:s6] =	dma.local @!p0 [spmem:s18], $0x100  }
0x2e: {  	s11 =	simm.s32 @!p0 $0xA  }
0x2f: {  	_ =	swait.ge @!p0 [sflag:s11], $0x100  }
0x30: {  	s10 =	sadd.s32 $0x1, s10;
	s12 =	rddreg [dreg:$0xa]  }
0x31: {  	p1 =	sne.s32 s10, s12  }
.Ltmp1:
0x32: {  	_ = 	snop;
	(pc) =	sbr.rel @!p1 .LBB2_7-.Ltmp1, $3  }
0x33: {  	_ =	sdelay $0x1  }
0x34: {  	[sflag:s11] =	ssyncset.done @!p0 $0x0  }
0x35: {  	[sflag:s11] =	ssyncadd.s32 @!p0 $0xFFFFFF00  }
.LBB2_1:
0x36: {  	s11 =	rddreg [dreg:$0x4]  }
0x37: {  	[spmem:s16], [sflag:s6] =	dma.local [hbm:s11], $0x2700  }
0x38: {  	_ =	swait.ge [sflag:s17], $0x2700  }
0x39: {  	[sflag:s17] =	ssyncset.done $0x0  }
0x3a: {  	s12 =	simm.s32 @!p0 $0xA;
	s11 =	rddreg [dreg:$0x5];
	[sflag:s17] =	ssyncadd.s32 $0xFFFFD900  }
0x3b: {  	[spmem:s18], [sflag:s6] =	dma.local @!p0 [hbm:s11], $0x300  }
0x3c: {  	_ =	swait.ge @!p0 [sflag:s12], $0x300  }
0x3d: {  	[sflag:s12] =	ssyncset.done @!p0 $0x0  }
0x3e: {  	[sflag:s12] =	ssyncadd.s32 @!p0 $0xFFFFFD00  }
0x3f: {  	[bflag:$0x0] =	sbarrier.arrive $0xFFFF  }
0x40: {  	s14 =	rddreg [dreg:$0x6]  }
0x41: {  	[tilespmem:s4], [sflag:$0x1] =	stream.linear.gather [hbm4b:s14+s4], $0x100, $0x38;
	[tilespmem:$0x1D980] =	vst v63  }
0x42: {  	_ =	swait.ge [sflag:s19], $0x100  }
0x43: {  	[sflag:s19] =	ssyncset.done $0x0  }
0x44: {  	[sflag:s19] =	ssyncadd.s32 $0xFFFFFF00  }
0x45: {  	[tilespmem:s21], [sflag:$0x4] =	stream.indirect.gather [hbm4b:s2+s20], $0x80, s4, s20, $0xb8;
	[tilespmem:$0x1D980] =	vst v63  }
0x46: {  	s22 =	simm.s32 $0x100;
	s23 =	simm.s32 $0x2;
	s15 =	rddreg [dreg:$0x7]  }
0x47: {  	[tilespmem:s22], [sflag:$0x2] =	stream.linear.gather [hbm4b:s15+s4], $0x100, $0x38;
	[tilespmem:$0x1D980] =	vst v63  }
.Ltmp2:
0x48: {  	_ =	swait.ge [sflag:s23], $0x100;
	(pc) =	sbr.rel .LBB2_2-.Ltmp2, $4  }
0x49: {  	s15 =	rddreg [dreg:$0xd]  }
0x4a: {  	[sflag:s23] =	ssyncset.done $0x0;
	s14 =	rddreg [dreg:$0xc]  }
0x4b: {  	s12 =	simm.s32 $0x0;
	s13 =	rddreg [dreg:$0xb];
	[sflag:s23] =	ssyncadd.s32 $0xFFFFFF00  }
0x4c: {  	[tilespmem:s24], [sflag:$0x5] =	stream.indirect.gather [hbm4b:s2+s20], $0x80, s22, s20, $0xb8;
	[tilespmem:$0x1D980] =	vst v63  }
.LBB2_5:
0x4d: {  	[tilespmem:s28], [sflag:$0x3] =	stream.linear.gather [hbm4b:s15+s4], $0x100, $0x38;
	[tilespmem:$0x1D980] =	vst v63  }
0x4e: {  	_ =	swait.ge [sflag:s29], $0x100  }
0x4f: {  	[sflag:s29] =	ssyncset.done $0x0  }
0x50: {  	[sflag:s29] =	ssyncadd.s32 $0xFFFFFF00  }
0x51: {  	[tilespmem:s30], [sflag:$0x6] =	stream.indirect.gather [hbm4b:s2+s20], $0x80, s28, s20, $0xb8;
	[tilespmem:$0x1D980] =	vst v63  }
0x52: {  	_ =	swait.ge [sflag:s31], $0x3200  }
0x53: {  	[sflag:s31] =	ssyncset.done $0x0  }
0x54: {  	[sflag:s31] =	ssyncadd.s32 $0xFFFFCE00  }
0x55: {  	[spmem:s3] =	stream.indirect.scatter.add.f32 [tilespmem:s24], [sflag:$0x8], $0x80, s0, s20, $0xb8;
	[tilespmem:$0x1D980] =	vst v63  }
0x56: {  	_ =	swait.ge [sflag:s1], $0x3200  }
0x57: {  	[sflag:s1] =	ssyncset.done $0x0  }
0x58: {  	[sflag:s1] =	ssyncadd.s32 $0xFFFFCE00  }
0x59: {  	[tilespmem:s4], [sflag:$0x1] =	stream.linear.gather [hbm4b:s14+s4], $0x100, $0x38;
	[tilespmem:$0x1D980] =	vst v63  }
0x5a: {  	_ =	swait.ge [sflag:s19], $0x100  }
0x5b: {  	[sflag:s19] =	ssyncset.done $0x0  }
0x5c: {  	[sflag:s19] =	ssyncadd.s32 $0xFFFFFF00  }
0x5d: {  	[tilespmem:s21], [sflag:$0x4] =	stream.indirect.gather [hbm4b:s2+s20], $0x80, s4, s20, $0xb8;
	[tilespmem:$0x1D980] =	vst v63  }
0x5e: {  	_ =	swait.ge [sflag:s5], $0x3200  }
0x5f: {  	p1 =	sgt.u32 s12, $0x1F;
	[sflag:s5] =	ssyncset.done $0x0  }
0x60: {  	s11 =	simm.s32 @!p1 $0x8;
	[sflag:s5] =	ssyncadd.s32 $0xFFFFCE00  }
0x61: {  	[spmem:s3] =	stream.indirect.scatter.add.f32 [tilespmem:s30], [sflag:$0x9], $0x80, s7, s20, $0xb8;
	[tilespmem:$0x1D980] =	vst v63  }
0x62: {  	_ =	swait.ge @!p1 [sflag:s11], $0x3200  }
0x63: {  	[sflag:s11] =	ssyncset.done @!p1 $0x0  }
0x64: {  	s22 =	simm.s32 @!p1 $0x100;
	[sflag:s11] =	ssyncadd.s32 @!p1 $0xFFFFCE00;
	s11 =	simm.s32 @!p1 $0x0  }
0x65: {  	[tilespmem:s22], [sflag:$0x2] =	stream.linear.gather @!p1 [hbm4b:s13+s11], $0x100, $0x38;
	[tilespmem:$0x1D980] =	vst v63  }
0x66: {  	s11 =	simm.s32 @!p1 $0x2  }
0x67: {  	_ =	swait.ge @!p1 [sflag:s11], $0x100  }
0x68: {  	s12 =	sadd.s32 $0x1, s12;
	[sflag:s11] =	ssyncset.done @!p1 $0x0  }
0x69: {  	s23 =	simm.s32 @!p1 $0x3800;
	[sflag:s11] =	ssyncadd.s32 @!p1 $0xFFFFFF00;
	s11 =	simm.s32 @!p1 $0x64  }
0x6a: {  	[tilespmem:s23], [sflag:$0x5] =	stream.indirect.gather @!p1 [hbm4b:s2+s11], $0x80, s22, s11, $0xb8;
	[tilespmem:$0x1D980] =	vst v63  }
0x6b: {  	p1 =	sne.s32 s12, $0x22  }
.Ltmp3:
0x6c: {  	_ = 	snop;
	(pc) =	sbr.rel @!p1 .LBB2_6-.Ltmp3, $2  }
0x6d: {  	_ =	sdelay $0x2  }
0x6e: {  	s15 =	sadd.s32 $0x60, s15;
	s14 =	sadd.s32 $0x60, s14;
	s13 =	sadd.s32 $0x60, s13  }
.LBB2_2:
0x6f: {  	p1 =	seq.s32 s12, $0x0  }
.Ltmp4:
0x70: {  	_ = 	snop;
	(pc) =	sbr.rel @p1 .LBB2_5-.Ltmp4, $4  }
0x71: {  	_ =	swait.ge [sflag:s25], $0x3200  }
0x72: {  	[sflag:s25] =	ssyncset.done $0x0  }
0x73: {  	[sflag:s25] =	ssyncadd.s32 $0xFFFFCE00  }
0x74: {  	[spmem:s3] =	stream.indirect.scatter.add.f32 [tilespmem:s21], [sflag:$0x7], $0x80, s26, s20, $0xb8;
	[tilespmem:$0x1D980] =	vst v63  }
0x75: {  	p1 =	seq.s32 s12, $0x21  }
.Ltmp5:
0x76: {  	_ = 	snop;
	(pc) =	sbr.rel @p1 .LBB2_6-.Ltmp5, $1  }
0x77: {  	_ =	sdelay $0x3  }
.Ltmp6:
0x78: {  	(pc) =	sbr.rel .LBB2_5-.Ltmp6, $4  }
0x79: {  	_ = 	snop  }
0x7a: {  	_ =	swait.ge [sflag:s8], $0x3200  }
0x7b: {  	[sflag:s8] =	ssyncset.done $0x0  }
0x7c: {  	[sflag:s8] =	ssyncadd.s32 $0xFFFFCE00  }
.LBB2_7:
0x7d: {  	_ =	sfence.sel $0x180000  }
0x7e: {  	[bflag:$0x0] =	sbarrier.arrive $0xFFFF  }
0x7f: {  	_ =	strace $0x9000004D  }
0x80: {  	s0 =	stileid.u32;
	[bflag:$0x2] =	sbarrier.arrive $0xFFFF  }
0x81: {  	p0 =	sne.s32 s0, $0x0;
	s0 =	rddreg [dreg:$0x3]  }
0x82: {  	s0 =	sadd.s32 @!p0 $0x100000, s0  }
0x83: {  	[sflag:s0] =	ssyncadd.tile.s32 @!p0 $0x1;
	_ =	shalt  }
.Lfunc_end2:
_tile_overlayer_lowered:
.L_overlay_start_2:
0x84: {  	(tag) =	ssettag $0x2  }
0x85: {  	s0 =	rddreg [dreg:$0x0];
	s2 =	stileid.u32  }
0x86: {  	s1 =	rddreg [dreg:$0x1];
	p0 =	sne.s32 s2, $0x0  }
0x87: {  	s3 =	rddreg [dreg:$0x2];
	[bflag:$0x3] =	sbarrier.arrive $0xFFFF;
	s2 =	simm.s32 @!p0 $0x1C0A  }
0x88: {  	[timem:s3], [sflag:s2] =	dma.local @!p0 [hbm:s0], s1  }
0x89: {  	s0 =	simm.s32 @!p0 $0xA  }
0x8a: {  	_ =	swait.ge @!p0 [sflag:s0], s1  }
0x8b: {  	s1 =	ssub.s32 @!p0 $0x0, s1;
	[sflag:s0] =	ssyncset.done @!p0 $0x0  }
0x8c: {  	[sflag:s0] =	ssyncadd.s32 @!p0 s1  }
0x8d: {  	[bflag:$0x3] =	sbarrier.arrive $0xFFFF  }
0x8e: {  	_ =	shalt  }

// kernel: kernel.19.cloned.1.call-start
scs
__scs_entry_jumppad:
0x0: {  	(pc) =	sbr.rel $0x88, $3  }
0x1: {  	(tag) =	ssettag $0x0;
	lr =	simm.s32 $0x1  }
0x2: {  	[smem:$0x3F8E] =	sst lr;
	_ =	strace $0xD0000000  }
0x3: {  	_ = 	snop  }
0x4: {  	_ = 	snop  }
0x5: {  	_ = 	snop  }
0x6: {  	_ = 	snop  }
0x7: {  	_ = 	snop  }
__scs_overlays_trampoline_lowered:
0x8: {  	[smem:$0x3F9D] =	sst s0  }
0x9: {  	[smem:$0x3F9E] =	sst s1  }
0xa: {  	[smem:$0x3F9F] =	sst s2  }
0xb: {  	[smem:$0x3FA0] =	sst s3  }
0xc: {  	[smem:$0x3FA1] =	sst s4  }
0xd: {  	[smem:$0x3FA2] =	sst s5  }
0xe: {  	[smem:$0x3FA3] =	sst s6  }
0xf: {  	[smem:$0x3FA4] =	sst s7  }
0x10: {  	[smem:$0x3FA5] =	sst s8  }
0x11: {  	[smem:$0x3FA6] =	sst s9;
	s0 =	simm.s32 @!p0 $0x0  }
0x12: {  	s1 =	sld [smem:$0x3F8C];
	s0 =	simm.s32 @p0 $0x1  }
0x13: {  	[smem:$0x3FA7] =	sst s0;
	s0 =	simm.s32 @!p1 $0x0  }
0x14: {  	s2 =	sld [smem:$0x3F8B];
	s0 =	simm.s32 @p1 $0x1  }
0x15: {  	[smem:$0x3FA8] =	sst s0;
	s0 =	simm.s32 @!p2 $0x0  }
0x16: {  	s3 =	sld [smem:$0x3FDB];
	s0 =	simm.s32 @p2 $0x1  }
0x17: {  	s4 =	simm.s32 $0x1BF5;
	[smem:$0x3FAA] =	sst s0  }
0x18: {  	s0 =	sld [smem:$0x3F8D];
	_ =	swait.ge [sflag:s4], $0x0  }
0x19: {  	s7 =	sld [smem:$0x3F8E]  }
0x1a: {  	s8 =	sadd.s32 $0xFFFFE003, lr  }
0x1b: {  	s9 =	sadd.s32 $0xFFFFFEF7, lr;
	s5 =	simm.s32 $0xFFFFFFFF;
	p2 =	slt.u32 s8, $0xFFFFF086  }
0x1c: {  	p1 =	slt.u32 s9, $0xF7A;
	s5 =	simm.s32 @!p2 $0x0  }
0x1d: {  	s5 =	simm.s32 @p1 $0x1;
	p0 =	seq.s32 s7, s2  }
0x1e: {  	s7 =	smul.u32 @!p0 $0xF7A, s2;
	p2 =	seq.s32 @!p0 s5, $0x0  }
0x1f: {  	s9 =	smul.u32 $0xF7A, s1;
	s8 =	simm.s32 @!p0 $0x1BF5;
	p2 =	por !p2, p0  }
0x20: {  	[sflag:s8] =	ssyncset.s32 @!p0 $0xFFFFF086;
	s6 =	sadd.s32 @!p0 s3, s7;
	s7 =	simm.s32 @!p0 $0x108  }
0x21: {  	s3 =	sadd.s32 s3, s9;
	s6 =	sadd.s32 @!p0 $0x88, s6;
	s7 =	simm.s32 @p2 $0x1082  }
0x22: {  	[simem:s7], [sflag:s8] =	dma.local @!p0 [hbm:s6], $0xF7A  }
0x23: {  	s9 =	sor.u32 $0xD0000000, s2;
	s6 =	simm.s32 $0x108;
	_ =	swait.ge @!p0 [sflag:s8], $0x0  }
0x24: {  	s3 =	sadd.s32 $0x88, s3;
	s6 =	simm.s32 @!p1 $0x1082;
	[sflag:s4] =	ssyncset.s32 $0xFFFFF086  }
0x25: {  	[simem:s6], [sflag:s4] =	dma.local [hbm:s3], $0xF7A  }
0x26: {  	[smem:$0x3F8E] =	sst s1;
	(tag) =	ssettag s2;
	_ =	strace s9  }
0x27: {  	s1 =	sld [smem:$0x3F9E]  }
0x28: {  	s2 =	sld [smem:$0x3F9F]  }
0x29: {  	s4 =	sld [smem:$0x3FA1]  }
0x2a: {  	p0 =	seq.s32 s5, $0x0;
	s5 =	sld [smem:$0x3FA2]  }
0x2b: {  	s6 =	sld [smem:$0x3FA3]  }
0x2c: {  	s7 =	sld [smem:$0x3FA4]  }
0x2d: {  	s3 =	simm.s32 $0x108;
	s8 =	sld [smem:$0x3FA5]  }
0x2e: {  	s3 =	simm.s32 @!p0 $0x1082;
	s9 =	sld [smem:$0x3FA6]  }
0x2f: {  	lr =	sadd.s32 s0, s3;
	s0 =	sld [smem:$0x3F9D]  }
0x30: {  	s3 =	sld [smem:$0x3FA0]  }
0x31: {  	[smem:$0x3FA9] =	sst s10  }
0x32: {  	s10 =	sld [smem:$0x3FA7];
	_ =	sdelay $0x3  }
0x33: {  	p0 =	seq.s32 s10, $0x1;
	s10 =	sld [smem:$0x3FA9];
	_ =	sdelay $0x3  }
0x34: {  	[smem:$0x3FA9] =	sst s10  }
0x35: {  	s10 =	sld [smem:$0x3FA8];
	_ =	sdelay $0x3  }
0x36: {  	p1 =	seq.s32 s10, $0x1;
	s10 =	sld [smem:$0x3FA9];
	_ =	sdelay $0x3  }
0x37: {  	[smem:$0x3FA9] =	sst s10  }
0x38: {  	s10 =	sld [smem:$0x3FAA]  }
0x39: {  	_ = 	snop;
	(pc) =	sbr.ind lr, $3  }
0x3a: {  	_ = 	snop  }
0x3b: {  	_ = 	snop  }
0x3c: {  	p2 =	seq.s32 s10, $0x1;
	s10 =	sld [smem:$0x3FA9]  }
0x3d: {  	_ =	shalt  }
0x3e: {  	_ =	shalt  }
0x3f: {  	_ =	shalt  }
0x40: {  	_ =	shalt  }
0x41: {  	_ =	shalt  }
0x42: {  	_ =	shalt  }
0x43: {  	_ =	shalt  }
0x44: {  	_ =	shalt  }
0x45: {  	_ =	shalt  }
0x46: {  	_ =	shalt  }
0x47: {  	_ =	shalt  }
0x48: {  	_ =	shalt  }
0x49: {  	_ =	shalt  }
0x4a: {  	_ =	shalt  }
0x4b: {  	_ =	shalt  }
0x4c: {  	_ =	shalt  }
0x4d: {  	_ =	shalt  }
0x4e: {  	_ =	shalt  }
0x4f: {  	_ =	shalt  }
0x50: {  	_ =	shalt  }
0x51: {  	_ =	shalt  }
0x52: {  	_ =	shalt  }
0x53: {  	_ =	shalt  }
0x54: {  	_ =	shalt  }
0x55: {  	_ =	shalt  }
0x56: {  	_ =	shalt  }
0x57: {  	_ =	shalt  }
0x58: {  	_ =	shalt  }
0x59: {  	_ =	shalt  }
0x5a: {  	_ =	shalt  }
0x5b: {  	_ =	shalt  }
0x5c: {  	_ =	shalt  }
0x5d: {  	_ =	shalt  }
0x5e: {  	_ =	shalt  }
0x5f: {  	_ =	shalt  }
0x60: {  	_ =	shalt  }
0x61: {  	_ =	shalt  }
0x62: {  	_ =	shalt  }
0x63: {  	_ =	shalt  }
0x64: {  	_ =	shalt  }
0x65: {  	_ =	shalt  }
0x66: {  	_ =	shalt  }
0x67: {  	_ =	shalt  }
0x68: {  	_ =	shalt  }
0x69: {  	_ =	shalt  }
0x6a: {  	_ =	shalt  }
0x6b: {  	_ =	shalt  }
0x6c: {  	_ =	shalt  }
0x6d: {  	_ =	shalt  }
0x6e: {  	_ =	shalt  }
0x6f: {  	_ =	shalt  }
0x70: {  	_ =	shalt  }
0x71: {  	_ =	shalt  }
0x72: {  	_ =	shalt  }
0x73: {  	_ =	shalt  }
0x74: {  	_ =	shalt  }
0x75: {  	_ =	shalt  }
0x76: {  	_ =	shalt  }
0x77: {  	_ =	shalt  }
0x78: {  	_ =	shalt  }
0x79: {  	_ =	shalt  }
0x7a: {  	_ =	shalt  }
0x7b: {  	_ =	shalt  }
0x7c: {  	_ =	shalt  }
0x7d: {  	_ =	shalt  }
0x7e: {  	_ =	shalt  }
0x7f: {  	_ =	shalt  }
0x80: {  	_ =	shalt  }
0x81: {  	_ =	shalt  }
0x82: {  	_ =	shalt  }
0x83: {  	_ =	shalt  }
0x84: {  	_ =	shalt  }
0x85: {  	_ =	shalt  }
0x86: {  	_ =	shalt  }
0x87: {  	_ =	shalt  }
.Lfunc_end0:
.L_simem_size_0:
called_computation.3_lowered:
.L_overlay_start_0:
0x88: {  	s2 =	sld [smem:$0x3FD9]  }
0x89: {  	s3 =	sld [smem:$0x3FFE];
	_ =	sdelay $0x1  }
0x8a: {  	s1 =	srdreg.scid  }
0x8b: {  	s0 =	sand.u32 $0x1, s1  }
0x8c: {  	s14 =	sshll.u32 s0, $0xA;
	s2 =	sadd.s32 s3, s2  }
0x8d: {  	s2 =	sadd.s32 s2, s14  }
0x8e: {  	[smem:$0x3FB5] =	sst s2  }
0x8f: {  	_ = 	snop  }
0x90: {  	s2 =	sld [smem:$0x3FD0];
	_ =	sdelay $0x2  }
0x91: {  	s15 =	simm.s32 $0xB;
	s4 =	simm.s32 $0x10  }
0x92: {  	[smem:s4], [sflag:s15] =	dma.local [hbm:s2], $0x1  }
0x93: {  	_ =	swait.eq [sflag:s15], $0x1  }
0x94: {  	[sflag:s15] =	ssyncset.done $0x0  }
0x95: {  	[sflag:s15] =	ssyncadd.s32 $0xFFFFFFFF  }
0x96: {  	s16 =	sld [smem:$0x10];
	(tm) =	ssettm $0x1  }
0x97: {  	s17 =	sld [smem:$0x3FFB];
	_ =	sdelay $0x3  }
0x98: {  	_ =	strace s17  }
0x99: {  	s3 =	sld [smem:$0x3FFC];
	_ =	sdelay $0x3  }
0x9a: {  	_ =	strace s3  }
0x9b: {  	s3 =	sld [smem:$0x3FFD];
	_ =	sdelay $0x3  }
0x9c: {  	_ =	strace s3  }
0x9d: {  	_ =	strace $0x8FFFFFFF  }
0x9e: {  	s18 =	sld [smem:$0x3FDB];
	_ =	sdelay $0x1  }
0x9f: {  	s19 =	simm.s32 $_scs_section_size  }
0xa0: {  	s5 =	simm.s32 $_size__tile_overlayer_lowered;
	s6 =	simm.s32 $_tile_overlayer_lowered  }
0xa1: {  	s22 =	simm.s32 $0x1BFF;
	s21 =	sshll.u32 s6, $0x1;
	s3 =	sadd.s32 s19, s18  }
0xa2: {  	s7 =	simm.s32 $0x0;
	s20 =	sshll.u32 s5, $0x1;
	s5 =	sadd.s32 s21, s3  }
0xa3: {  	[timem:s7], [sflag:s22] =	dma.local [hbm:s5], s20  }
0xa4: {  	_ =	swait.ge [sflag:s22], s20  }
0xa5: {  	s4 =	ssub.s32 $0x0, s20;
	[sflag:s22] =	ssyncset.done $0x0  }
0xa6: {  	[sflag:s22] =	ssyncadd.s32 s4;
	_ =	sdelay $0x1  }
0xa7: {  	s23 =	simm.s32 $0x1B8B  }
0xa8: {  	_ =	swait.ge [sflag:s23], $0x1  }
0xa9: {  	[sflag:s23] =	ssyncset.done $0x0  }
0xaa: {  	s25 =	simm.s32 $0x1B8E;
	s24 =	sld [smem:$0x3FFE];
	[sflag:s23] =	ssyncadd.s32 $0xFFFFFFFF  }
0xab: {  	s26 =	simm.s32 $execute0_lowered;
	[smem:$0x3FD2] =	sst s25  }
0xac: {  	s5 =	sshll.u32 s26, $0x1;
	_ =	strace $0x8000004F;
	[dreg:$0x1] =	wrdreg $0xFFFFFFFF  }
0xad: {  	s28 =	simm.s32 $_size_execute0_lowered;
	s3 =	sadd.s32 s3, s5;
	[dreg:$0x0] =	wrdreg $0x0  }
0xae: {  	s5 =	sshll.u32 s28, $0x1;
	[dreg:$0x2] =	wrdreg s3  }
0xaf: {  	[dreg:$0x3] =	wrdreg s5  }
0xb0: {  	[dreg:$0x4] =	wrdreg $0xC0  }
0xb1: {  	_ =	task [dreg:s7], $0x5FFFF  }
0xb2: {  	[dreg:$0x1] =	wrdreg $0xFFFFFFFF  }
0xb3: {  	[dreg:$0x0] =	wrdreg $0x60  }
0xb4: {  	[dreg:$0x2] =	wrdreg s16  }
0xb5: {  	[dreg:$0x3] =	wrdreg s24  }
0xb6: {  	[dreg:$0x4] =	wrdreg $0xA0000  }
0xb7: {  	[dreg:$0x5] =	wrdreg $0x9  }
0xb8: {  	_ =	task.clear_ibuf [dreg:s7], $0x6FFFF;
	_ =	strace $0x9000004F  }
0xb9: {  	s29 =	simm.s32 $0x9;
	_ =	strace $0x80000051  }
0xba: {  	_ =	swait.ge [sflag:s29], $0x1  }
0xbb: {  	[sflag:s29] =	ssyncadd.s32 $0xFFFFFFFF  }
0xbc: {  	_ =	strace $0x90000051  }
0xbd: {  	_ =	sfence  }
0xbe: {  	s30 =	sld [smem:$0x0];
	_ =	sdelay $0x2  }
0xbf: {  	s31 =	sshll.u32 s1, $0xD;
	s1 =	sshrl.u32 s1, $0x2  }
0xc0: {  	s3 =	sand.u32 $0x4000, s31;
	s1 =	sadd.s32 s1, s30  }
0xc1: {  	s0 =	sor.u32 s3, s0;
	s1 =	sshll.u32 s1, $0x11  }
0xc2: {  	s0 =	sor.u32 s1, s0  }
0xc3: {  	s0 =	sadd.s32 $0x8F2B, s0  }
0xc4: {  	[sflag:s0] =	ssyncadd.remote.s32 $0x1  }
0xc5: {  	_ =	sfence.sel $0xFFFF  }
0xc6: {  	[dreg:$0x0] =	wrdreg $0xFFFFFFFF;
	(pc) =	sbr.abs _section_cstart, $3  }
0xc7: {  	[dreg:$0x1] =	wrdreg $0xFFFFFFFF  }
0xc8: {  	_ =	task.clear_ibuf [dreg:s7], $0x2FFFF;
	_ =	strace $0x9FFFFFFF  }
0xc9: {  	(tm) =	ssettm $0x7FFFFFFF  }
tec
execute0_lowered:
.L_overlay_start_1:
0x0: {  	(tag) =	ssettag $0x1  }
0x1: {  	s2 =	rddreg [dreg:$0x0]  }
0x2: {  	s0 =	rddreg [dreg:$0x1]  }
0x3: {  	s3 =	rddreg [dreg:$0x2];
	s14 =	stileid.u32;
	s4 =	simm.s32 $0x0  }
0x4: {  	s5 =	srdreg.scid;
	s28 =	simm.s32 $0x200;
	s29 =	simm.s32 $0x3  }
0x5: {  	s30 =	simm.s32 $0x6C00;
	s31 =	simm.s32 $0x5;
	s1 =	smul.u32 $0x13800, s14  }
0x6: {  	[smem:$0x7FF] =	sst s4;
	s5 =	sand.u32 $0x1, s5;
	s7 =	sadd.s32 $0x17600, s0  }
0x7: {  	s11 =	smul.u32 $0x4E000, s14;
	s12 =	sadd.s32 $0x57A00, s0;
	s16 =	sshll.u32 s14, $0x6  }
0x8: {  	s20 =	smul.u32 $0x6400, s14;
	p0 =	sne.s32 s14, $0xF;
	_ =	strace $0x80000050  }
0x9: {  	s8 =	ssub.s32 $0x2, s5;
	s10 =	sshll.u32 s5, $0x4;
	s17 =	smul.u32 $0x138800, s5  }
0xa: {  	s18 =	smul.u32 $0x64000, s5;
	s6 =	sshrl.u32 s1, $0x3;
	s9 =	sshrl.u32 s8, $0x1  }
0xb: {  	s13 =	sor.u32 s14, s10;
	s15 =	sshrl.u32 s11, $0x2;
	s6 =	sadd.s32 s6, s0  }
0xc: {  	s8 =	ssub.s32 s8, s9;
	s9 =	smul.u32 $0x6400, s13;
	s10 =	sadd.s32 s15, s3  }
0xd: {  	s13 =	sadd.s32 $0x138000, s3;
	s0 =	sadd.s32 $0x57600, s0;
	s1 =	sadd.s32 s1, s17  }
0xe: {  	s19 =	sshrl.u32 s17, $0x3;
	s17 =	simm.s32 $0xA;
	s6 =	sadd.s32 $0x30600, s6  }
0xf: {  	[dreg:$0x5] =	wrdreg s0;
	s1 =	sshrl.u32 s1, $0x3;
	s5 =	sadd.s32 s12, s19  }
0x10: {  	s0 =	sadd.s32 s20, s18;
	s23 =	smax.u32 s8, $0x1;
	s18 =	sshrl.u32 @!p0 s13, $0x3  }
0x11: {  	s19 =	simm.s32 $0x1;
	s20 =	simm.s32 $0x64;
	s8 =	simm.s32 $0x9  }
0x12: {  	[dreg:$0x4] =	wrdreg s6;
	s6 =	sor.u32 $0x1C0A, s16;
	s9 =	sshrl.u32 s9, $0x3  }
0x13: {  	s1 =	sadd.s32 s12, s1;
	s22 =	sadd.s32 $0x27000, s5;
	[dreg:$0xa] =	wrdreg s23  }
0x14: {  	s24 =	sadd.s32 $0x400, s0;
	s25 =	sor.u32 $0x300, s0;
	s0 =	sor.u32 $0x200, s0  }
0x15: {  	s16 =	sshrl.u32 s10, $0x3;
	s10 =	simm.s32 $0x0;
	[dreg:$0x8] =	wrdreg s1  }
0x16: {  	s15 =	sadd.s32 s7, s9;
	[dreg:$0x9] =	wrdreg s22;
	s1 =	sshrl.u32 s24, $0x3  }
0x17: {  	s5 =	sshrl.u32 s25, $0x3;
	s0 =	sshrl.u32 s0, $0x3;
	s24 =	simm.s32 $0x3800  }
0x18: {  	s25 =	simm.s32 $0x4;
	[dreg:$0x6] =	wrdreg s15;
	s21 =	sadd.s32 $0x20, s15  }
.Ltmp0:
0x19: {  	s1 =	sadd.s32 s1, s7;
	[dreg:$0x7] =	wrdreg s21;
	(pc) =	sbr.rel .LBB2_1-.Ltmp0, $4  }
0x1a: {  	s9 =	simm.s32 $0x8;
	s26 =	sadd.s32 s5, s7;
	[dreg:$0xb] =	wrdreg s1  }
0x1b: {  	s0 =	sadd.s32 s0, s7;
	s5 =	simm.s32 $0x6;
	[dreg:$0xc] =	wrdreg s26  }
0x1c: {  	s7 =	simm.s32 $0x280;
	[dreg:$0xd] =	wrdreg s0;
	s21 =	simm.s32 $0x400  }
0x1d: {  	s26 =	simm.s32 $0x80;
	s0 =	simm.s32 $0x180;
	s1 =	simm.s32 $0x7  }
.LBB2_6:
0x1e: {  	_ =	swait.ge [sflag:s9], $0x3200  }
0x1f: {  	[sflag:s9] =	ssyncset.done $0x0  }
0x20: {  	[sflag:s9] =	ssyncadd.s32 $0xFFFFCE00  }
0x21: {  	_ =	swait.ge [sflag:s8], $0x3200  }
0x22: {  	[sflag:s8] =	ssyncset.done $0x0  }
0x23: {  	[sflag:s8] =	ssyncadd.s32 $0xFFFFCE00  }
0x24: {  	_ =	swait.ge [sflag:s1], $0x3200  }
0x25: {  	[sflag:s1] =	ssyncset.done $0x0  }
0x26: {  	[sflag:s1] =	ssyncadd.s32 $0xFFFFCE00  }
0x27: {  	[bflag:$0x0] =	sbarrier.arrive $0xFFFF  }
0x28: {  	s11 =	rddreg [dreg:$0x8]  }
0x29: {  	[hbm:s11], [sflag:s6] =	dma.local [spmem:s16], $0x2700  }
0x2a: {  	_ =	swait.ge [sflag:s17], $0x2700  }
0x2b: {  	[sflag:s17] =	ssyncset.done $0x0  }
0x2c: {  	s11 =	rddreg [dreg:$0x9];
	[sflag:s17] =	ssyncadd.s32 $0xFFFFD900  }
0x2d: {  	[hbm:s11], [sflag:s6] =	dma.local @!p0 [spmem:s18], $0x100  }
0x2e: {  	s11 =	simm.s32 @!p0 $0xA  }
0x2f: {  	_ =	swait.ge @!p0 [sflag:s11], $0x100  }
0x30: {  	s10 =	sadd.s32 $0x1, s10;
	s12 =	rddreg [dreg:$0xa]  }
0x31: {  	p1 =	sne.s32 s10, s12  }
.Ltmp1:
0x32: {  	_ = 	snop;
	(pc) =	sbr.rel @!p1 .LBB2_7-.Ltmp1, $3  }
0x33: {  	_ =	sdelay $0x1  }
0x34: {  	[sflag:s11] =	ssyncset.done @!p0 $0x0  }
0x35: {  	[sflag:s11] =	ssyncadd.s32 @!p0 $0xFFFFFF00  }
.LBB2_1:
0x36: {  	s11 =	rddreg [dreg:$0x4]  }
0x37: {  	[spmem:s16], [sflag:s6] =	dma.local [hbm:s11], $0x2700  }
0x38: {  	_ =	swait.ge [sflag:s17], $0x2700  }
0x39: {  	[sflag:s17] =	ssyncset.done $0x0  }
0x3a: {  	s12 =	simm.s32 @!p0 $0xA;
	s11 =	rddreg [dreg:$0x5];
	[sflag:s17] =	ssyncadd.s32 $0xFFFFD900  }
0x3b: {  	[spmem:s18], [sflag:s6] =	dma.local @!p0 [hbm:s11], $0x300  }
0x3c: {  	_ =	swait.ge @!p0 [sflag:s12], $0x300  }
0x3d: {  	[sflag:s12] =	ssyncset.done @!p0 $0x0  }
0x3e: {  	[sflag:s12] =	ssyncadd.s32 @!p0 $0xFFFFFD00  }
0x3f: {  	[bflag:$0x0] =	sbarrier.arrive $0xFFFF  }
0x40: {  	s14 =	rddreg [dreg:$0x6]  }
0x41: {  	[tilespmem:s4], [sflag:$0x1] =	stream.linear.gather [hbm4b:s14+s4], $0x100, $0x38;
	[tilespmem:$0x1D980] =	vst v63  }
0x42: {  	_ =	swait.ge [sflag:s19], $0x100  }
0x43: {  	[sflag:s19] =	ssyncset.done $0x0  }
0x44: {  	[sflag:s19] =	ssyncadd.s32 $0xFFFFFF00  }
0x45: {  	[tilespmem:s21], [sflag:$0x4] =	stream.indirect.gather [hbm4b:s2+s20], $0x80, s4, s20, $0xb8;
	[tilespmem:$0x1D980] =	vst v63  }
0x46: {  	s22 =	simm.s32 $0x100;
	s23 =	simm.s32 $0x2;
	s15 =	rddreg [dreg:$0x7]  }
0x47: {  	[tilespmem:s22], [sflag:$0x2] =	stream.linear.gather [hbm4b:s15+s4], $0x100, $0x38;
	[tilespmem:$0x1D980] =	vst v63  }
.Ltmp2:
0x48: {  	_ =	swait.ge [sflag:s23], $0x100;
	(pc) =	sbr.rel .LBB2_2-.Ltmp2, $4  }
0x49: {  	s15 =	rddreg [dreg:$0xd]  }
0x4a: {  	[sflag:s23] =	ssyncset.done $0x0;
	s14 =	rddreg [dreg:$0xc]  }
0x4b: {  	s12 =	simm.s32 $0x0;
	s13 =	rddreg [dreg:$0xb];
	[sflag:s23] =	ssyncadd.s32 $0xFFFFFF00  }
0x4c: {  	[tilespmem:s24], [sflag:$0x5] =	stream.indirect.gather [hbm4b:s2+s20], $0x80, s22, s20, $0xb8;
	[tilespmem:$0x1D980] =	vst v63  }
.LBB2_5:
0x4d: {  	[tilespmem:s28], [sflag:$0x3] =	stream.linear.gather [hbm4b:s15+s4], $0x100, $0x38;
	[tilespmem:$0x1D980] =	vst v63  }
0x4e: {  	_ =	swait.ge [sflag:s29], $0x100  }
0x4f: {  	[sflag:s29] =	ssyncset.done $0x0  }
0x50: {  	[sflag:s29] =	ssyncadd.s32 $0xFFFFFF00  }
0x51: {  	[tilespmem:s30], [sflag:$0x6] =	stream.indirect.gather [hbm4b:s2+s20], $0x80, s28, s20, $0xb8;
	[tilespmem:$0x1D980] =	vst v63  }
0x52: {  	_ =	swait.ge [sflag:s31], $0x3200  }
0x53: {  	[sflag:s31] =	ssyncset.done $0x0  }
0x54: {  	[sflag:s31] =	ssyncadd.s32 $0xFFFFCE00  }
0x55: {  	[spmem:s3] =	stream.indirect.scatter.add.f32 [tilespmem:s24], [sflag:$0x8], $0x80, s0, s20, $0xb8;
	[tilespmem:$0x1D980] =	vst v63  }
0x56: {  	_ =	swait.ge [sflag:s1], $0x3200  }
0x57: {  	[sflag:s1] =	ssyncset.done $0x0  }
0x58: {  	[sflag:s1] =	ssyncadd.s32 $0xFFFFCE00  }
0x59: {  	[tilespmem:s4], [sflag:$0x1] =	stream.linear.gather [hbm4b:s14+s4], $0x100, $0x38;
	[tilespmem:$0x1D980] =	vst v63  }
0x5a: {  	_ =	swait.ge [sflag:s19], $0x100  }
0x5b: {  	[sflag:s19] =	ssyncset.done $0x0  }
0x5c: {  	[sflag:s19] =	ssyncadd.s32 $0xFFFFFF00  }
0x5d: {  	[tilespmem:s21], [sflag:$0x4] =	stream.indirect.gather [hbm4b:s2+s20], $0x80, s4, s20, $0xb8;
	[tilespmem:$0x1D980] =	vst v63  }
0x5e: {  	_ =	swait.ge [sflag:s5], $0x3200  }
0x5f: {  	p1 =	sgt.u32 s12, $0x1F;
	[sflag:s5] =	ssyncset.done $0x0  }
0x60: {  	s11 =	simm.s32 @!p1 $0x8;
	[sflag:s5] =	ssyncadd.s32 $0xFFFFCE00  }
0x61: {  	[spmem:s3] =	stream.indirect.scatter.add.f32 [tilespmem:s30], [sflag:$0x9], $0x80, s7, s20, $0xb8;
	[tilespmem:$0x1D980] =	vst v63  }
0x62: {  	_ =	swait.ge @!p1 [sflag:s11], $0x3200  }
0x63: {  	[sflag:s11] =	ssyncset.done @!p1 $0x0  }
0x64: {  	s22 =	simm.s32 @!p1 $0x100;
	[sflag:s11] =	ssyncadd.s32 @!p1 $0xFFFFCE00;
	s11 =	simm.s32 @!p1 $0x0  }
0x65: {  	[tilespmem:s22], [sflag:$0x2] =	stream.linear.gather @!p1 [hbm4b:s13+s11], $0x100, $0x38;
	[tilespmem:$0x1D980] =	vst v63  }
0x66: {  	s11 =	simm.s32 @!p1 $0x2  }
0x67: {  	_ =	swait.ge @!p1 [sflag:s11], $0x100  }
0x68: {  	s12 =	sadd.s32 $0x1, s12;
	[sflag:s11] =	ssyncset.done @!p1 $0x0  }
0x69: {  	s23 =	simm.s32 @!p1 $0x3800;
	[sflag:s11] =	ssyncadd.s32 @!p1 $0xFFFFFF00;
	s11 =	simm.s32 @!p1 $0x64  }
0x6a: {  	[tilespmem:s23], [sflag:$0x5] =	stream.indirect.gather @!p1 [hbm4b:s2+s11], $0x80, s22, s11, $0xb8;
	[tilespmem:$0x1D980] =	vst v63  }
0x6b: {  	p1 =	sne.s32 s12, $0x22  }
.Ltmp3:
0x6c: {  	_ = 	snop;
	(pc) =	sbr.rel @!p1 .LBB2_6-.Ltmp3, $2  }
0x6d: {  	_ =	sdelay $0x2  }
0x6e: {  	s15 =	sadd.s32 $0x60, s15;
	s14 =	sadd.s32 $0x60, s14;
	s13 =	sadd.s32 $0x60, s13  }
.LBB2_2:
0x6f: {  	p1 =	seq.s32 s12, $0x0  }
.Ltmp4:
0x70: {  	_ = 	snop;
	(pc) =	sbr.rel @p1 .LBB2_5-.Ltmp4, $4  }
0x71: {  	_ =	swait.ge [sflag:s25], $0x3200  }
0x72: {  	[sflag:s25] =	ssyncset.done $0x0  }
0x73: {  	[sflag:s25] =	ssyncadd.s32 $0xFFFFCE00  }
0x74: {  	[spmem:s3] =	stream.indirect.scatter.add.f32 [tilespmem:s21], [sflag:$0x7], $0x80, s26, s20, $0xb8;
	[tilespmem:$0x1D980] =	vst v63  }
0x75: {  	p1 =	seq.s32 s12, $0x21  }
.Ltmp5:
0x76: {  	_ = 	snop;
	(pc) =	sbr.rel @p1 .LBB2_6-.Ltmp5, $1  }
0x77: {  	_ =	sdelay $0x3  }
.Ltmp6:
0x78: {  	(pc) =	sbr.rel .LBB2_5-.Ltmp6, $4  }
0x79: {  	_ = 	snop  }
0x7a: {  	_ =	swait.ge [sflag:s8], $0x3200  }
0x7b: {  	[sflag:s8] =	ssyncset.done $0x0  }
0x7c: {  	[sflag:s8] =	ssyncadd.s32 $0xFFFFCE00  }
.LBB2_7:
0x7d: {  	_ =	sfence.sel $0x180000  }
0x7e: {  	[bflag:$0x0] =	sbarrier.arrive $0xFFFF  }
0x7f: {  	_ =	strace $0x90000050  }
0x80: {  	s0 =	stileid.u32;
	[bflag:$0x2] =	sbarrier.arrive $0xFFFF  }
0x81: {  	p0 =	sne.s32 s0, $0x0;
	s0 =	rddreg [dreg:$0x3]  }
0x82: {  	s0 =	sadd.s32 @!p0 $0x100000, s0  }
0x83: {  	[sflag:s0] =	ssyncadd.tile.s32 @!p0 $0x1;
	_ =	shalt  }
.Lfunc_end2:
_tile_overlayer_lowered:
.L_overlay_start_2:
0x84: {  	(tag) =	ssettag $0x2  }
0x85: {  	s0 =	rddreg [dreg:$0x0];
	s2 =	stileid.u32  }
0x86: {  	s1 =	rddreg [dreg:$0x1];
	p0 =	sne.s32 s2, $0x0  }
0x87: {  	s3 =	rddreg [dreg:$0x2];
	[bflag:$0x3] =	sbarrier.arrive $0xFFFF;
	s2 =	simm.s32 @!p0 $0x1C0A  }
0x88: {  	[timem:s3], [sflag:s2] =	dma.local @!p0 [hbm:s0], s1  }
0x89: {  	s0 =	simm.s32 @!p0 $0xA  }
0x8a: {  	_ =	swait.ge @!p0 [sflag:s0], s1  }
0x8b: {  	s1 =	ssub.s32 @!p0 $0x0, s1;
	[sflag:s0] =	ssyncset.done @!p0 $0x0  }
0x8c: {  	[sflag:s0] =	ssyncadd.s32 @!p0 s1  }
0x8d: {  	[bflag:$0x3] =	sbarrier.arrive $0xFFFF  }
0x8e: {  	_ =	shalt  }

</sc_bundles>
